<compile_context>
chip_gen: v7x
topology: tpu7x:2x2x1
jax: 0.10.2.dev20260603
libtpu: 0.0.44.dev20260713+nightly
codegen_flags: <defaults>
</compile_context>

<pallas_src>
import functools

import jax
import jax.numpy as jnp
from jax import lax
from jax.experimental import pallas as pl
from jax.experimental.pallas import tpu as pltpu
from jax.experimental.pallas import tpu_sc as plsc

N = 10000
E = 320000
IN_CH = 128
HID = 256
HALF = 128
NCLS = 10
NLAYERS = 3
NGRAPHS = 64

NC = 2
NS = 16
K = 32
NBUF = 8
CHUNKS = 640
G = 40
GROUPS = CHUNKS // G
E_PAD = NS * CHUNKS * K
ZR = 632
AGG_ROWS = NS * ZR
TAIL = N - 15 * ZR

RB = 1000
GRID = N // RB


def _make_edge_agg(chunks, edge_split):
    groups = chunks // G

    def body(tab_hbm, src_hbm, dst_hbm, zeros_hbm, out_hbm,
             src_v, dst_v, rows0, rows1, rows2, rows3, rows4, rows5,
             rows6, rows7, agg_sh,
             sem0, sem1, sem2, sem3, sem4, sem5, sem6, sem7):
        bufs = (rows0, rows1, rows2, rows3, rows4, rows5, rows6, rows7)
        sems = (sem0, sem1, sem2, sem3, sem4, sem5, sem6, sem7)
        c = lax.axis_index("c")
        s = lax.axis_index("s")
        pltpu.sync_copy(zeros_hbm.at[pl.ds(s * ZR, ZR)],
                        agg_sh.at[pl.ds(s * ZR, ZR)])
        plsc.subcore_barrier()

        def gather(j, buf, sem):
            pltpu.async_copy(tab_hbm.at[src_v.at[j]], buf, sem)

        def wait_rows(buf, sem):
            pltpu.make_async_copy(tab_hbm.at[pl.ds(0, K)], buf, sem).wait()

        def group(g, carry):
            pltpu.sync_copy(src_hbm.at[c, s, pl.ds(g * G, G)], src_v)
            if edge_split:
                pltpu.sync_copy(dst_hbm.at[c, s, pl.ds(g * G, G)], dst_v)
            else:
                pltpu.sync_copy(dst_hbm.at[s, pl.ds(g * G, G)], dst_v)
            for b in range(NBUF - 1):
                gather(b, bufs[b], sems[b])

            def quad(t, carry2):
                j = NBUF * t
                for b in range(NBUF):
                    wait_rows(bufs[b], sems[b])

                    @pl.when(j + b + NBUF - 1 < G)
                    def _(b=b):
                        gather(j + b + NBUF - 1,
                               bufs[(b + NBUF - 1) % NBUF],
                               sems[(b + NBUF - 1) % NBUF])

                    pltpu.sync_copy(bufs[b], agg_sh.at[dst_v.at[j + b]],
                                    add=True)
                return carry2

            return lax.fori_loop(0, G // NBUF, quad, carry)

        lax.fori_loop(0, groups, group, 0)
        plsc.subcore_barrier()

        @pl.when(s < NS - 1)
        def _():
            pltpu.sync_copy(agg_sh.at[pl.ds(s * ZR, ZR)],
                            out_hbm.at[pl.ds(c * N + s * ZR, ZR)])

        @pl.when(s == NS - 1)
        def _():
            pltpu.sync_copy(agg_sh.at[pl.ds((NS - 1) * ZR, TAIL)],
                            out_hbm.at[pl.ds(c * N + (NS - 1) * ZR, TAIL)])

    return pl.kernel(
        body,
        out_type=jax.ShapeDtypeStruct((NC * N, HALF), jnp.float32),
        mesh=plsc.VectorSubcoreMesh(core_axis_name="c", subcore_axis_name="s"),
        scratch_types=[
            pltpu.VMEM((G, K), jnp.int32),
            pltpu.VMEM((G, K), jnp.int32),
        ] + [pltpu.VMEM((K, HALF), jnp.float32)] * NBUF + [
            pltpu.VMEM_SHARED((AGG_ROWS, HALF), jnp.float32),
        ] + [pltpu.SemaphoreType.DMA] * NBUF,
    )


CHUNKS_ES = 320
_edge_agg_l1 = _make_edge_agg(CHUNKS_ES, True)
_edge_agg128 = _make_edge_agg(CHUNKS, False)


def _gru_tail(m_agg, gh, h_full, o_ref):
    gi = m_agg
    r = jax.nn.sigmoid(gi[:, :HID] + gh[:, :HID])
    z = jax.nn.sigmoid(gi[:, HID:2 * HID] + gh[:, HID:2 * HID])
    n = jnp.tanh(gi[:, 2 * HID:] + r * gh[:, 2 * HID:])
    h_new = (1.0 - z) * n + z * h_full
    o_ref[0] = h_new[:, :HALF]
    o_ref[1] = h_new[:, HALF:]


def _gru1_body(s_ref, x_ref, w_ref, wi_ref, wh_ref, bi_ref, bh_ref, o_ref):
    s = s_ref[0] + s_ref[1]
    m_agg = jnp.dot(s, w_ref[...], preferred_element_type=jnp.float32)
    gi = jnp.dot(m_agg, wi_ref[...], preferred_element_type=jnp.float32) + bi_ref[...]
    gh = jnp.dot(x_ref[...], wh_ref[...], preferred_element_type=jnp.float32) + bh_ref[...]
    h_full = jnp.concatenate(
        [x_ref[...], jnp.zeros((RB, HALF), jnp.float32)], axis=1)
    _gru_tail(gi, gh, h_full, o_ref)


def _gru1(s2, x, w1, wiT, whT1, bi, bh):
    return pl.pallas_call(
        _gru1_body,
        grid=(GRID,),
        in_specs=[pl.BlockSpec((NC, RB, HALF), lambda i: (0, i, 0)),
                  pl.BlockSpec((RB, HALF), lambda i: (i, 0)),
                  pl.BlockSpec((HALF, HID), lambda i: (0, 0)),
                  pl.BlockSpec((HID, 3 * HID), lambda i: (0, 0)),
                  pl.BlockSpec((HALF, 3 * HID), lambda i: (0, 0)),
                  pl.BlockSpec((1, 3 * HID), lambda i: (0, 0)),
                  pl.BlockSpec((1, 3 * HID), lambda i: (0, 0))],
        out_specs=pl.BlockSpec((NC, RB, HALF), lambda i: (0, i, 0)),
        out_shape=jax.ShapeDtypeStruct((NC, N, HALF), jnp.float32),
    )(s2, x, w1, wiT, whT1, bi, bh)


def _gru23_body(s_ref, h_ref, w_ref, wi_ref, wh_ref, bi_ref, bh_ref, o_ref):
    m_agg = (jnp.dot(s_ref[0], w_ref[:HALF, :], preferred_element_type=jnp.float32)
             + jnp.dot(s_ref[1], w_ref[HALF:, :], preferred_element_type=jnp.float32))
    gi = jnp.dot(m_agg, wi_ref[...], preferred_element_type=jnp.float32) + bi_ref[...]
    gh = (jnp.dot(h_ref[0], wh_ref[:HALF, :], preferred_element_type=jnp.float32)
          + jnp.dot(h_ref[1], wh_ref[HALF:, :], preferred_element_type=jnp.float32)
          + bh_ref[...])
    h_full = jnp.concatenate([h_ref[0], h_ref[1]], axis=1)
    _gru_tail(gi, gh, h_full, o_ref)


def _gru23(s2, h2, w, wiT, whT, bi, bh):
    return pl.pallas_call(
        _gru23_body,
        grid=(GRID,),
        in_specs=[pl.BlockSpec((NC, RB, HALF), lambda i: (0, i, 0)),
                  pl.BlockSpec((NC, RB, HALF), lambda i: (0, i, 0)),
                  pl.BlockSpec((HID, HID), lambda i: (0, 0)),
                  pl.BlockSpec((HID, 3 * HID), lambda i: (0, 0)),
                  pl.BlockSpec((HID, 3 * HID), lambda i: (0, 0)),
                  pl.BlockSpec((1, 3 * HID), lambda i: (0, 0)),
                  pl.BlockSpec((1, 3 * HID), lambda i: (0, 0))],
        out_specs=pl.BlockSpec((NC, RB, HALF), lambda i: (0, i, 0)),
        out_shape=jax.ShapeDtypeStruct((NC, N, HALF), jnp.float32),
    )(s2, h2, w, wiT, whT, bi, bh)


def _pool_body(h_ref, b_ref, w_ref, lb_ref, o_ref, sums, cnt):
    i = pl.program_id(0)

    @pl.when(i == 0)
    def _():
        sums[...] = jnp.zeros_like(sums)
        cnt[...] = jnp.zeros_like(cnt)

    gid = lax.broadcasted_iota(jnp.int32, (NGRAPHS, RB), 0)
    oh = (b_ref[0] == gid).astype(jnp.float32)
    hcat = jnp.concatenate([h_ref[0], h_ref[1]], axis=1)
    sums[...] += jnp.dot(oh, hcat, preferred_element_type=jnp.float32)
    cnt[...] += jnp.broadcast_to(jnp.sum(oh, axis=1, keepdims=True),
                                 (NGRAPHS, HALF))

    @pl.when(i == GRID - 1)
    def _():
        pooled = sums[...] / jnp.maximum(cnt[:, 0:1], 1.0)
        o_ref[...] = (jnp.dot(pooled, w_ref[...],
                              preferred_element_type=jnp.float32)
                      + lb_ref[...])


def _pool(h2, batch2, lin_WT, lin_b2):
    return pl.pallas_call(
        _pool_body,
        grid=(GRID,),
        in_specs=[pl.BlockSpec((NC, RB, HALF), lambda i: (0, i, 0)),
                  pl.BlockSpec((1, 1, RB), lambda i: (i, 0, 0)),
                  pl.BlockSpec((HID, NCLS), lambda i: (0, 0)),
                  pl.BlockSpec((1, NCLS), lambda i: (0, 0))],
        out_specs=pl.BlockSpec((NGRAPHS, NCLS), lambda i: (0, 0)),
        out_shape=jax.ShapeDtypeStruct((NGRAPHS, NCLS), jnp.float32),
        scratch_shapes=[pltpu.VMEM((NGRAPHS, HID), jnp.float32),
                        pltpu.VMEM((NGRAPHS, HALF), jnp.float32)],
    )(h2, batch2, lin_WT, lin_b2)


def kernel(x, edge_index, batch, weight, W_ih, W_hh, b_ih, b_hh, lin_W, lin_b):
    src = edge_index[0].astype(jnp.int32)
    dst = edge_index[1].astype(jnp.int32)
    batch = batch.astype(jnp.int32)

    pad = E_PAD - E
    srcp = jnp.concatenate([src, jnp.zeros((pad,), jnp.int32)])
    trash = N + jnp.arange(pad, dtype=jnp.int32) % (AGG_ROWS - N)
    dstp = jnp.concatenate([dst, trash])
    src_st = jnp.stack([srcp, srcp + N]).reshape(NC, NS, CHUNKS, K)
    dst3 = dstp.reshape(NS, CHUNKS, K)
    src_es = srcp.reshape(NC, NS, CHUNKS_ES, K)
    dst_es = dstp.reshape(NC, NS, CHUNKS_ES, K)
    zeros128 = jnp.zeros((AGG_ROWS, HALF), jnp.float32)

    wiT = W_ih.T
    whT = W_hh.T
    bi = b_ih.reshape(1, 3 * HID)
    bh = b_hh.reshape(1, 3 * HID)

    s1 = _edge_agg_l1(x, src_es, dst_es, zeros128)
    h2 = _gru1(s1.reshape(NC, N, HALF), x, weight[0][:HALF],
               wiT, whT[:HALF], bi, bh)

    for i in range(1, NLAYERS):
        s = _edge_agg128(h2.reshape(NC * N, HALF), src_st, dst3, zeros128)
        h2 = _gru23(s.reshape(NC, N, HALF), h2, weight[i], wiT, whT, bi, bh)

    batch2 = batch.reshape(GRID, 1, RB)
    return _pool(h2, batch2, lin_W.T, lin_b.reshape(1, NCLS))

# --- scband reference (transcript-rebuilt; emitter-appended) ---
"""Pipeline reference for scband-grnclassifier-18056042512832 (READ-ONLY COPY).

The authoritative reference and input builder live on the scoring server;
editing this copy changes nothing except your own understanding.
"""

import jax, jax.numpy as jnp
import numpy as np

N_NODES = 10000
N_EDGES = 320000
IN_CH = 128
HID = 256
NUM_CLASSES = 10
NUM_LAYERS = 3
NUM_GRAPHS = 64


def setup_inputs(seed: int = 0) -> dict:
    key = jax.random.key(seed)
    ks = jax.random.split(key, 10)
    x = jax.random.normal(ks[0], (N_NODES, IN_CH), dtype=jnp.float32)
    edge_index = jax.random.randint(ks[1], (2, N_EDGES), 0, N_NODES, dtype=jnp.int64)
    batch = jnp.sort(jax.random.randint(ks[2], (N_NODES,), 0, NUM_GRAPHS, dtype=jnp.int64))
    s = 1.0 / np.sqrt(HID)
    weight = jax.random.uniform(ks[3], (NUM_LAYERS, HID, HID), jnp.float32, -s, s)
    W_ih = jax.random.uniform(ks[4], (3 * HID, HID), jnp.float32, -s, s)
    W_hh = jax.random.uniform(ks[5], (3 * HID, HID), jnp.float32, -s, s)
    b_ih = jax.random.uniform(ks[6], (3 * HID,), jnp.float32, -s, s)
    b_hh = jax.random.uniform(ks[7], (3 * HID,), jnp.float32, -s, s)
    lin_W = jax.random.uniform(ks[8], (NUM_CLASSES, HID), jnp.float32, -s, s)
    lin_b = jax.random.uniform(ks[9], (NUM_CLASSES,), jnp.float32, -s, s)
    return {"x": x, "edge_index": edge_index, "batch": batch, "weight": weight,
            "W_ih": W_ih, "W_hh": W_hh, "b_ih": b_ih, "b_hh": b_hh,
            "lin_W": lin_W, "lin_b": lin_b}


def _gru_cell(m, h, W_ih, W_hh, b_ih, b_hh):
    gi = m @ W_ih.T + b_ih
    gh = h @ W_hh.T + b_hh
    i_r, i_z, i_n = jnp.split(gi, 3, axis=1)
    h_r, h_z, h_n = jnp.split(gh, 3, axis=1)
    r = jax.nn.sigmoid(i_r + h_r)
    z = jax.nn.sigmoid(i_z + h_z)
    n = jnp.tanh(i_n + r * h_n)
    return (1.0 - z) * n + z * h


def reference(x, edge_index, batch, weight, W_ih, W_hh, b_ih, b_hh, lin_W, lin_b):
    N = x.shape[0]
    # GatedGraphConv: pad input features up to out_channels
    h = jnp.pad(x, ((0, 0), (0, HID - x.shape[1])))
    src = edge_index[0]
    dst = edge_index[1]
    for i in range(NUM_LAYERS):
        m = h @ weight[i]
        agg = jax.ops.segment_sum(m[src], dst, num_segments=N)
        h = _gru_cell(agg, h, W_ih, W_hh, b_ih, b_hh)
    # global_mean_pool over graph ids
    sums = jax.ops.segment_sum(h, batch, num_segments=NUM_GRAPHS)
    counts = jax.ops.segment_sum(jnp.ones((N,), dtype=h.dtype), batch, num_segments=NUM_GRAPHS)
    pooled = sums / jnp.clip(counts, 1.0)[:, None]
    return pooled @ lin_W.T + lin_b

if __name__ == "__main__":
    import jax
    _d = setup_inputs()
    print(jax.jit(kernel)(*tuple(_d.values())))

</pallas_src>

<mosaic_0001>
#map = affine_map<(d0, d1) -> (0, 0)>
#map1 = affine_map<(d0, d1) -> (0, 0, 0, 0)>
#map2 = affine_map<(d0, d1) -> (0, 0, 0)>
module attributes {stable_mosaic.version = 14 : i64} {
  func.func @body(%arg0: i32, %arg1: i32, %arg2: memref<20000x128xf32, #tpu.memory_space<hbm>>, %arg3: memref<2x16x640x32xi32, #tpu.memory_space<hbm>>, %arg4: memref<16x640x32xi32, #tpu.memory_space<hbm>>, %arg5: memref<10112x128xf32, #tpu.memory_space<hbm>>, %arg6: memref<20000x128xf32, #tpu.memory_space<hbm>>, %arg7: memref<40x32xi32, #tpu.memory_space<vmem>>, %arg8: memref<40x32xi32, #tpu.memory_space<vmem>>, %arg9: memref<32x128xf32, #tpu.memory_space<vmem>>, %arg10: memref<32x128xf32, #tpu.memory_space<vmem>>, %arg11: memref<32x128xf32, #tpu.memory_space<vmem>>, %arg12: memref<32x128xf32, #tpu.memory_space<vmem>>, %arg13: memref<32x128xf32, #tpu.memory_space<vmem>>, %arg14: memref<32x128xf32, #tpu.memory_space<vmem>>, %arg15: memref<32x128xf32, #tpu.memory_space<vmem>>, %arg16: memref<32x128xf32, #tpu.memory_space<vmem>>, %arg17: memref<10112x128xf32, #tpu.memory_space<vmem_shared>>, %arg18: memref<!tpu.dma_semaphore, #tpu.memory_space<semaphore_mem>>, %arg19: memref<!tpu.dma_semaphore, #tpu.memory_space<semaphore_mem>>, %arg20: memref<!tpu.dma_semaphore, #tpu.memory_space<semaphore_mem>>, %arg21: memref<!tpu.dma_semaphore, #tpu.memory_space<semaphore_mem>>, %arg22: memref<!tpu.dma_semaphore, #tpu.memory_space<semaphore_mem>>, %arg23: memref<!tpu.dma_semaphore, #tpu.memory_space<semaphore_mem>>, %arg24: memref<!tpu.dma_semaphore, #tpu.memory_space<semaphore_mem>>, %arg25: memref<!tpu.dma_semaphore, #tpu.memory_space<semaphore_mem>>) attributes {dimension_semantics = [#tpu.dimension_semantics<core_parallel>, #tpu.dimension_semantics<subcore_parallel>], iteration_bounds = array<i64: 2, 16>, scalar_prefetch = 0 : i64, scratch_operands = 19 : i64, tpu.core_type = #tpu.core_type<sc_vector_subcore>, window_params = [{transform_indices = #map}, {transform_indices = #map1}, {transform_indices = #map2}, {transform_indices = #map}, {transform_indices = #map}]} {
    %mul3A = arith.constant 632 : i32
    %mul3A_0 = arith.muli %arg1, %mul3A : i32
    %mul3A_1 = arith.constant 632 : i32
    %mul3A_2 = arith.muli %arg1, %mul3A_1 : i32
    "tpu.region"() ({
      %run_scoped3A = tpu.sem_alloc : memref<!tpu.dma_semaphore, #tpu.memory_space<semaphore_mem>>
      %dma_start3A = arith.constant 0 : i32
      %dma_start3A_15 = tpu.memref_slice %arg17[%mul3A_2, %dma_start3A] : memref<10112x128xf32, #tpu.memory_space<vmem_shared>> -> memref<632x128xf32, #tpu.memory_space<vmem_shared>>
      %dma_start3A_16 = arith.constant 0 : i32
      %dma_start3A_17 = tpu.memref_slice %arg5[%mul3A_0, %dma_start3A_16] : memref<10112x128xf32, #tpu.memory_space<hbm>> -> memref<632x128xf32, #tpu.memory_space<hbm>>
      tpu.enqueue_dma source(%dma_start3A_17 : memref<632x128xf32, #tpu.memory_space<hbm>>) target(%dma_start3A_15 : memref<632x128xf32, #tpu.memory_space<vmem_shared>>) target_semaphore(%run_scoped3A : memref<!tpu.dma_semaphore, #tpu.memory_space<semaphore_mem>>)
      %dma_wait3A = arith.constant 0 : i32
      %dma_wait3A_18 = tpu.memref_slice %arg17[%mul3A_2, %dma_wait3A] : memref<10112x128xf32, #tpu.memory_space<vmem_shared>> -> memref<632x128xf32, #tpu.memory_space<vmem_shared>>
      %dma_wait3A_19 = arith.constant 0 : i32
      %dma_wait3A_20 = tpu.memref_slice %arg5[%mul3A_0, %dma_wait3A_19] : memref<10112x128xf32, #tpu.memory_space<hbm>> -> memref<632x128xf32, #tpu.memory_space<hbm>>
      tpu.wait_dma2 semaphore(%run_scoped3A : memref<!tpu.dma_semaphore, #tpu.memory_space<semaphore_mem>>) src(%dma_wait3A_20 : memref<632x128xf32, #tpu.memory_space<hbm>>) dst(%dma_wait3A_18 : memref<632x128xf32, #tpu.memory_space<vmem_shared>>)
      tpu.yield
    }) : () -> ()
    %barrier3A = arith.constant 0 : index
    tpu.barrier barrier_id(%barrier3A)
    %scan3A = arith.constant 0 : i32
    %scan3A_3 = arith.constant 0 : i32
    %scan3A_4 = arith.constant 16 : i32
    %scan3A_5 = arith.addi %scan3A_3, %scan3A_4 : i32
    %scan3A_6 = arith.constant 1 : i32
    scf.for %scan3A_15 = %scan3A_3 to %scan3A_5 step %scan3A_6  : i32 {
      %mul3A_16 = arith.constant 40 : i32
      %mul3A_17 = arith.muli %scan3A_15, %mul3A_16 : i32
      "tpu.region"() ({
        %run_scoped3A = tpu.sem_alloc : memref<!tpu.dma_semaphore, #tpu.memory_space<semaphore_mem>>
        %dma_start3A_73 = arith.constant 0 : i32
        %dma_start3A_74 = tpu.memref_slice %arg3[%arg0, %arg1, %mul3A_17, %dma_start3A_73] : memref<2x16x640x32xi32, #tpu.memory_space<hbm>> -> memref<1x1x40x32xi32, #tpu.memory_space<hbm>>
        %dma_start3A_75 = tpu.memref_squeeze %dma_start3A_74 : memref<1x1x40x32xi32, #tpu.memory_space<hbm>> -> memref<40x32xi32, #tpu.memory_space<hbm>>
        %dma_start3A_76 = arith.constant 0 : i32
        %dma_start3A_77 = tpu.memref_slice %arg3[%arg0, %arg1, %mul3A_17, %dma_start3A_76] : memref<2x16x640x32xi32, #tpu.memory_space<hbm>> -> memref<1x1x40x32xi32, #tpu.memory_space<hbm>>
        %dma_start3A_78 = tpu.memref_squeeze %dma_start3A_77 : memref<1x1x40x32xi32, #tpu.memory_space<hbm>> -> memref<40x32xi32, #tpu.memory_space<hbm>>
        tpu.enqueue_dma source(%dma_start3A_78 : memref<40x32xi32, #tpu.memory_space<hbm>>) target(%arg7 : memref<40x32xi32, #tpu.memory_space<vmem>>) target_semaphore(%run_scoped3A : memref<!tpu.dma_semaphore, #tpu.memory_space<semaphore_mem>>)
        %dma_wait3A = arith.constant 0 : i32
        %dma_wait3A_79 = tpu.memref_slice %arg3[%arg0, %arg1, %mul3A_17, %dma_wait3A] : memref<2x16x640x32xi32, #tpu.memory_space<hbm>> -> memref<1x1x40x32xi32, #tpu.memory_space<hbm>>
        %dma_wait3A_80 = tpu.memref_squeeze %dma_wait3A_79 : memref<1x1x40x32xi32, #tpu.memory_space<hbm>> -> memref<40x32xi32, #tpu.memory_space<hbm>>
        %dma_wait3A_81 = arith.constant 0 : i32
        %dma_wait3A_82 = tpu.memref_slice %arg3[%arg0, %arg1, %mul3A_17, %dma_wait3A_81] : memref<2x16x640x32xi32, #tpu.memory_space<hbm>> -> memref<1x1x40x32xi32, #tpu.memory_space<hbm>>
        %dma_wait3A_83 = tpu.memref_squeeze %dma_wait3A_82 : memref<1x1x40x32xi32, #tpu.memory_space<hbm>> -> memref<40x32xi32, #tpu.memory_space<hbm>>
        tpu.wait_dma2 semaphore(%run_scoped3A : memref<!tpu.dma_semaphore, #tpu.memory_space<semaphore_mem>>) src(%dma_wait3A_83 : memref<40x32xi32, #tpu.memory_space<hbm>>) dst(%arg7 : memref<40x32xi32, #tpu.memory_space<vmem>>)
        tpu.yield
      }) : () -> ()
      %mul3A_18 = arith.constant 40 : i32
      %mul3A_19 = arith.muli %scan3A_15, %mul3A_18 : i32
      "tpu.region"() ({
        %run_scoped3A = tpu.sem_alloc : memref<!tpu.dma_semaphore, #tpu.memory_space<semaphore_mem>>
        %dma_start3A_73 = arith.constant 0 : i32
        %dma_start3A_74 = tpu.memref_slice %arg4[%arg1, %mul3A_19, %dma_start3A_73] : memref<16x640x32xi32, #tpu.memory_space<hbm>> -> memref<1x40x32xi32, #tpu.memory_space<hbm>>
        %dma_start3A_75 = tpu.memref_squeeze %dma_start3A_74 : memref<1x40x32xi32, #tpu.memory_space<hbm>> -> memref<40x32xi32, #tpu.memory_space<hbm>>
        %dma_start3A_76 = arith.constant 0 : i32
        %dma_start3A_77 = tpu.memref_slice %arg4[%arg1, %mul3A_19, %dma_start3A_76] : memref<16x640x32xi32, #tpu.memory_space<hbm>> -> memref<1x40x32xi32, #tpu.memory_space<hbm>>
        %dma_start3A_78 = tpu.memref_squeeze %dma_start3A_77 : memref<1x40x32xi32, #tpu.memory_space<hbm>> -> memref<40x32xi32, #tpu.memory_space<hbm>>
        tpu.enqueue_dma source(%dma_start3A_78 : memref<40x32xi32, #tpu.memory_space<hbm>>) target(%arg8 : memref<40x32xi32, #tpu.memory_space<vmem>>) target_semaphore(%run_scoped3A : memref<!tpu.dma_semaphore, #tpu.memory_space<semaphore_mem>>)
        %dma_wait3A = arith.constant 0 : i32
        %dma_wait3A_79 = tpu.memref_slice %arg4[%arg1, %mul3A_19, %dma_wait3A] : memref<16x640x32xi32, #tpu.memory_space<hbm>> -> memref<1x40x32xi32, #tpu.memory_space<hbm>>
        %dma_wait3A_80 = tpu.memref_squeeze %dma_wait3A_79 : memref<1x40x32xi32, #tpu.memory_space<hbm>> -> memref<40x32xi32, #tpu.memory_space<hbm>>
        %dma_wait3A_81 = arith.constant 0 : i32
        %dma_wait3A_82 = tpu.memref_slice %arg4[%arg1, %mul3A_19, %dma_wait3A_81] : memref<16x640x32xi32, #tpu.memory_space<hbm>> -> memref<1x40x32xi32, #tpu.memory_space<hbm>>
        %dma_wait3A_83 = tpu.memref_squeeze %dma_wait3A_82 : memref<1x40x32xi32, #tpu.memory_space<hbm>> -> memref<40x32xi32, #tpu.memory_space<hbm>>
        tpu.wait_dma2 semaphore(%run_scoped3A : memref<!tpu.dma_semaphore, #tpu.memory_space<semaphore_mem>>) src(%dma_wait3A_83 : memref<40x32xi32, #tpu.memory_space<hbm>>) dst(%arg8 : memref<40x32xi32, #tpu.memory_space<vmem>>)
        tpu.yield
      }) : () -> ()
      %dma_start3A = arith.constant 0 : i32
      %dma_start3A_20 = arith.constant 0 : i32
      %dma_start3A_21 = tpu.memref_slice %arg7[%dma_start3A, %dma_start3A_20] : memref<40x32xi32, #tpu.memory_space<vmem>> -> memref<1x32xi32, #tpu.memory_space<vmem>>
      %dma_start3A_22 = tpu.memref_squeeze %dma_start3A_21 : memref<1x32xi32, #tpu.memory_space<vmem>> -> memref<32xi32, #tpu.memory_space<vmem>>
      %dma_start3A_23 = arith.constant 0 : i32
      %dma_start3A_24 = arith.constant 0 : i32
      %dma_start3A_25 = tpu.memref_slice %arg2[%dma_start3A_23, %dma_start3A_24] : memref<20000x128xf32, #tpu.memory_space<hbm>> -> memref<20000x128xf32, #tpu.memory_space<hbm>>
      tpu.enqueue_indirect_dma source(%dma_start3A_25 : memref<20000x128xf32, #tpu.memory_space<hbm>>) target(%arg9 : memref<32x128xf32, #tpu.memory_space<vmem>>) offsets(%dma_start3A_22 : memref<32xi32, #tpu.memory_space<vmem>>) semaphore(%arg18 : memref<!tpu.dma_semaphore, #tpu.memory_space<semaphore_mem>>)
      %dma_start3A_26 = arith.constant 1 : i32
      %dma_start3A_27 = arith.constant 0 : i32
      %dma_start3A_28 = tpu.memref_slice %arg7[%dma_start3A_26, %dma_start3A_27] : memref<40x32xi32, #tpu.memory_space<vmem>> -> memref<1x32xi32, #tpu.memory_space<vmem>>
      %dma_start3A_29 = tpu.memref_squeeze %dma_start3A_28 : memref<1x32xi32, #tpu.memory_space<vmem>> -> memref<32xi32, #tpu.memory_space<vmem>>
      %dma_start3A_30 = arith.constant 0 : i32
      %dma_start3A_31 = arith.constant 0 : i32
      %dma_start3A_32 = tpu.memref_slice %arg2[%dma_start3A_30, %dma_start3A_31] : memref<20000x128xf32, #tpu.memory_space<hbm>> -> memref<20000x128xf32, #tpu.memory_space<hbm>>
      tpu.enqueue_indirect_dma source(%dma_start3A_32 : memref<20000x128xf32, #tpu.memory_space<hbm>>) target(%arg10 : memref<32x128xf32, #tpu.memory_space<vmem>>) offsets(%dma_start3A_29 : memref<32xi32, #tpu.memory_space<vmem>>) semaphore(%arg19 : memref<!tpu.dma_semaphore, #tpu.memory_space<semaphore_mem>>)
      %dma_start3A_33 = arith.constant 2 : i32
      %dma_start3A_34 = arith.constant 0 : i32
      %dma_start3A_35 = tpu.memref_slice %arg7[%dma_start3A_33, %dma_start3A_34] : memref<40x32xi32, #tpu.memory_space<vmem>> -> memref<1x32xi32, #tpu.memory_space<vmem>>
      %dma_start3A_36 = tpu.memref_squeeze %dma_start3A_35 : memref<1x32xi32, #tpu.memory_space<vmem>> -> memref<32xi32, #tpu.memory_space<vmem>>
      %dma_start3A_37 = arith.constant 0 : i32
      %dma_start3A_38 = arith.constant 0 : i32
      %dma_start3A_39 = tpu.memref_slice %arg2[%dma_start3A_37, %dma_start3A_38] : memref<20000x128xf32, #tpu.memory_space<hbm>> -> memref<20000x128xf32, #tpu.memory_space<hbm>>
      tpu.enqueue_indirect_dma source(%dma_start3A_39 : memref<20000x128xf32, #tpu.memory_space<hbm>>) target(%arg11 : memref<32x128xf32, #tpu.memory_space<vmem>>) offsets(%dma_start3A_36 : memref<32xi32, #tpu.memory_space<vmem>>) semaphore(%arg20 : memref<!tpu.dma_semaphore, #tpu.memory_space<semaphore_mem>>)
      %dma_start3A_40 = arith.constant 3 : i32
      %dma_start3A_41 = arith.constant 0 : i32
      %dma_start3A_42 = tpu.memref_slice %arg7[%dma_start3A_40, %dma_start3A_41] : memref<40x32xi32, #tpu.memory_space<vmem>> -> memref<1x32xi32, #tpu.memory_space<vmem>>
      %dma_start3A_43 = tpu.memref_squeeze %dma_start3A_42 : memref<1x32xi32, #tpu.memory_space<vmem>> -> memref<32xi32, #tpu.memory_space<vmem>>
      %dma_start3A_44 = arith.constant 0 : i32
      %dma_start3A_45 = arith.constant 0 : i32
      %dma_start3A_46 = tpu.memref_slice %arg2[%dma_start3A_44, %dma_start3A_45] : memref<20000x128xf32, #tpu.memory_space<hbm>> -> memref<20000x128xf32, #tpu.memory_space<hbm>>
      tpu.enqueue_indirect_dma source(%dma_start3A_46 : memref<20000x128xf32, #tpu.memory_space<hbm>>) target(%arg12 : memref<32x128xf32, #tpu.memory_space<vmem>>) offsets(%dma_start3A_43 : memref<32xi32, #tpu.memory_space<vmem>>) semaphore(%arg21 : memref<!tpu.dma_semaphore, #tpu.memory_space<semaphore_mem>>)
      %dma_start3A_47 = arith.constant 4 : i32
      %dma_start3A_48 = arith.constant 0 : i32
      %dma_start3A_49 = tpu.memref_slice %arg7[%dma_start3A_47, %dma_start3A_48] : memref<40x32xi32, #tpu.memory_space<vmem>> -> memref<1x32xi32, #tpu.memory_space<vmem>>
      %dma_start3A_50 = tpu.memref_squeeze %dma_start3A_49 : memref<1x32xi32, #tpu.memory_space<vmem>> -> memref<32xi32, #tpu.memory_space<vmem>>
      %dma_start3A_51 = arith.constant 0 : i32
      %dma_start3A_52 = arith.constant 0 : i32
      %dma_start3A_53 = tpu.memref_slice %arg2[%dma_start3A_51, %dma_start3A_52] : memref<20000x128xf32, #tpu.memory_space<hbm>> -> memref<20000x128xf32, #tpu.memory_space<hbm>>
      tpu.enqueue_indirect_dma source(%dma_start3A_53 : memref<20000x128xf32, #tpu.memory_space<hbm>>) target(%arg13 : memref<32x128xf32, #tpu.memory_space<vmem>>) offsets(%dma_start3A_50 : memref<32xi32, #tpu.memory_space<vmem>>) semaphore(%arg22 : memref<!tpu.dma_semaphore, #tpu.memory_space<semaphore_mem>>)
      %dma_start3A_54 = arith.constant 5 : i32
      %dma_start3A_55 = arith.constant 0 : i32
      %dma_start3A_56 = tpu.memref_slice %arg7[%dma_start3A_54, %dma_start3A_55] : memref<40x32xi32, #tpu.memory_space<vmem>> -> memref<1x32xi32, #tpu.memory_space<vmem>>
      %dma_start3A_57 = tpu.memref_squeeze %dma_start3A_56 : memref<1x32xi32, #tpu.memory_space<vmem>> -> memref<32xi32, #tpu.memory_space<vmem>>
      %dma_start3A_58 = arith.constant 0 : i32
      %dma_start3A_59 = arith.constant 0 : i32
      %dma_start3A_60 = tpu.memref_slice %arg2[%dma_start3A_58, %dma_start3A_59] : memref<20000x128xf32, #tpu.memory_space<hbm>> -> memref<20000x128xf32, #tpu.memory_space<hbm>>
      tpu.enqueue_indirect_dma source(%dma_start3A_60 : memref<20000x128xf32, #tpu.memory_space<hbm>>) target(%arg14 : memref<32x128xf32, #tpu.memory_space<vmem>>) offsets(%dma_start3A_57 : memref<32xi32, #tpu.memory_space<vmem>>) semaphore(%arg23 : memref<!tpu.dma_semaphore, #tpu.memory_space<semaphore_mem>>)
      %dma_start3A_61 = arith.constant 6 : i32
      %dma_start3A_62 = arith.constant 0 : i32
      %dma_start3A_63 = tpu.memref_slice %arg7[%dma_start3A_61, %dma_start3A_62] : memref<40x32xi32, #tpu.memory_space<vmem>> -> memref<1x32xi32, #tpu.memory_space<vmem>>
      %dma_start3A_64 = tpu.memref_squeeze %dma_start3A_63 : memref<1x32xi32, #tpu.memory_space<vmem>> -> memref<32xi32, #tpu.memory_space<vmem>>
      %dma_start3A_65 = arith.constant 0 : i32
      %dma_start3A_66 = arith.constant 0 : i32
      %dma_start3A_67 = tpu.memref_slice %arg2[%dma_start3A_65, %dma_start3A_66] : memref<20000x128xf32, #tpu.memory_space<hbm>> -> memref<20000x128xf32, #tpu.memory_space<hbm>>
      tpu.enqueue_indirect_dma source(%dma_start3A_67 : memref<20000x128xf32, #tpu.memory_space<hbm>>) target(%arg15 : memref<32x128xf32, #tpu.memory_space<vmem>>) offsets(%dma_start3A_64 : memref<32xi32, #tpu.memory_space<vmem>>) semaphore(%arg24 : memref<!tpu.dma_semaphore, #tpu.memory_space<semaphore_mem>>)
      %scan3A_68 = arith.constant 0 : i32
      %scan3A_69 = arith.constant 5 : i32
      %scan3A_70 = arith.addi %scan3A_68, %scan3A_69 : i32
      %scan3A_71 = arith.constant 1 : i32
      scf.for %scan3A_73 = %scan3A_68 to %scan3A_70 step %scan3A_71  : i32 {
        %mul3A_74 = arith.constant 8 : i32
        %mul3A_75 = arith.muli %mul3A_74, %scan3A_73 : i32
        %dma_wait3A = arith.constant 0 : i32
        %dma_wait3A_76 = arith.constant 0 : i32
        %dma_wait3A_77 = tpu.memref_slice %arg2[%dma_wait3A, %dma_wait3A_76] : memref<20000x128xf32, #tpu.memory_space<hbm>> -> memref<32x128xf32, #tpu.memory_space<hbm>>
        %dma_wait3A_78 = arith.constant 0 : i32
        %dma_wait3A_79 = arith.constant 0 : i32
        %dma_wait3A_80 = tpu.memref_slice %arg2[%dma_wait3A_78, %dma_wait3A_79] : memref<20000x128xf32, #tpu.memory_space<hbm>> -> memref<32x128xf32, #tpu.memory_space<hbm>>
        tpu.wait_dma2 semaphore(%arg18 : memref<!tpu.dma_semaphore, #tpu.memory_space<semaphore_mem>>) src(%dma_wait3A_80 : memref<32x128xf32, #tpu.memory_space<hbm>>) dst(%arg9 : memref<32x128xf32, #tpu.memory_space<vmem>>)
        %add3A = arith.constant 0 : i32
        %add3A_81 = arith.addi %mul3A_75, %add3A : i32
        %add3A_82 = arith.constant 8 : i32
        %add3A_83 = arith.addi %add3A_81, %add3A_82 : i32
        %sub3A = arith.constant 1 : i32
        %sub3A_84 = arith.subi %add3A_83, %sub3A : i32
        %lt3A_85 = arith.constant 40 : i32
        %lt3A_86 = arith.cmpi slt, %sub3A_84, %lt3A_85 : i32
        %convert_element_type3A_87 = arith.extui %lt3A_86 : i1 to i32
        %cond3A_88 = arith.constant 0 : i32
        %cond3A_89 = arith.cmpi ne, %convert_element_type3A_87, %cond3A_88 : i32
        scf.if %cond3A_89 {
          %add3A_225 = arith.constant 0 : i32
          %add3A_226 = arith.addi %mul3A_75, %add3A_225 : i32
          %add3A_227 = arith.constant 8 : i32
          %add3A_228 = arith.addi %add3A_226, %add3A_227 : i32
          %sub3A_229 = arith.constant 1 : i32
          %sub3A_230 = arith.subi %add3A_228, %sub3A_229 : i32
          %dma_start3A_231 = arith.constant 0 : i32
          %dma_start3A_232 = tpu.memref_slice %arg7[%sub3A_230, %dma_start3A_231] : memref<40x32xi32, #tpu.memory_space<vmem>> -> memref<1x32xi32, #tpu.memory_space<vmem>>
          %dma_start3A_233 = tpu.memref_squeeze %dma_start3A_232 : memref<1x32xi32, #tpu.memory_space<vmem>> -> memref<32xi32, #tpu.memory_space<vmem>>
          %dma_start3A_234 = arith.constant 0 : i32
          %dma_start3A_235 = arith.constant 0 : i32
          %dma_start3A_236 = tpu.memref_slice %arg2[%dma_start3A_234, %dma_start3A_235] : memref<20000x128xf32, #tpu.memory_space<hbm>> -> memref<20000x128xf32, #tpu.memory_space<hbm>>
          tpu.enqueue_indirect_dma source(%dma_start3A_236 : memref<20000x128xf32, #tpu.memory_space<hbm>>) target(%arg16 : memref<32x128xf32, #tpu.memory_space<vmem>>) offsets(%dma_start3A_233 : memref<32xi32, #tpu.memory_space<vmem>>) semaphore(%arg25 : memref<!tpu.dma_semaphore, #tpu.memory_space<semaphore_mem>>)
        } else {
        }
        %add3A_90 = arith.constant 0 : i32
        %add3A_91 = arith.addi %mul3A_75, %add3A_90 : i32
        "tpu.region"() ({
          %run_scoped3A = tpu.sem_alloc : memref<!tpu.dma_semaphore, #tpu.memory_space<semaphore_mem>>
          %dma_start3A_225 = arith.constant 0 : i32
          %dma_start3A_226 = tpu.memref_slice %arg8[%add3A_91, %dma_start3A_225] : memref<40x32xi32, #tpu.memory_space<vmem>> -> memref<1x32xi32, #tpu.memory_space<vmem>>
          %dma_start3A_227 = tpu.memref_squeeze %dma_start3A_226 : memref<1x32xi32, #tpu.memory_space<vmem>> -> memref<32xi32, #tpu.memory_space<vmem>>
          %dma_start3A_228 = arith.constant 0 : i32
          %dma_start3A_229 = arith.constant 0 : i32
          %dma_start3A_230 = tpu.memref_slice %arg17[%dma_start3A_228, %dma_start3A_229] : memref<10112x128xf32, #tpu.memory_space<vmem_shared>> -> memref<10112x128xf32, #tpu.memory_space<vmem_shared>>
          tpu.enqueue_indirect_dma source(%arg9 : memref<32x128xf32, #tpu.memory_space<vmem>>) target(%dma_start3A_230 : memref<10112x128xf32, #tpu.memory_space<vmem_shared>>) offsets(%dma_start3A_227 : memref<32xi32, #tpu.memory_space<vmem>>) semaphore(%run_scoped3A : memref<!tpu.dma_semaphore, #tpu.memory_space<semaphore_mem>>) {add = true}
          %dma_wait3A_231 = arith.constant 0 : i32
          %dma_wait3A_232 = tpu.memref_slice %arg8[%add3A_91, %dma_wait3A_231] : memref<40x32xi32, #tpu.memory_space<vmem>> -> memref<1x32xi32, #tpu.memory_space<vmem>>
          %dma_wait3A_233 = tpu.memref_squeeze %dma_wait3A_232 : memref<1x32xi32, #tpu.memory_space<vmem>> -> memref<32xi32, #tpu.memory_space<vmem>>
          %dma_wait3A_234 = arith.constant 0 : i32
          %dma_wait3A_235 = arith.constant 0 : i32
          %dma_wait3A_236 = tpu.memref_slice %arg17[%dma_wait3A_234, %dma_wait3A_235] : memref<10112x128xf32, #tpu.memory_space<vmem_shared>> -> memref<10112x128xf32, #tpu.memory_space<vmem_shared>>
          tpu.wait_indirect_dma semaphore(%run_scoped3A : memref<!tpu.dma_semaphore, #tpu.memory_space<semaphore_mem>>) src(%arg9 : memref<32x128xf32, #tpu.memory_space<vmem>>) dst(%dma_wait3A_236 : memref<10112x128xf32, #tpu.memory_space<vmem_shared>>)
          tpu.yield
        }) : () -> ()
        %dma_wait3A_92 = arith.constant 0 : i32
        %dma_wait3A_93 = arith.constant 0 : i32
        %dma_wait3A_94 = tpu.memref_slice %arg2[%dma_wait3A_92, %dma_wait3A_93] : memref<20000x128xf32, #tpu.memory_space<hbm>> -> memref<32x128xf32, #tpu.memory_space<hbm>>
        %dma_wait3A_95 = arith.constant 0 : i32
        %dma_wait3A_96 = arith.constant 0 : i32
        %dma_wait3A_97 = tpu.memref_slice %arg2[%dma_wait3A_95, %dma_wait3A_96] : memref<20000x128xf32, #tpu.memory_space<hbm>> -> memref<32x128xf32, #tpu.memory_space<hbm>>
        tpu.wait_dma2 semaphore(%arg19 : memref<!tpu.dma_semaphore, #tpu.memory_space<semaphore_mem>>) src(%dma_wait3A_97 : memref<32x128xf32, #tpu.memory_space<hbm>>) dst(%arg10 : memref<32x128xf32, #tpu.memory_space<vmem>>)
        %add3A_98 = arith.constant 1 : i32
        %add3A_99 = arith.addi %mul3A_75, %add3A_98 : i32
        %add3A_100 = arith.constant 8 : i32
        %add3A_101 = arith.addi %add3A_99, %add3A_100 : i32
        %sub3A_102 = arith.constant 1 : i32
        %sub3A_103 = arith.subi %add3A_101, %sub3A_102 : i32
        %lt3A_104 = arith.constant 40 : i32
        %lt3A_105 = arith.cmpi slt, %sub3A_103, %lt3A_104 : i32
        %convert_element_type3A_106 = arith.extui %lt3A_105 : i1 to i32
        %cond3A_107 = arith.constant 0 : i32
        %cond3A_108 = arith.cmpi ne, %convert_element_type3A_106, %cond3A_107 : i32
        scf.if %cond3A_108 {
          %add3A_225 = arith.constant 1 : i32
          %add3A_226 = arith.addi %mul3A_75, %add3A_225 : i32
          %add3A_227 = arith.constant 8 : i32
          %add3A_228 = arith.addi %add3A_226, %add3A_227 : i32
          %sub3A_229 = arith.constant 1 : i32
          %sub3A_230 = arith.subi %add3A_228, %sub3A_229 : i32
          %dma_start3A_231 = arith.constant 0 : i32
          %dma_start3A_232 = tpu.memref_slice %arg7[%sub3A_230, %dma_start3A_231] : memref<40x32xi32, #tpu.memory_space<vmem>> -> memref<1x32xi32, #tpu.memory_space<vmem>>
          %dma_start3A_233 = tpu.memref_squeeze %dma_start3A_232 : memref<1x32xi32, #tpu.memory_space<vmem>> -> memref<32xi32, #tpu.memory_space<vmem>>
          %dma_start3A_234 = arith.constant 0 : i32
          %dma_start3A_235 = arith.constant 0 : i32
          %dma_start3A_236 = tpu.memref_slice %arg2[%dma_start3A_234, %dma_start3A_235] : memref<20000x128xf32, #tpu.memory_space<hbm>> -> memref<20000x128xf32, #tpu.memory_space<hbm>>
          tpu.enqueue_indirect_dma source(%dma_start3A_236 : memref<20000x128xf32, #tpu.memory_space<hbm>>) target(%arg9 : memref<32x128xf32, #tpu.memory_space<vmem>>) offsets(%dma_start3A_233 : memref<32xi32, #tpu.memory_space<vmem>>) semaphore(%arg18 : memref<!tpu.dma_semaphore, #tpu.memory_space<semaphore_mem>>)
        } else {
        }
        %add3A_109 = arith.constant 1 : i32
        %add3A_110 = arith.addi %mul3A_75, %add3A_109 : i32
        "tpu.region"() ({
          %run_scoped3A = tpu.sem_alloc : memref<!tpu.dma_semaphore, #tpu.memory_space<semaphore_mem>>
          %dma_start3A_225 = arith.constant 0 : i32
          %dma_start3A_226 = tpu.memref_slice %arg8[%add3A_110, %dma_start3A_225] : memref<40x32xi32, #tpu.memory_space<vmem>> -> memref<1x32xi32, #tpu.memory_space<vmem>>
          %dma_start3A_227 = tpu.memref_squeeze %dma_start3A_226 : memref<1x32xi32, #tpu.memory_space<vmem>> -> memref<32xi32, #tpu.memory_space<vmem>>
          %dma_start3A_228 = arith.constant 0 : i32
          %dma_start3A_229 = arith.constant 0 : i32
          %dma_start3A_230 = tpu.memref_slice %arg17[%dma_start3A_228, %dma_start3A_229] : memref<10112x128xf32, #tpu.memory_space<vmem_shared>> -> memref<10112x128xf32, #tpu.memory_space<vmem_shared>>
          tpu.enqueue_indirect_dma source(%arg10 : memref<32x128xf32, #tpu.memory_space<vmem>>) target(%dma_start3A_230 : memref<10112x128xf32, #tpu.memory_space<vmem_shared>>) offsets(%dma_start3A_227 : memref<32xi32, #tpu.memory_space<vmem>>) semaphore(%run_scoped3A : memref<!tpu.dma_semaphore, #tpu.memory_space<semaphore_mem>>) {add = true}
          %dma_wait3A_231 = arith.constant 0 : i32
          %dma_wait3A_232 = tpu.memref_slice %arg8[%add3A_110, %dma_wait3A_231] : memref<40x32xi32, #tpu.memory_space<vmem>> -> memref<1x32xi32, #tpu.memory_space<vmem>>
          %dma_wait3A_233 = tpu.memref_squeeze %dma_wait3A_232 : memref<1x32xi32, #tpu.memory_space<vmem>> -> memref<32xi32, #tpu.memory_space<vmem>>
          %dma_wait3A_234 = arith.constant 0 : i32
          %dma_wait3A_235 = arith.constant 0 : i32
          %dma_wait3A_236 = tpu.memref_slice %arg17[%dma_wait3A_234, %dma_wait3A_235] : memref<10112x128xf32, #tpu.memory_space<vmem_shared>> -> memref<10112x128xf32, #tpu.memory_space<vmem_shared>>
          tpu.wait_indirect_dma semaphore(%run_scoped3A : memref<!tpu.dma_semaphore, #tpu.memory_space<semaphore_mem>>) src(%arg10 : memref<32x128xf32, #tpu.memory_space<vmem>>) dst(%dma_wait3A_236 : memref<10112x128xf32, #tpu.memory_space<vmem_shared>>)
          tpu.yield
        }) : () -> ()
        %dma_wait3A_111 = arith.constant 0 : i32
        %dma_wait3A_112 = arith.constant 0 : i32
        %dma_wait3A_113 = tpu.memref_slice %arg2[%dma_wait3A_111, %dma_wait3A_112] : memref<20000x128xf32, #tpu.memory_space<hbm>> -> memref<32x128xf32, #tpu.memory_space<hbm>>
        %dma_wait3A_114 = arith.constant 0 : i32
        %dma_wait3A_115 = arith.constant 0 : i32
        %dma_wait3A_116 = tpu.memref_slice %arg2[%dma_wait3A_114, %dma_wait3A_115] : memref<20000x128xf32, #tpu.memory_space<hbm>> -> memref<32x128xf32, #tpu.memory_space<hbm>>
        tpu.wait_dma2 semaphore(%arg20 : memref<!tpu.dma_semaphore, #tpu.memory_space<semaphore_mem>>) src(%dma_wait3A_116 : memref<32x128xf32, #tpu.memory_space<hbm>>) dst(%arg11 : memref<32x128xf32, #tpu.memory_space<vmem>>)
        %add3A_117 = arith.constant 2 : i32
        %add3A_118 = arith.addi %mul3A_75, %add3A_117 : i32
        %add3A_119 = arith.constant 8 : i32
        %add3A_120 = arith.addi %add3A_118, %add3A_119 : i32
        %sub3A_121 = arith.constant 1 : i32
        %sub3A_122 = arith.subi %add3A_120, %sub3A_121 : i32
        %lt3A_123 = arith.constant 40 : i32
        %lt3A_124 = arith.cmpi slt, %sub3A_122, %lt3A_123 : i32
        %convert_element_type3A_125 = arith.extui %lt3A_124 : i1 to i32
        %cond3A_126 = arith.constant 0 : i32
        %cond3A_127 = arith.cmpi ne, %convert_element_type3A_125, %cond3A_126 : i32
        scf.if %cond3A_127 {
          %add3A_225 = arith.constant 2 : i32
          %add3A_226 = arith.addi %mul3A_75, %add3A_225 : i32
          %add3A_227 = arith.constant 8 : i32
          %add3A_228 = arith.addi %add3A_226, %add3A_227 : i32
          %sub3A_229 = arith.constant 1 : i32
          %sub3A_230 = arith.subi %add3A_228, %sub3A_229 : i32
          %dma_start3A_231 = arith.constant 0 : i32
          %dma_start3A_232 = tpu.memref_slice %arg7[%sub3A_230, %dma_start3A_231] : memref<40x32xi32, #tpu.memory_space<vmem>> -> memref<1x32xi32, #tpu.memory_space<vmem>>
          %dma_start3A_233 = tpu.memref_squeeze %dma_start3A_232 : memref<1x32xi32, #tpu.memory_space<vmem>> -> memref<32xi32, #tpu.memory_space<vmem>>
          %dma_start3A_234 = arith.constant 0 : i32
          %dma_start3A_235 = arith.constant 0 : i32
          %dma_start3A_236 = tpu.memref_slice %arg2[%dma_start3A_234, %dma_start3A_235] : memref<20000x128xf32, #tpu.memory_space<hbm>> -> memref<20000x128xf32, #tpu.memory_space<hbm>>
          tpu.enqueue_indirect_dma source(%dma_start3A_236 : memref<20000x128xf32, #tpu.memory_space<hbm>>) target(%arg10 : memref<32x128xf32, #tpu.memory_space<vmem>>) offsets(%dma_start3A_233 : memref<32xi32, #tpu.memory_space<vmem>>) semaphore(%arg19 : memref<!tpu.dma_semaphore, #tpu.memory_space<semaphore_mem>>)
        } else {
        }
        %add3A_128 = arith.constant 2 : i32
        %add3A_129 = arith.addi %mul3A_75, %add3A_128 : i32
        "tpu.region"() ({
          %run_scoped3A = tpu.sem_alloc : memref<!tpu.dma_semaphore, #tpu.memory_space<semaphore_mem>>
          %dma_start3A_225 = arith.constant 0 : i32
          %dma_start3A_226 = tpu.memref_slice %arg8[%add3A_129, %dma_start3A_225] : memref<40x32xi32, #tpu.memory_space<vmem>> -> memref<1x32xi32, #tpu.memory_space<vmem>>
          %dma_start3A_227 = tpu.memref_squeeze %dma_start3A_226 : memref<1x32xi32, #tpu.memory_space<vmem>> -> memref<32xi32, #tpu.memory_space<vmem>>
          %dma_start3A_228 = arith.constant 0 : i32
          %dma_start3A_229 = arith.constant 0 : i32
          %dma_start3A_230 = tpu.memref_slice %arg17[%dma_start3A_228, %dma_start3A_229] : memref<10112x128xf32, #tpu.memory_space<vmem_shared>> -> memref<10112x128xf32, #tpu.memory_space<vmem_shared>>
          tpu.enqueue_indirect_dma source(%arg11 : memref<32x128xf32, #tpu.memory_space<vmem>>) target(%dma_start3A_230 : memref<10112x128xf32, #tpu.memory_space<vmem_shared>>) offsets(%dma_start3A_227 : memref<32xi32, #tpu.memory_space<vmem>>) semaphore(%run_scoped3A : memref<!tpu.dma_semaphore, #tpu.memory_space<semaphore_mem>>) {add = true}
          %dma_wait3A_231 = arith.constant 0 : i32
          %dma_wait3A_232 = tpu.memref_slice %arg8[%add3A_129, %dma_wait3A_231] : memref<40x32xi32, #tpu.memory_space<vmem>> -> memref<1x32xi32, #tpu.memory_space<vmem>>
          %dma_wait3A_233 = tpu.memref_squeeze %dma_wait3A_232 : memref<1x32xi32, #tpu.memory_space<vmem>> -> memref<32xi32, #tpu.memory_space<vmem>>
          %dma_wait3A_234 = arith.constant 0 : i32
          %dma_wait3A_235 = arith.constant 0 : i32
          %dma_wait3A_236 = tpu.memref_slice %arg17[%dma_wait3A_234, %dma_wait3A_235] : memref<10112x128xf32, #tpu.memory_space<vmem_shared>> -> memref<10112x128xf32, #tpu.memory_space<vmem_shared>>
          tpu.wait_indirect_dma semaphore(%run_scoped3A : memref<!tpu.dma_semaphore, #tpu.memory_space<semaphore_mem>>) src(%arg11 : memref<32x128xf32, #tpu.memory_space<vmem>>) dst(%dma_wait3A_236 : memref<10112x128xf32, #tpu.memory_space<vmem_shared>>)
          tpu.yield
        }) : () -> ()
        %dma_wait3A_130 = arith.constant 0 : i32
        %dma_wait3A_131 = arith.constant 0 : i32
        %dma_wait3A_132 = tpu.memref_slice %arg2[%dma_wait3A_130, %dma_wait3A_131] : memref<20000x128xf32, #tpu.memory_space<hbm>> -> memref<32x128xf32, #tpu.memory_space<hbm>>
        %dma_wait3A_133 = arith.constant 0 : i32
        %dma_wait3A_134 = arith.constant 0 : i32
        %dma_wait3A_135 = tpu.memref_slice %arg2[%dma_wait3A_133, %dma_wait3A_134] : memref<20000x128xf32, #tpu.memory_space<hbm>> -> memref<32x128xf32, #tpu.memory_space<hbm>>
        tpu.wait_dma2 semaphore(%arg21 : memref<!tpu.dma_semaphore, #tpu.memory_space<semaphore_mem>>) src(%dma_wait3A_135 : memref<32x128xf32, #tpu.memory_space<hbm>>) dst(%arg12 : memref<32x128xf32, #tpu.memory_space<vmem>>)
        %add3A_136 = arith.constant 3 : i32
        %add3A_137 = arith.addi %mul3A_75, %add3A_136 : i32
        %add3A_138 = arith.constant 8 : i32
        %add3A_139 = arith.addi %add3A_137, %add3A_138 : i32
        %sub3A_140 = arith.constant 1 : i32
        %sub3A_141 = arith.subi %add3A_139, %sub3A_140 : i32
        %lt3A_142 = arith.constant 40 : i32
        %lt3A_143 = arith.cmpi slt, %sub3A_141, %lt3A_142 : i32
        %convert_element_type3A_144 = arith.extui %lt3A_143 : i1 to i32
        %cond3A_145 = arith.constant 0 : i32
        %cond3A_146 = arith.cmpi ne, %convert_element_type3A_144, %cond3A_145 : i32
        scf.if %cond3A_146 {
          %add3A_225 = arith.constant 3 : i32
          %add3A_226 = arith.addi %mul3A_75, %add3A_225 : i32
          %add3A_227 = arith.constant 8 : i32
          %add3A_228 = arith.addi %add3A_226, %add3A_227 : i32
          %sub3A_229 = arith.constant 1 : i32
          %sub3A_230 = arith.subi %add3A_228, %sub3A_229 : i32
          %dma_start3A_231 = arith.constant 0 : i32
          %dma_start3A_232 = tpu.memref_slice %arg7[%sub3A_230, %dma_start3A_231] : memref<40x32xi32, #tpu.memory_space<vmem>> -> memref<1x32xi32, #tpu.memory_space<vmem>>
          %dma_start3A_233 = tpu.memref_squeeze %dma_start3A_232 : memref<1x32xi32, #tpu.memory_space<vmem>> -> memref<32xi32, #tpu.memory_space<vmem>>
          %dma_start3A_234 = arith.constant 0 : i32
          %dma_start3A_235 = arith.constant 0 : i32
          %dma_start3A_236 = tpu.memref_slice %arg2[%dma_start3A_234, %dma_start3A_235] : memref<20000x128xf32, #tpu.memory_space<hbm>> -> memref<20000x128xf32, #tpu.memory_space<hbm>>
          tpu.enqueue_indirect_dma source(%dma_start3A_236 : memref<20000x128xf32, #tpu.memory_space<hbm>>) target(%arg11 : memref<32x128xf32, #tpu.memory_space<vmem>>) offsets(%dma_start3A_233 : memref<32xi32, #tpu.memory_space<vmem>>) semaphore(%arg20 : memref<!tpu.dma_semaphore, #tpu.memory_space<semaphore_mem>>)
        } else {
        }
        %add3A_147 = arith.constant 3 : i32
        %add3A_148 = arith.addi %mul3A_75, %add3A_147 : i32
        "tpu.region"() ({
          %run_scoped3A = tpu.sem_alloc : memref<!tpu.dma_semaphore, #tpu.memory_space<semaphore_mem>>
          %dma_start3A_225 = arith.constant 0 : i32
          %dma_start3A_226 = tpu.memref_slice %arg8[%add3A_148, %dma_start3A_225] : memref<40x32xi32, #tpu.memory_space<vmem>> -> memref<1x32xi32, #tpu.memory_space<vmem>>
          %dma_start3A_227 = tpu.memref_squeeze %dma_start3A_226 : memref<1x32xi32, #tpu.memory_space<vmem>> -> memref<32xi32, #tpu.memory_space<vmem>>
          %dma_start3A_228 = arith.constant 0 : i32
          %dma_start3A_229 = arith.constant 0 : i32
          %dma_start3A_230 = tpu.memref_slice %arg17[%dma_start3A_228, %dma_start3A_229] : memref<10112x128xf32, #tpu.memory_space<vmem_shared>> -> memref<10112x128xf32, #tpu.memory_space<vmem_shared>>
          tpu.enqueue_indirect_dma source(%arg12 : memref<32x128xf32, #tpu.memory_space<vmem>>) target(%dma_start3A_230 : memref<10112x128xf32, #tpu.memory_space<vmem_shared>>) offsets(%dma_start3A_227 : memref<32xi32, #tpu.memory_space<vmem>>) semaphore(%run_scoped3A : memref<!tpu.dma_semaphore, #tpu.memory_space<semaphore_mem>>) {add = true}
          %dma_wait3A_231 = arith.constant 0 : i32
          %dma_wait3A_232 = tpu.memref_slice %arg8[%add3A_148, %dma_wait3A_231] : memref<40x32xi32, #tpu.memory_space<vmem>> -> memref<1x32xi32, #tpu.memory_space<vmem>>
          %dma_wait3A_233 = tpu.memref_squeeze %dma_wait3A_232 : memref<1x32xi32, #tpu.memory_space<vmem>> -> memref<32xi32, #tpu.memory_space<vmem>>
          %dma_wait3A_234 = arith.constant 0 : i32
          %dma_wait3A_235 = arith.constant 0 : i32
          %dma_wait3A_236 = tpu.memref_slice %arg17[%dma_wait3A_234, %dma_wait3A_235] : memref<10112x128xf32, #tpu.memory_space<vmem_shared>> -> memref<10112x128xf32, #tpu.memory_space<vmem_shared>>
          tpu.wait_indirect_dma semaphore(%run_scoped3A : memref<!tpu.dma_semaphore, #tpu.memory_space<semaphore_mem>>) src(%arg12 : memref<32x128xf32, #tpu.memory_space<vmem>>) dst(%dma_wait3A_236 : memref<10112x128xf32, #tpu.memory_space<vmem_shared>>)
          tpu.yield
        }) : () -> ()
        %dma_wait3A_149 = arith.constant 0 : i32
        %dma_wait3A_150 = arith.constant 0 : i32
        %dma_wait3A_151 = tpu.memref_slice %arg2[%dma_wait3A_149, %dma_wait3A_150] : memref<20000x128xf32, #tpu.memory_space<hbm>> -> memref<32x128xf32, #tpu.memory_space<hbm>>
        %dma_wait3A_152 = arith.constant 0 : i32
        %dma_wait3A_153 = arith.constant 0 : i32
        %dma_wait3A_154 = tpu.memref_slice %arg2[%dma_wait3A_152, %dma_wait3A_153] : memref<20000x128xf32, #tpu.memory_space<hbm>> -> memref<32x128xf32, #tpu.memory_space<hbm>>
        tpu.wait_dma2 semaphore(%arg22 : memref<!tpu.dma_semaphore, #tpu.memory_space<semaphore_mem>>) src(%dma_wait3A_154 : memref<32x128xf32, #tpu.memory_space<hbm>>) dst(%arg13 : memref<32x128xf32, #tpu.memory_space<vmem>>)
        %add3A_155 = arith.constant 4 : i32
        %add3A_156 = arith.addi %mul3A_75, %add3A_155 : i32
        %add3A_157 = arith.constant 8 : i32
        %add3A_158 = arith.addi %add3A_156, %add3A_157 : i32
        %sub3A_159 = arith.constant 1 : i32
        %sub3A_160 = arith.subi %add3A_158, %sub3A_159 : i32
        %lt3A_161 = arith.constant 40 : i32
        %lt3A_162 = arith.cmpi slt, %sub3A_160, %lt3A_161 : i32
        %convert_element_type3A_163 = arith.extui %lt3A_162 : i1 to i32
        %cond3A_164 = arith.constant 0 : i32
        %cond3A_165 = arith.cmpi ne, %convert_element_type3A_163, %cond3A_164 : i32
        scf.if %cond3A_165 {
          %add3A_225 = arith.constant 4 : i32
          %add3A_226 = arith.addi %mul3A_75, %add3A_225 : i32
          %add3A_227 = arith.constant 8 : i32
          %add3A_228 = arith.addi %add3A_226, %add3A_227 : i32
          %sub3A_229 = arith.constant 1 : i32
          %sub3A_230 = arith.subi %add3A_228, %sub3A_229 : i32
          %dma_start3A_231 = arith.constant 0 : i32
          %dma_start3A_232 = tpu.memref_slice %arg7[%sub3A_230, %dma_start3A_231] : memref<40x32xi32, #tpu.memory_space<vmem>> -> memref<1x32xi32, #tpu.memory_space<vmem>>
          %dma_start3A_233 = tpu.memref_squeeze %dma_start3A_232 : memref<1x32xi32, #tpu.memory_space<vmem>> -> memref<32xi32, #tpu.memory_space<vmem>>
          %dma_start3A_234 = arith.constant 0 : i32
          %dma_start3A_235 = arith.constant 0 : i32
          %dma_start3A_236 = tpu.memref_slice %arg2[%dma_start3A_234, %dma_start3A_235] : memref<20000x128xf32, #tpu.memory_space<hbm>> -> memref<20000x128xf32, #tpu.memory_space<hbm>>
          tpu.enqueue_indirect_dma source(%dma_start3A_236 : memref<20000x128xf32, #tpu.memory_space<hbm>>) target(%arg12 : memref<32x128xf32, #tpu.memory_space<vmem>>) offsets(%dma_start3A_233 : memref<32xi32, #tpu.memory_space<vmem>>) semaphore(%arg21 : memref<!tpu.dma_semaphore, #tpu.memory_space<semaphore_mem>>)
        } else {
        }
        %add3A_166 = arith.constant 4 : i32
        %add3A_167 = arith.addi %mul3A_75, %add3A_166 : i32
        "tpu.region"() ({
          %run_scoped3A = tpu.sem_alloc : memref<!tpu.dma_semaphore, #tpu.memory_space<semaphore_mem>>
          %dma_start3A_225 = arith.constant 0 : i32
          %dma_start3A_226 = tpu.memref_slice %arg8[%add3A_167, %dma_start3A_225] : memref<40x32xi32, #tpu.memory_space<vmem>> -> memref<1x32xi32, #tpu.memory_space<vmem>>
          %dma_start3A_227 = tpu.memref_squeeze %dma_start3A_226 : memref<1x32xi32, #tpu.memory_space<vmem>> -> memref<32xi32, #tpu.memory_space<vmem>>
          %dma_start3A_228 = arith.constant 0 : i32
          %dma_start3A_229 = arith.constant 0 : i32
          %dma_start3A_230 = tpu.memref_slice %arg17[%dma_start3A_228, %dma_start3A_229] : memref<10112x128xf32, #tpu.memory_space<vmem_shared>> -> memref<10112x128xf32, #tpu.memory_space<vmem_shared>>
          tpu.enqueue_indirect_dma source(%arg13 : memref<32x128xf32, #tpu.memory_space<vmem>>) target(%dma_start3A_230 : memref<10112x128xf32, #tpu.memory_space<vmem_shared>>) offsets(%dma_start3A_227 : memref<32xi32, #tpu.memory_space<vmem>>) semaphore(%run_scoped3A : memref<!tpu.dma_semaphore, #tpu.memory_space<semaphore_mem>>) {add = true}
          %dma_wait3A_231 = arith.constant 0 : i32
          %dma_wait3A_232 = tpu.memref_slice %arg8[%add3A_167, %dma_wait3A_231] : memref<40x32xi32, #tpu.memory_space<vmem>> -> memref<1x32xi32, #tpu.memory_space<vmem>>
          %dma_wait3A_233 = tpu.memref_squeeze %dma_wait3A_232 : memref<1x32xi32, #tpu.memory_space<vmem>> -> memref<32xi32, #tpu.memory_space<vmem>>
          %dma_wait3A_234 = arith.constant 0 : i32
          %dma_wait3A_235 = arith.constant 0 : i32
          %dma_wait3A_236 = tpu.memref_slice %arg17[%dma_wait3A_234, %dma_wait3A_235] : memref<10112x128xf32, #tpu.memory_space<vmem_shared>> -> memref<10112x128xf32, #tpu.memory_space<vmem_shared>>
          tpu.wait_indirect_dma semaphore(%run_scoped3A : memref<!tpu.dma_semaphore, #tpu.memory_space<semaphore_mem>>) src(%arg13 : memref<32x128xf32, #tpu.memory_space<vmem>>) dst(%dma_wait3A_236 : memref<10112x128xf32, #tpu.memory_space<vmem_shared>>)
          tpu.yield
        }) : () -> ()
        %dma_wait3A_168 = arith.constant 0 : i32
        %dma_wait3A_169 = arith.constant 0 : i32
        %dma_wait3A_170 = tpu.memref_slice %arg2[%dma_wait3A_168, %dma_wait3A_169] : memref<20000x128xf32, #tpu.memory_space<hbm>> -> memref<32x128xf32, #tpu.memory_space<hbm>>
        %dma_wait3A_171 = arith.constant 0 : i32
        %dma_wait3A_172 = arith.constant 0 : i32
        %dma_wait3A_173 = tpu.memref_slice %arg2[%dma_wait3A_171, %dma_wait3A_172] : memref<20000x128xf32, #tpu.memory_space<hbm>> -> memref<32x128xf32, #tpu.memory_space<hbm>>
        tpu.wait_dma2 semaphore(%arg23 : memref<!tpu.dma_semaphore, #tpu.memory_space<semaphore_mem>>) src(%dma_wait3A_173 : memref<32x128xf32, #tpu.memory_space<hbm>>) dst(%arg14 : memref<32x128xf32, #tpu.memory_space<vmem>>)
        %add3A_174 = arith.constant 5 : i32
        %add3A_175 = arith.addi %mul3A_75, %add3A_174 : i32
        %add3A_176 = arith.constant 8 : i32
        %add3A_177 = arith.addi %add3A_175, %add3A_176 : i32
        %sub3A_178 = arith.constant 1 : i32
        %sub3A_179 = arith.subi %add3A_177, %sub3A_178 : i32
        %lt3A_180 = arith.constant 40 : i32
        %lt3A_181 = arith.cmpi slt, %sub3A_179, %lt3A_180 : i32
        %convert_element_type3A_182 = arith.extui %lt3A_181 : i1 to i32
        %cond3A_183 = arith.constant 0 : i32
        %cond3A_184 = arith.cmpi ne, %convert_element_type3A_182, %cond3A_183 : i32
        scf.if %cond3A_184 {
          %add3A_225 = arith.constant 5 : i32
          %add3A_226 = arith.addi %mul3A_75, %add3A_225 : i32
          %add3A_227 = arith.constant 8 : i32
          %add3A_228 = arith.addi %add3A_226, %add3A_227 : i32
          %sub3A_229 = arith.constant 1 : i32
          %sub3A_230 = arith.subi %add3A_228, %sub3A_229 : i32
          %dma_start3A_231 = arith.constant 0 : i32
          %dma_start3A_232 = tpu.memref_slice %arg7[%sub3A_230, %dma_start3A_231] : memref<40x32xi32, #tpu.memory_space<vmem>> -> memref<1x32xi32, #tpu.memory_space<vmem>>
          %dma_start3A_233 = tpu.memref_squeeze %dma_start3A_232 : memref<1x32xi32, #tpu.memory_space<vmem>> -> memref<32xi32, #tpu.memory_space<vmem>>
          %dma_start3A_234 = arith.constant 0 : i32
          %dma_start3A_235 = arith.constant 0 : i32
          %dma_start3A_236 = tpu.memref_slice %arg2[%dma_start3A_234, %dma_start3A_235] : memref<20000x128xf32, #tpu.memory_space<hbm>> -> memref<20000x128xf32, #tpu.memory_space<hbm>>
          tpu.enqueue_indirect_dma source(%dma_start3A_236 : memref<20000x128xf32, #tpu.memory_space<hbm>>) target(%arg13 : memref<32x128xf32, #tpu.memory_space<vmem>>) offsets(%dma_start3A_233 : memref<32xi32, #tpu.memory_space<vmem>>) semaphore(%arg22 : memref<!tpu.dma_semaphore, #tpu.memory_space<semaphore_mem>>)
        } else {
        }
        %add3A_185 = arith.constant 5 : i32
        %add3A_186 = arith.addi %mul3A_75, %add3A_185 : i32
        "tpu.region"() ({
          %run_scoped3A = tpu.sem_alloc : memref<!tpu.dma_semaphore, #tpu.memory_space<semaphore_mem>>
          %dma_start3A_225 = arith.constant 0 : i32
          %dma_start3A_226 = tpu.memref_slice %arg8[%add3A_186, %dma_start3A_225] : memref<40x32xi32, #tpu.memory_space<vmem>> -> memref<1x32xi32, #tpu.memory_space<vmem>>
          %dma_start3A_227 = tpu.memref_squeeze %dma_start3A_226 : memref<1x32xi32, #tpu.memory_space<vmem>> -> memref<32xi32, #tpu.memory_space<vmem>>
          %dma_start3A_228 = arith.constant 0 : i32
          %dma_start3A_229 = arith.constant 0 : i32
          %dma_start3A_230 = tpu.memref_slice %arg17[%dma_start3A_228, %dma_start3A_229] : memref<10112x128xf32, #tpu.memory_space<vmem_shared>> -> memref<10112x128xf32, #tpu.memory_space<vmem_shared>>
          tpu.enqueue_indirect_dma source(%arg14 : memref<32x128xf32, #tpu.memory_space<vmem>>) target(%dma_start3A_230 : memref<10112x128xf32, #tpu.memory_space<vmem_shared>>) offsets(%dma_start3A_227 : memref<32xi32, #tpu.memory_space<vmem>>) semaphore(%run_scoped3A : memref<!tpu.dma_semaphore, #tpu.memory_space<semaphore_mem>>) {add = true}
          %dma_wait3A_231 = arith.constant 0 : i32
          %dma_wait3A_232 = tpu.memref_slice %arg8[%add3A_186, %dma_wait3A_231] : memref<40x32xi32, #tpu.memory_space<vmem>> -> memref<1x32xi32, #tpu.memory_space<vmem>>
          %dma_wait3A_233 = tpu.memref_squeeze %dma_wait3A_232 : memref<1x32xi32, #tpu.memory_space<vmem>> -> memref<32xi32, #tpu.memory_space<vmem>>
          %dma_wait3A_234 = arith.constant 0 : i32
          %dma_wait3A_235 = arith.constant 0 : i32
          %dma_wait3A_236 = tpu.memref_slice %arg17[%dma_wait3A_234, %dma_wait3A_235] : memref<10112x128xf32, #tpu.memory_space<vmem_shared>> -> memref<10112x128xf32, #tpu.memory_space<vmem_shared>>
          tpu.wait_indirect_dma semaphore(%run_scoped3A : memref<!tpu.dma_semaphore, #tpu.memory_space<semaphore_mem>>) src(%arg14 : memref<32x128xf32, #tpu.memory_space<vmem>>) dst(%dma_wait3A_236 : memref<10112x128xf32, #tpu.memory_space<vmem_shared>>)
          tpu.yield
        }) : () -> ()
        %dma_wait3A_187 = arith.constant 0 : i32
        %dma_wait3A_188 = arith.constant 0 : i32
        %dma_wait3A_189 = tpu.memref_slice %arg2[%dma_wait3A_187, %dma_wait3A_188] : memref<20000x128xf32, #tpu.memory_space<hbm>> -> memref<32x128xf32, #tpu.memory_space<hbm>>
        %dma_wait3A_190 = arith.constant 0 : i32
        %dma_wait3A_191 = arith.constant 0 : i32
        %dma_wait3A_192 = tpu.memref_slice %arg2[%dma_wait3A_190, %dma_wait3A_191] : memref<20000x128xf32, #tpu.memory_space<hbm>> -> memref<32x128xf32, #tpu.memory_space<hbm>>
        tpu.wait_dma2 semaphore(%arg24 : memref<!tpu.dma_semaphore, #tpu.memory_space<semaphore_mem>>) src(%dma_wait3A_192 : memref<32x128xf32, #tpu.memory_space<hbm>>) dst(%arg15 : memref<32x128xf32, #tpu.memory_space<vmem>>)
        %add3A_193 = arith.constant 6 : i32
        %add3A_194 = arith.addi %mul3A_75, %add3A_193 : i32
        %add3A_195 = arith.constant 8 : i32
        %add3A_196 = arith.addi %add3A_194, %add3A_195 : i32
        %sub3A_197 = arith.constant 1 : i32
        %sub3A_198 = arith.subi %add3A_196, %sub3A_197 : i32
        %lt3A_199 = arith.constant 40 : i32
        %lt3A_200 = arith.cmpi slt, %sub3A_198, %lt3A_199 : i32
        %convert_element_type3A_201 = arith.extui %lt3A_200 : i1 to i32
        %cond3A_202 = arith.constant 0 : i32
        %cond3A_203 = arith.cmpi ne, %convert_element_type3A_201, %cond3A_202 : i32
        scf.if %cond3A_203 {
          %add3A_225 = arith.constant 6 : i32
          %add3A_226 = arith.addi %mul3A_75, %add3A_225 : i32
          %add3A_227 = arith.constant 8 : i32
          %add3A_228 = arith.addi %add3A_226, %add3A_227 : i32
          %sub3A_229 = arith.constant 1 : i32
          %sub3A_230 = arith.subi %add3A_228, %sub3A_229 : i32
          %dma_start3A_231 = arith.constant 0 : i32
          %dma_start3A_232 = tpu.memref_slice %arg7[%sub3A_230, %dma_start3A_231] : memref<40x32xi32, #tpu.memory_space<vmem>> -> memref<1x32xi32, #tpu.memory_space<vmem>>
          %dma_start3A_233 = tpu.memref_squeeze %dma_start3A_232 : memref<1x32xi32, #tpu.memory_space<vmem>> -> memref<32xi32, #tpu.memory_space<vmem>>
          %dma_start3A_234 = arith.constant 0 : i32
          %dma_start3A_235 = arith.constant 0 : i32
          %dma_start3A_236 = tpu.memref_slice %arg2[%dma_start3A_234, %dma_start3A_235] : memref<20000x128xf32, #tpu.memory_space<hbm>> -> memref<20000x128xf32, #tpu.memory_space<hbm>>
          tpu.enqueue_indirect_dma source(%dma_start3A_236 : memref<20000x128xf32, #tpu.memory_space<hbm>>) target(%arg14 : memref<32x128xf32, #tpu.memory_space<vmem>>) offsets(%dma_start3A_233 : memref<32xi32, #tpu.memory_space<vmem>>) semaphore(%arg23 : memref<!tpu.dma_semaphore, #tpu.memory_space<semaphore_mem>>)
        } else {
        }
        %add3A_204 = arith.constant 6 : i32
        %add3A_205 = arith.addi %mul3A_75, %add3A_204 : i32
        "tpu.region"() ({
          %run_scoped3A = tpu.sem_alloc : memref<!tpu.dma_semaphore, #tpu.memory_space<semaphore_mem>>
          %dma_start3A_225 = arith.constant 0 : i32
          %dma_start3A_226 = tpu.memref_slice %arg8[%add3A_205, %dma_start3A_225] : memref<40x32xi32, #tpu.memory_space<vmem>> -> memref<1x32xi32, #tpu.memory_space<vmem>>
          %dma_start3A_227 = tpu.memref_squeeze %dma_start3A_226 : memref<1x32xi32, #tpu.memory_space<vmem>> -> memref<32xi32, #tpu.memory_space<vmem>>
          %dma_start3A_228 = arith.constant 0 : i32
          %dma_start3A_229 = arith.constant 0 : i32
          %dma_start3A_230 = tpu.memref_slice %arg17[%dma_start3A_228, %dma_start3A_229] : memref<10112x128xf32, #tpu.memory_space<vmem_shared>> -> memref<10112x128xf32, #tpu.memory_space<vmem_shared>>
          tpu.enqueue_indirect_dma source(%arg15 : memref<32x128xf32, #tpu.memory_space<vmem>>) target(%dma_start3A_230 : memref<10112x128xf32, #tpu.memory_space<vmem_shared>>) offsets(%dma_start3A_227 : memref<32xi32, #tpu.memory_space<vmem>>) semaphore(%run_scoped3A : memref<!tpu.dma_semaphore, #tpu.memory_space<semaphore_mem>>) {add = true}
          %dma_wait3A_231 = arith.constant 0 : i32
          %dma_wait3A_232 = tpu.memref_slice %arg8[%add3A_205, %dma_wait3A_231] : memref<40x32xi32, #tpu.memory_space<vmem>> -> memref<1x32xi32, #tpu.memory_space<vmem>>
          %dma_wait3A_233 = tpu.memref_squeeze %dma_wait3A_232 : memref<1x32xi32, #tpu.memory_space<vmem>> -> memref<32xi32, #tpu.memory_space<vmem>>
          %dma_wait3A_234 = arith.constant 0 : i32
          %dma_wait3A_235 = arith.constant 0 : i32
          %dma_wait3A_236 = tpu.memref_slice %arg17[%dma_wait3A_234, %dma_wait3A_235] : memref<10112x128xf32, #tpu.memory_space<vmem_shared>> -> memref<10112x128xf32, #tpu.memory_space<vmem_shared>>
          tpu.wait_indirect_dma semaphore(%run_scoped3A : memref<!tpu.dma_semaphore, #tpu.memory_space<semaphore_mem>>) src(%arg15 : memref<32x128xf32, #tpu.memory_space<vmem>>) dst(%dma_wait3A_236 : memref<10112x128xf32, #tpu.memory_space<vmem_shared>>)
          tpu.yield
        }) : () -> ()
        %dma_wait3A_206 = arith.constant 0 : i32
        %dma_wait3A_207 = arith.constant 0 : i32
        %dma_wait3A_208 = tpu.memref_slice %arg2[%dma_wait3A_206, %dma_wait3A_207] : memref<20000x128xf32, #tpu.memory_space<hbm>> -> memref<32x128xf32, #tpu.memory_space<hbm>>
        %dma_wait3A_209 = arith.constant 0 : i32
        %dma_wait3A_210 = arith.constant 0 : i32
        %dma_wait3A_211 = tpu.memref_slice %arg2[%dma_wait3A_209, %dma_wait3A_210] : memref<20000x128xf32, #tpu.memory_space<hbm>> -> memref<32x128xf32, #tpu.memory_space<hbm>>
        tpu.wait_dma2 semaphore(%arg25 : memref<!tpu.dma_semaphore, #tpu.memory_space<semaphore_mem>>) src(%dma_wait3A_211 : memref<32x128xf32, #tpu.memory_space<hbm>>) dst(%arg16 : memref<32x128xf32, #tpu.memory_space<vmem>>)
        %add3A_212 = arith.constant 7 : i32
        %add3A_213 = arith.addi %mul3A_75, %add3A_212 : i32
        %add3A_214 = arith.constant 8 : i32
        %add3A_215 = arith.addi %add3A_213, %add3A_214 : i32
        %sub3A_216 = arith.constant 1 : i32
        %sub3A_217 = arith.subi %add3A_215, %sub3A_216 : i32
        %lt3A_218 = arith.constant 40 : i32
        %lt3A_219 = arith.cmpi slt, %sub3A_217, %lt3A_218 : i32
        %convert_element_type3A_220 = arith.extui %lt3A_219 : i1 to i32
        %cond3A_221 = arith.constant 0 : i32
        %cond3A_222 = arith.cmpi ne, %convert_element_type3A_220, %cond3A_221 : i32
        scf.if %cond3A_222 {
          %add3A_225 = arith.constant 7 : i32
          %add3A_226 = arith.addi %mul3A_75, %add3A_225 : i32
          %add3A_227 = arith.constant 8 : i32
          %add3A_228 = arith.addi %add3A_226, %add3A_227 : i32
          %sub3A_229 = arith.constant 1 : i32
          %sub3A_230 = arith.subi %add3A_228, %sub3A_229 : i32
          %dma_start3A_231 = arith.constant 0 : i32
          %dma_start3A_232 = tpu.memref_slice %arg7[%sub3A_230, %dma_start3A_231] : memref<40x32xi32, #tpu.memory_space<vmem>> -> memref<1x32xi32, #tpu.memory_space<vmem>>
          %dma_start3A_233 = tpu.memref_squeeze %dma_start3A_232 : memref<1x32xi32, #tpu.memory_space<vmem>> -> memref<32xi32, #tpu.memory_space<vmem>>
          %dma_start3A_234 = arith.constant 0 : i32
          %dma_start3A_235 = arith.constant 0 : i32
          %dma_start3A_236 = tpu.memref_slice %arg2[%dma_start3A_234, %dma_start3A_235] : memref<20000x128xf32, #tpu.memory_space<hbm>> -> memref<20000x128xf32, #tpu.memory_space<hbm>>
          tpu.enqueue_indirect_dma source(%dma_start3A_236 : memref<20000x128xf32, #tpu.memory_space<hbm>>) target(%arg15 : memref<32x128xf32, #tpu.memory_space<vmem>>) offsets(%dma_start3A_233 : memref<32xi32, #tpu.memory_space<vmem>>) semaphore(%arg24 : memref<!tpu.dma_semaphore, #tpu.memory_space<semaphore_mem>>)
        } else {
        }
        %add3A_223 = arith.constant 7 : i32
        %add3A_224 = arith.addi %mul3A_75, %add3A_223 : i32
        "tpu.region"() ({
          %run_scoped3A = tpu.sem_alloc : memref<!tpu.dma_semaphore, #tpu.memory_space<semaphore_mem>>
          %dma_start3A_225 = arith.constant 0 : i32
          %dma_start3A_226 = tpu.memref_slice %arg8[%add3A_224, %dma_start3A_225] : memref<40x32xi32, #tpu.memory_space<vmem>> -> memref<1x32xi32, #tpu.memory_space<vmem>>
          %dma_start3A_227 = tpu.memref_squeeze %dma_start3A_226 : memref<1x32xi32, #tpu.memory_space<vmem>> -> memref<32xi32, #tpu.memory_space<vmem>>
          %dma_start3A_228 = arith.constant 0 : i32
          %dma_start3A_229 = arith.constant 0 : i32
          %dma_start3A_230 = tpu.memref_slice %arg17[%dma_start3A_228, %dma_start3A_229] : memref<10112x128xf32, #tpu.memory_space<vmem_shared>> -> memref<10112x128xf32, #tpu.memory_space<vmem_shared>>
          tpu.enqueue_indirect_dma source(%arg16 : memref<32x128xf32, #tpu.memory_space<vmem>>) target(%dma_start3A_230 : memref<10112x128xf32, #tpu.memory_space<vmem_shared>>) offsets(%dma_start3A_227 : memref<32xi32, #tpu.memory_space<vmem>>) semaphore(%run_scoped3A : memref<!tpu.dma_semaphore, #tpu.memory_space<semaphore_mem>>) {add = true}
          %dma_wait3A_231 = arith.constant 0 : i32
          %dma_wait3A_232 = tpu.memref_slice %arg8[%add3A_224, %dma_wait3A_231] : memref<40x32xi32, #tpu.memory_space<vmem>> -> memref<1x32xi32, #tpu.memory_space<vmem>>
          %dma_wait3A_233 = tpu.memref_squeeze %dma_wait3A_232 : memref<1x32xi32, #tpu.memory_space<vmem>> -> memref<32xi32, #tpu.memory_space<vmem>>
          %dma_wait3A_234 = arith.constant 0 : i32
          %dma_wait3A_235 = arith.constant 0 : i32
          %dma_wait3A_236 = tpu.memref_slice %arg17[%dma_wait3A_234, %dma_wait3A_235] : memref<10112x128xf32, #tpu.memory_space<vmem_shared>> -> memref<10112x128xf32, #tpu.memory_space<vmem_shared>>
          tpu.wait_indirect_dma semaphore(%run_scoped3A : memref<!tpu.dma_semaphore, #tpu.memory_space<semaphore_mem>>) src(%arg16 : memref<32x128xf32, #tpu.memory_space<vmem>>) dst(%dma_wait3A_236 : memref<10112x128xf32, #tpu.memory_space<vmem_shared>>)
          tpu.yield
        }) : () -> ()
      }
      %scan3A_72 = arith.constant 5 : i32
    }
    %scan3A_7 = arith.constant 16 : i32
    %barrier3A_8 = arith.constant 0 : index
    tpu.barrier barrier_id(%barrier3A_8)
    %lt3A = arith.constant 15 : i32
    %lt3A_9 = arith.cmpi slt, %arg1, %lt3A : i32
    %convert_element_type3A = arith.extui %lt3A_9 : i1 to i32
    %cond3A = arith.constant 0 : i32
    %cond3A_10 = arith.cmpi ne, %convert_element_type3A, %cond3A : i32
    scf.if %cond3A_10 {
      %mul3A_15 = arith.constant 632 : i32
      %mul3A_16 = arith.muli %arg1, %mul3A_15 : i32
      %mul3A_17 = arith.constant 10000 : i32
      %mul3A_18 = arith.muli %arg0, %mul3A_17 : i32
      %mul3A_19 = arith.constant 632 : i32
      %mul3A_20 = arith.muli %arg1, %mul3A_19 : i32
      %add3A = arith.addi %mul3A_18, %mul3A_20 : i32
      "tpu.region"() ({
        %run_scoped3A = tpu.sem_alloc : memref<!tpu.dma_semaphore, #tpu.memory_space<semaphore_mem>>
        %dma_start3A = arith.constant 0 : i32
        %dma_start3A_21 = tpu.memref_slice %arg6[%add3A, %dma_start3A] : memref<20000x128xf32, #tpu.memory_space<hbm>> -> memref<632x128xf32, #tpu.memory_space<hbm>>
        %dma_start3A_22 = arith.constant 0 : i32
        %dma_start3A_23 = tpu.memref_slice %arg17[%mul3A_16, %dma_start3A_22] : memref<10112x128xf32, #tpu.memory_space<vmem_shared>> -> memref<632x128xf32, #tpu.memory_space<vmem_shared>>
        tpu.enqueue_dma source(%dma_start3A_23 : memref<632x128xf32, #tpu.memory_space<vmem_shared>>) target(%dma_start3A_21 : memref<632x128xf32, #tpu.memory_space<hbm>>) target_semaphore(%run_scoped3A : memref<!tpu.dma_semaphore, #tpu.memory_space<semaphore_mem>>)
        %dma_wait3A = arith.constant 0 : i32
        %dma_wait3A_24 = tpu.memref_slice %arg6[%add3A, %dma_wait3A] : memref<20000x128xf32, #tpu.memory_space<hbm>> -> memref<632x128xf32, #tpu.memory_space<hbm>>
        %dma_wait3A_25 = arith.constant 0 : i32
        %dma_wait3A_26 = tpu.memref_slice %arg17[%mul3A_16, %dma_wait3A_25] : memref<10112x128xf32, #tpu.memory_space<vmem_shared>> -> memref<632x128xf32, #tpu.memory_space<vmem_shared>>
        tpu.wait_dma2 semaphore(%run_scoped3A : memref<!tpu.dma_semaphore, #tpu.memory_space<semaphore_mem>>) src(%dma_wait3A_26 : memref<632x128xf32, #tpu.memory_space<vmem_shared>>) dst(%dma_wait3A_24 : memref<632x128xf32, #tpu.memory_space<hbm>>)
        tpu.yield
      }) : () -> ()
    } else {
    }
    %eq3A = arith.constant 15 : i32
    %eq3A_11 = arith.cmpi eq, %arg1, %eq3A : i32
    %convert_element_type3A_12 = arith.extui %eq3A_11 : i1 to i32
    %cond3A_13 = arith.constant 0 : i32
    %cond3A_14 = arith.cmpi ne, %convert_element_type3A_12, %cond3A_13 : i32
    scf.if %cond3A_14 {
      %mul3A_15 = arith.constant 10000 : i32
      %mul3A_16 = arith.muli %arg0, %mul3A_15 : i32
      %add3A = arith.constant 9480 : i32
      %add3A_17 = arith.addi %mul3A_16, %add3A : i32
      "tpu.region"() ({
        %run_scoped3A = tpu.sem_alloc : memref<!tpu.dma_semaphore, #tpu.memory_space<semaphore_mem>>
        %dma_start3A = arith.constant 0 : i32
        %dma_start3A_18 = tpu.memref_slice %arg6[%add3A_17, %dma_start3A] : memref<20000x128xf32, #tpu.memory_space<hbm>> -> memref<520x128xf32, #tpu.memory_space<hbm>>
        %dma_start3A_19 = arith.constant 9480 : i32
        %dma_start3A_20 = arith.constant 0 : i32
        %dma_start3A_21 = tpu.memref_slice %arg17[%dma_start3A_19, %dma_start3A_20] : memref<10112x128xf32, #tpu.memory_space<vmem_shared>> -> memref<520x128xf32, #tpu.memory_space<vmem_shared>>
        tpu.enqueue_dma source(%dma_start3A_21 : memref<520x128xf32, #tpu.memory_space<vmem_shared>>) target(%dma_start3A_18 : memref<520x128xf32, #tpu.memory_space<hbm>>) target_semaphore(%run_scoped3A : memref<!tpu.dma_semaphore, #tpu.memory_space<semaphore_mem>>)
        %dma_wait3A = arith.constant 0 : i32
        %dma_wait3A_22 = tpu.memref_slice %arg6[%add3A_17, %dma_wait3A] : memref<20000x128xf32, #tpu.memory_space<hbm>> -> memref<520x128xf32, #tpu.memory_space<hbm>>
        %dma_wait3A_23 = arith.constant 9480 : i32
        %dma_wait3A_24 = arith.constant 0 : i32
        %dma_wait3A_25 = tpu.memref_slice %arg17[%dma_wait3A_23, %dma_wait3A_24] : memref<10112x128xf32, #tpu.memory_space<vmem_shared>> -> memref<520x128xf32, #tpu.memory_space<vmem_shared>>
        tpu.wait_dma2 semaphore(%run_scoped3A : memref<!tpu.dma_semaphore, #tpu.memory_space<semaphore_mem>>) src(%dma_wait3A_25 : memref<520x128xf32, #tpu.memory_space<vmem_shared>>) dst(%dma_wait3A_22 : memref<520x128xf32, #tpu.memory_space<hbm>>)
        tpu.yield
      }) : () -> ()
    } else {
    }
    return
  }
}

#map = affine_map<(d0, d1) -> (0, 0)>
#map1 = affine_map<(d0, d1) -> (0, 0, 0, 0)>
module attributes {stable_mosaic.version = 14 : i64} {
  func.func @body(%arg0: i32, %arg1: i32, %arg2: memref<10000x128xf32, #tpu.memory_space<hbm>>, %arg3: memref<2x16x320x32xi32, #tpu.memory_space<hbm>>, %arg4: memref<2x16x320x32xi32, #tpu.memory_space<hbm>>, %arg5: memref<10112x128xf32, #tpu.memory_space<hbm>>, %arg6: memref<20000x128xf32, #tpu.memory_space<hbm>>, %arg7: memref<40x32xi32, #tpu.memory_space<vmem>>, %arg8: memref<40x32xi32, #tpu.memory_space<vmem>>, %arg9: memref<32x128xf32, #tpu.memory_space<vmem>>, %arg10: memref<32x128xf32, #tpu.memory_space<vmem>>, %arg11: memref<32x128xf32, #tpu.memory_space<vmem>>, %arg12: memref<32x128xf32, #tpu.memory_space<vmem>>, %arg13: memref<32x128xf32, #tpu.memory_space<vmem>>, %arg14: memref<32x128xf32, #tpu.memory_space<vmem>>, %arg15: memref<32x128xf32, #tpu.memory_space<vmem>>, %arg16: memref<32x128xf32, #tpu.memory_space<vmem>>, %arg17: memref<10112x128xf32, #tpu.memory_space<vmem_shared>>, %arg18: memref<!tpu.dma_semaphore, #tpu.memory_space<semaphore_mem>>, %arg19: memref<!tpu.dma_semaphore, #tpu.memory_space<semaphore_mem>>, %arg20: memref<!tpu.dma_semaphore, #tpu.memory_space<semaphore_mem>>, %arg21: memref<!tpu.dma_semaphore, #tpu.memory_space<semaphore_mem>>, %arg22: memref<!tpu.dma_semaphore, #tpu.memory_space<semaphore_mem>>, %arg23: memref<!tpu.dma_semaphore, #tpu.memory_space<semaphore_mem>>, %arg24: memref<!tpu.dma_semaphore, #tpu.memory_space<semaphore_mem>>, %arg25: memref<!tpu.dma_semaphore, #tpu.memory_space<semaphore_mem>>) attributes {dimension_semantics = [#tpu.dimension_semantics<core_parallel>, #tpu.dimension_semantics<subcore_parallel>], iteration_bounds = array<i64: 2, 16>, scalar_prefetch = 0 : i64, scratch_operands = 19 : i64, tpu.core_type = #tpu.core_type<sc_vector_subcore>, window_params = [{transform_indices = #map}, {transform_indices = #map1}, {transform_indices = #map1}, {transform_indices = #map}, {transform_indices = #map}]} {
    %mul3A = arith.constant 632 : i32
    %mul3A_0 = arith.muli %arg1, %mul3A : i32
    %mul3A_1 = arith.constant 632 : i32
    %mul3A_2 = arith.muli %arg1, %mul3A_1 : i32
    "tpu.region"() ({
      %run_scoped3A = tpu.sem_alloc : memref<!tpu.dma_semaphore, #tpu.memory_space<semaphore_mem>>
      %dma_start3A = arith.constant 0 : i32
      %dma_start3A_15 = tpu.memref_slice %arg17[%mul3A_2, %dma_start3A] : memref<10112x128xf32, #tpu.memory_space<vmem_shared>> -> memref<632x128xf32, #tpu.memory_space<vmem_shared>>
      %dma_start3A_16 = arith.constant 0 : i32
      %dma_start3A_17 = tpu.memref_slice %arg5[%mul3A_0, %dma_start3A_16] : memref<10112x128xf32, #tpu.memory_space<hbm>> -> memref<632x128xf32, #tpu.memory_space<hbm>>
      tpu.enqueue_dma source(%dma_start3A_17 : memref<632x128xf32, #tpu.memory_space<hbm>>) target(%dma_start3A_15 : memref<632x128xf32, #tpu.memory_space<vmem_shared>>) target_semaphore(%run_scoped3A : memref<!tpu.dma_semaphore, #tpu.memory_space<semaphore_mem>>)
      %dma_wait3A = arith.constant 0 : i32
      %dma_wait3A_18 = tpu.memref_slice %arg17[%mul3A_2, %dma_wait3A] : memref<10112x128xf32, #tpu.memory_space<vmem_shared>> -> memref<632x128xf32, #tpu.memory_space<vmem_shared>>
      %dma_wait3A_19 = arith.constant 0 : i32
      %dma_wait3A_20 = tpu.memref_slice %arg5[%mul3A_0, %dma_wait3A_19] : memref<10112x128xf32, #tpu.memory_space<hbm>> -> memref<632x128xf32, #tpu.memory_space<hbm>>
      tpu.wait_dma2 semaphore(%run_scoped3A : memref<!tpu.dma_semaphore, #tpu.memory_space<semaphore_mem>>) src(%dma_wait3A_20 : memref<632x128xf32, #tpu.memory_space<hbm>>) dst(%dma_wait3A_18 : memref<632x128xf32, #tpu.memory_space<vmem_shared>>)
      tpu.yield
    }) : () -> ()
    %barrier3A = arith.constant 0 : index
    tpu.barrier barrier_id(%barrier3A)
    %scan3A = arith.constant 0 : i32
    %scan3A_3 = arith.constant 0 : i32
    %scan3A_4 = arith.constant 8 : i32
    %scan3A_5 = arith.addi %scan3A_3, %scan3A_4 : i32
    %scan3A_6 = arith.constant 1 : i32
    scf.for %scan3A_15 = %scan3A_3 to %scan3A_5 step %scan3A_6  : i32 {
      %mul3A_16 = arith.constant 40 : i32
      %mul3A_17 = arith.muli %scan3A_15, %mul3A_16 : i32
      "tpu.region"() ({
        %run_scoped3A = tpu.sem_alloc : memref<!tpu.dma_semaphore, #tpu.memory_space<semaphore_mem>>
        %dma_start3A_73 = arith.constant 0 : i32
        %dma_start3A_74 = tpu.memref_slice %arg3[%arg0, %arg1, %mul3A_17, %dma_start3A_73] : memref<2x16x320x32xi32, #tpu.memory_space<hbm>> -> memref<1x1x40x32xi32, #tpu.memory_space<hbm>>
        %dma_start3A_75 = tpu.memref_squeeze %dma_start3A_74 : memref<1x1x40x32xi32, #tpu.memory_space<hbm>> -> memref<40x32xi32, #tpu.memory_space<hbm>>
        %dma_start3A_76 = arith.constant 0 : i32
        %dma_start3A_77 = tpu.memref_slice %arg3[%arg0, %arg1, %mul3A_17, %dma_start3A_76] : memref<2x16x320x32xi32, #tpu.memory_space<hbm>> -> memref<1x1x40x32xi32, #tpu.memory_space<hbm>>
        %dma_start3A_78 = tpu.memref_squeeze %dma_start3A_77 : memref<1x1x40x32xi32, #tpu.memory_space<hbm>> -> memref<40x32xi32, #tpu.memory_space<hbm>>
        tpu.enqueue_dma source(%dma_start3A_78 : memref<40x32xi32, #tpu.memory_space<hbm>>) target(%arg7 : memref<40x32xi32, #tpu.memory_space<vmem>>) target_semaphore(%run_scoped3A : memref<!tpu.dma_semaphore, #tpu.memory_space<semaphore_mem>>)
        %dma_wait3A = arith.constant 0 : i32
        %dma_wait3A_79 = tpu.memref_slice %arg3[%arg0, %arg1, %mul3A_17, %dma_wait3A] : memref<2x16x320x32xi32, #tpu.memory_space<hbm>> -> memref<1x1x40x32xi32, #tpu.memory_space<hbm>>
        %dma_wait3A_80 = tpu.memref_squeeze %dma_wait3A_79 : memref<1x1x40x32xi32, #tpu.memory_space<hbm>> -> memref<40x32xi32, #tpu.memory_space<hbm>>
        %dma_wait3A_81 = arith.constant 0 : i32
        %dma_wait3A_82 = tpu.memref_slice %arg3[%arg0, %arg1, %mul3A_17, %dma_wait3A_81] : memref<2x16x320x32xi32, #tpu.memory_space<hbm>> -> memref<1x1x40x32xi32, #tpu.memory_space<hbm>>
        %dma_wait3A_83 = tpu.memref_squeeze %dma_wait3A_82 : memref<1x1x40x32xi32, #tpu.memory_space<hbm>> -> memref<40x32xi32, #tpu.memory_space<hbm>>
        tpu.wait_dma2 semaphore(%run_scoped3A : memref<!tpu.dma_semaphore, #tpu.memory_space<semaphore_mem>>) src(%dma_wait3A_83 : memref<40x32xi32, #tpu.memory_space<hbm>>) dst(%arg7 : memref<40x32xi32, #tpu.memory_space<vmem>>)
        tpu.yield
      }) : () -> ()
      %mul3A_18 = arith.constant 40 : i32
      %mul3A_19 = arith.muli %scan3A_15, %mul3A_18 : i32
      "tpu.region"() ({
        %run_scoped3A = tpu.sem_alloc : memref<!tpu.dma_semaphore, #tpu.memory_space<semaphore_mem>>
        %dma_start3A_73 = arith.constant 0 : i32
        %dma_start3A_74 = tpu.memref_slice %arg4[%arg0, %arg1, %mul3A_19, %dma_start3A_73] : memref<2x16x320x32xi32, #tpu.memory_space<hbm>> -> memref<1x1x40x32xi32, #tpu.memory_space<hbm>>
        %dma_start3A_75 = tpu.memref_squeeze %dma_start3A_74 : memref<1x1x40x32xi32, #tpu.memory_space<hbm>> -> memref<40x32xi32, #tpu.memory_space<hbm>>
        %dma_start3A_76 = arith.constant 0 : i32
        %dma_start3A_77 = tpu.memref_slice %arg4[%arg0, %arg1, %mul3A_19, %dma_start3A_76] : memref<2x16x320x32xi32, #tpu.memory_space<hbm>> -> memref<1x1x40x32xi32, #tpu.memory_space<hbm>>
        %dma_start3A_78 = tpu.memref_squeeze %dma_start3A_77 : memref<1x1x40x32xi32, #tpu.memory_space<hbm>> -> memref<40x32xi32, #tpu.memory_space<hbm>>
        tpu.enqueue_dma source(%dma_start3A_78 : memref<40x32xi32, #tpu.memory_space<hbm>>) target(%arg8 : memref<40x32xi32, #tpu.memory_space<vmem>>) target_semaphore(%run_scoped3A : memref<!tpu.dma_semaphore, #tpu.memory_space<semaphore_mem>>)
        %dma_wait3A = arith.constant 0 : i32
        %dma_wait3A_79 = tpu.memref_slice %arg4[%arg0, %arg1, %mul3A_19, %dma_wait3A] : memref<2x16x320x32xi32, #tpu.memory_space<hbm>> -> memref<1x1x40x32xi32, #tpu.memory_space<hbm>>
        %dma_wait3A_80 = tpu.memref_squeeze %dma_wait3A_79 : memref<1x1x40x32xi32, #tpu.memory_space<hbm>> -> memref<40x32xi32, #tpu.memory_space<hbm>>
        %dma_wait3A_81 = arith.constant 0 : i32
        %dma_wait3A_82 = tpu.memref_slice %arg4[%arg0, %arg1, %mul3A_19, %dma_wait3A_81] : memref<2x16x320x32xi32, #tpu.memory_space<hbm>> -> memref<1x1x40x32xi32, #tpu.memory_space<hbm>>
        %dma_wait3A_83 = tpu.memref_squeeze %dma_wait3A_82 : memref<1x1x40x32xi32, #tpu.memory_space<hbm>> -> memref<40x32xi32, #tpu.memory_space<hbm>>
        tpu.wait_dma2 semaphore(%run_scoped3A : memref<!tpu.dma_semaphore, #tpu.memory_space<semaphore_mem>>) src(%dma_wait3A_83 : memref<40x32xi32, #tpu.memory_space<hbm>>) dst(%arg8 : memref<40x32xi32, #tpu.memory_space<vmem>>)
        tpu.yield
      }) : () -> ()
      %dma_start3A = arith.constant 0 : i32
      %dma_start3A_20 = arith.constant 0 : i32
      %dma_start3A_21 = tpu.memref_slice %arg7[%dma_start3A, %dma_start3A_20] : memref<40x32xi32, #tpu.memory_space<vmem>> -> memref<1x32xi32, #tpu.memory_space<vmem>>
      %dma_start3A_22 = tpu.memref_squeeze %dma_start3A_21 : memref<1x32xi32, #tpu.memory_space<vmem>> -> memref<32xi32, #tpu.memory_space<vmem>>
      %dma_start3A_23 = arith.constant 0 : i32
      %dma_start3A_24 = arith.constant 0 : i32
      %dma_start3A_25 = tpu.memref_slice %arg2[%dma_start3A_23, %dma_start3A_24] : memref<10000x128xf32, #tpu.memory_space<hbm>> -> memref<10000x128xf32, #tpu.memory_space<hbm>>
      tpu.enqueue_indirect_dma source(%dma_start3A_25 : memref<10000x128xf32, #tpu.memory_space<hbm>>) target(%arg9 : memref<32x128xf32, #tpu.memory_space<vmem>>) offsets(%dma_start3A_22 : memref<32xi32, #tpu.memory_space<vmem>>) semaphore(%arg18 : memref<!tpu.dma_semaphore, #tpu.memory_space<semaphore_mem>>)
      %dma_start3A_26 = arith.constant 1 : i32
      %dma_start3A_27 = arith.constant 0 : i32
      %dma_start3A_28 = tpu.memref_slice %arg7[%dma_start3A_26, %dma_start3A_27] : memref<40x32xi32, #tpu.memory_space<vmem>> -> memref<1x32xi32, #tpu.memory_space<vmem>>
      %dma_start3A_29 = tpu.memref_squeeze %dma_start3A_28 : memref<1x32xi32, #tpu.memory_space<vmem>> -> memref<32xi32, #tpu.memory_space<vmem>>
      %dma_start3A_30 = arith.constant 0 : i32
      %dma_start3A_31 = arith.constant 0 : i32
      %dma_start3A_32 = tpu.memref_slice %arg2[%dma_start3A_30, %dma_start3A_31] : memref<10000x128xf32, #tpu.memory_space<hbm>> -> memref<10000x128xf32, #tpu.memory_space<hbm>>
      tpu.enqueue_indirect_dma source(%dma_start3A_32 : memref<10000x128xf32, #tpu.memory_space<hbm>>) target(%arg10 : memref<32x128xf32, #tpu.memory_space<vmem>>) offsets(%dma_start3A_29 : memref<32xi32, #tpu.memory_space<vmem>>) semaphore(%arg19 : memref<!tpu.dma_semaphore, #tpu.memory_space<semaphore_mem>>)
      %dma_start3A_33 = arith.constant 2 : i32
      %dma_start3A_34 = arith.constant 0 : i32
      %dma_start3A_35 = tpu.memref_slice %arg7[%dma_start3A_33, %dma_start3A_34] : memref<40x32xi32, #tpu.memory_space<vmem>> -> memref<1x32xi32, #tpu.memory_space<vmem>>
      %dma_start3A_36 = tpu.memref_squeeze %dma_start3A_35 : memref<1x32xi32, #tpu.memory_space<vmem>> -> memref<32xi32, #tpu.memory_space<vmem>>
      %dma_start3A_37 = arith.constant 0 : i32
      %dma_start3A_38 = arith.constant 0 : i32
      %dma_start3A_39 = tpu.memref_slice %arg2[%dma_start3A_37, %dma_start3A_38] : memref<10000x128xf32, #tpu.memory_space<hbm>> -> memref<10000x128xf32, #tpu.memory_space<hbm>>
      tpu.enqueue_indirect_dma source(%dma_start3A_39 : memref<10000x128xf32, #tpu.memory_space<hbm>>) target(%arg11 : memref<32x128xf32, #tpu.memory_space<vmem>>) offsets(%dma_start3A_36 : memref<32xi32, #tpu.memory_space<vmem>>) semaphore(%arg20 : memref<!tpu.dma_semaphore, #tpu.memory_space<semaphore_mem>>)
      %dma_start3A_40 = arith.constant 3 : i32
      %dma_start3A_41 = arith.constant 0 : i32
      %dma_start3A_42 = tpu.memref_slice %arg7[%dma_start3A_40, %dma_start3A_41] : memref<40x32xi32, #tpu.memory_space<vmem>> -> memref<1x32xi32, #tpu.memory_space<vmem>>
      %dma_start3A_43 = tpu.memref_squeeze %dma_start3A_42 : memref<1x32xi32, #tpu.memory_space<vmem>> -> memref<32xi32, #tpu.memory_space<vmem>>
      %dma_start3A_44 = arith.constant 0 : i32
      %dma_start3A_45 = arith.constant 0 : i32
      %dma_start3A_46 = tpu.memref_slice %arg2[%dma_start3A_44, %dma_start3A_45] : memref<10000x128xf32, #tpu.memory_space<hbm>> -> memref<10000x128xf32, #tpu.memory_space<hbm>>
      tpu.enqueue_indirect_dma source(%dma_start3A_46 : memref<10000x128xf32, #tpu.memory_space<hbm>>) target(%arg12 : memref<32x128xf32, #tpu.memory_space<vmem>>) offsets(%dma_start3A_43 : memref<32xi32, #tpu.memory_space<vmem>>) semaphore(%arg21 : memref<!tpu.dma_semaphore, #tpu.memory_space<semaphore_mem>>)
      %dma_start3A_47 = arith.constant 4 : i32
      %dma_start3A_48 = arith.constant 0 : i32
      %dma_start3A_49 = tpu.memref_slice %arg7[%dma_start3A_47, %dma_start3A_48] : memref<40x32xi32, #tpu.memory_space<vmem>> -> memref<1x32xi32, #tpu.memory_space<vmem>>
      %dma_start3A_50 = tpu.memref_squeeze %dma_start3A_49 : memref<1x32xi32, #tpu.memory_space<vmem>> -> memref<32xi32, #tpu.memory_space<vmem>>
      %dma_start3A_51 = arith.constant 0 : i32
      %dma_start3A_52 = arith.constant 0 : i32
      %dma_start3A_53 = tpu.memref_slice %arg2[%dma_start3A_51, %dma_start3A_52] : memref<10000x128xf32, #tpu.memory_space<hbm>> -> memref<10000x128xf32, #tpu.memory_space<hbm>>
      tpu.enqueue_indirect_dma source(%dma_start3A_53 : memref<10000x128xf32, #tpu.memory_space<hbm>>) target(%arg13 : memref<32x128xf32, #tpu.memory_space<vmem>>) offsets(%dma_start3A_50 : memref<32xi32, #tpu.memory_space<vmem>>) semaphore(%arg22 : memref<!tpu.dma_semaphore, #tpu.memory_space<semaphore_mem>>)
      %dma_start3A_54 = arith.constant 5 : i32
      %dma_start3A_55 = arith.constant 0 : i32
      %dma_start3A_56 = tpu.memref_slice %arg7[%dma_start3A_54, %dma_start3A_55] : memref<40x32xi32, #tpu.memory_space<vmem>> -> memref<1x32xi32, #tpu.memory_space<vmem>>
      %dma_start3A_57 = tpu.memref_squeeze %dma_start3A_56 : memref<1x32xi32, #tpu.memory_space<vmem>> -> memref<32xi32, #tpu.memory_space<vmem>>
      %dma_start3A_58 = arith.constant 0 : i32
      %dma_start3A_59 = arith.constant 0 : i32
      %dma_start3A_60 = tpu.memref_slice %arg2[%dma_start3A_58, %dma_start3A_59] : memref<10000x128xf32, #tpu.memory_space<hbm>> -> memref<10000x128xf32, #tpu.memory_space<hbm>>
      tpu.enqueue_indirect_dma source(%dma_start3A_60 : memref<10000x128xf32, #tpu.memory_space<hbm>>) target(%arg14 : memref<32x128xf32, #tpu.memory_space<vmem>>) offsets(%dma_start3A_57 : memref<32xi32, #tpu.memory_space<vmem>>) semaphore(%arg23 : memref<!tpu.dma_semaphore, #tpu.memory_space<semaphore_mem>>)
      %dma_start3A_61 = arith.constant 6 : i32
      %dma_start3A_62 = arith.constant 0 : i32
      %dma_start3A_63 = tpu.memref_slice %arg7[%dma_start3A_61, %dma_start3A_62] : memref<40x32xi32, #tpu.memory_space<vmem>> -> memref<1x32xi32, #tpu.memory_space<vmem>>
      %dma_start3A_64 = tpu.memref_squeeze %dma_start3A_63 : memref<1x32xi32, #tpu.memory_space<vmem>> -> memref<32xi32, #tpu.memory_space<vmem>>
      %dma_start3A_65 = arith.constant 0 : i32
      %dma_start3A_66 = arith.constant 0 : i32
      %dma_start3A_67 = tpu.memref_slice %arg2[%dma_start3A_65, %dma_start3A_66] : memref<10000x128xf32, #tpu.memory_space<hbm>> -> memref<10000x128xf32, #tpu.memory_space<hbm>>
      tpu.enqueue_indirect_dma source(%dma_start3A_67 : memref<10000x128xf32, #tpu.memory_space<hbm>>) target(%arg15 : memref<32x128xf32, #tpu.memory_space<vmem>>) offsets(%dma_start3A_64 : memref<32xi32, #tpu.memory_space<vmem>>) semaphore(%arg24 : memref<!tpu.dma_semaphore, #tpu.memory_space<semaphore_mem>>)
      %scan3A_68 = arith.constant 0 : i32
      %scan3A_69 = arith.constant 5 : i32
      %scan3A_70 = arith.addi %scan3A_68, %scan3A_69 : i32
      %scan3A_71 = arith.constant 1 : i32
      scf.for %scan3A_73 = %scan3A_68 to %scan3A_70 step %scan3A_71  : i32 {
        %mul3A_74 = arith.constant 8 : i32
        %mul3A_75 = arith.muli %mul3A_74, %scan3A_73 : i32
        %dma_wait3A = arith.constant 0 : i32
        %dma_wait3A_76 = arith.constant 0 : i32
        %dma_wait3A_77 = tpu.memref_slice %arg2[%dma_wait3A, %dma_wait3A_76] : memref<10000x128xf32, #tpu.memory_space<hbm>> -> memref<32x128xf32, #tpu.memory_space<hbm>>
        %dma_wait3A_78 = arith.constant 0 : i32
        %dma_wait3A_79 = arith.constant 0 : i32
        %dma_wait3A_80 = tpu.memref_slice %arg2[%dma_wait3A_78, %dma_wait3A_79] : memref<10000x128xf32, #tpu.memory_space<hbm>> -> memref<32x128xf32, #tpu.memory_space<hbm>>
        tpu.wait_dma2 semaphore(%arg18 : memref<!tpu.dma_semaphore, #tpu.memory_space<semaphore_mem>>) src(%dma_wait3A_80 : memref<32x128xf32, #tpu.memory_space<hbm>>) dst(%arg9 : memref<32x128xf32, #tpu.memory_space<vmem>>)
        %add3A = arith.constant 0 : i32
        %add3A_81 = arith.addi %mul3A_75, %add3A : i32
        %add3A_82 = arith.constant 8 : i32
        %add3A_83 = arith.addi %add3A_81, %add3A_82 : i32
        %sub3A = arith.constant 1 : i32
        %sub3A_84 = arith.subi %add3A_83, %sub3A : i32
        %lt3A_85 = arith.constant 40 : i32
        %lt3A_86 = arith.cmpi slt, %sub3A_84, %lt3A_85 : i32
        %convert_element_type3A_87 = arith.extui %lt3A_86 : i1 to i32
        %cond3A_88 = arith.constant 0 : i32
        %cond3A_89 = arith.cmpi ne, %convert_element_type3A_87, %cond3A_88 : i32
        scf.if %cond3A_89 {
          %add3A_225 = arith.constant 0 : i32
          %add3A_226 = arith.addi %mul3A_75, %add3A_225 : i32
          %add3A_227 = arith.constant 8 : i32
          %add3A_228 = arith.addi %add3A_226, %add3A_227 : i32
          %sub3A_229 = arith.constant 1 : i32
          %sub3A_230 = arith.subi %add3A_228, %sub3A_229 : i32
          %dma_start3A_231 = arith.constant 0 : i32
          %dma_start3A_232 = tpu.memref_slice %arg7[%sub3A_230, %dma_start3A_231] : memref<40x32xi32, #tpu.memory_space<vmem>> -> memref<1x32xi32, #tpu.memory_space<vmem>>
          %dma_start3A_233 = tpu.memref_squeeze %dma_start3A_232 : memref<1x32xi32, #tpu.memory_space<vmem>> -> memref<32xi32, #tpu.memory_space<vmem>>
          %dma_start3A_234 = arith.constant 0 : i32
          %dma_start3A_235 = arith.constant 0 : i32
          %dma_start3A_236 = tpu.memref_slice %arg2[%dma_start3A_234, %dma_start3A_235] : memref<10000x128xf32, #tpu.memory_space<hbm>> -> memref<10000x128xf32, #tpu.memory_space<hbm>>
          tpu.enqueue_indirect_dma source(%dma_start3A_236 : memref<10000x128xf32, #tpu.memory_space<hbm>>) target(%arg16 : memref<32x128xf32, #tpu.memory_space<vmem>>) offsets(%dma_start3A_233 : memref<32xi32, #tpu.memory_space<vmem>>) semaphore(%arg25 : memref<!tpu.dma_semaphore, #tpu.memory_space<semaphore_mem>>)
        } else {
        }
        %add3A_90 = arith.constant 0 : i32
        %add3A_91 = arith.addi %mul3A_75, %add3A_90 : i32
        "tpu.region"() ({
          %run_scoped3A = tpu.sem_alloc : memref<!tpu.dma_semaphore, #tpu.memory_space<semaphore_mem>>
          %dma_start3A_225 = arith.constant 0 : i32
          %dma_start3A_226 = tpu.memref_slice %arg8[%add3A_91, %dma_start3A_225] : memref<40x32xi32, #tpu.memory_space<vmem>> -> memref<1x32xi32, #tpu.memory_space<vmem>>
          %dma_start3A_227 = tpu.memref_squeeze %dma_start3A_226 : memref<1x32xi32, #tpu.memory_space<vmem>> -> memref<32xi32, #tpu.memory_space<vmem>>
          %dma_start3A_228 = arith.constant 0 : i32
          %dma_start3A_229 = arith.constant 0 : i32
          %dma_start3A_230 = tpu.memref_slice %arg17[%dma_start3A_228, %dma_start3A_229] : memref<10112x128xf32, #tpu.memory_space<vmem_shared>> -> memref<10112x128xf32, #tpu.memory_space<vmem_shared>>
          tpu.enqueue_indirect_dma source(%arg9 : memref<32x128xf32, #tpu.memory_space<vmem>>) target(%dma_start3A_230 : memref<10112x128xf32, #tpu.memory_space<vmem_shared>>) offsets(%dma_start3A_227 : memref<32xi32, #tpu.memory_space<vmem>>) semaphore(%run_scoped3A : memref<!tpu.dma_semaphore, #tpu.memory_space<semaphore_mem>>) {add = true}
          %dma_wait3A_231 = arith.constant 0 : i32
          %dma_wait3A_232 = tpu.memref_slice %arg8[%add3A_91, %dma_wait3A_231] : memref<40x32xi32, #tpu.memory_space<vmem>> -> memref<1x32xi32, #tpu.memory_space<vmem>>
          %dma_wait3A_233 = tpu.memref_squeeze %dma_wait3A_232 : memref<1x32xi32, #tpu.memory_space<vmem>> -> memref<32xi32, #tpu.memory_space<vmem>>
          %dma_wait3A_234 = arith.constant 0 : i32
          %dma_wait3A_235 = arith.constant 0 : i32
          %dma_wait3A_236 = tpu.memref_slice %arg17[%dma_wait3A_234, %dma_wait3A_235] : memref<10112x128xf32, #tpu.memory_space<vmem_shared>> -> memref<10112x128xf32, #tpu.memory_space<vmem_shared>>
          tpu.wait_indirect_dma semaphore(%run_scoped3A : memref<!tpu.dma_semaphore, #tpu.memory_space<semaphore_mem>>) src(%arg9 : memref<32x128xf32, #tpu.memory_space<vmem>>) dst(%dma_wait3A_236 : memref<10112x128xf32, #tpu.memory_space<vmem_shared>>)
          tpu.yield
        }) : () -> ()
        %dma_wait3A_92 = arith.constant 0 : i32
        %dma_wait3A_93 = arith.constant 0 : i32
        %dma_wait3A_94 = tpu.memref_slice %arg2[%dma_wait3A_92, %dma_wait3A_93] : memref<10000x128xf32, #tpu.memory_space<hbm>> -> memref<32x128xf32, #tpu.memory_space<hbm>>
        %dma_wait3A_95 = arith.constant 0 : i32
        %dma_wait3A_96 = arith.constant 0 : i32
        %dma_wait3A_97 = tpu.memref_slice %arg2[%dma_wait3A_95, %dma_wait3A_96] : memref<10000x128xf32, #tpu.memory_space<hbm>> -> memref<32x128xf32, #tpu.memory_space<hbm>>
        tpu.wait_dma2 semaphore(%arg19 : memref<!tpu.dma_semaphore, #tpu.memory_space<semaphore_mem>>) src(%dma_wait3A_97 : memref<32x128xf32, #tpu.memory_space<hbm>>) dst(%arg10 : memref<32x128xf32, #tpu.memory_space<vmem>>)
        %add3A_98 = arith.constant 1 : i32
        %add3A_99 = arith.addi %mul3A_75, %add3A_98 : i32
        %add3A_100 = arith.constant 8 : i32
        %add3A_101 = arith.addi %add3A_99, %add3A_100 : i32
        %sub3A_102 = arith.constant 1 : i32
        %sub3A_103 = arith.subi %add3A_101, %sub3A_102 : i32
        %lt3A_104 = arith.constant 40 : i32
        %lt3A_105 = arith.cmpi slt, %sub3A_103, %lt3A_104 : i32
        %convert_element_type3A_106 = arith.extui %lt3A_105 : i1 to i32
        %cond3A_107 = arith.constant 0 : i32
        %cond3A_108 = arith.cmpi ne, %convert_element_type3A_106, %cond3A_107 : i32
        scf.if %cond3A_108 {
          %add3A_225 = arith.constant 1 : i32
          %add3A_226 = arith.addi %mul3A_75, %add3A_225 : i32
          %add3A_227 = arith.constant 8 : i32
          %add3A_228 = arith.addi %add3A_226, %add3A_227 : i32
          %sub3A_229 = arith.constant 1 : i32
          %sub3A_230 = arith.subi %add3A_228, %sub3A_229 : i32
          %dma_start3A_231 = arith.constant 0 : i32
          %dma_start3A_232 = tpu.memref_slice %arg7[%sub3A_230, %dma_start3A_231] : memref<40x32xi32, #tpu.memory_space<vmem>> -> memref<1x32xi32, #tpu.memory_space<vmem>>
          %dma_start3A_233 = tpu.memref_squeeze %dma_start3A_232 : memref<1x32xi32, #tpu.memory_space<vmem>> -> memref<32xi32, #tpu.memory_space<vmem>>
          %dma_start3A_234 = arith.constant 0 : i32
          %dma_start3A_235 = arith.constant 0 : i32
          %dma_start3A_236 = tpu.memref_slice %arg2[%dma_start3A_234, %dma_start3A_235] : memref<10000x128xf32, #tpu.memory_space<hbm>> -> memref<10000x128xf32, #tpu.memory_space<hbm>>
          tpu.enqueue_indirect_dma source(%dma_start3A_236 : memref<10000x128xf32, #tpu.memory_space<hbm>>) target(%arg9 : memref<32x128xf32, #tpu.memory_space<vmem>>) offsets(%dma_start3A_233 : memref<32xi32, #tpu.memory_space<vmem>>) semaphore(%arg18 : memref<!tpu.dma_semaphore, #tpu.memory_space<semaphore_mem>>)
        } else {
        }
        %add3A_109 = arith.constant 1 : i32
        %add3A_110 = arith.addi %mul3A_75, %add3A_109 : i32
        "tpu.region"() ({
          %run_scoped3A = tpu.sem_alloc : memref<!tpu.dma_semaphore, #tpu.memory_space<semaphore_mem>>
          %dma_start3A_225 = arith.constant 0 : i32
          %dma_start3A_226 = tpu.memref_slice %arg8[%add3A_110, %dma_start3A_225] : memref<40x32xi32, #tpu.memory_space<vmem>> -> memref<1x32xi32, #tpu.memory_space<vmem>>
          %dma_start3A_227 = tpu.memref_squeeze %dma_start3A_226 : memref<1x32xi32, #tpu.memory_space<vmem>> -> memref<32xi32, #tpu.memory_space<vmem>>
          %dma_start3A_228 = arith.constant 0 : i32
          %dma_start3A_229 = arith.constant 0 : i32
          %dma_start3A_230 = tpu.memref_slice %arg17[%dma_start3A_228, %dma_start3A_229] : memref<10112x128xf32, #tpu.memory_space<vmem_shared>> -> memref<10112x128xf32, #tpu.memory_space<vmem_shared>>
          tpu.enqueue_indirect_dma source(%arg10 : memref<32x128xf32, #tpu.memory_space<vmem>>) target(%dma_start3A_230 : memref<10112x128xf32, #tpu.memory_space<vmem_shared>>) offsets(%dma_start3A_227 : memref<32xi32, #tpu.memory_space<vmem>>) semaphore(%run_scoped3A : memref<!tpu.dma_semaphore, #tpu.memory_space<semaphore_mem>>) {add = true}
          %dma_wait3A_231 = arith.constant 0 : i32
          %dma_wait3A_232 = tpu.memref_slice %arg8[%add3A_110, %dma_wait3A_231] : memref<40x32xi32, #tpu.memory_space<vmem>> -> memref<1x32xi32, #tpu.memory_space<vmem>>
          %dma_wait3A_233 = tpu.memref_squeeze %dma_wait3A_232 : memref<1x32xi32, #tpu.memory_space<vmem>> -> memref<32xi32, #tpu.memory_space<vmem>>
          %dma_wait3A_234 = arith.constant 0 : i32
          %dma_wait3A_235 = arith.constant 0 : i32
          %dma_wait3A_236 = tpu.memref_slice %arg17[%dma_wait3A_234, %dma_wait3A_235] : memref<10112x128xf32, #tpu.memory_space<vmem_shared>> -> memref<10112x128xf32, #tpu.memory_space<vmem_shared>>
          tpu.wait_indirect_dma semaphore(%run_scoped3A : memref<!tpu.dma_semaphore, #tpu.memory_space<semaphore_mem>>) src(%arg10 : memref<32x128xf32, #tpu.memory_space<vmem>>) dst(%dma_wait3A_236 : memref<10112x128xf32, #tpu.memory_space<vmem_shared>>)
          tpu.yield
        }) : () -> ()
        %dma_wait3A_111 = arith.constant 0 : i32
        %dma_wait3A_112 = arith.constant 0 : i32
        %dma_wait3A_113 = tpu.memref_slice %arg2[%dma_wait3A_111, %dma_wait3A_112] : memref<10000x128xf32, #tpu.memory_space<hbm>> -> memref<32x128xf32, #tpu.memory_space<hbm>>
        %dma_wait3A_114 = arith.constant 0 : i32
        %dma_wait3A_115 = arith.constant 0 : i32
        %dma_wait3A_116 = tpu.memref_slice %arg2[%dma_wait3A_114, %dma_wait3A_115] : memref<10000x128xf32, #tpu.memory_space<hbm>> -> memref<32x128xf32, #tpu.memory_space<hbm>>
        tpu.wait_dma2 semaphore(%arg20 : memref<!tpu.dma_semaphore, #tpu.memory_space<semaphore_mem>>) src(%dma_wait3A_116 : memref<32x128xf32, #tpu.memory_space<hbm>>) dst(%arg11 : memref<32x128xf32, #tpu.memory_space<vmem>>)
        %add3A_117 = arith.constant 2 : i32
        %add3A_118 = arith.addi %mul3A_75, %add3A_117 : i32
        %add3A_119 = arith.constant 8 : i32
        %add3A_120 = arith.addi %add3A_118, %add3A_119 : i32
        %sub3A_121 = arith.constant 1 : i32
        %sub3A_122 = arith.subi %add3A_120, %sub3A_121 : i32
        %lt3A_123 = arith.constant 40 : i32
        %lt3A_124 = arith.cmpi slt, %sub3A_122, %lt3A_123 : i32
        %convert_element_type3A_125 = arith.extui %lt3A_124 : i1 to i32
        %cond3A_126 = arith.constant 0 : i32
        %cond3A_127 = arith.cmpi ne, %convert_element_type3A_125, %cond3A_126 : i32
        scf.if %cond3A_127 {
          %add3A_225 = arith.constant 2 : i32
          %add3A_226 = arith.addi %mul3A_75, %add3A_225 : i32
          %add3A_227 = arith.constant 8 : i32
          %add3A_228 = arith.addi %add3A_226, %add3A_227 : i32
          %sub3A_229 = arith.constant 1 : i32
          %sub3A_230 = arith.subi %add3A_228, %sub3A_229 : i32
          %dma_start3A_231 = arith.constant 0 : i32
          %dma_start3A_232 = tpu.memref_slice %arg7[%sub3A_230, %dma_start3A_231] : memref<40x32xi32, #tpu.memory_space<vmem>> -> memref<1x32xi32, #tpu.memory_space<vmem>>
          %dma_start3A_233 = tpu.memref_squeeze %dma_start3A_232 : memref<1x32xi32, #tpu.memory_space<vmem>> -> memref<32xi32, #tpu.memory_space<vmem>>
          %dma_start3A_234 = arith.constant 0 : i32
          %dma_start3A_235 = arith.constant 0 : i32
          %dma_start3A_236 = tpu.memref_slice %arg2[%dma_start3A_234, %dma_start3A_235] : memref<10000x128xf32, #tpu.memory_space<hbm>> -> memref<10000x128xf32, #tpu.memory_space<hbm>>
          tpu.enqueue_indirect_dma source(%dma_start3A_236 : memref<10000x128xf32, #tpu.memory_space<hbm>>) target(%arg10 : memref<32x128xf32, #tpu.memory_space<vmem>>) offsets(%dma_start3A_233 : memref<32xi32, #tpu.memory_space<vmem>>) semaphore(%arg19 : memref<!tpu.dma_semaphore, #tpu.memory_space<semaphore_mem>>)
        } else {
        }
        %add3A_128 = arith.constant 2 : i32
        %add3A_129 = arith.addi %mul3A_75, %add3A_128 : i32
        "tpu.region"() ({
          %run_scoped3A = tpu.sem_alloc : memref<!tpu.dma_semaphore, #tpu.memory_space<semaphore_mem>>
          %dma_start3A_225 = arith.constant 0 : i32
          %dma_start3A_226 = tpu.memref_slice %arg8[%add3A_129, %dma_start3A_225] : memref<40x32xi32, #tpu.memory_space<vmem>> -> memref<1x32xi32, #tpu.memory_space<vmem>>
          %dma_start3A_227 = tpu.memref_squeeze %dma_start3A_226 : memref<1x32xi32, #tpu.memory_space<vmem>> -> memref<32xi32, #tpu.memory_space<vmem>>
          %dma_start3A_228 = arith.constant 0 : i32
          %dma_start3A_229 = arith.constant 0 : i32
          %dma_start3A_230 = tpu.memref_slice %arg17[%dma_start3A_228, %dma_start3A_229] : memref<10112x128xf32, #tpu.memory_space<vmem_shared>> -> memref<10112x128xf32, #tpu.memory_space<vmem_shared>>
          tpu.enqueue_indirect_dma source(%arg11 : memref<32x128xf32, #tpu.memory_space<vmem>>) target(%dma_start3A_230 : memref<10112x128xf32, #tpu.memory_space<vmem_shared>>) offsets(%dma_start3A_227 : memref<32xi32, #tpu.memory_space<vmem>>) semaphore(%run_scoped3A : memref<!tpu.dma_semaphore, #tpu.memory_space<semaphore_mem>>) {add = true}
          %dma_wait3A_231 = arith.constant 0 : i32
          %dma_wait3A_232 = tpu.memref_slice %arg8[%add3A_129, %dma_wait3A_231] : memref<40x32xi32, #tpu.memory_space<vmem>> -> memref<1x32xi32, #tpu.memory_space<vmem>>
          %dma_wait3A_233 = tpu.memref_squeeze %dma_wait3A_232 : memref<1x32xi32, #tpu.memory_space<vmem>> -> memref<32xi32, #tpu.memory_space<vmem>>
          %dma_wait3A_234 = arith.constant 0 : i32
          %dma_wait3A_235 = arith.constant 0 : i32
          %dma_wait3A_236 = tpu.memref_slice %arg17[%dma_wait3A_234, %dma_wait3A_235] : memref<10112x128xf32, #tpu.memory_space<vmem_shared>> -> memref<10112x128xf32, #tpu.memory_space<vmem_shared>>
          tpu.wait_indirect_dma semaphore(%run_scoped3A : memref<!tpu.dma_semaphore, #tpu.memory_space<semaphore_mem>>) src(%arg11 : memref<32x128xf32, #tpu.memory_space<vmem>>) dst(%dma_wait3A_236 : memref<10112x128xf32, #tpu.memory_space<vmem_shared>>)
          tpu.yield
        }) : () -> ()
        %dma_wait3A_130 = arith.constant 0 : i32
        %dma_wait3A_131 = arith.constant 0 : i32
        %dma_wait3A_132 = tpu.memref_slice %arg2[%dma_wait3A_130, %dma_wait3A_131] : memref<10000x128xf32, #tpu.memory_space<hbm>> -> memref<32x128xf32, #tpu.memory_space<hbm>>
        %dma_wait3A_133 = arith.constant 0 : i32
        %dma_wait3A_134 = arith.constant 0 : i32
        %dma_wait3A_135 = tpu.memref_slice %arg2[%dma_wait3A_133, %dma_wait3A_134] : memref<10000x128xf32, #tpu.memory_space<hbm>> -> memref<32x128xf32, #tpu.memory_space<hbm>>
        tpu.wait_dma2 semaphore(%arg21 : memref<!tpu.dma_semaphore, #tpu.memory_space<semaphore_mem>>) src(%dma_wait3A_135 : memref<32x128xf32, #tpu.memory_space<hbm>>) dst(%arg12 : memref<32x128xf32, #tpu.memory_space<vmem>>)
        %add3A_136 = arith.constant 3 : i32
        %add3A_137 = arith.addi %mul3A_75, %add3A_136 : i32
        %add3A_138 = arith.constant 8 : i32
        %add3A_139 = arith.addi %add3A_137, %add3A_138 : i32
        %sub3A_140 = arith.constant 1 : i32
        %sub3A_141 = arith.subi %add3A_139, %sub3A_140 : i32
        %lt3A_142 = arith.constant 40 : i32
        %lt3A_143 = arith.cmpi slt, %sub3A_141, %lt3A_142 : i32
        %convert_element_type3A_144 = arith.extui %lt3A_143 : i1 to i32
        %cond3A_145 = arith.constant 0 : i32
        %cond3A_146 = arith.cmpi ne, %convert_element_type3A_144, %cond3A_145 : i32
        scf.if %cond3A_146 {
          %add3A_225 = arith.constant 3 : i32
          %add3A_226 = arith.addi %mul3A_75, %add3A_225 : i32
          %add3A_227 = arith.constant 8 : i32
          %add3A_228 = arith.addi %add3A_226, %add3A_227 : i32
          %sub3A_229 = arith.constant 1 : i32
          %sub3A_230 = arith.subi %add3A_228, %sub3A_229 : i32
          %dma_start3A_231 = arith.constant 0 : i32
          %dma_start3A_232 = tpu.memref_slice %arg7[%sub3A_230, %dma_start3A_231] : memref<40x32xi32, #tpu.memory_space<vmem>> -> memref<1x32xi32, #tpu.memory_space<vmem>>
          %dma_start3A_233 = tpu.memref_squeeze %dma_start3A_232 : memref<1x32xi32, #tpu.memory_space<vmem>> -> memref<32xi32, #tpu.memory_space<vmem>>
          %dma_start3A_234 = arith.constant 0 : i32
          %dma_start3A_235 = arith.constant 0 : i32
          %dma_start3A_236 = tpu.memref_slice %arg2[%dma_start3A_234, %dma_start3A_235] : memref<10000x128xf32, #tpu.memory_space<hbm>> -> memref<10000x128xf32, #tpu.memory_space<hbm>>
          tpu.enqueue_indirect_dma source(%dma_start3A_236 : memref<10000x128xf32, #tpu.memory_space<hbm>>) target(%arg11 : memref<32x128xf32, #tpu.memory_space<vmem>>) offsets(%dma_start3A_233 : memref<32xi32, #tpu.memory_space<vmem>>) semaphore(%arg20 : memref<!tpu.dma_semaphore, #tpu.memory_space<semaphore_mem>>)
        } else {
        }
        %add3A_147 = arith.constant 3 : i32
        %add3A_148 = arith.addi %mul3A_75, %add3A_147 : i32
        "tpu.region"() ({
          %run_scoped3A = tpu.sem_alloc : memref<!tpu.dma_semaphore, #tpu.memory_space<semaphore_mem>>
          %dma_start3A_225 = arith.constant 0 : i32
          %dma_start3A_226 = tpu.memref_slice %arg8[%add3A_148, %dma_start3A_225] : memref<40x32xi32, #tpu.memory_space<vmem>> -> memref<1x32xi32, #tpu.memory_space<vmem>>
          %dma_start3A_227 = tpu.memref_squeeze %dma_start3A_226 : memref<1x32xi32, #tpu.memory_space<vmem>> -> memref<32xi32, #tpu.memory_space<vmem>>
          %dma_start3A_228 = arith.constant 0 : i32
          %dma_start3A_229 = arith.constant 0 : i32
          %dma_start3A_230 = tpu.memref_slice %arg17[%dma_start3A_228, %dma_start3A_229] : memref<10112x128xf32, #tpu.memory_space<vmem_shared>> -> memref<10112x128xf32, #tpu.memory_space<vmem_shared>>
          tpu.enqueue_indirect_dma source(%arg12 : memref<32x128xf32, #tpu.memory_space<vmem>>) target(%dma_start3A_230 : memref<10112x128xf32, #tpu.memory_space<vmem_shared>>) offsets(%dma_start3A_227 : memref<32xi32, #tpu.memory_space<vmem>>) semaphore(%run_scoped3A : memref<!tpu.dma_semaphore, #tpu.memory_space<semaphore_mem>>) {add = true}
          %dma_wait3A_231 = arith.constant 0 : i32
          %dma_wait3A_232 = tpu.memref_slice %arg8[%add3A_148, %dma_wait3A_231] : memref<40x32xi32, #tpu.memory_space<vmem>> -> memref<1x32xi32, #tpu.memory_space<vmem>>
          %dma_wait3A_233 = tpu.memref_squeeze %dma_wait3A_232 : memref<1x32xi32, #tpu.memory_space<vmem>> -> memref<32xi32, #tpu.memory_space<vmem>>
          %dma_wait3A_234 = arith.constant 0 : i32
          %dma_wait3A_235 = arith.constant 0 : i32
          %dma_wait3A_236 = tpu.memref_slice %arg17[%dma_wait3A_234, %dma_wait3A_235] : memref<10112x128xf32, #tpu.memory_space<vmem_shared>> -> memref<10112x128xf32, #tpu.memory_space<vmem_shared>>
          tpu.wait_indirect_dma semaphore(%run_scoped3A : memref<!tpu.dma_semaphore, #tpu.memory_space<semaphore_mem>>) src(%arg12 : memref<32x128xf32, #tpu.memory_space<vmem>>) dst(%dma_wait3A_236 : memref<10112x128xf32, #tpu.memory_space<vmem_shared>>)
          tpu.yield
        }) : () -> ()
        %dma_wait3A_149 = arith.constant 0 : i32
        %dma_wait3A_150 = arith.constant 0 : i32
        %dma_wait3A_151 = tpu.memref_slice %arg2[%dma_wait3A_149, %dma_wait3A_150] : memref<10000x128xf32, #tpu.memory_space<hbm>> -> memref<32x128xf32, #tpu.memory_space<hbm>>
        %dma_wait3A_152 = arith.constant 0 : i32
        %dma_wait3A_153 = arith.constant 0 : i32
        %dma_wait3A_154 = tpu.memref_slice %arg2[%dma_wait3A_152, %dma_wait3A_153] : memref<10000x128xf32, #tpu.memory_space<hbm>> -> memref<32x128xf32, #tpu.memory_space<hbm>>
        tpu.wait_dma2 semaphore(%arg22 : memref<!tpu.dma_semaphore, #tpu.memory_space<semaphore_mem>>) src(%dma_wait3A_154 : memref<32x128xf32, #tpu.memory_space<hbm>>) dst(%arg13 : memref<32x128xf32, #tpu.memory_space<vmem>>)
        %add3A_155 = arith.constant 4 : i32
        %add3A_156 = arith.addi %mul3A_75, %add3A_155 : i32
        %add3A_157 = arith.constant 8 : i32
        %add3A_158 = arith.addi %add3A_156, %add3A_157 : i32
        %sub3A_159 = arith.constant 1 : i32
        %sub3A_160 = arith.subi %add3A_158, %sub3A_159 : i32
        %lt3A_161 = arith.constant 40 : i32
        %lt3A_162 = arith.cmpi slt, %sub3A_160, %lt3A_161 : i32
        %convert_element_type3A_163 = arith.extui %lt3A_162 : i1 to i32
        %cond3A_164 = arith.constant 0 : i32
        %cond3A_165 = arith.cmpi ne, %convert_element_type3A_163, %cond3A_164 : i32
        scf.if %cond3A_165 {
          %add3A_225 = arith.constant 4 : i32
          %add3A_226 = arith.addi %mul3A_75, %add3A_225 : i32
          %add3A_227 = arith.constant 8 : i32
          %add3A_228 = arith.addi %add3A_226, %add3A_227 : i32
          %sub3A_229 = arith.constant 1 : i32
          %sub3A_230 = arith.subi %add3A_228, %sub3A_229 : i32
          %dma_start3A_231 = arith.constant 0 : i32
          %dma_start3A_232 = tpu.memref_slice %arg7[%sub3A_230, %dma_start3A_231] : memref<40x32xi32, #tpu.memory_space<vmem>> -> memref<1x32xi32, #tpu.memory_space<vmem>>
          %dma_start3A_233 = tpu.memref_squeeze %dma_start3A_232 : memref<1x32xi32, #tpu.memory_space<vmem>> -> memref<32xi32, #tpu.memory_space<vmem>>
          %dma_start3A_234 = arith.constant 0 : i32
          %dma_start3A_235 = arith.constant 0 : i32
          %dma_start3A_236 = tpu.memref_slice %arg2[%dma_start3A_234, %dma_start3A_235] : memref<10000x128xf32, #tpu.memory_space<hbm>> -> memref<10000x128xf32, #tpu.memory_space<hbm>>
          tpu.enqueue_indirect_dma source(%dma_start3A_236 : memref<10000x128xf32, #tpu.memory_space<hbm>>) target(%arg12 : memref<32x128xf32, #tpu.memory_space<vmem>>) offsets(%dma_start3A_233 : memref<32xi32, #tpu.memory_space<vmem>>) semaphore(%arg21 : memref<!tpu.dma_semaphore, #tpu.memory_space<semaphore_mem>>)
        } else {
        }
        %add3A_166 = arith.constant 4 : i32
        %add3A_167 = arith.addi %mul3A_75, %add3A_166 : i32
        "tpu.region"() ({
          %run_scoped3A = tpu.sem_alloc : memref<!tpu.dma_semaphore, #tpu.memory_space<semaphore_mem>>
          %dma_start3A_225 = arith.constant 0 : i32
          %dma_start3A_226 = tpu.memref_slice %arg8[%add3A_167, %dma_start3A_225] : memref<40x32xi32, #tpu.memory_space<vmem>> -> memref<1x32xi32, #tpu.memory_space<vmem>>
          %dma_start3A_227 = tpu.memref_squeeze %dma_start3A_226 : memref<1x32xi32, #tpu.memory_space<vmem>> -> memref<32xi32, #tpu.memory_space<vmem>>
          %dma_start3A_228 = arith.constant 0 : i32
          %dma_start3A_229 = arith.constant 0 : i32
          %dma_start3A_230 = tpu.memref_slice %arg17[%dma_start3A_228, %dma_start3A_229] : memref<10112x128xf32, #tpu.memory_space<vmem_shared>> -> memref<10112x128xf32, #tpu.memory_space<vmem_shared>>
          tpu.enqueue_indirect_dma source(%arg13 : memref<32x128xf32, #tpu.memory_space<vmem>>) target(%dma_start3A_230 : memref<10112x128xf32, #tpu.memory_space<vmem_shared>>) offsets(%dma_start3A_227 : memref<32xi32, #tpu.memory_space<vmem>>) semaphore(%run_scoped3A : memref<!tpu.dma_semaphore, #tpu.memory_space<semaphore_mem>>) {add = true}
          %dma_wait3A_231 = arith.constant 0 : i32
          %dma_wait3A_232 = tpu.memref_slice %arg8[%add3A_167, %dma_wait3A_231] : memref<40x32xi32, #tpu.memory_space<vmem>> -> memref<1x32xi32, #tpu.memory_space<vmem>>
          %dma_wait3A_233 = tpu.memref_squeeze %dma_wait3A_232 : memref<1x32xi32, #tpu.memory_space<vmem>> -> memref<32xi32, #tpu.memory_space<vmem>>
          %dma_wait3A_234 = arith.constant 0 : i32
          %dma_wait3A_235 = arith.constant 0 : i32
          %dma_wait3A_236 = tpu.memref_slice %arg17[%dma_wait3A_234, %dma_wait3A_235] : memref<10112x128xf32, #tpu.memory_space<vmem_shared>> -> memref<10112x128xf32, #tpu.memory_space<vmem_shared>>
          tpu.wait_indirect_dma semaphore(%run_scoped3A : memref<!tpu.dma_semaphore, #tpu.memory_space<semaphore_mem>>) src(%arg13 : memref<32x128xf32, #tpu.memory_space<vmem>>) dst(%dma_wait3A_236 : memref<10112x128xf32, #tpu.memory_space<vmem_shared>>)
          tpu.yield
        }) : () -> ()
        %dma_wait3A_168 = arith.constant 0 : i32
        %dma_wait3A_169 = arith.constant 0 : i32
        %dma_wait3A_170 = tpu.memref_slice %arg2[%dma_wait3A_168, %dma_wait3A_169] : memref<10000x128xf32, #tpu.memory_space<hbm>> -> memref<32x128xf32, #tpu.memory_space<hbm>>
        %dma_wait3A_171 = arith.constant 0 : i32
        %dma_wait3A_172 = arith.constant 0 : i32
        %dma_wait3A_173 = tpu.memref_slice %arg2[%dma_wait3A_171, %dma_wait3A_172] : memref<10000x128xf32, #tpu.memory_space<hbm>> -> memref<32x128xf32, #tpu.memory_space<hbm>>
        tpu.wait_dma2 semaphore(%arg23 : memref<!tpu.dma_semaphore, #tpu.memory_space<semaphore_mem>>) src(%dma_wait3A_173 : memref<32x128xf32, #tpu.memory_space<hbm>>) dst(%arg14 : memref<32x128xf32, #tpu.memory_space<vmem>>)
        %add3A_174 = arith.constant 5 : i32
        %add3A_175 = arith.addi %mul3A_75, %add3A_174 : i32
        %add3A_176 = arith.constant 8 : i32
        %add3A_177 = arith.addi %add3A_175, %add3A_176 : i32
        %sub3A_178 = arith.constant 1 : i32
        %sub3A_179 = arith.subi %add3A_177, %sub3A_178 : i32
        %lt3A_180 = arith.constant 40 : i32
        %lt3A_181 = arith.cmpi slt, %sub3A_179, %lt3A_180 : i32
        %convert_element_type3A_182 = arith.extui %lt3A_181 : i1 to i32
        %cond3A_183 = arith.constant 0 : i32
        %cond3A_184 = arith.cmpi ne, %convert_element_type3A_182, %cond3A_183 : i32
        scf.if %cond3A_184 {
          %add3A_225 = arith.constant 5 : i32
          %add3A_226 = arith.addi %mul3A_75, %add3A_225 : i32
          %add3A_227 = arith.constant 8 : i32
          %add3A_228 = arith.addi %add3A_226, %add3A_227 : i32
          %sub3A_229 = arith.constant 1 : i32
          %sub3A_230 = arith.subi %add3A_228, %sub3A_229 : i32
          %dma_start3A_231 = arith.constant 0 : i32
          %dma_start3A_232 = tpu.memref_slice %arg7[%sub3A_230, %dma_start3A_231] : memref<40x32xi32, #tpu.memory_space<vmem>> -> memref<1x32xi32, #tpu.memory_space<vmem>>
          %dma_start3A_233 = tpu.memref_squeeze %dma_start3A_232 : memref<1x32xi32, #tpu.memory_space<vmem>> -> memref<32xi32, #tpu.memory_space<vmem>>
          %dma_start3A_234 = arith.constant 0 : i32
          %dma_start3A_235 = arith.constant 0 : i32
          %dma_start3A_236 = tpu.memref_slice %arg2[%dma_start3A_234, %dma_start3A_235] : memref<10000x128xf32, #tpu.memory_space<hbm>> -> memref<10000x128xf32, #tpu.memory_space<hbm>>
          tpu.enqueue_indirect_dma source(%dma_start3A_236 : memref<10000x128xf32, #tpu.memory_space<hbm>>) target(%arg13 : memref<32x128xf32, #tpu.memory_space<vmem>>) offsets(%dma_start3A_233 : memref<32xi32, #tpu.memory_space<vmem>>) semaphore(%arg22 : memref<!tpu.dma_semaphore, #tpu.memory_space<semaphore_mem>>)
        } else {
        }
        %add3A_185 = arith.constant 5 : i32
        %add3A_186 = arith.addi %mul3A_75, %add3A_185 : i32
        "tpu.region"() ({
          %run_scoped3A = tpu.sem_alloc : memref<!tpu.dma_semaphore, #tpu.memory_space<semaphore_mem>>
          %dma_start3A_225 = arith.constant 0 : i32
          %dma_start3A_226 = tpu.memref_slice %arg8[%add3A_186, %dma_start3A_225] : memref<40x32xi32, #tpu.memory_space<vmem>> -> memref<1x32xi32, #tpu.memory_space<vmem>>
          %dma_start3A_227 = tpu.memref_squeeze %dma_start3A_226 : memref<1x32xi32, #tpu.memory_space<vmem>> -> memref<32xi32, #tpu.memory_space<vmem>>
          %dma_start3A_228 = arith.constant 0 : i32
          %dma_start3A_229 = arith.constant 0 : i32
          %dma_start3A_230 = tpu.memref_slice %arg17[%dma_start3A_228, %dma_start3A_229] : memref<10112x128xf32, #tpu.memory_space<vmem_shared>> -> memref<10112x128xf32, #tpu.memory_space<vmem_shared>>
          tpu.enqueue_indirect_dma source(%arg14 : memref<32x128xf32, #tpu.memory_space<vmem>>) target(%dma_start3A_230 : memref<10112x128xf32, #tpu.memory_space<vmem_shared>>) offsets(%dma_start3A_227 : memref<32xi32, #tpu.memory_space<vmem>>) semaphore(%run_scoped3A : memref<!tpu.dma_semaphore, #tpu.memory_space<semaphore_mem>>) {add = true}
          %dma_wait3A_231 = arith.constant 0 : i32
          %dma_wait3A_232 = tpu.memref_slice %arg8[%add3A_186, %dma_wait3A_231] : memref<40x32xi32, #tpu.memory_space<vmem>> -> memref<1x32xi32, #tpu.memory_space<vmem>>
          %dma_wait3A_233 = tpu.memref_squeeze %dma_wait3A_232 : memref<1x32xi32, #tpu.memory_space<vmem>> -> memref<32xi32, #tpu.memory_space<vmem>>
          %dma_wait3A_234 = arith.constant 0 : i32
          %dma_wait3A_235 = arith.constant 0 : i32
          %dma_wait3A_236 = tpu.memref_slice %arg17[%dma_wait3A_234, %dma_wait3A_235] : memref<10112x128xf32, #tpu.memory_space<vmem_shared>> -> memref<10112x128xf32, #tpu.memory_space<vmem_shared>>
          tpu.wait_indirect_dma semaphore(%run_scoped3A : memref<!tpu.dma_semaphore, #tpu.memory_space<semaphore_mem>>) src(%arg14 : memref<32x128xf32, #tpu.memory_space<vmem>>) dst(%dma_wait3A_236 : memref<10112x128xf32, #tpu.memory_space<vmem_shared>>)
          tpu.yield
        }) : () -> ()
        %dma_wait3A_187 = arith.constant 0 : i32
        %dma_wait3A_188 = arith.constant 0 : i32
        %dma_wait3A_189 = tpu.memref_slice %arg2[%dma_wait3A_187, %dma_wait3A_188] : memref<10000x128xf32, #tpu.memory_space<hbm>> -> memref<32x128xf32, #tpu.memory_space<hbm>>
        %dma_wait3A_190 = arith.constant 0 : i32
        %dma_wait3A_191 = arith.constant 0 : i32
        %dma_wait3A_192 = tpu.memref_slice %arg2[%dma_wait3A_190, %dma_wait3A_191] : memref<10000x128xf32, #tpu.memory_space<hbm>> -> memref<32x128xf32, #tpu.memory_space<hbm>>
        tpu.wait_dma2 semaphore(%arg24 : memref<!tpu.dma_semaphore, #tpu.memory_space<semaphore_mem>>) src(%dma_wait3A_192 : memref<32x128xf32, #tpu.memory_space<hbm>>) dst(%arg15 : memref<32x128xf32, #tpu.memory_space<vmem>>)
        %add3A_193 = arith.constant 6 : i32
        %add3A_194 = arith.addi %mul3A_75, %add3A_193 : i32
        %add3A_195 = arith.constant 8 : i32
        %add3A_196 = arith.addi %add3A_194, %add3A_195 : i32
        %sub3A_197 = arith.constant 1 : i32
        %sub3A_198 = arith.subi %add3A_196, %sub3A_197 : i32
        %lt3A_199 = arith.constant 40 : i32
        %lt3A_200 = arith.cmpi slt, %sub3A_198, %lt3A_199 : i32
        %convert_element_type3A_201 = arith.extui %lt3A_200 : i1 to i32
        %cond3A_202 = arith.constant 0 : i32
        %cond3A_203 = arith.cmpi ne, %convert_element_type3A_201, %cond3A_202 : i32
        scf.if %cond3A_203 {
          %add3A_225 = arith.constant 6 : i32
          %add3A_226 = arith.addi %mul3A_75, %add3A_225 : i32
          %add3A_227 = arith.constant 8 : i32
          %add3A_228 = arith.addi %add3A_226, %add3A_227 : i32
          %sub3A_229 = arith.constant 1 : i32
          %sub3A_230 = arith.subi %add3A_228, %sub3A_229 : i32
          %dma_start3A_231 = arith.constant 0 : i32
          %dma_start3A_232 = tpu.memref_slice %arg7[%sub3A_230, %dma_start3A_231] : memref<40x32xi32, #tpu.memory_space<vmem>> -> memref<1x32xi32, #tpu.memory_space<vmem>>
          %dma_start3A_233 = tpu.memref_squeeze %dma_start3A_232 : memref<1x32xi32, #tpu.memory_space<vmem>> -> memref<32xi32, #tpu.memory_space<vmem>>
          %dma_start3A_234 = arith.constant 0 : i32
          %dma_start3A_235 = arith.constant 0 : i32
          %dma_start3A_236 = tpu.memref_slice %arg2[%dma_start3A_234, %dma_start3A_235] : memref<10000x128xf32, #tpu.memory_space<hbm>> -> memref<10000x128xf32, #tpu.memory_space<hbm>>
          tpu.enqueue_indirect_dma source(%dma_start3A_236 : memref<10000x128xf32, #tpu.memory_space<hbm>>) target(%arg14 : memref<32x128xf32, #tpu.memory_space<vmem>>) offsets(%dma_start3A_233 : memref<32xi32, #tpu.memory_space<vmem>>) semaphore(%arg23 : memref<!tpu.dma_semaphore, #tpu.memory_space<semaphore_mem>>)
        } else {
        }
        %add3A_204 = arith.constant 6 : i32
        %add3A_205 = arith.addi %mul3A_75, %add3A_204 : i32
        "tpu.region"() ({
          %run_scoped3A = tpu.sem_alloc : memref<!tpu.dma_semaphore, #tpu.memory_space<semaphore_mem>>
          %dma_start3A_225 = arith.constant 0 : i32
          %dma_start3A_226 = tpu.memref_slice %arg8[%add3A_205, %dma_start3A_225] : memref<40x32xi32, #tpu.memory_space<vmem>> -> memref<1x32xi32, #tpu.memory_space<vmem>>
          %dma_start3A_227 = tpu.memref_squeeze %dma_start3A_226 : memref<1x32xi32, #tpu.memory_space<vmem>> -> memref<32xi32, #tpu.memory_space<vmem>>
          %dma_start3A_228 = arith.constant 0 : i32
          %dma_start3A_229 = arith.constant 0 : i32
          %dma_start3A_230 = tpu.memref_slice %arg17[%dma_start3A_228, %dma_start3A_229] : memref<10112x128xf32, #tpu.memory_space<vmem_shared>> -> memref<10112x128xf32, #tpu.memory_space<vmem_shared>>
          tpu.enqueue_indirect_dma source(%arg15 : memref<32x128xf32, #tpu.memory_space<vmem>>) target(%dma_start3A_230 : memref<10112x128xf32, #tpu.memory_space<vmem_shared>>) offsets(%dma_start3A_227 : memref<32xi32, #tpu.memory_space<vmem>>) semaphore(%run_scoped3A : memref<!tpu.dma_semaphore, #tpu.memory_space<semaphore_mem>>) {add = true}
          %dma_wait3A_231 = arith.constant 0 : i32
          %dma_wait3A_232 = tpu.memref_slice %arg8[%add3A_205, %dma_wait3A_231] : memref<40x32xi32, #tpu.memory_space<vmem>> -> memref<1x32xi32, #tpu.memory_space<vmem>>
          %dma_wait3A_233 = tpu.memref_squeeze %dma_wait3A_232 : memref<1x32xi32, #tpu.memory_space<vmem>> -> memref<32xi32, #tpu.memory_space<vmem>>
          %dma_wait3A_234 = arith.constant 0 : i32
          %dma_wait3A_235 = arith.constant 0 : i32
          %dma_wait3A_236 = tpu.memref_slice %arg17[%dma_wait3A_234, %dma_wait3A_235] : memref<10112x128xf32, #tpu.memory_space<vmem_shared>> -> memref<10112x128xf32, #tpu.memory_space<vmem_shared>>
          tpu.wait_indirect_dma semaphore(%run_scoped3A : memref<!tpu.dma_semaphore, #tpu.memory_space<semaphore_mem>>) src(%arg15 : memref<32x128xf32, #tpu.memory_space<vmem>>) dst(%dma_wait3A_236 : memref<10112x128xf32, #tpu.memory_space<vmem_shared>>)
          tpu.yield
        }) : () -> ()
        %dma_wait3A_206 = arith.constant 0 : i32
        %dma_wait3A_207 = arith.constant 0 : i32
        %dma_wait3A_208 = tpu.memref_slice %arg2[%dma_wait3A_206, %dma_wait3A_207] : memref<10000x128xf32, #tpu.memory_space<hbm>> -> memref<32x128xf32, #tpu.memory_space<hbm>>
        %dma_wait3A_209 = arith.constant 0 : i32
        %dma_wait3A_210 = arith.constant 0 : i32
        %dma_wait3A_211 = tpu.memref_slice %arg2[%dma_wait3A_209, %dma_wait3A_210] : memref<10000x128xf32, #tpu.memory_space<hbm>> -> memref<32x128xf32, #tpu.memory_space<hbm>>
        tpu.wait_dma2 semaphore(%arg25 : memref<!tpu.dma_semaphore, #tpu.memory_space<semaphore_mem>>) src(%dma_wait3A_211 : memref<32x128xf32, #tpu.memory_space<hbm>>) dst(%arg16 : memref<32x128xf32, #tpu.memory_space<vmem>>)
        %add3A_212 = arith.constant 7 : i32
        %add3A_213 = arith.addi %mul3A_75, %add3A_212 : i32
        %add3A_214 = arith.constant 8 : i32
        %add3A_215 = arith.addi %add3A_213, %add3A_214 : i32
        %sub3A_216 = arith.constant 1 : i32
        %sub3A_217 = arith.subi %add3A_215, %sub3A_216 : i32
        %lt3A_218 = arith.constant 40 : i32
        %lt3A_219 = arith.cmpi slt, %sub3A_217, %lt3A_218 : i32
        %convert_element_type3A_220 = arith.extui %lt3A_219 : i1 to i32
        %cond3A_221 = arith.constant 0 : i32
        %cond3A_222 = arith.cmpi ne, %convert_element_type3A_220, %cond3A_221 : i32
        scf.if %cond3A_222 {
          %add3A_225 = arith.constant 7 : i32
          %add3A_226 = arith.addi %mul3A_75, %add3A_225 : i32
          %add3A_227 = arith.constant 8 : i32
          %add3A_228 = arith.addi %add3A_226, %add3A_227 : i32
          %sub3A_229 = arith.constant 1 : i32
          %sub3A_230 = arith.subi %add3A_228, %sub3A_229 : i32
          %dma_start3A_231 = arith.constant 0 : i32
          %dma_start3A_232 = tpu.memref_slice %arg7[%sub3A_230, %dma_start3A_231] : memref<40x32xi32, #tpu.memory_space<vmem>> -> memref<1x32xi32, #tpu.memory_space<vmem>>
          %dma_start3A_233 = tpu.memref_squeeze %dma_start3A_232 : memref<1x32xi32, #tpu.memory_space<vmem>> -> memref<32xi32, #tpu.memory_space<vmem>>
          %dma_start3A_234 = arith.constant 0 : i32
          %dma_start3A_235 = arith.constant 0 : i32
          %dma_start3A_236 = tpu.memref_slice %arg2[%dma_start3A_234, %dma_start3A_235] : memref<10000x128xf32, #tpu.memory_space<hbm>> -> memref<10000x128xf32, #tpu.memory_space<hbm>>
          tpu.enqueue_indirect_dma source(%dma_start3A_236 : memref<10000x128xf32, #tpu.memory_space<hbm>>) target(%arg15 : memref<32x128xf32, #tpu.memory_space<vmem>>) offsets(%dma_start3A_233 : memref<32xi32, #tpu.memory_space<vmem>>) semaphore(%arg24 : memref<!tpu.dma_semaphore, #tpu.memory_space<semaphore_mem>>)
        } else {
        }
        %add3A_223 = arith.constant 7 : i32
        %add3A_224 = arith.addi %mul3A_75, %add3A_223 : i32
        "tpu.region"() ({
          %run_scoped3A = tpu.sem_alloc : memref<!tpu.dma_semaphore, #tpu.memory_space<semaphore_mem>>
          %dma_start3A_225 = arith.constant 0 : i32
          %dma_start3A_226 = tpu.memref_slice %arg8[%add3A_224, %dma_start3A_225] : memref<40x32xi32, #tpu.memory_space<vmem>> -> memref<1x32xi32, #tpu.memory_space<vmem>>
          %dma_start3A_227 = tpu.memref_squeeze %dma_start3A_226 : memref<1x32xi32, #tpu.memory_space<vmem>> -> memref<32xi32, #tpu.memory_space<vmem>>
          %dma_start3A_228 = arith.constant 0 : i32
          %dma_start3A_229 = arith.constant 0 : i32
          %dma_start3A_230 = tpu.memref_slice %arg17[%dma_start3A_228, %dma_start3A_229] : memref<10112x128xf32, #tpu.memory_space<vmem_shared>> -> memref<10112x128xf32, #tpu.memory_space<vmem_shared>>
          tpu.enqueue_indirect_dma source(%arg16 : memref<32x128xf32, #tpu.memory_space<vmem>>) target(%dma_start3A_230 : memref<10112x128xf32, #tpu.memory_space<vmem_shared>>) offsets(%dma_start3A_227 : memref<32xi32, #tpu.memory_space<vmem>>) semaphore(%run_scoped3A : memref<!tpu.dma_semaphore, #tpu.memory_space<semaphore_mem>>) {add = true}
          %dma_wait3A_231 = arith.constant 0 : i32
          %dma_wait3A_232 = tpu.memref_slice %arg8[%add3A_224, %dma_wait3A_231] : memref<40x32xi32, #tpu.memory_space<vmem>> -> memref<1x32xi32, #tpu.memory_space<vmem>>
          %dma_wait3A_233 = tpu.memref_squeeze %dma_wait3A_232 : memref<1x32xi32, #tpu.memory_space<vmem>> -> memref<32xi32, #tpu.memory_space<vmem>>
          %dma_wait3A_234 = arith.constant 0 : i32
          %dma_wait3A_235 = arith.constant 0 : i32
          %dma_wait3A_236 = tpu.memref_slice %arg17[%dma_wait3A_234, %dma_wait3A_235] : memref<10112x128xf32, #tpu.memory_space<vmem_shared>> -> memref<10112x128xf32, #tpu.memory_space<vmem_shared>>
          tpu.wait_indirect_dma semaphore(%run_scoped3A : memref<!tpu.dma_semaphore, #tpu.memory_space<semaphore_mem>>) src(%arg16 : memref<32x128xf32, #tpu.memory_space<vmem>>) dst(%dma_wait3A_236 : memref<10112x128xf32, #tpu.memory_space<vmem_shared>>)
          tpu.yield
        }) : () -> ()
      }
      %scan3A_72 = arith.constant 5 : i32
    }
    %scan3A_7 = arith.constant 8 : i32
    %barrier3A_8 = arith.constant 0 : index
    tpu.barrier barrier_id(%barrier3A_8)
    %lt3A = arith.constant 15 : i32
    %lt3A_9 = arith.cmpi slt, %arg1, %lt3A : i32
    %convert_element_type3A = arith.extui %lt3A_9 : i1 to i32
    %cond3A = arith.constant 0 : i32
    %cond3A_10 = arith.cmpi ne, %convert_element_type3A, %cond3A : i32
    scf.if %cond3A_10 {
      %mul3A_15 = arith.constant 632 : i32
      %mul3A_16 = arith.muli %arg1, %mul3A_15 : i32
      %mul3A_17 = arith.constant 10000 : i32
      %mul3A_18 = arith.muli %arg0, %mul3A_17 : i32
      %mul3A_19 = arith.constant 632 : i32
      %mul3A_20 = arith.muli %arg1, %mul3A_19 : i32
      %add3A = arith.addi %mul3A_18, %mul3A_20 : i32
      "tpu.region"() ({
        %run_scoped3A = tpu.sem_alloc : memref<!tpu.dma_semaphore, #tpu.memory_space<semaphore_mem>>
        %dma_start3A = arith.constant 0 : i32
        %dma_start3A_21 = tpu.memref_slice %arg6[%add3A, %dma_start3A] : memref<20000x128xf32, #tpu.memory_space<hbm>> -> memref<632x128xf32, #tpu.memory_space<hbm>>
        %dma_start3A_22 = arith.constant 0 : i32
        %dma_start3A_23 = tpu.memref_slice %arg17[%mul3A_16, %dma_start3A_22] : memref<10112x128xf32, #tpu.memory_space<vmem_shared>> -> memref<632x128xf32, #tpu.memory_space<vmem_shared>>
        tpu.enqueue_dma source(%dma_start3A_23 : memref<632x128xf32, #tpu.memory_space<vmem_shared>>) target(%dma_start3A_21 : memref<632x128xf32, #tpu.memory_space<hbm>>) target_semaphore(%run_scoped3A : memref<!tpu.dma_semaphore, #tpu.memory_space<semaphore_mem>>)
        %dma_wait3A = arith.constant 0 : i32
        %dma_wait3A_24 = tpu.memref_slice %arg6[%add3A, %dma_wait3A] : memref<20000x128xf32, #tpu.memory_space<hbm>> -> memref<632x128xf32, #tpu.memory_space<hbm>>
        %dma_wait3A_25 = arith.constant 0 : i32
        %dma_wait3A_26 = tpu.memref_slice %arg17[%mul3A_16, %dma_wait3A_25] : memref<10112x128xf32, #tpu.memory_space<vmem_shared>> -> memref<632x128xf32, #tpu.memory_space<vmem_shared>>
        tpu.wait_dma2 semaphore(%run_scoped3A : memref<!tpu.dma_semaphore, #tpu.memory_space<semaphore_mem>>) src(%dma_wait3A_26 : memref<632x128xf32, #tpu.memory_space<vmem_shared>>) dst(%dma_wait3A_24 : memref<632x128xf32, #tpu.memory_space<hbm>>)
        tpu.yield
      }) : () -> ()
    } else {
    }
    %eq3A = arith.constant 15 : i32
    %eq3A_11 = arith.cmpi eq, %arg1, %eq3A : i32
    %convert_element_type3A_12 = arith.extui %eq3A_11 : i1 to i32
    %cond3A_13 = arith.constant 0 : i32
    %cond3A_14 = arith.cmpi ne, %convert_element_type3A_12, %cond3A_13 : i32
    scf.if %cond3A_14 {
      %mul3A_15 = arith.constant 10000 : i32
      %mul3A_16 = arith.muli %arg0, %mul3A_15 : i32
      %add3A = arith.constant 9480 : i32
      %add3A_17 = arith.addi %mul3A_16, %add3A : i32
      "tpu.region"() ({
        %run_scoped3A = tpu.sem_alloc : memref<!tpu.dma_semaphore, #tpu.memory_space<semaphore_mem>>
        %dma_start3A = arith.constant 0 : i32
        %dma_start3A_18 = tpu.memref_slice %arg6[%add3A_17, %dma_start3A] : memref<20000x128xf32, #tpu.memory_space<hbm>> -> memref<520x128xf32, #tpu.memory_space<hbm>>
        %dma_start3A_19 = arith.constant 9480 : i32
        %dma_start3A_20 = arith.constant 0 : i32
        %dma_start3A_21 = tpu.memref_slice %arg17[%dma_start3A_19, %dma_start3A_20] : memref<10112x128xf32, #tpu.memory_space<vmem_shared>> -> memref<520x128xf32, #tpu.memory_space<vmem_shared>>
        tpu.enqueue_dma source(%dma_start3A_21 : memref<520x128xf32, #tpu.memory_space<vmem_shared>>) target(%dma_start3A_18 : memref<520x128xf32, #tpu.memory_space<hbm>>) target_semaphore(%run_scoped3A : memref<!tpu.dma_semaphore, #tpu.memory_space<semaphore_mem>>)
        %dma_wait3A = arith.constant 0 : i32
        %dma_wait3A_22 = tpu.memref_slice %arg6[%add3A_17, %dma_wait3A] : memref<20000x128xf32, #tpu.memory_space<hbm>> -> memref<520x128xf32, #tpu.memory_space<hbm>>
        %dma_wait3A_23 = arith.constant 9480 : i32
        %dma_wait3A_24 = arith.constant 0 : i32
        %dma_wait3A_25 = tpu.memref_slice %arg17[%dma_wait3A_23, %dma_wait3A_24] : memref<10112x128xf32, #tpu.memory_space<vmem_shared>> -> memref<520x128xf32, #tpu.memory_space<vmem_shared>>
        tpu.wait_dma2 semaphore(%run_scoped3A : memref<!tpu.dma_semaphore, #tpu.memory_space<semaphore_mem>>) src(%dma_wait3A_25 : memref<520x128xf32, #tpu.memory_space<vmem_shared>>) dst(%dma_wait3A_22 : memref<520x128xf32, #tpu.memory_space<hbm>>)
        tpu.yield
      }) : () -> ()
    } else {
    }
    return
  }
}

#map = affine_map<(d0, d1) -> (0, 0)>
#map1 = affine_map<(d0, d1) -> (0, 0, 0, 0)>
#map2 = affine_map<(d0, d1) -> (0, 0, 0)>
module attributes {stable_mosaic.version = 14 : i64} {
  func.func @body(%arg0: i32, %arg1: i32, %arg2: memref<20000x128xf32, #tpu.memory_space<hbm>>, %arg3: memref<2x16x640x32xi32, #tpu.memory_space<hbm>>, %arg4: memref<16x640x32xi32, #tpu.memory_space<hbm>>, %arg5: memref<10112x128xf32, #tpu.memory_space<hbm>>, %arg6: memref<20000x128xf32, #tpu.memory_space<hbm>>, %arg7: memref<40x32xi32, #tpu.memory_space<vmem>>, %arg8: memref<40x32xi32, #tpu.memory_space<vmem>>, %arg9: memref<32x128xf32, #tpu.memory_space<vmem>>, %arg10: memref<32x128xf32, #tpu.memory_space<vmem>>, %arg11: memref<32x128xf32, #tpu.memory_space<vmem>>, %arg12: memref<32x128xf32, #tpu.memory_space<vmem>>, %arg13: memref<32x128xf32, #tpu.memory_space<vmem>>, %arg14: memref<32x128xf32, #tpu.memory_space<vmem>>, %arg15: memref<32x128xf32, #tpu.memory_space<vmem>>, %arg16: memref<32x128xf32, #tpu.memory_space<vmem>>, %arg17: memref<10112x128xf32, #tpu.memory_space<vmem_shared>>, %arg18: memref<!tpu.dma_semaphore, #tpu.memory_space<semaphore_mem>>, %arg19: memref<!tpu.dma_semaphore, #tpu.memory_space<semaphore_mem>>, %arg20: memref<!tpu.dma_semaphore, #tpu.memory_space<semaphore_mem>>, %arg21: memref<!tpu.dma_semaphore, #tpu.memory_space<semaphore_mem>>, %arg22: memref<!tpu.dma_semaphore, #tpu.memory_space<semaphore_mem>>, %arg23: memref<!tpu.dma_semaphore, #tpu.memory_space<semaphore_mem>>, %arg24: memref<!tpu.dma_semaphore, #tpu.memory_space<semaphore_mem>>, %arg25: memref<!tpu.dma_semaphore, #tpu.memory_space<semaphore_mem>>) attributes {dimension_semantics = [#tpu.dimension_semantics<core_parallel>, #tpu.dimension_semantics<subcore_parallel>], iteration_bounds = array<i64: 2, 16>, scalar_prefetch = 0 : i64, scratch_operands = 19 : i64, tpu.core_type = #tpu.core_type<sc_vector_subcore>, window_params = [{transform_indices = #map}, {transform_indices = #map1}, {transform_indices = #map2}, {transform_indices = #map}, {transform_indices = #map}]} {
    %mul3A = arith.constant 632 : i32
    %mul3A_0 = arith.muli %arg1, %mul3A : i32
    %mul3A_1 = arith.constant 632 : i32
    %mul3A_2 = arith.muli %arg1, %mul3A_1 : i32
    "tpu.region"() ({
      %run_scoped3A = tpu.sem_alloc : memref<!tpu.dma_semaphore, #tpu.memory_space<semaphore_mem>>
      %dma_start3A = arith.constant 0 : i32
      %dma_start3A_15 = tpu.memref_slice %arg17[%mul3A_2, %dma_start3A] : memref<10112x128xf32, #tpu.memory_space<vmem_shared>> -> memref<632x128xf32, #tpu.memory_space<vmem_shared>>
      %dma_start3A_16 = arith.constant 0 : i32
      %dma_start3A_17 = tpu.memref_slice %arg5[%mul3A_0, %dma_start3A_16] : memref<10112x128xf32, #tpu.memory_space<hbm>> -> memref<632x128xf32, #tpu.memory_space<hbm>>
      tpu.enqueue_dma source(%dma_start3A_17 : memref<632x128xf32, #tpu.memory_space<hbm>>) target(%dma_start3A_15 : memref<632x128xf32, #tpu.memory_space<vmem_shared>>) target_semaphore(%run_scoped3A : memref<!tpu.dma_semaphore, #tpu.memory_space<semaphore_mem>>)
      %dma_wait3A = arith.constant 0 : i32
      %dma_wait3A_18 = tpu.memref_slice %arg17[%mul3A_2, %dma_wait3A] : memref<10112x128xf32, #tpu.memory_space<vmem_shared>> -> memref<632x128xf32, #tpu.memory_space<vmem_shared>>
      %dma_wait3A_19 = arith.constant 0 : i32
      %dma_wait3A_20 = tpu.memref_slice %arg5[%mul3A_0, %dma_wait3A_19] : memref<10112x128xf32, #tpu.memory_space<hbm>> -> memref<632x128xf32, #tpu.memory_space<hbm>>
      tpu.wait_dma2 semaphore(%run_scoped3A : memref<!tpu.dma_semaphore, #tpu.memory_space<semaphore_mem>>) src(%dma_wait3A_20 : memref<632x128xf32, #tpu.memory_space<hbm>>) dst(%dma_wait3A_18 : memref<632x128xf32, #tpu.memory_space<vmem_shared>>)
      tpu.yield
    }) : () -> ()
    %barrier3A = arith.constant 0 : index
    tpu.barrier barrier_id(%barrier3A)
    %scan3A = arith.constant 0 : i32
    %scan3A_3 = arith.constant 0 : i32
    %scan3A_4 = arith.constant 16 : i32
    %scan3A_5 = arith.addi %scan3A_3, %scan3A_4 : i32
    %scan3A_6 = arith.constant 1 : i32
    scf.for %scan3A_15 = %scan3A_3 to %scan3A_5 step %scan3A_6  : i32 {
      %mul3A_16 = arith.constant 40 : i32
      %mul3A_17 = arith.muli %scan3A_15, %mul3A_16 : i32
      "tpu.region"() ({
        %run_scoped3A = tpu.sem_alloc : memref<!tpu.dma_semaphore, #tpu.memory_space<semaphore_mem>>
        %dma_start3A_73 = arith.constant 0 : i32
        %dma_start3A_74 = tpu.memref_slice %arg3[%arg0, %arg1, %mul3A_17, %dma_start3A_73] : memref<2x16x640x32xi32, #tpu.memory_space<hbm>> -> memref<1x1x40x32xi32, #tpu.memory_space<hbm>>
        %dma_start3A_75 = tpu.memref_squeeze %dma_start3A_74 : memref<1x1x40x32xi32, #tpu.memory_space<hbm>> -> memref<40x32xi32, #tpu.memory_space<hbm>>
        %dma_start3A_76 = arith.constant 0 : i32
        %dma_start3A_77 = tpu.memref_slice %arg3[%arg0, %arg1, %mul3A_17, %dma_start3A_76] : memref<2x16x640x32xi32, #tpu.memory_space<hbm>> -> memref<1x1x40x32xi32, #tpu.memory_space<hbm>>
        %dma_start3A_78 = tpu.memref_squeeze %dma_start3A_77 : memref<1x1x40x32xi32, #tpu.memory_space<hbm>> -> memref<40x32xi32, #tpu.memory_space<hbm>>
        tpu.enqueue_dma source(%dma_start3A_78 : memref<40x32xi32, #tpu.memory_space<hbm>>) target(%arg7 : memref<40x32xi32, #tpu.memory_space<vmem>>) target_semaphore(%run_scoped3A : memref<!tpu.dma_semaphore, #tpu.memory_space<semaphore_mem>>)
        %dma_wait3A = arith.constant 0 : i32
        %dma_wait3A_79 = tpu.memref_slice %arg3[%arg0, %arg1, %mul3A_17, %dma_wait3A] : memref<2x16x640x32xi32, #tpu.memory_space<hbm>> -> memref<1x1x40x32xi32, #tpu.memory_space<hbm>>
        %dma_wait3A_80 = tpu.memref_squeeze %dma_wait3A_79 : memref<1x1x40x32xi32, #tpu.memory_space<hbm>> -> memref<40x32xi32, #tpu.memory_space<hbm>>
        %dma_wait3A_81 = arith.constant 0 : i32
        %dma_wait3A_82 = tpu.memref_slice %arg3[%arg0, %arg1, %mul3A_17, %dma_wait3A_81] : memref<2x16x640x32xi32, #tpu.memory_space<hbm>> -> memref<1x1x40x32xi32, #tpu.memory_space<hbm>>
        %dma_wait3A_83 = tpu.memref_squeeze %dma_wait3A_82 : memref<1x1x40x32xi32, #tpu.memory_space<hbm>> -> memref<40x32xi32, #tpu.memory_space<hbm>>
        tpu.wait_dma2 semaphore(%run_scoped3A : memref<!tpu.dma_semaphore, #tpu.memory_space<semaphore_mem>>) src(%dma_wait3A_83 : memref<40x32xi32, #tpu.memory_space<hbm>>) dst(%arg7 : memref<40x32xi32, #tpu.memory_space<vmem>>)
        tpu.yield
      }) : () -> ()
      %mul3A_18 = arith.constant 40 : i32
      %mul3A_19 = arith.muli %scan3A_15, %mul3A_18 : i32
      "tpu.region"() ({
        %run_scoped3A = tpu.sem_alloc : memref<!tpu.dma_semaphore, #tpu.memory_space<semaphore_mem>>
        %dma_start3A_73 = arith.constant 0 : i32
        %dma_start3A_74 = tpu.memref_slice %arg4[%arg1, %mul3A_19, %dma_start3A_73] : memref<16x640x32xi32, #tpu.memory_space<hbm>> -> memref<1x40x32xi32, #tpu.memory_space<hbm>>
        %dma_start3A_75 = tpu.memref_squeeze %dma_start3A_74 : memref<1x40x32xi32, #tpu.memory_space<hbm>> -> memref<40x32xi32, #tpu.memory_space<hbm>>
        %dma_start3A_76 = arith.constant 0 : i32
        %dma_start3A_77 = tpu.memref_slice %arg4[%arg1, %mul3A_19, %dma_start3A_76] : memref<16x640x32xi32, #tpu.memory_space<hbm>> -> memref<1x40x32xi32, #tpu.memory_space<hbm>>
        %dma_start3A_78 = tpu.memref_squeeze %dma_start3A_77 : memref<1x40x32xi32, #tpu.memory_space<hbm>> -> memref<40x32xi32, #tpu.memory_space<hbm>>
        tpu.enqueue_dma source(%dma_start3A_78 : memref<40x32xi32, #tpu.memory_space<hbm>>) target(%arg8 : memref<40x32xi32, #tpu.memory_space<vmem>>) target_semaphore(%run_scoped3A : memref<!tpu.dma_semaphore, #tpu.memory_space<semaphore_mem>>)
        %dma_wait3A = arith.constant 0 : i32
        %dma_wait3A_79 = tpu.memref_slice %arg4[%arg1, %mul3A_19, %dma_wait3A] : memref<16x640x32xi32, #tpu.memory_space<hbm>> -> memref<1x40x32xi32, #tpu.memory_space<hbm>>
        %dma_wait3A_80 = tpu.memref_squeeze %dma_wait3A_79 : memref<1x40x32xi32, #tpu.memory_space<hbm>> -> memref<40x32xi32, #tpu.memory_space<hbm>>
        %dma_wait3A_81 = arith.constant 0 : i32
        %dma_wait3A_82 = tpu.memref_slice %arg4[%arg1, %mul3A_19, %dma_wait3A_81] : memref<16x640x32xi32, #tpu.memory_space<hbm>> -> memref<1x40x32xi32, #tpu.memory_space<hbm>>
        %dma_wait3A_83 = tpu.memref_squeeze %dma_wait3A_82 : memref<1x40x32xi32, #tpu.memory_space<hbm>> -> memref<40x32xi32, #tpu.memory_space<hbm>>
        tpu.wait_dma2 semaphore(%run_scoped3A : memref<!tpu.dma_semaphore, #tpu.memory_space<semaphore_mem>>) src(%dma_wait3A_83 : memref<40x32xi32, #tpu.memory_space<hbm>>) dst(%arg8 : memref<40x32xi32, #tpu.memory_space<vmem>>)
        tpu.yield
      }) : () -> ()
      %dma_start3A = arith.constant 0 : i32
      %dma_start3A_20 = arith.constant 0 : i32
      %dma_start3A_21 = tpu.memref_slice %arg7[%dma_start3A, %dma_start3A_20] : memref<40x32xi32, #tpu.memory_space<vmem>> -> memref<1x32xi32, #tpu.memory_space<vmem>>
      %dma_start3A_22 = tpu.memref_squeeze %dma_start3A_21 : memref<1x32xi32, #tpu.memory_space<vmem>> -> memref<32xi32, #tpu.memory_space<vmem>>
      %dma_start3A_23 = arith.constant 0 : i32
      %dma_start3A_24 = arith.constant 0 : i32
      %dma_start3A_25 = tpu.memref_slice %arg2[%dma_start3A_23, %dma_start3A_24] : memref<20000x128xf32, #tpu.memory_space<hbm>> -> memref<20000x128xf32, #tpu.memory_space<hbm>>
      tpu.enqueue_indirect_dma source(%dma_start3A_25 : memref<20000x128xf32, #tpu.memory_space<hbm>>) target(%arg9 : memref<32x128xf32, #tpu.memory_space<vmem>>) offsets(%dma_start3A_22 : memref<32xi32, #tpu.memory_space<vmem>>) semaphore(%arg18 : memref<!tpu.dma_semaphore, #tpu.memory_space<semaphore_mem>>)
      %dma_start3A_26 = arith.constant 1 : i32
      %dma_start3A_27 = arith.constant 0 : i32
      %dma_start3A_28 = tpu.memref_slice %arg7[%dma_start3A_26, %dma_start3A_27] : memref<40x32xi32, #tpu.memory_space<vmem>> -> memref<1x32xi32, #tpu.memory_space<vmem>>
      %dma_start3A_29 = tpu.memref_squeeze %dma_start3A_28 : memref<1x32xi32, #tpu.memory_space<vmem>> -> memref<32xi32, #tpu.memory_space<vmem>>
      %dma_start3A_30 = arith.constant 0 : i32
      %dma_start3A_31 = arith.constant 0 : i32
      %dma_start3A_32 = tpu.memref_slice %arg2[%dma_start3A_30, %dma_start3A_31] : memref<20000x128xf32, #tpu.memory_space<hbm>> -> memref<20000x128xf32, #tpu.memory_space<hbm>>
      tpu.enqueue_indirect_dma source(%dma_start3A_32 : memref<20000x128xf32, #tpu.memory_space<hbm>>) target(%arg10 : memref<32x128xf32, #tpu.memory_space<vmem>>) offsets(%dma_start3A_29 : memref<32xi32, #tpu.memory_space<vmem>>) semaphore(%arg19 : memref<!tpu.dma_semaphore, #tpu.memory_space<semaphore_mem>>)
      %dma_start3A_33 = arith.constant 2 : i32
      %dma_start3A_34 = arith.constant 0 : i32
      %dma_start3A_35 = tpu.memref_slice %arg7[%dma_start3A_33, %dma_start3A_34] : memref<40x32xi32, #tpu.memory_space<vmem>> -> memref<1x32xi32, #tpu.memory_space<vmem>>
      %dma_start3A_36 = tpu.memref_squeeze %dma_start3A_35 : memref<1x32xi32, #tpu.memory_space<vmem>> -> memref<32xi32, #tpu.memory_space<vmem>>
      %dma_start3A_37 = arith.constant 0 : i32
      %dma_start3A_38 = arith.constant 0 : i32
      %dma_start3A_39 = tpu.memref_slice %arg2[%dma_start3A_37, %dma_start3A_38] : memref<20000x128xf32, #tpu.memory_space<hbm>> -> memref<20000x128xf32, #tpu.memory_space<hbm>>
      tpu.enqueue_indirect_dma source(%dma_start3A_39 : memref<20000x128xf32, #tpu.memory_space<hbm>>) target(%arg11 : memref<32x128xf32, #tpu.memory_space<vmem>>) offsets(%dma_start3A_36 : memref<32xi32, #tpu.memory_space<vmem>>) semaphore(%arg20 : memref<!tpu.dma_semaphore, #tpu.memory_space<semaphore_mem>>)
      %dma_start3A_40 = arith.constant 3 : i32
      %dma_start3A_41 = arith.constant 0 : i32
      %dma_start3A_42 = tpu.memref_slice %arg7[%dma_start3A_40, %dma_start3A_41] : memref<40x32xi32, #tpu.memory_space<vmem>> -> memref<1x32xi32, #tpu.memory_space<vmem>>
      %dma_start3A_43 = tpu.memref_squeeze %dma_start3A_42 : memref<1x32xi32, #tpu.memory_space<vmem>> -> memref<32xi32, #tpu.memory_space<vmem>>
      %dma_start3A_44 = arith.constant 0 : i32
      %dma_start3A_45 = arith.constant 0 : i32
      %dma_start3A_46 = tpu.memref_slice %arg2[%dma_start3A_44, %dma_start3A_45] : memref<20000x128xf32, #tpu.memory_space<hbm>> -> memref<20000x128xf32, #tpu.memory_space<hbm>>
      tpu.enqueue_indirect_dma source(%dma_start3A_46 : memref<20000x128xf32, #tpu.memory_space<hbm>>) target(%arg12 : memref<32x128xf32, #tpu.memory_space<vmem>>) offsets(%dma_start3A_43 : memref<32xi32, #tpu.memory_space<vmem>>) semaphore(%arg21 : memref<!tpu.dma_semaphore, #tpu.memory_space<semaphore_mem>>)
      %dma_start3A_47 = arith.constant 4 : i32
      %dma_start3A_48 = arith.constant 0 : i32
      %dma_start3A_49 = tpu.memref_slice %arg7[%dma_start3A_47, %dma_start3A_48] : memref<40x32xi32, #tpu.memory_space<vmem>> -> memref<1x32xi32, #tpu.memory_space<vmem>>
      %dma_start3A_50 = tpu.memref_squeeze %dma_start3A_49 : memref<1x32xi32, #tpu.memory_space<vmem>> -> memref<32xi32, #tpu.memory_space<vmem>>
      %dma_start3A_51 = arith.constant 0 : i32
      %dma_start3A_52 = arith.constant 0 : i32
      %dma_start3A_53 = tpu.memref_slice %arg2[%dma_start3A_51, %dma_start3A_52] : memref<20000x128xf32, #tpu.memory_space<hbm>> -> memref<20000x128xf32, #tpu.memory_space<hbm>>
      tpu.enqueue_indirect_dma source(%dma_start3A_53 : memref<20000x128xf32, #tpu.memory_space<hbm>>) target(%arg13 : memref<32x128xf32, #tpu.memory_space<vmem>>) offsets(%dma_start3A_50 : memref<32xi32, #tpu.memory_space<vmem>>) semaphore(%arg22 : memref<!tpu.dma_semaphore, #tpu.memory_space<semaphore_mem>>)
      %dma_start3A_54 = arith.constant 5 : i32
      %dma_start3A_55 = arith.constant 0 : i32
      %dma_start3A_56 = tpu.memref_slice %arg7[%dma_start3A_54, %dma_start3A_55] : memref<40x32xi32, #tpu.memory_space<vmem>> -> memref<1x32xi32, #tpu.memory_space<vmem>>
      %dma_start3A_57 = tpu.memref_squeeze %dma_start3A_56 : memref<1x32xi32, #tpu.memory_space<vmem>> -> memref<32xi32, #tpu.memory_space<vmem>>
      %dma_start3A_58 = arith.constant 0 : i32
      %dma_start3A_59 = arith.constant 0 : i32
      %dma_start3A_60 = tpu.memref_slice %arg2[%dma_start3A_58, %dma_start3A_59] : memref<20000x128xf32, #tpu.memory_space<hbm>> -> memref<20000x128xf32, #tpu.memory_space<hbm>>
      tpu.enqueue_indirect_dma source(%dma_start3A_60 : memref<20000x128xf32, #tpu.memory_space<hbm>>) target(%arg14 : memref<32x128xf32, #tpu.memory_space<vmem>>) offsets(%dma_start3A_57 : memref<32xi32, #tpu.memory_space<vmem>>) semaphore(%arg23 : memref<!tpu.dma_semaphore, #tpu.memory_space<semaphore_mem>>)
      %dma_start3A_61 = arith.constant 6 : i32
      %dma_start3A_62 = arith.constant 0 : i32
      %dma_start3A_63 = tpu.memref_slice %arg7[%dma_start3A_61, %dma_start3A_62] : memref<40x32xi32, #tpu.memory_space<vmem>> -> memref<1x32xi32, #tpu.memory_space<vmem>>
      %dma_start3A_64 = tpu.memref_squeeze %dma_start3A_63 : memref<1x32xi32, #tpu.memory_space<vmem>> -> memref<32xi32, #tpu.memory_space<vmem>>
      %dma_start3A_65 = arith.constant 0 : i32
      %dma_start3A_66 = arith.constant 0 : i32
      %dma_start3A_67 = tpu.memref_slice %arg2[%dma_start3A_65, %dma_start3A_66] : memref<20000x128xf32, #tpu.memory_space<hbm>> -> memref<20000x128xf32, #tpu.memory_space<hbm>>
      tpu.enqueue_indirect_dma source(%dma_start3A_67 : memref<20000x128xf32, #tpu.memory_space<hbm>>) target(%arg15 : memref<32x128xf32, #tpu.memory_space<vmem>>) offsets(%dma_start3A_64 : memref<32xi32, #tpu.memory_space<vmem>>) semaphore(%arg24 : memref<!tpu.dma_semaphore, #tpu.memory_space<semaphore_mem>>)
      %scan3A_68 = arith.constant 0 : i32
      %scan3A_69 = arith.constant 5 : i32
      %scan3A_70 = arith.addi %scan3A_68, %scan3A_69 : i32
      %scan3A_71 = arith.constant 1 : i32
      scf.for %scan3A_73 = %scan3A_68 to %scan3A_70 step %scan3A_71  : i32 {
        %mul3A_74 = arith.constant 8 : i32
        %mul3A_75 = arith.muli %mul3A_74, %scan3A_73 : i32
        %dma_wait3A = arith.constant 0 : i32
        %dma_wait3A_76 = arith.constant 0 : i32
        %dma_wait3A_77 = tpu.memref_slice %arg2[%dma_wait3A, %dma_wait3A_76] : memref<20000x128xf32, #tpu.memory_space<hbm>> -> memref<32x128xf32, #tpu.memory_space<hbm>>
        %dma_wait3A_78 = arith.constant 0 : i32
        %dma_wait3A_79 = arith.constant 0 : i32
        %dma_wait3A_80 = tpu.memref_slice %arg2[%dma_wait3A_78, %dma_wait3A_79] : memref<20000x128xf32, #tpu.memory_space<hbm>> -> memref<32x128xf32, #tpu.memory_space<hbm>>
        tpu.wait_dma2 semaphore(%arg18 : memref<!tpu.dma_semaphore, #tpu.memory_space<semaphore_mem>>) src(%dma_wait3A_80 : memref<32x128xf32, #tpu.memory_space<hbm>>) dst(%arg9 : memref<32x128xf32, #tpu.memory_space<vmem>>)
        %add3A = arith.constant 0 : i32
        %add3A_81 = arith.addi %mul3A_75, %add3A : i32
        %add3A_82 = arith.constant 8 : i32
        %add3A_83 = arith.addi %add3A_81, %add3A_82 : i32
        %sub3A = arith.constant 1 : i32
        %sub3A_84 = arith.subi %add3A_83, %sub3A : i32
        %lt3A_85 = arith.constant 40 : i32
        %lt3A_86 = arith.cmpi slt, %sub3A_84, %lt3A_85 : i32
        %convert_element_type3A_87 = arith.extui %lt3A_86 : i1 to i32
        %cond3A_88 = arith.constant 0 : i32
        %cond3A_89 = arith.cmpi ne, %convert_element_type3A_87, %cond3A_88 : i32
        scf.if %cond3A_89 {
          %add3A_225 = arith.constant 0 : i32
          %add3A_226 = arith.addi %mul3A_75, %add3A_225 : i32
          %add3A_227 = arith.constant 8 : i32
          %add3A_228 = arith.addi %add3A_226, %add3A_227 : i32
          %sub3A_229 = arith.constant 1 : i32
          %sub3A_230 = arith.subi %add3A_228, %sub3A_229 : i32
          %dma_start3A_231 = arith.constant 0 : i32
          %dma_start3A_232 = tpu.memref_slice %arg7[%sub3A_230, %dma_start3A_231] : memref<40x32xi32, #tpu.memory_space<vmem>> -> memref<1x32xi32, #tpu.memory_space<vmem>>
          %dma_start3A_233 = tpu.memref_squeeze %dma_start3A_232 : memref<1x32xi32, #tpu.memory_space<vmem>> -> memref<32xi32, #tpu.memory_space<vmem>>
          %dma_start3A_234 = arith.constant 0 : i32
          %dma_start3A_235 = arith.constant 0 : i32
          %dma_start3A_236 = tpu.memref_slice %arg2[%dma_start3A_234, %dma_start3A_235] : memref<20000x128xf32, #tpu.memory_space<hbm>> -> memref<20000x128xf32, #tpu.memory_space<hbm>>
          tpu.enqueue_indirect_dma source(%dma_start3A_236 : memref<20000x128xf32, #tpu.memory_space<hbm>>) target(%arg16 : memref<32x128xf32, #tpu.memory_space<vmem>>) offsets(%dma_start3A_233 : memref<32xi32, #tpu.memory_space<vmem>>) semaphore(%arg25 : memref<!tpu.dma_semaphore, #tpu.memory_space<semaphore_mem>>)
        } else {
        }
        %add3A_90 = arith.constant 0 : i32
        %add3A_91 = arith.addi %mul3A_75, %add3A_90 : i32
        "tpu.region"() ({
          %run_scoped3A = tpu.sem_alloc : memref<!tpu.dma_semaphore, #tpu.memory_space<semaphore_mem>>
          %dma_start3A_225 = arith.constant 0 : i32
          %dma_start3A_226 = tpu.memref_slice %arg8[%add3A_91, %dma_start3A_225] : memref<40x32xi32, #tpu.memory_space<vmem>> -> memref<1x32xi32, #tpu.memory_space<vmem>>
          %dma_start3A_227 = tpu.memref_squeeze %dma_start3A_226 : memref<1x32xi32, #tpu.memory_space<vmem>> -> memref<32xi32, #tpu.memory_space<vmem>>
          %dma_start3A_228 = arith.constant 0 : i32
          %dma_start3A_229 = arith.constant 0 : i32
          %dma_start3A_230 = tpu.memref_slice %arg17[%dma_start3A_228, %dma_start3A_229] : memref<10112x128xf32, #tpu.memory_space<vmem_shared>> -> memref<10112x128xf32, #tpu.memory_space<vmem_shared>>
          tpu.enqueue_indirect_dma source(%arg9 : memref<32x128xf32, #tpu.memory_space<vmem>>) target(%dma_start3A_230 : memref<10112x128xf32, #tpu.memory_space<vmem_shared>>) offsets(%dma_start3A_227 : memref<32xi32, #tpu.memory_space<vmem>>) semaphore(%run_scoped3A : memref<!tpu.dma_semaphore, #tpu.memory_space<semaphore_mem>>) {add = true}
          %dma_wait3A_231 = arith.constant 0 : i32
          %dma_wait3A_232 = tpu.memref_slice %arg8[%add3A_91, %dma_wait3A_231] : memref<40x32xi32, #tpu.memory_space<vmem>> -> memref<1x32xi32, #tpu.memory_space<vmem>>
          %dma_wait3A_233 = tpu.memref_squeeze %dma_wait3A_232 : memref<1x32xi32, #tpu.memory_space<vmem>> -> memref<32xi32, #tpu.memory_space<vmem>>
          %dma_wait3A_234 = arith.constant 0 : i32
          %dma_wait3A_235 = arith.constant 0 : i32
          %dma_wait3A_236 = tpu.memref_slice %arg17[%dma_wait3A_234, %dma_wait3A_235] : memref<10112x128xf32, #tpu.memory_space<vmem_shared>> -> memref<10112x128xf32, #tpu.memory_space<vmem_shared>>
          tpu.wait_indirect_dma semaphore(%run_scoped3A : memref<!tpu.dma_semaphore, #tpu.memory_space<semaphore_mem>>) src(%arg9 : memref<32x128xf32, #tpu.memory_space<vmem>>) dst(%dma_wait3A_236 : memref<10112x128xf32, #tpu.memory_space<vmem_shared>>)
          tpu.yield
        }) : () -> ()
        %dma_wait3A_92 = arith.constant 0 : i32
        %dma_wait3A_93 = arith.constant 0 : i32
        %dma_wait3A_94 = tpu.memref_slice %arg2[%dma_wait3A_92, %dma_wait3A_93] : memref<20000x128xf32, #tpu.memory_space<hbm>> -> memref<32x128xf32, #tpu.memory_space<hbm>>
        %dma_wait3A_95 = arith.constant 0 : i32
        %dma_wait3A_96 = arith.constant 0 : i32
        %dma_wait3A_97 = tpu.memref_slice %arg2[%dma_wait3A_95, %dma_wait3A_96] : memref<20000x128xf32, #tpu.memory_space<hbm>> -> memref<32x128xf32, #tpu.memory_space<hbm>>
        tpu.wait_dma2 semaphore(%arg19 : memref<!tpu.dma_semaphore, #tpu.memory_space<semaphore_mem>>) src(%dma_wait3A_97 : memref<32x128xf32, #tpu.memory_space<hbm>>) dst(%arg10 : memref<32x128xf32, #tpu.memory_space<vmem>>)
        %add3A_98 = arith.constant 1 : i32
        %add3A_99 = arith.addi %mul3A_75, %add3A_98 : i32
        %add3A_100 = arith.constant 8 : i32
        %add3A_101 = arith.addi %add3A_99, %add3A_100 : i32
        %sub3A_102 = arith.constant 1 : i32
        %sub3A_103 = arith.subi %add3A_101, %sub3A_102 : i32
        %lt3A_104 = arith.constant 40 : i32
        %lt3A_105 = arith.cmpi slt, %sub3A_103, %lt3A_104 : i32
        %convert_element_type3A_106 = arith.extui %lt3A_105 : i1 to i32
        %cond3A_107 = arith.constant 0 : i32
        %cond3A_108 = arith.cmpi ne, %convert_element_type3A_106, %cond3A_107 : i32
        scf.if %cond3A_108 {
          %add3A_225 = arith.constant 1 : i32
          %add3A_226 = arith.addi %mul3A_75, %add3A_225 : i32
          %add3A_227 = arith.constant 8 : i32
          %add3A_228 = arith.addi %add3A_226, %add3A_227 : i32
          %sub3A_229 = arith.constant 1 : i32
          %sub3A_230 = arith.subi %add3A_228, %sub3A_229 : i32
          %dma_start3A_231 = arith.constant 0 : i32
          %dma_start3A_232 = tpu.memref_slice %arg7[%sub3A_230, %dma_start3A_231] : memref<40x32xi32, #tpu.memory_space<vmem>> -> memref<1x32xi32, #tpu.memory_space<vmem>>
          %dma_start3A_233 = tpu.memref_squeeze %dma_start3A_232 : memref<1x32xi32, #tpu.memory_space<vmem>> -> memref<32xi32, #tpu.memory_space<vmem>>
          %dma_start3A_234 = arith.constant 0 : i32
          %dma_start3A_235 = arith.constant 0 : i32
          %dma_start3A_236 = tpu.memref_slice %arg2[%dma_start3A_234, %dma_start3A_235] : memref<20000x128xf32, #tpu.memory_space<hbm>> -> memref<20000x128xf32, #tpu.memory_space<hbm>>
          tpu.enqueue_indirect_dma source(%dma_start3A_236 : memref<20000x128xf32, #tpu.memory_space<hbm>>) target(%arg9 : memref<32x128xf32, #tpu.memory_space<vmem>>) offsets(%dma_start3A_233 : memref<32xi32, #tpu.memory_space<vmem>>) semaphore(%arg18 : memref<!tpu.dma_semaphore, #tpu.memory_space<semaphore_mem>>)
        } else {
        }
        %add3A_109 = arith.constant 1 : i32
        %add3A_110 = arith.addi %mul3A_75, %add3A_109 : i32
        "tpu.region"() ({
          %run_scoped3A = tpu.sem_alloc : memref<!tpu.dma_semaphore, #tpu.memory_space<semaphore_mem>>
          %dma_start3A_225 = arith.constant 0 : i32
          %dma_start3A_226 = tpu.memref_slice %arg8[%add3A_110, %dma_start3A_225] : memref<40x32xi32, #tpu.memory_space<vmem>> -> memref<1x32xi32, #tpu.memory_space<vmem>>
          %dma_start3A_227 = tpu.memref_squeeze %dma_start3A_226 : memref<1x32xi32, #tpu.memory_space<vmem>> -> memref<32xi32, #tpu.memory_space<vmem>>
          %dma_start3A_228 = arith.constant 0 : i32
          %dma_start3A_229 = arith.constant 0 : i32
          %dma_start3A_230 = tpu.memref_slice %arg17[%dma_start3A_228, %dma_start3A_229] : memref<10112x128xf32, #tpu.memory_space<vmem_shared>> -> memref<10112x128xf32, #tpu.memory_space<vmem_shared>>
          tpu.enqueue_indirect_dma source(%arg10 : memref<32x128xf32, #tpu.memory_space<vmem>>) target(%dma_start3A_230 : memref<10112x128xf32, #tpu.memory_space<vmem_shared>>) offsets(%dma_start3A_227 : memref<32xi32, #tpu.memory_space<vmem>>) semaphore(%run_scoped3A : memref<!tpu.dma_semaphore, #tpu.memory_space<semaphore_mem>>) {add = true}
          %dma_wait3A_231 = arith.constant 0 : i32
          %dma_wait3A_232 = tpu.memref_slice %arg8[%add3A_110, %dma_wait3A_231] : memref<40x32xi32, #tpu.memory_space<vmem>> -> memref<1x32xi32, #tpu.memory_space<vmem>>
          %dma_wait3A_233 = tpu.memref_squeeze %dma_wait3A_232 : memref<1x32xi32, #tpu.memory_space<vmem>> -> memref<32xi32, #tpu.memory_space<vmem>>
          %dma_wait3A_234 = arith.constant 0 : i32
          %dma_wait3A_235 = arith.constant 0 : i32
          %dma_wait3A_236 = tpu.memref_slice %arg17[%dma_wait3A_234, %dma_wait3A_235] : memref<10112x128xf32, #tpu.memory_space<vmem_shared>> -> memref<10112x128xf32, #tpu.memory_space<vmem_shared>>
          tpu.wait_indirect_dma semaphore(%run_scoped3A : memref<!tpu.dma_semaphore, #tpu.memory_space<semaphore_mem>>) src(%arg10 : memref<32x128xf32, #tpu.memory_space<vmem>>) dst(%dma_wait3A_236 : memref<10112x128xf32, #tpu.memory_space<vmem_shared>>)
          tpu.yield
        }) : () -> ()
        %dma_wait3A_111 = arith.constant 0 : i32
        %dma_wait3A_112 = arith.constant 0 : i32
        %dma_wait3A_113 = tpu.memref_slice %arg2[%dma_wait3A_111, %dma_wait3A_112] : memref<20000x128xf32, #tpu.memory_space<hbm>> -> memref<32x128xf32, #tpu.memory_space<hbm>>
        %dma_wait3A_114 = arith.constant 0 : i32
        %dma_wait3A_115 = arith.constant 0 : i32
        %dma_wait3A_116 = tpu.memref_slice %arg2[%dma_wait3A_114, %dma_wait3A_115] : memref<20000x128xf32, #tpu.memory_space<hbm>> -> memref<32x128xf32, #tpu.memory_space<hbm>>
        tpu.wait_dma2 semaphore(%arg20 : memref<!tpu.dma_semaphore, #tpu.memory_space<semaphore_mem>>) src(%dma_wait3A_116 : memref<32x128xf32, #tpu.memory_space<hbm>>) dst(%arg11 : memref<32x128xf32, #tpu.memory_space<vmem>>)
        %add3A_117 = arith.constant 2 : i32
        %add3A_118 = arith.addi %mul3A_75, %add3A_117 : i32
        %add3A_119 = arith.constant 8 : i32
        %add3A_120 = arith.addi %add3A_118, %add3A_119 : i32
        %sub3A_121 = arith.constant 1 : i32
        %sub3A_122 = arith.subi %add3A_120, %sub3A_121 : i32
        %lt3A_123 = arith.constant 40 : i32
        %lt3A_124 = arith.cmpi slt, %sub3A_122, %lt3A_123 : i32
        %convert_element_type3A_125 = arith.extui %lt3A_124 : i1 to i32
        %cond3A_126 = arith.constant 0 : i32
        %cond3A_127 = arith.cmpi ne, %convert_element_type3A_125, %cond3A_126 : i32
        scf.if %cond3A_127 {
          %add3A_225 = arith.constant 2 : i32
          %add3A_226 = arith.addi %mul3A_75, %add3A_225 : i32
          %add3A_227 = arith.constant 8 : i32
          %add3A_228 = arith.addi %add3A_226, %add3A_227 : i32
          %sub3A_229 = arith.constant 1 : i32
          %sub3A_230 = arith.subi %add3A_228, %sub3A_229 : i32
          %dma_start3A_231 = arith.constant 0 : i32
          %dma_start3A_232 = tpu.memref_slice %arg7[%sub3A_230, %dma_start3A_231] : memref<40x32xi32, #tpu.memory_space<vmem>> -> memref<1x32xi32, #tpu.memory_space<vmem>>
          %dma_start3A_233 = tpu.memref_squeeze %dma_start3A_232 : memref<1x32xi32, #tpu.memory_space<vmem>> -> memref<32xi32, #tpu.memory_space<vmem>>
          %dma_start3A_234 = arith.constant 0 : i32
          %dma_start3A_235 = arith.constant 0 : i32
          %dma_start3A_236 = tpu.memref_slice %arg2[%dma_start3A_234, %dma_start3A_235] : memref<20000x128xf32, #tpu.memory_space<hbm>> -> memref<20000x128xf32, #tpu.memory_space<hbm>>
          tpu.enqueue_indirect_dma source(%dma_start3A_236 : memref<20000x128xf32, #tpu.memory_space<hbm>>) target(%arg10 : memref<32x128xf32, #tpu.memory_space<vmem>>) offsets(%dma_start3A_233 : memref<32xi32, #tpu.memory_space<vmem>>) semaphore(%arg19 : memref<!tpu.dma_semaphore, #tpu.memory_space<semaphore_mem>>)
        } else {
        }
        %add3A_128 = arith.constant 2 : i32
        %add3A_129 = arith.addi %mul3A_75, %add3A_128 : i32
        "tpu.region"() ({
          %run_scoped3A = tpu.sem_alloc : memref<!tpu.dma_semaphore, #tpu.memory_space<semaphore_mem>>
          %dma_start3A_225 = arith.constant 0 : i32
          %dma_start3A_226 = tpu.memref_slice %arg8[%add3A_129, %dma_start3A_225] : memref<40x32xi32, #tpu.memory_space<vmem>> -> memref<1x32xi32, #tpu.memory_space<vmem>>
          %dma_start3A_227 = tpu.memref_squeeze %dma_start3A_226 : memref<1x32xi32, #tpu.memory_space<vmem>> -> memref<32xi32, #tpu.memory_space<vmem>>
          %dma_start3A_228 = arith.constant 0 : i32
          %dma_start3A_229 = arith.constant 0 : i32
          %dma_start3A_230 = tpu.memref_slice %arg17[%dma_start3A_228, %dma_start3A_229] : memref<10112x128xf32, #tpu.memory_space<vmem_shared>> -> memref<10112x128xf32, #tpu.memory_space<vmem_shared>>
          tpu.enqueue_indirect_dma source(%arg11 : memref<32x128xf32, #tpu.memory_space<vmem>>) target(%dma_start3A_230 : memref<10112x128xf32, #tpu.memory_space<vmem_shared>>) offsets(%dma_start3A_227 : memref<32xi32, #tpu.memory_space<vmem>>) semaphore(%run_scoped3A : memref<!tpu.dma_semaphore, #tpu.memory_space<semaphore_mem>>) {add = true}
          %dma_wait3A_231 = arith.constant 0 : i32
          %dma_wait3A_232 = tpu.memref_slice %arg8[%add3A_129, %dma_wait3A_231] : memref<40x32xi32, #tpu.memory_space<vmem>> -> memref<1x32xi32, #tpu.memory_space<vmem>>
          %dma_wait3A_233 = tpu.memref_squeeze %dma_wait3A_232 : memref<1x32xi32, #tpu.memory_space<vmem>> -> memref<32xi32, #tpu.memory_space<vmem>>
          %dma_wait3A_234 = arith.constant 0 : i32
          %dma_wait3A_235 = arith.constant 0 : i32
          %dma_wait3A_236 = tpu.memref_slice %arg17[%dma_wait3A_234, %dma_wait3A_235] : memref<10112x128xf32, #tpu.memory_space<vmem_shared>> -> memref<10112x128xf32, #tpu.memory_space<vmem_shared>>
          tpu.wait_indirect_dma semaphore(%run_scoped3A : memref<!tpu.dma_semaphore, #tpu.memory_space<semaphore_mem>>) src(%arg11 : memref<32x128xf32, #tpu.memory_space<vmem>>) dst(%dma_wait3A_236 : memref<10112x128xf32, #tpu.memory_space<vmem_shared>>)
          tpu.yield
        }) : () -> ()
        %dma_wait3A_130 = arith.constant 0 : i32
        %dma_wait3A_131 = arith.constant 0 : i32
        %dma_wait3A_132 = tpu.memref_slice %arg2[%dma_wait3A_130, %dma_wait3A_131] : memref<20000x128xf32, #tpu.memory_space<hbm>> -> memref<32x128xf32, #tpu.memory_space<hbm>>
        %dma_wait3A_133 = arith.constant 0 : i32
        %dma_wait3A_134 = arith.constant 0 : i32
        %dma_wait3A_135 = tpu.memref_slice %arg2[%dma_wait3A_133, %dma_wait3A_134] : memref<20000x128xf32, #tpu.memory_space<hbm>> -> memref<32x128xf32, #tpu.memory_space<hbm>>
        tpu.wait_dma2 semaphore(%arg21 : memref<!tpu.dma_semaphore, #tpu.memory_space<semaphore_mem>>) src(%dma_wait3A_135 : memref<32x128xf32, #tpu.memory_space<hbm>>) dst(%arg12 : memref<32x128xf32, #tpu.memory_space<vmem>>)
        %add3A_136 = arith.constant 3 : i32
        %add3A_137 = arith.addi %mul3A_75, %add3A_136 : i32
        %add3A_138 = arith.constant 8 : i32
        %add3A_139 = arith.addi %add3A_137, %add3A_138 : i32
        %sub3A_140 = arith.constant 1 : i32
        %sub3A_141 = arith.subi %add3A_139, %sub3A_140 : i32
        %lt3A_142 = arith.constant 40 : i32
        %lt3A_143 = arith.cmpi slt, %sub3A_141, %lt3A_142 : i32
        %convert_element_type3A_144 = arith.extui %lt3A_143 : i1 to i32
        %cond3A_145 = arith.constant 0 : i32
        %cond3A_146 = arith.cmpi ne, %convert_element_type3A_144, %cond3A_145 : i32
        scf.if %cond3A_146 {
          %add3A_225 = arith.constant 3 : i32
          %add3A_226 = arith.addi %mul3A_75, %add3A_225 : i32
          %add3A_227 = arith.constant 8 : i32
          %add3A_228 = arith.addi %add3A_226, %add3A_227 : i32
          %sub3A_229 = arith.constant 1 : i32
          %sub3A_230 = arith.subi %add3A_228, %sub3A_229 : i32
          %dma_start3A_231 = arith.constant 0 : i32
          %dma_start3A_232 = tpu.memref_slice %arg7[%sub3A_230, %dma_start3A_231] : memref<40x32xi32, #tpu.memory_space<vmem>> -> memref<1x32xi32, #tpu.memory_space<vmem>>
          %dma_start3A_233 = tpu.memref_squeeze %dma_start3A_232 : memref<1x32xi32, #tpu.memory_space<vmem>> -> memref<32xi32, #tpu.memory_space<vmem>>
          %dma_start3A_234 = arith.constant 0 : i32
          %dma_start3A_235 = arith.constant 0 : i32
          %dma_start3A_236 = tpu.memref_slice %arg2[%dma_start3A_234, %dma_start3A_235] : memref<20000x128xf32, #tpu.memory_space<hbm>> -> memref<20000x128xf32, #tpu.memory_space<hbm>>
          tpu.enqueue_indirect_dma source(%dma_start3A_236 : memref<20000x128xf32, #tpu.memory_space<hbm>>) target(%arg11 : memref<32x128xf32, #tpu.memory_space<vmem>>) offsets(%dma_start3A_233 : memref<32xi32, #tpu.memory_space<vmem>>) semaphore(%arg20 : memref<!tpu.dma_semaphore, #tpu.memory_space<semaphore_mem>>)
        } else {
        }
        %add3A_147 = arith.constant 3 : i32
        %add3A_148 = arith.addi %mul3A_75, %add3A_147 : i32
        "tpu.region"() ({
          %run_scoped3A = tpu.sem_alloc : memref<!tpu.dma_semaphore, #tpu.memory_space<semaphore_mem>>
          %dma_start3A_225 = arith.constant 0 : i32
          %dma_start3A_226 = tpu.memref_slice %arg8[%add3A_148, %dma_start3A_225] : memref<40x32xi32, #tpu.memory_space<vmem>> -> memref<1x32xi32, #tpu.memory_space<vmem>>
          %dma_start3A_227 = tpu.memref_squeeze %dma_start3A_226 : memref<1x32xi32, #tpu.memory_space<vmem>> -> memref<32xi32, #tpu.memory_space<vmem>>
          %dma_start3A_228 = arith.constant 0 : i32
          %dma_start3A_229 = arith.constant 0 : i32
          %dma_start3A_230 = tpu.memref_slice %arg17[%dma_start3A_228, %dma_start3A_229] : memref<10112x128xf32, #tpu.memory_space<vmem_shared>> -> memref<10112x128xf32, #tpu.memory_space<vmem_shared>>
          tpu.enqueue_indirect_dma source(%arg12 : memref<32x128xf32, #tpu.memory_space<vmem>>) target(%dma_start3A_230 : memref<10112x128xf32, #tpu.memory_space<vmem_shared>>) offsets(%dma_start3A_227 : memref<32xi32, #tpu.memory_space<vmem>>) semaphore(%run_scoped3A : memref<!tpu.dma_semaphore, #tpu.memory_space<semaphore_mem>>) {add = true}
          %dma_wait3A_231 = arith.constant 0 : i32
          %dma_wait3A_232 = tpu.memref_slice %arg8[%add3A_148, %dma_wait3A_231] : memref<40x32xi32, #tpu.memory_space<vmem>> -> memref<1x32xi32, #tpu.memory_space<vmem>>
          %dma_wait3A_233 = tpu.memref_squeeze %dma_wait3A_232 : memref<1x32xi32, #tpu.memory_space<vmem>> -> memref<32xi32, #tpu.memory_space<vmem>>
          %dma_wait3A_234 = arith.constant 0 : i32
          %dma_wait3A_235 = arith.constant 0 : i32
          %dma_wait3A_236 = tpu.memref_slice %arg17[%dma_wait3A_234, %dma_wait3A_235] : memref<10112x128xf32, #tpu.memory_space<vmem_shared>> -> memref<10112x128xf32, #tpu.memory_space<vmem_shared>>
          tpu.wait_indirect_dma semaphore(%run_scoped3A : memref<!tpu.dma_semaphore, #tpu.memory_space<semaphore_mem>>) src(%arg12 : memref<32x128xf32, #tpu.memory_space<vmem>>) dst(%dma_wait3A_236 : memref<10112x128xf32, #tpu.memory_space<vmem_shared>>)
          tpu.yield
        }) : () -> ()
        %dma_wait3A_149 = arith.constant 0 : i32
        %dma_wait3A_150 = arith.constant 0 : i32
        %dma_wait3A_151 = tpu.memref_slice %arg2[%dma_wait3A_149, %dma_wait3A_150] : memref<20000x128xf32, #tpu.memory_space<hbm>> -> memref<32x128xf32, #tpu.memory_space<hbm>>
        %dma_wait3A_152 = arith.constant 0 : i32
        %dma_wait3A_153 = arith.constant 0 : i32
        %dma_wait3A_154 = tpu.memref_slice %arg2[%dma_wait3A_152, %dma_wait3A_153] : memref<20000x128xf32, #tpu.memory_space<hbm>> -> memref<32x128xf32, #tpu.memory_space<hbm>>
        tpu.wait_dma2 semaphore(%arg22 : memref<!tpu.dma_semaphore, #tpu.memory_space<semaphore_mem>>) src(%dma_wait3A_154 : memref<32x128xf32, #tpu.memory_space<hbm>>) dst(%arg13 : memref<32x128xf32, #tpu.memory_space<vmem>>)
        %add3A_155 = arith.constant 4 : i32
        %add3A_156 = arith.addi %mul3A_75, %add3A_155 : i32
        %add3A_157 = arith.constant 8 : i32
        %add3A_158 = arith.addi %add3A_156, %add3A_157 : i32
        %sub3A_159 = arith.constant 1 : i32
        %sub3A_160 = arith.subi %add3A_158, %sub3A_159 : i32
        %lt3A_161 = arith.constant 40 : i32
        %lt3A_162 = arith.cmpi slt, %sub3A_160, %lt3A_161 : i32
        %convert_element_type3A_163 = arith.extui %lt3A_162 : i1 to i32
        %cond3A_164 = arith.constant 0 : i32
        %cond3A_165 = arith.cmpi ne, %convert_element_type3A_163, %cond3A_164 : i32
        scf.if %cond3A_165 {
          %add3A_225 = arith.constant 4 : i32
          %add3A_226 = arith.addi %mul3A_75, %add3A_225 : i32
          %add3A_227 = arith.constant 8 : i32
          %add3A_228 = arith.addi %add3A_226, %add3A_227 : i32
          %sub3A_229 = arith.constant 1 : i32
          %sub3A_230 = arith.subi %add3A_228, %sub3A_229 : i32
          %dma_start3A_231 = arith.constant 0 : i32
          %dma_start3A_232 = tpu.memref_slice %arg7[%sub3A_230, %dma_start3A_231] : memref<40x32xi32, #tpu.memory_space<vmem>> -> memref<1x32xi32, #tpu.memory_space<vmem>>
          %dma_start3A_233 = tpu.memref_squeeze %dma_start3A_232 : memref<1x32xi32, #tpu.memory_space<vmem>> -> memref<32xi32, #tpu.memory_space<vmem>>
          %dma_start3A_234 = arith.constant 0 : i32
          %dma_start3A_235 = arith.constant 0 : i32
          %dma_start3A_236 = tpu.memref_slice %arg2[%dma_start3A_234, %dma_start3A_235] : memref<20000x128xf32, #tpu.memory_space<hbm>> -> memref<20000x128xf32, #tpu.memory_space<hbm>>
          tpu.enqueue_indirect_dma source(%dma_start3A_236 : memref<20000x128xf32, #tpu.memory_space<hbm>>) target(%arg12 : memref<32x128xf32, #tpu.memory_space<vmem>>) offsets(%dma_start3A_233 : memref<32xi32, #tpu.memory_space<vmem>>) semaphore(%arg21 : memref<!tpu.dma_semaphore, #tpu.memory_space<semaphore_mem>>)
        } else {
        }
        %add3A_166 = arith.constant 4 : i32
        %add3A_167 = arith.addi %mul3A_75, %add3A_166 : i32
        "tpu.region"() ({
          %run_scoped3A = tpu.sem_alloc : memref<!tpu.dma_semaphore, #tpu.memory_space<semaphore_mem>>
          %dma_start3A_225 = arith.constant 0 : i32
          %dma_start3A_226 = tpu.memref_slice %arg8[%add3A_167, %dma_start3A_225] : memref<40x32xi32, #tpu.memory_space<vmem>> -> memref<1x32xi32, #tpu.memory_space<vmem>>
          %dma_start3A_227 = tpu.memref_squeeze %dma_start3A_226 : memref<1x32xi32, #tpu.memory_space<vmem>> -> memref<32xi32, #tpu.memory_space<vmem>>
          %dma_start3A_228 = arith.constant 0 : i32
          %dma_start3A_229 = arith.constant 0 : i32
          %dma_start3A_230 = tpu.memref_slice %arg17[%dma_start3A_228, %dma_start3A_229] : memref<10112x128xf32, #tpu.memory_space<vmem_shared>> -> memref<10112x128xf32, #tpu.memory_space<vmem_shared>>
          tpu.enqueue_indirect_dma source(%arg13 : memref<32x128xf32, #tpu.memory_space<vmem>>) target(%dma_start3A_230 : memref<10112x128xf32, #tpu.memory_space<vmem_shared>>) offsets(%dma_start3A_227 : memref<32xi32, #tpu.memory_space<vmem>>) semaphore(%run_scoped3A : memref<!tpu.dma_semaphore, #tpu.memory_space<semaphore_mem>>) {add = true}
          %dma_wait3A_231 = arith.constant 0 : i32
          %dma_wait3A_232 = tpu.memref_slice %arg8[%add3A_167, %dma_wait3A_231] : memref<40x32xi32, #tpu.memory_space<vmem>> -> memref<1x32xi32, #tpu.memory_space<vmem>>
          %dma_wait3A_233 = tpu.memref_squeeze %dma_wait3A_232 : memref<1x32xi32, #tpu.memory_space<vmem>> -> memref<32xi32, #tpu.memory_space<vmem>>
          %dma_wait3A_234 = arith.constant 0 : i32
          %dma_wait3A_235 = arith.constant 0 : i32
          %dma_wait3A_236 = tpu.memref_slice %arg17[%dma_wait3A_234, %dma_wait3A_235] : memref<10112x128xf32, #tpu.memory_space<vmem_shared>> -> memref<10112x128xf32, #tpu.memory_space<vmem_shared>>
          tpu.wait_indirect_dma semaphore(%run_scoped3A : memref<!tpu.dma_semaphore, #tpu.memory_space<semaphore_mem>>) src(%arg13 : memref<32x128xf32, #tpu.memory_space<vmem>>) dst(%dma_wait3A_236 : memref<10112x128xf32, #tpu.memory_space<vmem_shared>>)
          tpu.yield
        }) : () -> ()
        %dma_wait3A_168 = arith.constant 0 : i32
        %dma_wait3A_169 = arith.constant 0 : i32
        %dma_wait3A_170 = tpu.memref_slice %arg2[%dma_wait3A_168, %dma_wait3A_169] : memref<20000x128xf32, #tpu.memory_space<hbm>> -> memref<32x128xf32, #tpu.memory_space<hbm>>
        %dma_wait3A_171 = arith.constant 0 : i32
        %dma_wait3A_172 = arith.constant 0 : i32
        %dma_wait3A_173 = tpu.memref_slice %arg2[%dma_wait3A_171, %dma_wait3A_172] : memref<20000x128xf32, #tpu.memory_space<hbm>> -> memref<32x128xf32, #tpu.memory_space<hbm>>
        tpu.wait_dma2 semaphore(%arg23 : memref<!tpu.dma_semaphore, #tpu.memory_space<semaphore_mem>>) src(%dma_wait3A_173 : memref<32x128xf32, #tpu.memory_space<hbm>>) dst(%arg14 : memref<32x128xf32, #tpu.memory_space<vmem>>)
        %add3A_174 = arith.constant 5 : i32
        %add3A_175 = arith.addi %mul3A_75, %add3A_174 : i32
        %add3A_176 = arith.constant 8 : i32
        %add3A_177 = arith.addi %add3A_175, %add3A_176 : i32
        %sub3A_178 = arith.constant 1 : i32
        %sub3A_179 = arith.subi %add3A_177, %sub3A_178 : i32
        %lt3A_180 = arith.constant 40 : i32
        %lt3A_181 = arith.cmpi slt, %sub3A_179, %lt3A_180 : i32
        %convert_element_type3A_182 = arith.extui %lt3A_181 : i1 to i32
        %cond3A_183 = arith.constant 0 : i32
        %cond3A_184 = arith.cmpi ne, %convert_element_type3A_182, %cond3A_183 : i32
        scf.if %cond3A_184 {
          %add3A_225 = arith.constant 5 : i32
          %add3A_226 = arith.addi %mul3A_75, %add3A_225 : i32
          %add3A_227 = arith.constant 8 : i32
          %add3A_228 = arith.addi %add3A_226, %add3A_227 : i32
          %sub3A_229 = arith.constant 1 : i32
          %sub3A_230 = arith.subi %add3A_228, %sub3A_229 : i32
          %dma_start3A_231 = arith.constant 0 : i32
          %dma_start3A_232 = tpu.memref_slice %arg7[%sub3A_230, %dma_start3A_231] : memref<40x32xi32, #tpu.memory_space<vmem>> -> memref<1x32xi32, #tpu.memory_space<vmem>>
          %dma_start3A_233 = tpu.memref_squeeze %dma_start3A_232 : memref<1x32xi32, #tpu.memory_space<vmem>> -> memref<32xi32, #tpu.memory_space<vmem>>
          %dma_start3A_234 = arith.constant 0 : i32
          %dma_start3A_235 = arith.constant 0 : i32
          %dma_start3A_236 = tpu.memref_slice %arg2[%dma_start3A_234, %dma_start3A_235] : memref<20000x128xf32, #tpu.memory_space<hbm>> -> memref<20000x128xf32, #tpu.memory_space<hbm>>
          tpu.enqueue_indirect_dma source(%dma_start3A_236 : memref<20000x128xf32, #tpu.memory_space<hbm>>) target(%arg13 : memref<32x128xf32, #tpu.memory_space<vmem>>) offsets(%dma_start3A_233 : memref<32xi32, #tpu.memory_space<vmem>>) semaphore(%arg22 : memref<!tpu.dma_semaphore, #tpu.memory_space<semaphore_mem>>)
        } else {
        }
        %add3A_185 = arith.constant 5 : i32
        %add3A_186 = arith.addi %mul3A_75, %add3A_185 : i32
        "tpu.region"() ({
          %run_scoped3A = tpu.sem_alloc : memref<!tpu.dma_semaphore, #tpu.memory_space<semaphore_mem>>
          %dma_start3A_225 = arith.constant 0 : i32
          %dma_start3A_226 = tpu.memref_slice %arg8[%add3A_186, %dma_start3A_225] : memref<40x32xi32, #tpu.memory_space<vmem>> -> memref<1x32xi32, #tpu.memory_space<vmem>>
          %dma_start3A_227 = tpu.memref_squeeze %dma_start3A_226 : memref<1x32xi32, #tpu.memory_space<vmem>> -> memref<32xi32, #tpu.memory_space<vmem>>
          %dma_start3A_228 = arith.constant 0 : i32
          %dma_start3A_229 = arith.constant 0 : i32
          %dma_start3A_230 = tpu.memref_slice %arg17[%dma_start3A_228, %dma_start3A_229] : memref<10112x128xf32, #tpu.memory_space<vmem_shared>> -> memref<10112x128xf32, #tpu.memory_space<vmem_shared>>
          tpu.enqueue_indirect_dma source(%arg14 : memref<32x128xf32, #tpu.memory_space<vmem>>) target(%dma_start3A_230 : memref<10112x128xf32, #tpu.memory_space<vmem_shared>>) offsets(%dma_start3A_227 : memref<32xi32, #tpu.memory_space<vmem>>) semaphore(%run_scoped3A : memref<!tpu.dma_semaphore, #tpu.memory_space<semaphore_mem>>) {add = true}
          %dma_wait3A_231 = arith.constant 0 : i32
          %dma_wait3A_232 = tpu.memref_slice %arg8[%add3A_186, %dma_wait3A_231] : memref<40x32xi32, #tpu.memory_space<vmem>> -> memref<1x32xi32, #tpu.memory_space<vmem>>
          %dma_wait3A_233 = tpu.memref_squeeze %dma_wait3A_232 : memref<1x32xi32, #tpu.memory_space<vmem>> -> memref<32xi32, #tpu.memory_space<vmem>>
          %dma_wait3A_234 = arith.constant 0 : i32
          %dma_wait3A_235 = arith.constant 0 : i32
          %dma_wait3A_236 = tpu.memref_slice %arg17[%dma_wait3A_234, %dma_wait3A_235] : memref<10112x128xf32, #tpu.memory_space<vmem_shared>> -> memref<10112x128xf32, #tpu.memory_space<vmem_shared>>
          tpu.wait_indirect_dma semaphore(%run_scoped3A : memref<!tpu.dma_semaphore, #tpu.memory_space<semaphore_mem>>) src(%arg14 : memref<32x128xf32, #tpu.memory_space<vmem>>) dst(%dma_wait3A_236 : memref<10112x128xf32, #tpu.memory_space<vmem_shared>>)
          tpu.yield
        }) : () -> ()
        %dma_wait3A_187 = arith.constant 0 : i32
        %dma_wait3A_188 = arith.constant 0 : i32
        %dma_wait3A_189 = tpu.memref_slice %arg2[%dma_wait3A_187, %dma_wait3A_188] : memref<20000x128xf32, #tpu.memory_space<hbm>> -> memref<32x128xf32, #tpu.memory_space<hbm>>
        %dma_wait3A_190 = arith.constant 0 : i32
        %dma_wait3A_191 = arith.constant 0 : i32
        %dma_wait3A_192 = tpu.memref_slice %arg2[%dma_wait3A_190, %dma_wait3A_191] : memref<20000x128xf32, #tpu.memory_space<hbm>> -> memref<32x128xf32, #tpu.memory_space<hbm>>
        tpu.wait_dma2 semaphore(%arg24 : memref<!tpu.dma_semaphore, #tpu.memory_space<semaphore_mem>>) src(%dma_wait3A_192 : memref<32x128xf32, #tpu.memory_space<hbm>>) dst(%arg15 : memref<32x128xf32, #tpu.memory_space<vmem>>)
        %add3A_193 = arith.constant 6 : i32
        %add3A_194 = arith.addi %mul3A_75, %add3A_193 : i32
        %add3A_195 = arith.constant 8 : i32
        %add3A_196 = arith.addi %add3A_194, %add3A_195 : i32
        %sub3A_197 = arith.constant 1 : i32
        %sub3A_198 = arith.subi %add3A_196, %sub3A_197 : i32
        %lt3A_199 = arith.constant 40 : i32
        %lt3A_200 = arith.cmpi slt, %sub3A_198, %lt3A_199 : i32
        %convert_element_type3A_201 = arith.extui %lt3A_200 : i1 to i32
        %cond3A_202 = arith.constant 0 : i32
        %cond3A_203 = arith.cmpi ne, %convert_element_type3A_201, %cond3A_202 : i32
        scf.if %cond3A_203 {
          %add3A_225 = arith.constant 6 : i32
          %add3A_226 = arith.addi %mul3A_75, %add3A_225 : i32
          %add3A_227 = arith.constant 8 : i32
          %add3A_228 = arith.addi %add3A_226, %add3A_227 : i32
          %sub3A_229 = arith.constant 1 : i32
          %sub3A_230 = arith.subi %add3A_228, %sub3A_229 : i32
          %dma_start3A_231 = arith.constant 0 : i32
          %dma_start3A_232 = tpu.memref_slice %arg7[%sub3A_230, %dma_start3A_231] : memref<40x32xi32, #tpu.memory_space<vmem>> -> memref<1x32xi32, #tpu.memory_space<vmem>>
          %dma_start3A_233 = tpu.memref_squeeze %dma_start3A_232 : memref<1x32xi32, #tpu.memory_space<vmem>> -> memref<32xi32, #tpu.memory_space<vmem>>
          %dma_start3A_234 = arith.constant 0 : i32
          %dma_start3A_235 = arith.constant 0 : i32
          %dma_start3A_236 = tpu.memref_slice %arg2[%dma_start3A_234, %dma_start3A_235] : memref<20000x128xf32, #tpu.memory_space<hbm>> -> memref<20000x128xf32, #tpu.memory_space<hbm>>
          tpu.enqueue_indirect_dma source(%dma_start3A_236 : memref<20000x128xf32, #tpu.memory_space<hbm>>) target(%arg14 : memref<32x128xf32, #tpu.memory_space<vmem>>) offsets(%dma_start3A_233 : memref<32xi32, #tpu.memory_space<vmem>>) semaphore(%arg23 : memref<!tpu.dma_semaphore, #tpu.memory_space<semaphore_mem>>)
        } else {
        }
        %add3A_204 = arith.constant 6 : i32
        %add3A_205 = arith.addi %mul3A_75, %add3A_204 : i32
        "tpu.region"() ({
          %run_scoped3A = tpu.sem_alloc : memref<!tpu.dma_semaphore, #tpu.memory_space<semaphore_mem>>
          %dma_start3A_225 = arith.constant 0 : i32
          %dma_start3A_226 = tpu.memref_slice %arg8[%add3A_205, %dma_start3A_225] : memref<40x32xi32, #tpu.memory_space<vmem>> -> memref<1x32xi32, #tpu.memory_space<vmem>>
          %dma_start3A_227 = tpu.memref_squeeze %dma_start3A_226 : memref<1x32xi32, #tpu.memory_space<vmem>> -> memref<32xi32, #tpu.memory_space<vmem>>
          %dma_start3A_228 = arith.constant 0 : i32
          %dma_start3A_229 = arith.constant 0 : i32
          %dma_start3A_230 = tpu.memref_slice %arg17[%dma_start3A_228, %dma_start3A_229] : memref<10112x128xf32, #tpu.memory_space<vmem_shared>> -> memref<10112x128xf32, #tpu.memory_space<vmem_shared>>
          tpu.enqueue_indirect_dma source(%arg15 : memref<32x128xf32, #tpu.memory_space<vmem>>) target(%dma_start3A_230 : memref<10112x128xf32, #tpu.memory_space<vmem_shared>>) offsets(%dma_start3A_227 : memref<32xi32, #tpu.memory_space<vmem>>) semaphore(%run_scoped3A : memref<!tpu.dma_semaphore, #tpu.memory_space<semaphore_mem>>) {add = true}
          %dma_wait3A_231 = arith.constant 0 : i32
          %dma_wait3A_232 = tpu.memref_slice %arg8[%add3A_205, %dma_wait3A_231] : memref<40x32xi32, #tpu.memory_space<vmem>> -> memref<1x32xi32, #tpu.memory_space<vmem>>
          %dma_wait3A_233 = tpu.memref_squeeze %dma_wait3A_232 : memref<1x32xi32, #tpu.memory_space<vmem>> -> memref<32xi32, #tpu.memory_space<vmem>>
          %dma_wait3A_234 = arith.constant 0 : i32
          %dma_wait3A_235 = arith.constant 0 : i32
          %dma_wait3A_236 = tpu.memref_slice %arg17[%dma_wait3A_234, %dma_wait3A_235] : memref<10112x128xf32, #tpu.memory_space<vmem_shared>> -> memref<10112x128xf32, #tpu.memory_space<vmem_shared>>
          tpu.wait_indirect_dma semaphore(%run_scoped3A : memref<!tpu.dma_semaphore, #tpu.memory_space<semaphore_mem>>) src(%arg15 : memref<32x128xf32, #tpu.memory_space<vmem>>) dst(%dma_wait3A_236 : memref<10112x128xf32, #tpu.memory_space<vmem_shared>>)
          tpu.yield
        }) : () -> ()
        %dma_wait3A_206 = arith.constant 0 : i32
        %dma_wait3A_207 = arith.constant 0 : i32
        %dma_wait3A_208 = tpu.memref_slice %arg2[%dma_wait3A_206, %dma_wait3A_207] : memref<20000x128xf32, #tpu.memory_space<hbm>> -> memref<32x128xf32, #tpu.memory_space<hbm>>
        %dma_wait3A_209 = arith.constant 0 : i32
        %dma_wait3A_210 = arith.constant 0 : i32
        %dma_wait3A_211 = tpu.memref_slice %arg2[%dma_wait3A_209, %dma_wait3A_210] : memref<20000x128xf32, #tpu.memory_space<hbm>> -> memref<32x128xf32, #tpu.memory_space<hbm>>
        tpu.wait_dma2 semaphore(%arg25 : memref<!tpu.dma_semaphore, #tpu.memory_space<semaphore_mem>>) src(%dma_wait3A_211 : memref<32x128xf32, #tpu.memory_space<hbm>>) dst(%arg16 : memref<32x128xf32, #tpu.memory_space<vmem>>)
        %add3A_212 = arith.constant 7 : i32
        %add3A_213 = arith.addi %mul3A_75, %add3A_212 : i32
        %add3A_214 = arith.constant 8 : i32
        %add3A_215 = arith.addi %add3A_213, %add3A_214 : i32
        %sub3A_216 = arith.constant 1 : i32
        %sub3A_217 = arith.subi %add3A_215, %sub3A_216 : i32
        %lt3A_218 = arith.constant 40 : i32
        %lt3A_219 = arith.cmpi slt, %sub3A_217, %lt3A_218 : i32
        %convert_element_type3A_220 = arith.extui %lt3A_219 : i1 to i32
        %cond3A_221 = arith.constant 0 : i32
        %cond3A_222 = arith.cmpi ne, %convert_element_type3A_220, %cond3A_221 : i32
        scf.if %cond3A_222 {
          %add3A_225 = arith.constant 7 : i32
          %add3A_226 = arith.addi %mul3A_75, %add3A_225 : i32
          %add3A_227 = arith.constant 8 : i32
          %add3A_228 = arith.addi %add3A_226, %add3A_227 : i32
          %sub3A_229 = arith.constant 1 : i32
          %sub3A_230 = arith.subi %add3A_228, %sub3A_229 : i32
          %dma_start3A_231 = arith.constant 0 : i32
          %dma_start3A_232 = tpu.memref_slice %arg7[%sub3A_230, %dma_start3A_231] : memref<40x32xi32, #tpu.memory_space<vmem>> -> memref<1x32xi32, #tpu.memory_space<vmem>>
          %dma_start3A_233 = tpu.memref_squeeze %dma_start3A_232 : memref<1x32xi32, #tpu.memory_space<vmem>> -> memref<32xi32, #tpu.memory_space<vmem>>
          %dma_start3A_234 = arith.constant 0 : i32
          %dma_start3A_235 = arith.constant 0 : i32
          %dma_start3A_236 = tpu.memref_slice %arg2[%dma_start3A_234, %dma_start3A_235] : memref<20000x128xf32, #tpu.memory_space<hbm>> -> memref<20000x128xf32, #tpu.memory_space<hbm>>
          tpu.enqueue_indirect_dma source(%dma_start3A_236 : memref<20000x128xf32, #tpu.memory_space<hbm>>) target(%arg15 : memref<32x128xf32, #tpu.memory_space<vmem>>) offsets(%dma_start3A_233 : memref<32xi32, #tpu.memory_space<vmem>>) semaphore(%arg24 : memref<!tpu.dma_semaphore, #tpu.memory_space<semaphore_mem>>)
        } else {
        }
        %add3A_223 = arith.constant 7 : i32
        %add3A_224 = arith.addi %mul3A_75, %add3A_223 : i32
        "tpu.region"() ({
          %run_scoped3A = tpu.sem_alloc : memref<!tpu.dma_semaphore, #tpu.memory_space<semaphore_mem>>
          %dma_start3A_225 = arith.constant 0 : i32
          %dma_start3A_226 = tpu.memref_slice %arg8[%add3A_224, %dma_start3A_225] : memref<40x32xi32, #tpu.memory_space<vmem>> -> memref<1x32xi32, #tpu.memory_space<vmem>>
          %dma_start3A_227 = tpu.memref_squeeze %dma_start3A_226 : memref<1x32xi32, #tpu.memory_space<vmem>> -> memref<32xi32, #tpu.memory_space<vmem>>
          %dma_start3A_228 = arith.constant 0 : i32
          %dma_start3A_229 = arith.constant 0 : i32
          %dma_start3A_230 = tpu.memref_slice %arg17[%dma_start3A_228, %dma_start3A_229] : memref<10112x128xf32, #tpu.memory_space<vmem_shared>> -> memref<10112x128xf32, #tpu.memory_space<vmem_shared>>
          tpu.enqueue_indirect_dma source(%arg16 : memref<32x128xf32, #tpu.memory_space<vmem>>) target(%dma_start3A_230 : memref<10112x128xf32, #tpu.memory_space<vmem_shared>>) offsets(%dma_start3A_227 : memref<32xi32, #tpu.memory_space<vmem>>) semaphore(%run_scoped3A : memref<!tpu.dma_semaphore, #tpu.memory_space<semaphore_mem>>) {add = true}
          %dma_wait3A_231 = arith.constant 0 : i32
          %dma_wait3A_232 = tpu.memref_slice %arg8[%add3A_224, %dma_wait3A_231] : memref<40x32xi32, #tpu.memory_space<vmem>> -> memref<1x32xi32, #tpu.memory_space<vmem>>
          %dma_wait3A_233 = tpu.memref_squeeze %dma_wait3A_232 : memref<1x32xi32, #tpu.memory_space<vmem>> -> memref<32xi32, #tpu.memory_space<vmem>>
          %dma_wait3A_234 = arith.constant 0 : i32
          %dma_wait3A_235 = arith.constant 0 : i32
          %dma_wait3A_236 = tpu.memref_slice %arg17[%dma_wait3A_234, %dma_wait3A_235] : memref<10112x128xf32, #tpu.memory_space<vmem_shared>> -> memref<10112x128xf32, #tpu.memory_space<vmem_shared>>
          tpu.wait_indirect_dma semaphore(%run_scoped3A : memref<!tpu.dma_semaphore, #tpu.memory_space<semaphore_mem>>) src(%arg16 : memref<32x128xf32, #tpu.memory_space<vmem>>) dst(%dma_wait3A_236 : memref<10112x128xf32, #tpu.memory_space<vmem_shared>>)
          tpu.yield
        }) : () -> ()
      }
      %scan3A_72 = arith.constant 5 : i32
    }
    %scan3A_7 = arith.constant 16 : i32
    %barrier3A_8 = arith.constant 0 : index
    tpu.barrier barrier_id(%barrier3A_8)
    %lt3A = arith.constant 15 : i32
    %lt3A_9 = arith.cmpi slt, %arg1, %lt3A : i32
    %convert_element_type3A = arith.extui %lt3A_9 : i1 to i32
    %cond3A = arith.constant 0 : i32
    %cond3A_10 = arith.cmpi ne, %convert_element_type3A, %cond3A : i32
    scf.if %cond3A_10 {
      %mul3A_15 = arith.constant 632 : i32
      %mul3A_16 = arith.muli %arg1, %mul3A_15 : i32
      %mul3A_17 = arith.constant 10000 : i32
      %mul3A_18 = arith.muli %arg0, %mul3A_17 : i32
      %mul3A_19 = arith.constant 632 : i32
      %mul3A_20 = arith.muli %arg1, %mul3A_19 : i32
      %add3A = arith.addi %mul3A_18, %mul3A_20 : i32
      "tpu.region"() ({
        %run_scoped3A = tpu.sem_alloc : memref<!tpu.dma_semaphore, #tpu.memory_space<semaphore_mem>>
        %dma_start3A = arith.constant 0 : i32
        %dma_start3A_21 = tpu.memref_slice %arg6[%add3A, %dma_start3A] : memref<20000x128xf32, #tpu.memory_space<hbm>> -> memref<632x128xf32, #tpu.memory_space<hbm>>
        %dma_start3A_22 = arith.constant 0 : i32
        %dma_start3A_23 = tpu.memref_slice %arg17[%mul3A_16, %dma_start3A_22] : memref<10112x128xf32, #tpu.memory_space<vmem_shared>> -> memref<632x128xf32, #tpu.memory_space<vmem_shared>>
        tpu.enqueue_dma source(%dma_start3A_23 : memref<632x128xf32, #tpu.memory_space<vmem_shared>>) target(%dma_start3A_21 : memref<632x128xf32, #tpu.memory_space<hbm>>) target_semaphore(%run_scoped3A : memref<!tpu.dma_semaphore, #tpu.memory_space<semaphore_mem>>)
        %dma_wait3A = arith.constant 0 : i32
        %dma_wait3A_24 = tpu.memref_slice %arg6[%add3A, %dma_wait3A] : memref<20000x128xf32, #tpu.memory_space<hbm>> -> memref<632x128xf32, #tpu.memory_space<hbm>>
        %dma_wait3A_25 = arith.constant 0 : i32
        %dma_wait3A_26 = tpu.memref_slice %arg17[%mul3A_16, %dma_wait3A_25] : memref<10112x128xf32, #tpu.memory_space<vmem_shared>> -> memref<632x128xf32, #tpu.memory_space<vmem_shared>>
        tpu.wait_dma2 semaphore(%run_scoped3A : memref<!tpu.dma_semaphore, #tpu.memory_space<semaphore_mem>>) src(%dma_wait3A_26 : memref<632x128xf32, #tpu.memory_space<vmem_shared>>) dst(%dma_wait3A_24 : memref<632x128xf32, #tpu.memory_space<hbm>>)
        tpu.yield
      }) : () -> ()
    } else {
    }
    %eq3A = arith.constant 15 : i32
    %eq3A_11 = arith.cmpi eq, %arg1, %eq3A : i32
    %convert_element_type3A_12 = arith.extui %eq3A_11 : i1 to i32
    %cond3A_13 = arith.constant 0 : i32
    %cond3A_14 = arith.cmpi ne, %convert_element_type3A_12, %cond3A_13 : i32
    scf.if %cond3A_14 {
      %mul3A_15 = arith.constant 10000 : i32
      %mul3A_16 = arith.muli %arg0, %mul3A_15 : i32
      %add3A = arith.constant 9480 : i32
      %add3A_17 = arith.addi %mul3A_16, %add3A : i32
      "tpu.region"() ({
        %run_scoped3A = tpu.sem_alloc : memref<!tpu.dma_semaphore, #tpu.memory_space<semaphore_mem>>
        %dma_start3A = arith.constant 0 : i32
        %dma_start3A_18 = tpu.memref_slice %arg6[%add3A_17, %dma_start3A] : memref<20000x128xf32, #tpu.memory_space<hbm>> -> memref<520x128xf32, #tpu.memory_space<hbm>>
        %dma_start3A_19 = arith.constant 9480 : i32
        %dma_start3A_20 = arith.constant 0 : i32
        %dma_start3A_21 = tpu.memref_slice %arg17[%dma_start3A_19, %dma_start3A_20] : memref<10112x128xf32, #tpu.memory_space<vmem_shared>> -> memref<520x128xf32, #tpu.memory_space<vmem_shared>>
        tpu.enqueue_dma source(%dma_start3A_21 : memref<520x128xf32, #tpu.memory_space<vmem_shared>>) target(%dma_start3A_18 : memref<520x128xf32, #tpu.memory_space<hbm>>) target_semaphore(%run_scoped3A : memref<!tpu.dma_semaphore, #tpu.memory_space<semaphore_mem>>)
        %dma_wait3A = arith.constant 0 : i32
        %dma_wait3A_22 = tpu.memref_slice %arg6[%add3A_17, %dma_wait3A] : memref<20000x128xf32, #tpu.memory_space<hbm>> -> memref<520x128xf32, #tpu.memory_space<hbm>>
        %dma_wait3A_23 = arith.constant 9480 : i32
        %dma_wait3A_24 = arith.constant 0 : i32
        %dma_wait3A_25 = tpu.memref_slice %arg17[%dma_wait3A_23, %dma_wait3A_24] : memref<10112x128xf32, #tpu.memory_space<vmem_shared>> -> memref<520x128xf32, #tpu.memory_space<vmem_shared>>
        tpu.wait_dma2 semaphore(%run_scoped3A : memref<!tpu.dma_semaphore, #tpu.memory_space<semaphore_mem>>) src(%dma_wait3A_25 : memref<520x128xf32, #tpu.memory_space<vmem_shared>>) dst(%dma_wait3A_22 : memref<520x128xf32, #tpu.memory_space<hbm>>)
        tpu.yield
      }) : () -> ()
    } else {
    }
    return
  }
}

module attributes {stable_mosaic.version = 14 : i64} {
  func.func @_gru1_body(%arg0: i32, %arg1: memref<2x1000x128xf32, #tpu.memory_space<vmem>>, %arg2: memref<1000x128xf32, #tpu.memory_space<vmem>>, %arg3: memref<128x256xf32, #tpu.memory_space<vmem>>, %arg4: memref<256x768xf32, #tpu.memory_space<vmem>>, %arg5: memref<128x768xf32, #tpu.memory_space<vmem>>, %arg6: memref<1x768xf32, #tpu.memory_space<vmem>>, %arg7: memref<1x768xf32, #tpu.memory_space<vmem>>, %arg8: memref<2x1000x128xf32, #tpu.memory_space<vmem>>) attributes {dimension_semantics = [#tpu.dimension_semantics<arbitrary>], iteration_bounds = array<i64: 10>, scalar_prefetch = 0 : i64, scratch_operands = 0 : i64, tpu.core_type = #tpu.core_type<tc>, window_params = [{transform_indices = @transform_0, window_bounds = array<i64: 2, 1000, 128>}, {transform_indices = @transform_1, window_bounds = array<i64: 1000, 128>}, {pipeline_mode = #tpu.pipeline_mode<synchronous>, transform_indices = @transform_2, window_bounds = array<i64: 128, 256>}, {pipeline_mode = #tpu.pipeline_mode<synchronous>, transform_indices = @transform_3, window_bounds = array<i64: 256, 768>}, {pipeline_mode = #tpu.pipeline_mode<synchronous>, transform_indices = @transform_4, window_bounds = array<i64: 128, 768>}, {pipeline_mode = #tpu.pipeline_mode<synchronous>, transform_indices = @transform_5, window_bounds = array<i64: 1, 768>}, {pipeline_mode = #tpu.pipeline_mode<synchronous>, transform_indices = @transform_6, window_bounds = array<i64: 1, 768>}, {transform_indices = @transform_7, window_bounds = array<i64: 2, 1000, 128>}]} {
    %get3A = arith.constant 0 : index
    %get3A_0 = arith.constant 0 : index
    %get3A_1 = arith.constant 0 : index
    %get3A_2 = vector.load %arg1[%get3A, %get3A_0, %get3A_1] : memref<2x1000x128xf32, #tpu.memory_space<vmem>>, vector<1x1000x128xf32>
    %get3A_3 = vector.shape_cast %get3A_2 : vector<1x1000x128xf32> to vector<1000x128xf32>
    %get3A_4 = arith.constant 1 : index
    %get3A_5 = arith.constant 0 : index
    %get3A_6 = arith.constant 0 : index
    %get3A_7 = vector.load %arg1[%get3A_4, %get3A_5, %get3A_6] : memref<2x1000x128xf32, #tpu.memory_space<vmem>>, vector<1x1000x128xf32>
    %get3A_8 = vector.shape_cast %get3A_7 : vector<1x1000x128xf32> to vector<1000x128xf32>
    %add3A = arith.addf %get3A_3, %get3A_8 : vector<1000x128xf32>
    %get3A_9 = arith.constant 0 : index
    %get3A_10 = arith.constant 0 : index
    %get3A_11 = vector.load %arg3[%get3A_9, %get3A_10] : memref<128x256xf32, #tpu.memory_space<vmem>>, vector<128x256xf32>
    %dot_general3A = arith.constant dense<0.000000e+00> : vector<1000x256xf32>
    %dot_general3A_12 = tpu.matmul %add3A, %get3A_11, %dot_general3A {dimension_numbers = #tpu.dot_dimension_numbers<[1], [0], [0], [1], [0, 0, 1, 1], [], []>, transpose_lhs_hint = false} : vector<1000x128xf32>, vector<128x256xf32>, vector<1000x256xf32> -> vector<1000x256xf32>
    %get3A_13 = arith.constant 0 : index
    %get3A_14 = arith.constant 0 : index
    %get3A_15 = vector.load %arg4[%get3A_13, %get3A_14] : memref<256x768xf32, #tpu.memory_space<vmem>>, vector<256x768xf32>
    %dot_general3A_16 = arith.constant dense<0.000000e+00> : vector<1000x768xf32>
    %dot_general3A_17 = tpu.matmul %dot_general3A_12, %get3A_15, %dot_general3A_16 {dimension_numbers = #tpu.dot_dimension_numbers<[1], [0], [0], [1], [0, 0, 1, 1], [], []>, transpose_lhs_hint = false} : vector<1000x256xf32>, vector<256x768xf32>, vector<1000x768xf32> -> vector<1000x768xf32>
    %get3A_18 = arith.constant 0 : index
    %get3A_19 = arith.constant 0 : index
    %get3A_20 = vector.load %arg6[%get3A_18, %get3A_19] : memref<1x768xf32, #tpu.memory_space<vmem>>, vector<1x768xf32>
    %add3A_21 = vector.broadcast %get3A_20 : vector<1x768xf32> to vector<1000x768xf32>
    %add3A_22 = arith.addf %dot_general3A_17, %add3A_21 : vector<1000x768xf32>
    %get3A_23 = arith.constant 0 : index
    %get3A_24 = arith.constant 0 : index
    %get3A_25 = vector.load %arg2[%get3A_23, %get3A_24] : memref<1000x128xf32, #tpu.memory_space<vmem>>, vector<1000x128xf32>
    %get3A_26 = arith.constant 0 : index
    %get3A_27 = arith.constant 0 : index
    %get3A_28 = vector.load %arg5[%get3A_26, %get3A_27] : memref<128x768xf32, #tpu.memory_space<vmem>>, vector<128x768xf32>
    %dot_general3A_29 = arith.constant dense<0.000000e+00> : vector<1000x768xf32>
    %dot_general3A_30 = tpu.matmul %get3A_25, %get3A_28, %dot_general3A_29 {dimension_numbers = #tpu.dot_dimension_numbers<[1], [0], [0], [1], [0, 0, 1, 1], [], []>, transpose_lhs_hint = false} : vector<1000x128xf32>, vector<128x768xf32>, vector<1000x768xf32> -> vector<1000x768xf32>
    %get3A_31 = arith.constant 0 : index
    %get3A_32 = arith.constant 0 : index
    %get3A_33 = vector.load %arg7[%get3A_31, %get3A_32] : memref<1x768xf32, #tpu.memory_space<vmem>>, vector<1x768xf32>
    %add3A_34 = vector.broadcast %get3A_33 : vector<1x768xf32> to vector<1000x768xf32>
    %add3A_35 = arith.addf %dot_general3A_30, %add3A_34 : vector<1000x768xf32>
    %get3A_36 = arith.constant 0 : index
    %get3A_37 = arith.constant 0 : index
    %get3A_38 = vector.load %arg2[%get3A_36, %get3A_37] : memref<1000x128xf32, #tpu.memory_space<vmem>>, vector<1000x128xf32>
    %broadcast_in_dim3A = arith.constant 0.000000e+00 : f32
    %broadcast_in_dim3A_39 = vector.broadcast %broadcast_in_dim3A : f32 to vector<1000x128xf32>
    %concatenate3A = tpu.concatenate %get3A_38, %broadcast_in_dim3A_39 in 1 : vector<1000x128xf32>, vector<1000x128xf32> -> vector<1000x256xf32>
    %slice3A = vector.extract_strided_slice %add3A_22 {offsets = [0, 0], sizes = [1000, 256], strides = [1, 1]} : vector<1000x768xf32> to vector<1000x256xf32>
    %slice3A_40 = vector.extract_strided_slice %add3A_35 {offsets = [0, 0], sizes = [1000, 256], strides = [1, 1]} : vector<1000x768xf32> to vector<1000x256xf32>
    %add3A_41 = arith.addf %slice3A, %slice3A_40 : vector<1000x256xf32>
    %logistic3A = arith.negf %add3A_41 : vector<1000x256xf32>
    %logistic3A_42 = math.exp %logistic3A : vector<1000x256xf32>
    %logistic3A_43 = arith.constant 1.000000e+00 : f32
    %logistic3A_44 = vector.broadcast %logistic3A_43 : f32 to vector<1000x256xf32>
    %logistic3A_45 = arith.addf %logistic3A_44, %logistic3A_42 : vector<1000x256xf32>
    %logistic3A_46 = arith.divf %logistic3A_44, %logistic3A_45 : vector<1000x256xf32>
    %slice3A_47 = vector.extract_strided_slice %add3A_22 {offsets = [0, 256], sizes = [1000, 256], strides = [1, 1]} : vector<1000x768xf32> to vector<1000x256xf32>
    %slice3A_48 = vector.extract_strided_slice %add3A_35 {offsets = [0, 256], sizes = [1000, 256], strides = [1, 1]} : vector<1000x768xf32> to vector<1000x256xf32>
    %add3A_49 = arith.addf %slice3A_47, %slice3A_48 : vector<1000x256xf32>
    %logistic3A_50 = arith.negf %add3A_49 : vector<1000x256xf32>
    %logistic3A_51 = math.exp %logistic3A_50 : vector<1000x256xf32>
    %logistic3A_52 = arith.constant 1.000000e+00 : f32
    %logistic3A_53 = vector.broadcast %logistic3A_52 : f32 to vector<1000x256xf32>
    %logistic3A_54 = arith.addf %logistic3A_53, %logistic3A_51 : vector<1000x256xf32>
    %logistic3A_55 = arith.divf %logistic3A_53, %logistic3A_54 : vector<1000x256xf32>
    %slice3A_56 = vector.extract_strided_slice %add3A_22 {offsets = [0, 512], sizes = [1000, 256], strides = [1, 1]} : vector<1000x768xf32> to vector<1000x256xf32>
    %slice3A_57 = vector.extract_strided_slice %add3A_35 {offsets = [0, 512], sizes = [1000, 256], strides = [1, 1]} : vector<1000x768xf32> to vector<1000x256xf32>
    %mul3A = arith.mulf %logistic3A_46, %slice3A_57 : vector<1000x256xf32>
    %add3A_58 = arith.addf %slice3A_56, %mul3A : vector<1000x256xf32>
    %tanh3A = math.tanh %add3A_58 : vector<1000x256xf32>
    %sub3A = arith.constant 1.000000e+00 : f32
    %sub3A_59 = vector.broadcast %sub3A : f32 to vector<1000x256xf32>
    %sub3A_60 = arith.subf %sub3A_59, %logistic3A_55 : vector<1000x256xf32>
    %mul3A_61 = arith.mulf %sub3A_60, %tanh3A : vector<1000x256xf32>
    %mul3A_62 = arith.mulf %logistic3A_55, %concatenate3A : vector<1000x256xf32>
    %add3A_63 = arith.addf %mul3A_61, %mul3A_62 : vector<1000x256xf32>
    %slice3A_64 = vector.extract_strided_slice %add3A_63 {offsets = [0, 0], sizes = [1000, 128], strides = [1, 1]} : vector<1000x256xf32> to vector<1000x128xf32>
    %swap3A = arith.constant 0 : index
    %swap3A_65 = arith.constant 0 : index
    %swap3A_66 = arith.constant 0 : index
    %swap3A_67 = vector.load %arg8[%swap3A, %swap3A_65, %swap3A_66] : memref<2x1000x128xf32, #tpu.memory_space<vmem>>, vector<1x1000x128xf32>
    %swap3A_68 = vector.shape_cast %swap3A_67 : vector<1x1000x128xf32> to vector<1000x128xf32>
    %swap3A_69 = vector.shape_cast %slice3A_64 : vector<1000x128xf32> to vector<1x1000x128xf32>
    tpu.vector_store %arg8[%swap3A, %swap3A_65, %swap3A_66], %swap3A_69 {strides = array<i32>} : memref<2x1000x128xf32, #tpu.memory_space<vmem>>, vector<1x1000x128xf32>,
    %slice3A_70 = vector.extract_strided_slice %add3A_63 {offsets = [0, 128], sizes = [1000, 128], strides = [1, 1]} : vector<1000x256xf32> to vector<1000x128xf32>
    %swap3A_71 = arith.constant 1 : index
    %swap3A_72 = arith.constant 0 : index
    %swap3A_73 = arith.constant 0 : index
    %swap3A_74 = vector.load %arg8[%swap3A_71, %swap3A_72, %swap3A_73] : memref<2x1000x128xf32, #tpu.memory_space<vmem>>, vector<1x1000x128xf32>
    %swap3A_75 = vector.shape_cast %swap3A_74 : vector<1x1000x128xf32> to vector<1000x128xf32>
    %swap3A_76 = vector.shape_cast %slice3A_70 : vector<1000x128xf32> to vector<1x1000x128xf32>
    tpu.vector_store %arg8[%swap3A_71, %swap3A_72, %swap3A_73], %swap3A_76 {strides = array<i32>} : memref<2x1000x128xf32, #tpu.memory_space<vmem>>, vector<1x1000x128xf32>,
    return
  }
  func.func @transform_0(%arg0: i32) -> (i32, i32, i32) {
    %c0_i32 = arith.constant 0 : i32
    %c0_i32_0 = arith.constant 0 : i32
    %c0_i32_1 = arith.constant 0 : i32
    return %c0_i32, %arg0, %c0_i32_0 : i32, i32, i32
  }
  func.func @transform_1(%arg0: i32) -> (i32, i32) {
    %c0_i32 = arith.constant 0 : i32
    %c0_i32_0 = arith.constant 0 : i32
    return %arg0, %c0_i32 : i32, i32
  }
  func.func @transform_2(%arg0: i32) -> (i32, i32) {
    %c0_i32 = arith.constant 0 : i32
    %c0_i32_0 = arith.constant 0 : i32
    %c0_i32_1 = arith.constant 0 : i32
    return %c0_i32, %c0_i32_0 : i32, i32
  }
  func.func @transform_3(%arg0: i32) -> (i32, i32) {
    %c0_i32 = arith.constant 0 : i32
    %c0_i32_0 = arith.constant 0 : i32
    %c0_i32_1 = arith.constant 0 : i32
    return %c0_i32, %c0_i32_0 : i32, i32
  }
  func.func @transform_4(%arg0: i32) -> (i32, i32) {
    %c0_i32 = arith.constant 0 : i32
    %c0_i32_0 = arith.constant 0 : i32
    %c0_i32_1 = arith.constant 0 : i32
    return %c0_i32, %c0_i32_0 : i32, i32
  }
  func.func @transform_5(%arg0: i32) -> (i32, i32) {
    %c0_i32 = arith.constant 0 : i32
    %c0_i32_0 = arith.constant 0 : i32
    %c0_i32_1 = arith.constant 0 : i32
    return %c0_i32, %c0_i32_0 : i32, i32
  }
  func.func @transform_6(%arg0: i32) -> (i32, i32) {
    %c0_i32 = arith.constant 0 : i32
    %c0_i32_0 = arith.constant 0 : i32
    %c0_i32_1 = arith.constant 0 : i32
    return %c0_i32, %c0_i32_0 : i32, i32
  }
  func.func @transform_7(%arg0: i32) -> (i32, i32, i32) {
    %c0_i32 = arith.constant 0 : i32
    %c0_i32_0 = arith.constant 0 : i32
    %c0_i32_1 = arith.constant 0 : i32
    return %c0_i32, %arg0, %c0_i32_0 : i32, i32, i32
  }
}

module attributes {stable_mosaic.version = 14 : i64} {
  func.func @_gru23_body(%arg0: i32, %arg1: memref<2x1000x128xf32, #tpu.memory_space<vmem>>, %arg2: memref<2x1000x128xf32, #tpu.memory_space<vmem>>, %arg3: memref<256x256xf32, #tpu.memory_space<vmem>>, %arg4: memref<256x768xf32, #tpu.memory_space<vmem>>, %arg5: memref<256x768xf32, #tpu.memory_space<vmem>>, %arg6: memref<1x768xf32, #tpu.memory_space<vmem>>, %arg7: memref<1x768xf32, #tpu.memory_space<vmem>>, %arg8: memref<2x1000x128xf32, #tpu.memory_space<vmem>>) attributes {dimension_semantics = [#tpu.dimension_semantics<arbitrary>], iteration_bounds = array<i64: 10>, scalar_prefetch = 0 : i64, scratch_operands = 0 : i64, tpu.core_type = #tpu.core_type<tc>, window_params = [{transform_indices = @transform_0, window_bounds = array<i64: 2, 1000, 128>}, {transform_indices = @transform_1, window_bounds = array<i64: 2, 1000, 128>}, {pipeline_mode = #tpu.pipeline_mode<synchronous>, transform_indices = @transform_2, window_bounds = array<i64: 256, 256>}, {pipeline_mode = #tpu.pipeline_mode<synchronous>, transform_indices = @transform_3, window_bounds = array<i64: 256, 768>}, {pipeline_mode = #tpu.pipeline_mode<synchronous>, transform_indices = @transform_4, window_bounds = array<i64: 256, 768>}, {pipeline_mode = #tpu.pipeline_mode<synchronous>, transform_indices = @transform_5, window_bounds = array<i64: 1, 768>}, {pipeline_mode = #tpu.pipeline_mode<synchronous>, transform_indices = @transform_6, window_bounds = array<i64: 1, 768>}, {transform_indices = @transform_7, window_bounds = array<i64: 2, 1000, 128>}]} {
    %get3A = arith.constant 0 : index
    %get3A_0 = arith.constant 0 : index
    %get3A_1 = arith.constant 0 : index
    %get3A_2 = vector.load %arg1[%get3A, %get3A_0, %get3A_1] : memref<2x1000x128xf32, #tpu.memory_space<vmem>>, vector<1x1000x128xf32>
    %get3A_3 = vector.shape_cast %get3A_2 : vector<1x1000x128xf32> to vector<1000x128xf32>
    %get3A_4 = arith.constant 0 : index
    %get3A_5 = arith.constant 0 : index
    %get3A_6 = vector.load %arg3[%get3A_4, %get3A_5] : memref<256x256xf32, #tpu.memory_space<vmem>>, vector<128x256xf32>
    %dot_general3A = arith.constant dense<0.000000e+00> : vector<1000x256xf32>
    %dot_general3A_7 = tpu.matmul %get3A_3, %get3A_6, %dot_general3A {dimension_numbers = #tpu.dot_dimension_numbers<[1], [0], [0], [1], [0, 0, 1, 1], [], []>, transpose_lhs_hint = false} : vector<1000x128xf32>, vector<128x256xf32>, vector<1000x256xf32> -> vector<1000x256xf32>
    %get3A_8 = arith.constant 1 : index
    %get3A_9 = arith.constant 0 : index
    %get3A_10 = arith.constant 0 : index
    %get3A_11 = vector.load %arg1[%get3A_8, %get3A_9, %get3A_10] : memref<2x1000x128xf32, #tpu.memory_space<vmem>>, vector<1x1000x128xf32>
    %get3A_12 = vector.shape_cast %get3A_11 : vector<1x1000x128xf32> to vector<1000x128xf32>
    %get3A_13 = arith.constant 128 : index
    %get3A_14 = arith.constant 0 : index
    %get3A_15 = vector.load %arg3[%get3A_13, %get3A_14] : memref<256x256xf32, #tpu.memory_space<vmem>>, vector<128x256xf32>
    %dot_general3A_16 = arith.constant dense<0.000000e+00> : vector<1000x256xf32>
    %dot_general3A_17 = tpu.matmul %get3A_12, %get3A_15, %dot_general3A_16 {dimension_numbers = #tpu.dot_dimension_numbers<[1], [0], [0], [1], [0, 0, 1, 1], [], []>, transpose_lhs_hint = false} : vector<1000x128xf32>, vector<128x256xf32>, vector<1000x256xf32> -> vector<1000x256xf32>
    %add3A = arith.addf %dot_general3A_7, %dot_general3A_17 : vector<1000x256xf32>
    %get3A_18 = arith.constant 0 : index
    %get3A_19 = arith.constant 0 : index
    %get3A_20 = vector.load %arg4[%get3A_18, %get3A_19] : memref<256x768xf32, #tpu.memory_space<vmem>>, vector<256x768xf32>
    %dot_general3A_21 = arith.constant dense<0.000000e+00> : vector<1000x768xf32>
    %dot_general3A_22 = tpu.matmul %add3A, %get3A_20, %dot_general3A_21 {dimension_numbers = #tpu.dot_dimension_numbers<[1], [0], [0], [1], [0, 0, 1, 1], [], []>, transpose_lhs_hint = false} : vector<1000x256xf32>, vector<256x768xf32>, vector<1000x768xf32> -> vector<1000x768xf32>
    %get3A_23 = arith.constant 0 : index
    %get3A_24 = arith.constant 0 : index
    %get3A_25 = vector.load %arg6[%get3A_23, %get3A_24] : memref<1x768xf32, #tpu.memory_space<vmem>>, vector<1x768xf32>
    %add3A_26 = vector.broadcast %get3A_25 : vector<1x768xf32> to vector<1000x768xf32>
    %add3A_27 = arith.addf %dot_general3A_22, %add3A_26 : vector<1000x768xf32>
    %get3A_28 = arith.constant 0 : index
    %get3A_29 = arith.constant 0 : index
    %get3A_30 = arith.constant 0 : index
    %get3A_31 = vector.load %arg2[%get3A_28, %get3A_29, %get3A_30] : memref<2x1000x128xf32, #tpu.memory_space<vmem>>, vector<1x1000x128xf32>
    %get3A_32 = vector.shape_cast %get3A_31 : vector<1x1000x128xf32> to vector<1000x128xf32>
    %get3A_33 = arith.constant 0 : index
    %get3A_34 = arith.constant 0 : index
    %get3A_35 = vector.load %arg5[%get3A_33, %get3A_34] : memref<256x768xf32, #tpu.memory_space<vmem>>, vector<128x768xf32>
    %dot_general3A_36 = arith.constant dense<0.000000e+00> : vector<1000x768xf32>
    %dot_general3A_37 = tpu.matmul %get3A_32, %get3A_35, %dot_general3A_36 {dimension_numbers = #tpu.dot_dimension_numbers<[1], [0], [0], [1], [0, 0, 1, 1], [], []>, transpose_lhs_hint = false} : vector<1000x128xf32>, vector<128x768xf32>, vector<1000x768xf32> -> vector<1000x768xf32>
    %get3A_38 = arith.constant 1 : index
    %get3A_39 = arith.constant 0 : index
    %get3A_40 = arith.constant 0 : index
    %get3A_41 = vector.load %arg2[%get3A_38, %get3A_39, %get3A_40] : memref<2x1000x128xf32, #tpu.memory_space<vmem>>, vector<1x1000x128xf32>
    %get3A_42 = vector.shape_cast %get3A_41 : vector<1x1000x128xf32> to vector<1000x128xf32>
    %get3A_43 = arith.constant 128 : index
    %get3A_44 = arith.constant 0 : index
    %get3A_45 = vector.load %arg5[%get3A_43, %get3A_44] : memref<256x768xf32, #tpu.memory_space<vmem>>, vector<128x768xf32>
    %dot_general3A_46 = arith.constant dense<0.000000e+00> : vector<1000x768xf32>
    %dot_general3A_47 = tpu.matmul %get3A_42, %get3A_45, %dot_general3A_46 {dimension_numbers = #tpu.dot_dimension_numbers<[1], [0], [0], [1], [0, 0, 1, 1], [], []>, transpose_lhs_hint = false} : vector<1000x128xf32>, vector<128x768xf32>, vector<1000x768xf32> -> vector<1000x768xf32>
    %add3A_48 = arith.addf %dot_general3A_37, %dot_general3A_47 : vector<1000x768xf32>
    %get3A_49 = arith.constant 0 : index
    %get3A_50 = arith.constant 0 : index
    %get3A_51 = vector.load %arg7[%get3A_49, %get3A_50] : memref<1x768xf32, #tpu.memory_space<vmem>>, vector<1x768xf32>
    %add3A_52 = vector.broadcast %get3A_51 : vector<1x768xf32> to vector<1000x768xf32>
    %add3A_53 = arith.addf %add3A_48, %add3A_52 : vector<1000x768xf32>
    %get3A_54 = arith.constant 0 : index
    %get3A_55 = arith.constant 0 : index
    %get3A_56 = arith.constant 0 : index
    %get3A_57 = vector.load %arg2[%get3A_54, %get3A_55, %get3A_56] : memref<2x1000x128xf32, #tpu.memory_space<vmem>>, vector<1x1000x128xf32>
    %get3A_58 = vector.shape_cast %get3A_57 : vector<1x1000x128xf32> to vector<1000x128xf32>
    %get3A_59 = arith.constant 1 : index
    %get3A_60 = arith.constant 0 : index
    %get3A_61 = arith.constant 0 : index
    %get3A_62 = vector.load %arg2[%get3A_59, %get3A_60, %get3A_61] : memref<2x1000x128xf32, #tpu.memory_space<vmem>>, vector<1x1000x128xf32>
    %get3A_63 = vector.shape_cast %get3A_62 : vector<1x1000x128xf32> to vector<1000x128xf32>
    %concatenate3A = tpu.concatenate %get3A_58, %get3A_63 in 1 : vector<1000x128xf32>, vector<1000x128xf32> -> vector<1000x256xf32>
    %slice3A = vector.extract_strided_slice %add3A_27 {offsets = [0, 0], sizes = [1000, 256], strides = [1, 1]} : vector<1000x768xf32> to vector<1000x256xf32>
    %slice3A_64 = vector.extract_strided_slice %add3A_53 {offsets = [0, 0], sizes = [1000, 256], strides = [1, 1]} : vector<1000x768xf32> to vector<1000x256xf32>
    %add3A_65 = arith.addf %slice3A, %slice3A_64 : vector<1000x256xf32>
    %logistic3A = arith.negf %add3A_65 : vector<1000x256xf32>
    %logistic3A_66 = math.exp %logistic3A : vector<1000x256xf32>
    %logistic3A_67 = arith.constant 1.000000e+00 : f32
    %logistic3A_68 = vector.broadcast %logistic3A_67 : f32 to vector<1000x256xf32>
    %logistic3A_69 = arith.addf %logistic3A_68, %logistic3A_66 : vector<1000x256xf32>
    %logistic3A_70 = arith.divf %logistic3A_68, %logistic3A_69 : vector<1000x256xf32>
    %slice3A_71 = vector.extract_strided_slice %add3A_27 {offsets = [0, 256], sizes = [1000, 256], strides = [1, 1]} : vector<1000x768xf32> to vector<1000x256xf32>
    %slice3A_72 = vector.extract_strided_slice %add3A_53 {offsets = [0, 256], sizes = [1000, 256], strides = [1, 1]} : vector<1000x768xf32> to vector<1000x256xf32>
    %add3A_73 = arith.addf %slice3A_71, %slice3A_72 : vector<1000x256xf32>
    %logistic3A_74 = arith.negf %add3A_73 : vector<1000x256xf32>
    %logistic3A_75 = math.exp %logistic3A_74 : vector<1000x256xf32>
    %logistic3A_76 = arith.constant 1.000000e+00 : f32
    %logistic3A_77 = vector.broadcast %logistic3A_76 : f32 to vector<1000x256xf32>
    %logistic3A_78 = arith.addf %logistic3A_77, %logistic3A_75 : vector<1000x256xf32>
    %logistic3A_79 = arith.divf %logistic3A_77, %logistic3A_78 : vector<1000x256xf32>
    %slice3A_80 = vector.extract_strided_slice %add3A_27 {offsets = [0, 512], sizes = [1000, 256], strides = [1, 1]} : vector<1000x768xf32> to vector<1000x256xf32>
    %slice3A_81 = vector.extract_strided_slice %add3A_53 {offsets = [0, 512], sizes = [1000, 256], strides = [1, 1]} : vector<1000x768xf32> to vector<1000x256xf32>
    %mul3A = arith.mulf %logistic3A_70, %slice3A_81 : vector<1000x256xf32>
    %add3A_82 = arith.addf %slice3A_80, %mul3A : vector<1000x256xf32>
    %tanh3A = math.tanh %add3A_82 : vector<1000x256xf32>
    %sub3A = arith.constant 1.000000e+00 : f32
    %sub3A_83 = vector.broadcast %sub3A : f32 to vector<1000x256xf32>
    %sub3A_84 = arith.subf %sub3A_83, %logistic3A_79 : vector<1000x256xf32>
    %mul3A_85 = arith.mulf %sub3A_84, %tanh3A : vector<1000x256xf32>
    %mul3A_86 = arith.mulf %logistic3A_79, %concatenate3A : vector<1000x256xf32>
    %add3A_87 = arith.addf %mul3A_85, %mul3A_86 : vector<1000x256xf32>
    %slice3A_88 = vector.extract_strided_slice %add3A_87 {offsets = [0, 0], sizes = [1000, 128], strides = [1, 1]} : vector<1000x256xf32> to vector<1000x128xf32>
    %swap3A = arith.constant 0 : index
    %swap3A_89 = arith.constant 0 : index
    %swap3A_90 = arith.constant 0 : index
    %swap3A_91 = vector.load %arg8[%swap3A, %swap3A_89, %swap3A_90] : memref<2x1000x128xf32, #tpu.memory_space<vmem>>, vector<1x1000x128xf32>
    %swap3A_92 = vector.shape_cast %swap3A_91 : vector<1x1000x128xf32> to vector<1000x128xf32>
    %swap3A_93 = vector.shape_cast %slice3A_88 : vector<1000x128xf32> to vector<1x1000x128xf32>
    tpu.vector_store %arg8[%swap3A, %swap3A_89, %swap3A_90], %swap3A_93 {strides = array<i32>} : memref<2x1000x128xf32, #tpu.memory_space<vmem>>, vector<1x1000x128xf32>,
    %slice3A_94 = vector.extract_strided_slice %add3A_87 {offsets = [0, 128], sizes = [1000, 128], strides = [1, 1]} : vector<1000x256xf32> to vector<1000x128xf32>
    %swap3A_95 = arith.constant 1 : index
    %swap3A_96 = arith.constant 0 : index
    %swap3A_97 = arith.constant 0 : index
    %swap3A_98 = vector.load %arg8[%swap3A_95, %swap3A_96, %swap3A_97] : memref<2x1000x128xf32, #tpu.memory_space<vmem>>, vector<1x1000x128xf32>
    %swap3A_99 = vector.shape_cast %swap3A_98 : vector<1x1000x128xf32> to vector<1000x128xf32>
    %swap3A_100 = vector.shape_cast %slice3A_94 : vector<1000x128xf32> to vector<1x1000x128xf32>
    tpu.vector_store %arg8[%swap3A_95, %swap3A_96, %swap3A_97], %swap3A_100 {strides = array<i32>} : memref<2x1000x128xf32, #tpu.memory_space<vmem>>, vector<1x1000x128xf32>,
    return
  }
  func.func @transform_0(%arg0: i32) -> (i32, i32, i32) {
    %c0_i32 = arith.constant 0 : i32
    %c0_i32_0 = arith.constant 0 : i32
    %c0_i32_1 = arith.constant 0 : i32
    return %c0_i32, %arg0, %c0_i32_0 : i32, i32, i32
  }
  func.func @transform_1(%arg0: i32) -> (i32, i32, i32) {
    %c0_i32 = arith.constant 0 : i32
    %c0_i32_0 = arith.constant 0 : i32
    %c0_i32_1 = arith.constant 0 : i32
    return %c0_i32, %arg0, %c0_i32_0 : i32, i32, i32
  }
  func.func @transform_2(%arg0: i32) -> (i32, i32) {
    %c0_i32 = arith.constant 0 : i32
    %c0_i32_0 = arith.constant 0 : i32
    %c0_i32_1 = arith.constant 0 : i32
    return %c0_i32, %c0_i32_0 : i32, i32
  }
  func.func @transform_3(%arg0: i32) -> (i32, i32) {
    %c0_i32 = arith.constant 0 : i32
    %c0_i32_0 = arith.constant 0 : i32
    %c0_i32_1 = arith.constant 0 : i32
    return %c0_i32, %c0_i32_0 : i32, i32
  }
  func.func @transform_4(%arg0: i32) -> (i32, i32) {
    %c0_i32 = arith.constant 0 : i32
    %c0_i32_0 = arith.constant 0 : i32
    %c0_i32_1 = arith.constant 0 : i32
    return %c0_i32, %c0_i32_0 : i32, i32
  }
  func.func @transform_5(%arg0: i32) -> (i32, i32) {
    %c0_i32 = arith.constant 0 : i32
    %c0_i32_0 = arith.constant 0 : i32
    %c0_i32_1 = arith.constant 0 : i32
    return %c0_i32, %c0_i32_0 : i32, i32
  }
  func.func @transform_6(%arg0: i32) -> (i32, i32) {
    %c0_i32 = arith.constant 0 : i32
    %c0_i32_0 = arith.constant 0 : i32
    %c0_i32_1 = arith.constant 0 : i32
    return %c0_i32, %c0_i32_0 : i32, i32
  }
  func.func @transform_7(%arg0: i32) -> (i32, i32, i32) {
    %c0_i32 = arith.constant 0 : i32
    %c0_i32_0 = arith.constant 0 : i32
    %c0_i32_1 = arith.constant 0 : i32
    return %c0_i32, %arg0, %c0_i32_0 : i32, i32, i32
  }
}

module attributes {stable_mosaic.version = 14 : i64} {
  func.func @_pool_body(%arg0: i32, %arg1: memref<2x1000x128xf32, #tpu.memory_space<vmem>>, %arg2: memref<1x1x1000xi32, #tpu.memory_space<vmem>>, %arg3: memref<256x10xf32, #tpu.memory_space<vmem>>, %arg4: memref<1x10xf32, #tpu.memory_space<vmem>>, %arg5: memref<64x10xf32, #tpu.memory_space<vmem>>, %arg6: memref<64x256xf32, #tpu.memory_space<vmem>>, %arg7: memref<64x128xf32, #tpu.memory_space<vmem>>) attributes {dimension_semantics = [#tpu.dimension_semantics<arbitrary>], iteration_bounds = array<i64: 10>, scalar_prefetch = 0 : i64, scratch_operands = 2 : i64, tpu.core_type = #tpu.core_type<tc>, window_params = [{transform_indices = @transform_0, window_bounds = array<i64: 2, 1000, 128>}, {transform_indices = @transform_1, window_bounds = array<i64: 1, 1, 1000>}, {pipeline_mode = #tpu.pipeline_mode<synchronous>, transform_indices = @transform_2, window_bounds = array<i64: 256, 10>}, {pipeline_mode = #tpu.pipeline_mode<synchronous>, transform_indices = @transform_3, window_bounds = array<i64: 1, 10>}, {pipeline_mode = #tpu.pipeline_mode<synchronous>, transform_indices = @transform_4, window_bounds = array<i64: 64, 10>}]} {
    %eq3A = arith.constant 0 : i32
    %eq3A_0 = arith.cmpi eq, %arg0, %eq3A : i32
    %convert_element_type3A = arith.extui %eq3A_0 : i1 to i32
    %cond3A = arith.constant 0 : i32
    %cond3A_1 = arith.cmpi ne, %convert_element_type3A, %cond3A : i32
    scf.if %cond3A_1 {
      %broadcast_in_dim3A_41 = arith.constant 0.000000e+00 : f32
      %broadcast_in_dim3A_42 = vector.broadcast %broadcast_in_dim3A_41 : f32 to vector<64x256xf32>
      %swap3A_43 = arith.constant 0 : index
      %swap3A_44 = arith.constant 0 : index
      %swap3A_45 = vector.load %arg6[%swap3A_43, %swap3A_44] : memref<64x256xf32, #tpu.memory_space<vmem>>, vector<64x256xf32>
      tpu.vector_store %arg6[%swap3A_43, %swap3A_44], %broadcast_in_dim3A_42 {strides = array<i32>} : memref<64x256xf32, #tpu.memory_space<vmem>>, vector<64x256xf32>,
      %broadcast_in_dim3A_46 = arith.constant 0.000000e+00 : f32
      %broadcast_in_dim3A_47 = vector.broadcast %broadcast_in_dim3A_46 : f32 to vector<64x128xf32>
      %swap3A_48 = arith.constant 0 : index
      %swap3A_49 = arith.constant 0 : index
      %swap3A_50 = vector.load %arg7[%swap3A_48, %swap3A_49] : memref<64x128xf32, #tpu.memory_space<vmem>>, vector<64x128xf32>
      tpu.vector_store %arg7[%swap3A_48, %swap3A_49], %broadcast_in_dim3A_47 {strides = array<i32>} : memref<64x128xf32, #tpu.memory_space<vmem>>, vector<64x128xf32>,
    } else {
    }
    %iota3A = tpu.iota {dimensions = array<i32: 0>} : vector<64x1000xi32>
    %get3A = arith.constant 0 : index
    %get3A_2 = arith.constant 0 : index
    %get3A_3 = arith.constant 0 : index
    %get3A_4 = vector.load %arg2[%get3A, %get3A_2, %get3A_3] : memref<1x1x1000xi32, #tpu.memory_space<vmem>>, vector<1x1x1000xi32>
    %get3A_5 = vector.shape_cast %get3A_4 : vector<1x1x1000xi32> to vector<1x1000xi32>
    %eq3A_6 = vector.broadcast %get3A_5 : vector<1x1000xi32> to vector<64x1000xi32>
    %eq3A_7 = arith.cmpi eq, %eq3A_6, %iota3A : vector<64x1000xi32>
    %convert_element_type3A_8 = arith.extui %eq3A_7 : vector<64x1000xi1> to vector<64x1000xi32>
    %convert_element_type3A_9 = arith.sitofp %convert_element_type3A_8 : vector<64x1000xi32> to vector<64x1000xf32>
    %get3A_10 = arith.constant 0 : index
    %get3A_11 = arith.constant 0 : index
    %get3A_12 = arith.constant 0 : index
    %get3A_13 = vector.load %arg1[%get3A_10, %get3A_11, %get3A_12] : memref<2x1000x128xf32, #tpu.memory_space<vmem>>, vector<1x1000x128xf32>
    %get3A_14 = vector.shape_cast %get3A_13 : vector<1x1000x128xf32> to vector<1000x128xf32>
    %get3A_15 = arith.constant 1 : index
    %get3A_16 = arith.constant 0 : index
    %get3A_17 = arith.constant 0 : index
    %get3A_18 = vector.load %arg1[%get3A_15, %get3A_16, %get3A_17] : memref<2x1000x128xf32, #tpu.memory_space<vmem>>, vector<1x1000x128xf32>
    %get3A_19 = vector.shape_cast %get3A_18 : vector<1x1000x128xf32> to vector<1000x128xf32>
    %concatenate3A = tpu.concatenate %get3A_14, %get3A_19 in 1 : vector<1000x128xf32>, vector<1000x128xf32> -> vector<1000x256xf32>
    %get3A_20 = arith.constant 0 : index
    %get3A_21 = arith.constant 0 : index
    %get3A_22 = vector.load %arg6[%get3A_20, %get3A_21] : memref<64x256xf32, #tpu.memory_space<vmem>>, vector<64x256xf32>
    %dot_general3A = arith.constant dense<0.000000e+00> : vector<64x256xf32>
    %dot_general3A_23 = tpu.matmul %convert_element_type3A_9, %concatenate3A, %dot_general3A {dimension_numbers = #tpu.dot_dimension_numbers<[1], [0], [0], [1], [0, 0, 1, 1], [], []>, transpose_lhs_hint = false} : vector<64x1000xf32>, vector<1000x256xf32>, vector<64x256xf32> -> vector<64x256xf32>
    %add3A = arith.addf %get3A_22, %dot_general3A_23 : vector<64x256xf32>
    %swap3A = arith.constant 0 : index
    %swap3A_24 = arith.constant 0 : index
    %swap3A_25 = vector.load %arg6[%swap3A, %swap3A_24] : memref<64x256xf32, #tpu.memory_space<vmem>>, vector<64x256xf32>
    tpu.vector_store %arg6[%swap3A, %swap3A_24], %add3A {strides = array<i32>} : memref<64x256xf32, #tpu.memory_space<vmem>>, vector<64x256xf32>,
    %get3A_26 = arith.constant 0 : index
    %get3A_27 = arith.constant 0 : index
    %get3A_28 = vector.load %arg7[%get3A_26, %get3A_27] : memref<64x128xf32, #tpu.memory_space<vmem>>, vector<64x128xf32>
    %reduce_sum3A = arith.constant dense<0.000000e+00> : vector<64xf32>
    %reduce_sum3A_29 = vector.multi_reduction <add>, %convert_element_type3A_9, %reduce_sum3A [1] : vector<64x1000xf32> to vector<64xf32>
    %broadcast_in_dim3A = vector.shape_cast %reduce_sum3A_29 : vector<64xf32> to vector<64x1xf32>
    %broadcast_in_dim3A_30 = vector.shape_cast %broadcast_in_dim3A : vector<64x1xf32> to vector<64x1xf32>
    %broadcast_in_dim3A_31 = vector.broadcast %broadcast_in_dim3A_30 : vector<64x1xf32> to vector<64x128xf32>
    %add3A_32 = arith.addf %get3A_28, %broadcast_in_dim3A_31 : vector<64x128xf32>
    %swap3A_33 = arith.constant 0 : index
    %swap3A_34 = arith.constant 0 : index
    %swap3A_35 = vector.load %arg7[%swap3A_33, %swap3A_34] : memref<64x128xf32, #tpu.memory_space<vmem>>, vector<64x128xf32>
    tpu.vector_store %arg7[%swap3A_33, %swap3A_34], %add3A_32 {strides = array<i32>} : memref<64x128xf32, #tpu.memory_space<vmem>>, vector<64x128xf32>,
    %eq3A_36 = arith.constant 9 : i32
    %eq3A_37 = arith.cmpi eq, %arg0, %eq3A_36 : i32
    %convert_element_type3A_38 = arith.extui %eq3A_37 : i1 to i32
    %cond3A_39 = arith.constant 0 : i32
    %cond3A_40 = arith.cmpi ne, %convert_element_type3A_38, %cond3A_39 : i32
    scf.if %cond3A_40 {
      %get3A_41 = arith.constant 0 : index
      %get3A_42 = arith.constant 0 : index
      %get3A_43 = vector.load %arg6[%get3A_41, %get3A_42] : memref<64x256xf32, #tpu.memory_space<vmem>>, vector<64x256xf32>
      %get3A_44 = arith.constant 0 : index
      %get3A_45 = arith.constant 0 : index
      %get3A_46 = vector.load %arg7[%get3A_44, %get3A_45] : memref<64x128xf32, #tpu.memory_space<vmem>>, vector<64x1xf32>
      %max3A = arith.constant 1.000000e+00 : f32
      %max3A_47 = vector.broadcast %max3A : f32 to vector<64x1xf32>
      %max3A_48 = arith.maximumf %get3A_46, %max3A_47 : vector<64x1xf32>
      %div3A = vector.broadcast %max3A_48 : vector<64x1xf32> to vector<64x256xf32>
      %div3A_49 = arith.divf %get3A_43, %div3A : vector<64x256xf32>
      %get3A_50 = arith.constant 0 : index
      %get3A_51 = arith.constant 0 : index
      %get3A_52 = vector.load %arg3[%get3A_50, %get3A_51] : memref<256x10xf32, #tpu.memory_space<vmem>>, vector<256x10xf32>
      %dot_general3A_53 = arith.constant dense<0.000000e+00> : vector<64x10xf32>
      %dot_general3A_54 = tpu.matmul %div3A_49, %get3A_52, %dot_general3A_53 {dimension_numbers = #tpu.dot_dimension_numbers<[1], [0], [0], [1], [0, 0, 1, 1], [], []>, transpose_lhs_hint = false} : vector<64x256xf32>, vector<256x10xf32>, vector<64x10xf32> -> vector<64x10xf32>
      %get3A_55 = arith.constant 0 : index
      %get3A_56 = arith.constant 0 : index
      %get3A_57 = vector.load %arg4[%get3A_55, %get3A_56] : memref<1x10xf32, #tpu.memory_space<vmem>>, vector<1x10xf32>
      %add3A_58 = vector.broadcast %get3A_57 : vector<1x10xf32> to vector<64x10xf32>
      %add3A_59 = arith.addf %dot_general3A_54, %add3A_58 : vector<64x10xf32>
      %swap3A_60 = arith.constant 0 : index
      %swap3A_61 = arith.constant 0 : index
      %swap3A_62 = vector.load %arg5[%swap3A_60, %swap3A_61] : memref<64x10xf32, #tpu.memory_space<vmem>>, vector<64x10xf32>
      tpu.vector_store %arg5[%swap3A_60, %swap3A_61], %add3A_59 {strides = array<i32>} : memref<64x10xf32, #tpu.memory_space<vmem>>, vector<64x10xf32>,
    } else {
    }
    return
  }
  func.func @transform_0(%arg0: i32) -> (i32, i32, i32) {
    %c0_i32 = arith.constant 0 : i32
    %c0_i32_0 = arith.constant 0 : i32
    %c0_i32_1 = arith.constant 0 : i32
    return %c0_i32, %arg0, %c0_i32_0 : i32, i32, i32
  }
  func.func @transform_1(%arg0: i32) -> (i32, i32, i32) {
    %c0_i32 = arith.constant 0 : i32
    %c0_i32_0 = arith.constant 0 : i32
    %c0_i32_1 = arith.constant 0 : i32
    return %arg0, %c0_i32, %c0_i32_0 : i32, i32, i32
  }
  func.func @transform_2(%arg0: i32) -> (i32, i32) {
    %c0_i32 = arith.constant 0 : i32
    %c0_i32_0 = arith.constant 0 : i32
    %c0_i32_1 = arith.constant 0 : i32
    return %c0_i32, %c0_i32_0 : i32, i32
  }
  func.func @transform_3(%arg0: i32) -> (i32, i32) {
    %c0_i32 = arith.constant 0 : i32
    %c0_i32_0 = arith.constant 0 : i32
    %c0_i32_1 = arith.constant 0 : i32
    return %c0_i32, %c0_i32_0 : i32, i32
  }
  func.func @transform_4(%arg0: i32) -> (i32, i32) {
    %c0_i32 = arith.constant 0 : i32
    %c0_i32_0 = arith.constant 0 : i32
    %c0_i32_1 = arith.constant 0 : i32
    return %c0_i32, %c0_i32_0 : i32, i32
  }
}

</mosaic_0001>

<sc_bundles>
// kernel: kernel.12.cloned.1.call-start
scs
__scs_entry_jumppad:
0x0: {  	(pc) =	sbr.rel $0x88, $3  }
0x1: {  	(tag) =	ssettag $0x0;
	lr =	simm.s32 $0x1  }
0x2: {  	[smem:$0x3F97] =	sst lr;
	_ =	strace $0xD0000000  }
0x3: {  	_ = 	snop  }
0x4: {  	_ = 	snop  }
0x5: {  	_ = 	snop  }
0x6: {  	_ = 	snop  }
0x7: {  	_ = 	snop  }
__scs_overlays_trampoline_lowered:
0x8: {  	[smem:$0x3FA6] =	sst s0  }
0x9: {  	[smem:$0x3FA7] =	sst s1  }
0xa: {  	[smem:$0x3FA8] =	sst s2  }
0xb: {  	[smem:$0x3FA9] =	sst s3  }
0xc: {  	[smem:$0x3FAA] =	sst s4  }
0xd: {  	[smem:$0x3FAB] =	sst s5  }
0xe: {  	[smem:$0x3FAC] =	sst s6  }
0xf: {  	[smem:$0x3FAD] =	sst s7  }
0x10: {  	[smem:$0x3FAE] =	sst s8  }
0x11: {  	[smem:$0x3FAF] =	sst s9;
	s0 =	simm.s32 @!p0 $0x0  }
0x12: {  	s1 =	sld [smem:$0x3F95];
	s0 =	simm.s32 @p0 $0x1  }
0x13: {  	[smem:$0x3FB0] =	sst s0;
	s0 =	simm.s32 @!p1 $0x0  }
0x14: {  	s2 =	sld [smem:$0x3F94];
	s0 =	simm.s32 @p1 $0x1  }
0x15: {  	[smem:$0x3FB1] =	sst s0;
	s0 =	simm.s32 @!p2 $0x0  }
0x16: {  	s3 =	sld [smem:$0x3FDB];
	s0 =	simm.s32 @p2 $0x1  }
0x17: {  	s4 =	simm.s32 $0x1BF5;
	[smem:$0x3FB3] =	sst s0  }
0x18: {  	s0 =	sld [smem:$0x3F96];
	_ =	swait.ge [sflag:s4], $0x0  }
0x19: {  	s7 =	sld [smem:$0x3F97]  }
0x1a: {  	s8 =	sadd.s32 $0xFFFFE003, lr  }
0x1b: {  	s9 =	sadd.s32 $0xFFFFFEF7, lr;
	s5 =	simm.s32 $0xFFFFFFFF;
	p2 =	slt.u32 s8, $0xFFFFF086  }
0x1c: {  	p1 =	slt.u32 s9, $0xF7A;
	s5 =	simm.s32 @!p2 $0x0  }
0x1d: {  	s5 =	simm.s32 @p1 $0x1;
	p0 =	seq.s32 s7, s2  }
0x1e: {  	s7 =	smul.u32 @!p0 $0xF7A, s2;
	p2 =	seq.s32 @!p0 s5, $0x0  }
0x1f: {  	s9 =	smul.u32 $0xF7A, s1;
	s8 =	simm.s32 @!p0 $0x1BF5;
	p2 =	por !p2, p0  }
0x20: {  	[sflag:s8] =	ssyncset.s32 @!p0 $0xFFFFF086;
	s6 =	sadd.s32 @!p0 s3, s7;
	s7 =	simm.s32 @!p0 $0x108  }
0x21: {  	s3 =	sadd.s32 s3, s9;
	s6 =	sadd.s32 @!p0 $0x88, s6;
	s7 =	simm.s32 @p2 $0x1082  }
0x22: {  	[simem:s7], [sflag:s8] =	dma.local @!p0 [hbm:s6], $0xF7A  }
0x23: {  	s9 =	sor.u32 $0xD0000000, s2;
	s6 =	simm.s32 $0x108;
	_ =	swait.ge @!p0 [sflag:s8], $0x0  }
0x24: {  	s3 =	sadd.s32 $0x88, s3;
	s6 =	simm.s32 @!p1 $0x1082;
	[sflag:s4] =	ssyncset.s32 $0xFFFFF086  }
0x25: {  	[simem:s6], [sflag:s4] =	dma.local [hbm:s3], $0xF7A  }
0x26: {  	[smem:$0x3F97] =	sst s1;
	(tag) =	ssettag s2;
	_ =	strace s9  }
0x27: {  	s1 =	sld [smem:$0x3FA7]  }
0x28: {  	s2 =	sld [smem:$0x3FA8]  }
0x29: {  	s4 =	sld [smem:$0x3FAA]  }
0x2a: {  	p0 =	seq.s32 s5, $0x0;
	s5 =	sld [smem:$0x3FAB]  }
0x2b: {  	s6 =	sld [smem:$0x3FAC]  }
0x2c: {  	s7 =	sld [smem:$0x3FAD]  }
0x2d: {  	s3 =	simm.s32 $0x108;
	s8 =	sld [smem:$0x3FAE]  }
0x2e: {  	s3 =	simm.s32 @!p0 $0x1082;
	s9 =	sld [smem:$0x3FAF]  }
0x2f: {  	lr =	sadd.s32 s0, s3;
	s0 =	sld [smem:$0x3FA6]  }
0x30: {  	s3 =	sld [smem:$0x3FA9]  }
0x31: {  	[smem:$0x3FB2] =	sst s10  }
0x32: {  	s10 =	sld [smem:$0x3FB0];
	_ =	sdelay $0x3  }
0x33: {  	p0 =	seq.s32 s10, $0x1;
	s10 =	sld [smem:$0x3FB2];
	_ =	sdelay $0x3  }
0x34: {  	[smem:$0x3FB2] =	sst s10  }
0x35: {  	s10 =	sld [smem:$0x3FB1];
	_ =	sdelay $0x3  }
0x36: {  	p1 =	seq.s32 s10, $0x1;
	s10 =	sld [smem:$0x3FB2];
	_ =	sdelay $0x3  }
0x37: {  	[smem:$0x3FB2] =	sst s10  }
0x38: {  	s10 =	sld [smem:$0x3FB3]  }
0x39: {  	_ = 	snop;
	(pc) =	sbr.ind lr, $3  }
0x3a: {  	_ = 	snop  }
0x3b: {  	_ = 	snop  }
0x3c: {  	p2 =	seq.s32 s10, $0x1;
	s10 =	sld [smem:$0x3FB2]  }
0x3d: {  	_ =	shalt  }
0x3e: {  	_ =	shalt  }
0x3f: {  	_ =	shalt  }
0x40: {  	_ =	shalt  }
0x41: {  	_ =	shalt  }
0x42: {  	_ =	shalt  }
0x43: {  	_ =	shalt  }
0x44: {  	_ =	shalt  }
0x45: {  	_ =	shalt  }
0x46: {  	_ =	shalt  }
0x47: {  	_ =	shalt  }
0x48: {  	_ =	shalt  }
0x49: {  	_ =	shalt  }
0x4a: {  	_ =	shalt  }
0x4b: {  	_ =	shalt  }
0x4c: {  	_ =	shalt  }
0x4d: {  	_ =	shalt  }
0x4e: {  	_ =	shalt  }
0x4f: {  	_ =	shalt  }
0x50: {  	_ =	shalt  }
0x51: {  	_ =	shalt  }
0x52: {  	_ =	shalt  }
0x53: {  	_ =	shalt  }
0x54: {  	_ =	shalt  }
0x55: {  	_ =	shalt  }
0x56: {  	_ =	shalt  }
0x57: {  	_ =	shalt  }
0x58: {  	_ =	shalt  }
0x59: {  	_ =	shalt  }
0x5a: {  	_ =	shalt  }
0x5b: {  	_ =	shalt  }
0x5c: {  	_ =	shalt  }
0x5d: {  	_ =	shalt  }
0x5e: {  	_ =	shalt  }
0x5f: {  	_ =	shalt  }
0x60: {  	_ =	shalt  }
0x61: {  	_ =	shalt  }
0x62: {  	_ =	shalt  }
0x63: {  	_ =	shalt  }
0x64: {  	_ =	shalt  }
0x65: {  	_ =	shalt  }
0x66: {  	_ =	shalt  }
0x67: {  	_ =	shalt  }
0x68: {  	_ =	shalt  }
0x69: {  	_ =	shalt  }
0x6a: {  	_ =	shalt  }
0x6b: {  	_ =	shalt  }
0x6c: {  	_ =	shalt  }
0x6d: {  	_ =	shalt  }
0x6e: {  	_ =	shalt  }
0x6f: {  	_ =	shalt  }
0x70: {  	_ =	shalt  }
0x71: {  	_ =	shalt  }
0x72: {  	_ =	shalt  }
0x73: {  	_ =	shalt  }
0x74: {  	_ =	shalt  }
0x75: {  	_ =	shalt  }
0x76: {  	_ =	shalt  }
0x77: {  	_ =	shalt  }
0x78: {  	_ =	shalt  }
0x79: {  	_ =	shalt  }
0x7a: {  	_ =	shalt  }
0x7b: {  	_ =	shalt  }
0x7c: {  	_ =	shalt  }
0x7d: {  	_ =	shalt  }
0x7e: {  	_ =	shalt  }
0x7f: {  	_ =	shalt  }
0x80: {  	_ =	shalt  }
0x81: {  	_ =	shalt  }
0x82: {  	_ =	shalt  }
0x83: {  	_ =	shalt  }
0x84: {  	_ =	shalt  }
0x85: {  	_ =	shalt  }
0x86: {  	_ =	shalt  }
0x87: {  	_ =	shalt  }
.Lfunc_end0:
.L_simem_size_0:
called_computation.1_lowered:
.L_overlay_start_0:
0x88: {  	s2 =	sld [smem:$0x3FD9]  }
0x89: {  	s3 =	sld [smem:$0x3FFE];
	_ =	sdelay $0x1  }
0x8a: {  	s1 =	srdreg.scid  }
0x8b: {  	s0 =	sand.u32 $0x1, s1  }
0x8c: {  	s16 =	sshll.u32 s0, $0xA;
	s2 =	sadd.s32 s3, s2  }
0x8d: {  	s2 =	sadd.s32 s2, s16  }
0x8e: {  	[smem:$0x3FBE] =	sst s2  }
0x8f: {  	_ = 	snop  }
0x90: {  	(tm) =	ssettm $0x1  }
0x91: {  	s17 =	sld [smem:$0x3FFB];
	_ =	sdelay $0x3  }
0x92: {  	_ =	strace s17  }
0x93: {  	s2 =	sld [smem:$0x3FFC];
	_ =	sdelay $0x3  }
0x94: {  	_ =	strace s2  }
0x95: {  	s2 =	sld [smem:$0x3FFD];
	_ =	sdelay $0x3  }
0x96: {  	_ =	strace s2  }
0x97: {  	_ =	strace $0x8FFFFFFF  }
0x98: {  	s18 =	sld [smem:$0x3FDB];
	_ =	sdelay $0x1  }
0x99: {  	s19 =	simm.s32 $_scs_section_size  }
0x9a: {  	s4 =	simm.s32 $_size__tile_overlayer_lowered;
	s5 =	simm.s32 $_tile_overlayer_lowered  }
0x9b: {  	s22 =	simm.s32 $0x1BFF;
	s21 =	sshll.u32 s5, $0x1;
	s2 =	sadd.s32 s19, s18  }
0x9c: {  	s6 =	simm.s32 $0x0;
	s20 =	sshll.u32 s4, $0x1;
	s4 =	sadd.s32 s21, s2  }
0x9d: {  	[timem:s6], [sflag:s22] =	dma.local [hbm:s4], s20  }
0x9e: {  	_ =	swait.ge [sflag:s22], s20  }
0x9f: {  	s3 =	ssub.s32 $0x0, s20;
	[sflag:s22] =	ssyncset.done $0x0  }
0xa0: {  	[sflag:s22] =	ssyncadd.s32 s3;
	_ =	sdelay $0x1  }
0xa1: {  	s23 =	simm.s32 $0x1B8B  }
0xa2: {  	_ =	swait.ge [sflag:s23], $0x1  }
0xa3: {  	[sflag:s23] =	ssyncset.done $0x0  }
0xa4: {  	s25 =	simm.s32 $0x1B8E;
	s24 =	sld [smem:$0x3FFE];
	[sflag:s23] =	ssyncadd.s32 $0xFFFFFFFF  }
0xa5: {  	s26 =	simm.s32 $execute0_lowered;
	[smem:$0x3FD2] =	sst s25  }
0xa6: {  	s4 =	sshll.u32 s26, $0x1;
	_ =	strace $0x80000049;
	[dreg:$0x1] =	wrdreg $0xFFFFFFFF  }
0xa7: {  	s28 =	simm.s32 $_size_execute0_lowered;
	s2 =	sadd.s32 s2, s4;
	[dreg:$0x0] =	wrdreg $0x0  }
0xa8: {  	s4 =	sshll.u32 s28, $0x1;
	[dreg:$0x2] =	wrdreg s2  }
0xa9: {  	[dreg:$0x3] =	wrdreg s4  }
0xaa: {  	[dreg:$0x4] =	wrdreg $0xC0  }
0xab: {  	_ =	task [dreg:s6], $0x5FFFF  }
0xac: {  	[dreg:$0x1] =	wrdreg $0xFFFFFFFF  }
0xad: {  	[dreg:$0x0] =	wrdreg $0x60  }
0xae: {  	[dreg:$0x2] =	wrdreg s24  }
0xaf: {  	[dreg:$0x3] =	wrdreg $0xA8000  }
0xb0: {  	[dreg:$0x4] =	wrdreg $0x9  }
0xb1: {  	_ =	task.clear_ibuf [dreg:s6], $0x5FFFF;
	_ =	strace $0x90000049  }
0xb2: {  	s29 =	simm.s32 $0x9;
	_ =	strace $0x8000004B  }
0xb3: {  	_ =	swait.ge [sflag:s29], $0x1  }
0xb4: {  	[sflag:s29] =	ssyncadd.s32 $0xFFFFFFFF  }
0xb5: {  	_ =	strace $0x9000004B  }
0xb6: {  	_ =	sfence  }
0xb7: {  	s30 =	sld [smem:$0x0];
	_ =	sdelay $0x2  }
0xb8: {  	s31 =	sshll.u32 s1, $0xD;
	s1 =	sshrl.u32 s1, $0x2  }
0xb9: {  	s3 =	sand.u32 $0x4000, s31;
	s1 =	sadd.s32 s1, s30  }
0xba: {  	s0 =	sor.u32 s3, s0;
	s1 =	sshll.u32 s1, $0x11  }
0xbb: {  	s0 =	sor.u32 s1, s0  }
0xbc: {  	s0 =	sadd.s32 $0x8F2B, s0  }
0xbd: {  	[sflag:s0] =	ssyncadd.remote.s32 $0x1  }
0xbe: {  	_ =	sfence.sel $0xFFFF  }
0xbf: {  	[dreg:$0x0] =	wrdreg $0xFFFFFFFF;
	(pc) =	sbr.abs _section_cstart, $3  }
0xc0: {  	[dreg:$0x1] =	wrdreg $0xFFFFFFFF  }
0xc1: {  	_ =	task.clear_ibuf [dreg:s6], $0x2FFFF;
	_ =	strace $0x9FFFFFFF  }
0xc2: {  	(tm) =	ssettm $0x7FFFFFFF  }
0xc3: {  	_ =	shalt  }
tec
execute0_lowered:
.L_overlay_start_1:
0x0: {  	(tag) =	ssettag $0x1  }
0x1: {  	s0 =	rddreg [dreg:$0x0]  }
0x2: {  	s1 =	rddreg [dreg:$0x1]  }
0x3: {  	s17 =	simm.s32 $0x0;
	s11 =	stileid.u32;
	s3 =	srdreg.scid  }
0x4: {  	s16 =	simm.s32 $0x9;
	s18 =	simm.s32 $0x20;
	s19 =	simm.s32 $0x2800  }
0x5: {  	s23 =	simm.s32 $0x4800;
	s29 =	simm.s32 $0x6800;
	s13 =	simm.s32 $0x2  }
0x6: {  	s14 =	simm.s32 $0x4;
	s15 =	simm.s32 $0x6;
	[smem:$0x7FF] =	sst s17  }
0x7: {  	s4 =	sadd.s32 $0x7A200, s0;
	s2 =	smul.u32 $0x2780, s11;
	s5 =	sadd.s32 $0xF0400, s0  }
0x8: {  	s3 =	sand.u32 $0x1, s3;
	s25 =	smul.u32 $0x4F000, s11;
	s6 =	sadd.s32 $0xC8400, s0  }
0x9: {  	s12 =	smul.u32 $0x14000, s11;
	s10 =	sshll.u32 s11, $0x6;
	p0 =	seq.s32 s11, $0xF  }
0xa: {  	_ =	strace $0x8000004A;
	[dreg:$0x4] =	wrdreg s5;
	s7 =	smul.u32 $0x140000, s3  }
0xb: {  	[dreg:$0x5] =	wrdreg s6;
	s26 =	ssub.s32 $0x2, s3;
	s28 =	smul.u32 $0x27100, s3  }
0xc: {  	s3 =	smul.u32 $0x138800, s3;
	s10 =	sor.u32 $0x1C09, s10;
	s8 =	sadd.s32 s2, s0  }
0xd: {  	s9 =	sshrl.u32 s26, $0x1;
	s0 =	sadd.s32 $0x2A00, s0;
	[dreg:$0x6] =	wrdreg s12  }
0xe: {  	s5 =	sshrl.u32 s25, $0x2;
	[dreg:$0x9] =	wrdreg s10;
	s8 =	sadd.s32 $0x52A00, s8  }
0xf: {  	s6 =	ssub.s32 s26, s9;
	s7 =	sadd.s32 s7, s12;
	[dreg:$0x8] =	wrdreg s8  }
0x10: {  	s5 =	sadd.s32 s5, s1;
	s2 =	sadd.s32 s2, s28;
	[dreg:$0xa] =	wrdreg s7  }
0x11: {  	s3 =	sshrl.u32 s3, $0x3;
	s2 =	sadd.s32 s0, s2;
	[dreg:$0x7] =	wrdreg s5  }
0x12: {  	s9 =	simm.s32 $0x1;
	s30 =	smax.u32 s6, $0x1;
	[dreg:$0xb] =	wrdreg s2  }
0x13: {  	s0 =	sadd.s32 s0, s3;
	s31 =	sshrl.u32 s5, $0x3;
	[dreg:$0xd] =	wrdreg s30  }
0x14: {  	s2 =	sadd.s32 $0x128400, s1;
	s0 =	sadd.s32 $0x25080, s0;
	[dreg:$0xe] =	wrdreg s31  }
0x15: {  	s12 =	simm.s32 $0x9800;
	[dreg:$0xc] =	wrdreg s0;
	s0 =	sshrl.u32 @p0 s2, $0x3  }
0x16: {  	s8 =	simm.s32 $0x8;
	s2 =	simm.s32 $0x8800;
	[dreg:$0xf] =	wrdreg s0  }
.LBB2_1:
0x17: {  	[dreg:$0x3] =	wrdreg s17  }
0x18: {  	s0 =	rddreg [dreg:$0x8]  }
0x19: {  	s3 =	rddreg [dreg:$0xe]  }
0x1a: {  	[spmem:s3], [sflag:s10] =	dma.local [hbm:s0], $0x2780  }
0x1b: {  	_ =	swait.ge [sflag:s16], $0x2780  }
0x1c: {  	[sflag:s16] =	ssyncset.done $0x0  }
0x1d: {  	[sflag:s16] =	ssyncadd.s32 $0xFFFFD880  }
0x1e: {  	s0 =	simm.s32 $0x0;
	[bflag:$0x0] =	sbarrier.arrive $0xFFFF  }
.LBB2_2:
0x1f: {  	s25 =	smul.u32 $0x1400, s0  }
0x20: {  	s3 =	rddreg [dreg:$0xa]  }
0x21: {  	s3 =	sadd.s32 s3, s25  }
0x22: {  	s5 =	rddreg [dreg:$0x4];
	s3 =	sshrl.u32 s3, $0x3  }
0x23: {  	[dreg:$0x10] =	wrdreg s0;
	s26 =	simm.s32 $0x0;
	s3 =	sadd.s32 s5, s3  }
0x24: {  	[tilespmem:s26], [sflag:$0x9] =	stream.linear.gather [hbm4b:s3+s26], $0x1400, $0x38;
	[tilespmem:$0x1E400] =	vst v63  }
0x25: {  	_ =	swait.ge [sflag:s16], $0x1400  }
0x26: {  	s28 =	rddreg [dreg:$0x6]  }
0x27: {  	s0 =	sadd.s32 s28, s25  }
0x28: {  	[sflag:s16] =	ssyncset.done $0x0;
	s30 =	rddreg [dreg:$0x5];
	s0 =	sshrl.u32 s0, $0x3  }
0x29: {  	s31 =	simm.s32 $0x1400;
	[sflag:s16] =	ssyncadd.s32 $0xFFFFEC00;
	s0 =	sadd.s32 s30, s0  }
0x2a: {  	[tilespmem:s31], [sflag:$0x9] =	stream.linear.gather [hbm4b:s0+s26], $0x1400, $0x38;
	[tilespmem:$0x1E400] =	vst v63  }
0x2b: {  	_ =	swait.ge [sflag:s16], $0x1400  }
0x2c: {  	[sflag:s16] =	ssyncset.done $0x0  }
0x2d: {  	[sflag:s16] =	ssyncadd.s32 $0xFFFFEC00  }
0x2e: {  	[tilespmem:s19], [sflag:$0x1] =	stream.indirect.gather [hbm4b:s4+s18], $0x80, s26, s18, $0xb8;
	[tilespmem:$0x1E400] =	vst v63  }
0x2f: {  	s6 =	simm.s32 $0x3800;
	s5 =	simm.s32 $0x80  }
0x30: {  	[tilespmem:s6], [sflag:$0x2] =	stream.indirect.gather [hbm4b:s4+s18], $0x80, s5, s18, $0xb8;
	[tilespmem:$0x1E400] =	vst v63  }
0x31: {  	s7 =	simm.s32 $0x100  }
0x32: {  	[tilespmem:s23], [sflag:$0x3] =	stream.indirect.gather [hbm4b:s4+s18], $0x80, s7, s18, $0xb8;
	[tilespmem:$0x1E400] =	vst v63  }
0x33: {  	s10 =	simm.s32 $0x180;
	s11 =	simm.s32 $0x5800  }
0x34: {  	[tilespmem:s11], [sflag:$0x4] =	stream.indirect.gather [hbm4b:s4+s18], $0x80, s10, s18, $0xb8;
	[tilespmem:$0x1E400] =	vst v63  }
0x35: {  	s17 =	simm.s32 $0x200  }
0x36: {  	[tilespmem:s29], [sflag:$0x5] =	stream.indirect.gather [hbm4b:s4+s18], $0x80, s17, s18, $0xb8;
	[tilespmem:$0x1E400] =	vst v63  }
0x37: {  	s20 =	simm.s32 $0x280;
	s21 =	simm.s32 $0x7800  }
0x38: {  	[tilespmem:s21], [sflag:$0x6] =	stream.indirect.gather [hbm4b:s4+s18], $0x80, s20, s18, $0xb8;
	[tilespmem:$0x1E400] =	vst v63  }
0x39: {  	s22 =	simm.s32 $0x300  }
0x3a: {  	[tilespmem:s2], [sflag:$0x7] =	stream.indirect.gather [hbm4b:s4+s18], $0x80, s22, s18, $0xb8;
	[tilespmem:$0x1E400] =	vst v63  }
0x3b: {  	_ =	swait.ge [sflag:s9], $0x1000  }
0x3c: {  	[sflag:s9] =	ssyncset.done $0x0  }
0x3d: {  	s24 =	simm.s32 $0x380;
	[sflag:s9] =	ssyncadd.s32 $0xFFFFF000  }
0x3e: {  	[tilespmem:s12], [sflag:$0x8] =	stream.indirect.gather [hbm4b:s4+s18], $0x80, s24, s18, $0xb8;
	[tilespmem:$0x1E400] =	vst v63  }
0x3f: {  	s25 =	simm.s32 $0x1400  }
0x40: {  	[spmem:s1] =	stream.indirect.scatter.add.f32 [tilespmem:s19], [sflag:$0x9], $0x80, s25, s18, $0xb8;
	[tilespmem:$0x1E400] =	vst v63  }
0x41: {  	_ =	swait.ge [sflag:s16], $0x1000  }
0x42: {  	[sflag:s16] =	ssyncset.done $0x0  }
0x43: {  	[sflag:s16] =	ssyncadd.s32 $0xFFFFF000  }
0x44: {  	p1 =	por $0x0, $0x0;
	_ =	swait.ge [sflag:s13], $0x1000  }
0x45: {  	s3 =	simm.s32 @p1 $0x1480;
	[sflag:s13] =	ssyncset.done $0x0  }
0x46: {  	s0 =	simm.s32 @p1 $0x20;
	s5 =	simm.s32 @p1 $0x3800;
	[sflag:s13] =	ssyncadd.s32 $0xFFFFF000  }
0x47: {  	[spmem:s1] =	stream.indirect.scatter.add.f32 @p1 [tilespmem:s5], [sflag:$0x9], $0x80, s3, s0, $0xb8;
	[tilespmem:$0x1E400] =	vst v63  }
0x48: {  	s5 =	simm.s32 @p1 $0x9  }
0x49: {  	_ =	swait.ge @p1 [sflag:s5], $0x1000  }
0x4a: {  	[sflag:s5] =	ssyncset.done @p1 $0x0  }
0x4b: {  	s6 =	simm.s32 @p1 $0x3;
	[sflag:s5] =	ssyncadd.s32 @p1 $0xFFFFF000  }
0x4c: {  	_ =	swait.ge @p1 [sflag:s6], $0x1000  }
0x4d: {  	s7 =	simm.s32 @!p1 $0x400;
	[sflag:s6] =	ssyncset.done @p1 $0x0  }
0x4e: {  	s10 =	simm.s32 @!p1 $0x2800;
	s3 =	simm.s32 @!p1 $0x20;
	[sflag:s6] =	ssyncadd.s32 @p1 $0xFFFFF000  }
0x4f: {  	[tilespmem:s10], [sflag:$0x1] =	stream.indirect.gather @!p1 [hbm4b:s4+s3], $0x80, s7, s3, $0xb8;
	[tilespmem:$0x1E400] =	vst v63  }
0x50: {  	s6 =	simm.s32 @!p1 $0x9;
	s7 =	simm.s32 @!p1 $0x1480;
	s10 =	simm.s32 @!p1 $0x3800  }
0x51: {  	[spmem:s1] =	stream.indirect.scatter.add.f32 @!p1 [tilespmem:s10], [sflag:$0x9], $0x80, s7, s3, $0xb8;
	[tilespmem:$0x1E400] =	vst v63  }
0x52: {  	_ =	swait.ge @!p1 [sflag:s6], $0x1000  }
0x53: {  	[sflag:s6] =	ssyncset.done @!p1 $0x0  }
0x54: {  	s7 =	simm.s32 @!p1 $0x3;
	[sflag:s6] =	ssyncadd.s32 @!p1 $0xFFFFF000  }
0x55: {  	_ =	swait.ge @!p1 [sflag:s7], $0x1000  }
0x56: {  	[sflag:s7] =	ssyncset.done @!p1 $0x0  }
0x57: {  	[sflag:s7] =	ssyncadd.s32 @!p1 $0xFFFFF000;
	s7 =	simm.s32 @!p1 $0x480  }
0x58: {  	[tilespmem:s10], [sflag:$0x2] =	stream.indirect.gather @!p1 [hbm4b:s4+s3], $0x80, s7, s3, $0xb8;
	[tilespmem:$0x1E400] =	vst v63  }
0x59: {  	s26 =	simm.s32 $0x1500  }
0x5a: {  	[spmem:s1] =	stream.indirect.scatter.add.f32 [tilespmem:s23], [sflag:$0x9], $0x80, s26, s18, $0xb8;
	[tilespmem:$0x1E400] =	vst v63  }
0x5b: {  	_ =	swait.ge [sflag:s16], $0x1000  }
0x5c: {  	[sflag:s16] =	ssyncset.done $0x0  }
0x5d: {  	[sflag:s16] =	ssyncadd.s32 $0xFFFFF000  }
0x5e: {  	_ =	swait.ge [sflag:s14], $0x1000  }
0x5f: {  	[sflag:s14] =	ssyncset.done $0x0  }
0x60: {  	s7 =	simm.s32 @p1 $0x1580;
	s10 =	simm.s32 @p1 $0x5800;
	[sflag:s14] =	ssyncadd.s32 $0xFFFFF000  }
0x61: {  	[spmem:s1] =	stream.indirect.scatter.add.f32 @p1 [tilespmem:s10], [sflag:$0x9], $0x80, s7, s0, $0xb8;
	[tilespmem:$0x1E400] =	vst v63  }
0x62: {  	_ =	swait.ge @p1 [sflag:s5], $0x1000  }
0x63: {  	[sflag:s5] =	ssyncset.done @p1 $0x0  }
0x64: {  	s7 =	simm.s32 @p1 $0x5;
	[sflag:s5] =	ssyncadd.s32 @p1 $0xFFFFF000  }
0x65: {  	_ =	swait.ge @p1 [sflag:s7], $0x1000  }
0x66: {  	[sflag:s7] =	ssyncset.done @p1 $0x0  }
0x67: {  	s10 =	simm.s32 @!p1 $0x500;
	[sflag:s7] =	ssyncadd.s32 @p1 $0xFFFFF000;
	s7 =	simm.s32 @!p1 $0x4800  }
0x68: {  	[tilespmem:s7], [sflag:$0x3] =	stream.indirect.gather @!p1 [hbm4b:s4+s3], $0x80, s10, s3, $0xb8;
	[tilespmem:$0x1E400] =	vst v63  }
0x69: {  	s7 =	simm.s32 @!p1 $0x1580;
	s10 =	simm.s32 @!p1 $0x5800  }
0x6a: {  	[spmem:s1] =	stream.indirect.scatter.add.f32 @!p1 [tilespmem:s10], [sflag:$0x9], $0x80, s7, s3, $0xb8;
	[tilespmem:$0x1E400] =	vst v63  }
0x6b: {  	_ =	swait.ge @!p1 [sflag:s6], $0x1000  }
0x6c: {  	[sflag:s6] =	ssyncset.done @!p1 $0x0  }
0x6d: {  	s7 =	simm.s32 @!p1 $0x5;
	[sflag:s6] =	ssyncadd.s32 @!p1 $0xFFFFF000  }
0x6e: {  	_ =	swait.ge @!p1 [sflag:s7], $0x1000  }
0x6f: {  	[sflag:s7] =	ssyncset.done @!p1 $0x0  }
0x70: {  	[sflag:s7] =	ssyncadd.s32 @!p1 $0xFFFFF000;
	s7 =	simm.s32 @!p1 $0x580  }
0x71: {  	[tilespmem:s10], [sflag:$0x4] =	stream.indirect.gather @!p1 [hbm4b:s4+s3], $0x80, s7, s3, $0xb8;
	[tilespmem:$0x1E400] =	vst v63  }
0x72: {  	s28 =	simm.s32 $0x1600  }
0x73: {  	[spmem:s1] =	stream.indirect.scatter.add.f32 [tilespmem:s29], [sflag:$0x9], $0x80, s28, s18, $0xb8;
	[tilespmem:$0x1E400] =	vst v63  }
0x74: {  	_ =	swait.ge [sflag:s16], $0x1000  }
0x75: {  	[sflag:s16] =	ssyncset.done $0x0  }
0x76: {  	[sflag:s16] =	ssyncadd.s32 $0xFFFFF000  }
0x77: {  	_ =	swait.ge [sflag:s15], $0x1000  }
0x78: {  	[sflag:s15] =	ssyncset.done $0x0  }
0x79: {  	s7 =	simm.s32 @p1 $0x1680;
	s10 =	simm.s32 @p1 $0x7800;
	[sflag:s15] =	ssyncadd.s32 $0xFFFFF000  }
0x7a: {  	[spmem:s1] =	stream.indirect.scatter.add.f32 @p1 [tilespmem:s10], [sflag:$0x9], $0x80, s7, s0, $0xb8;
	[tilespmem:$0x1E400] =	vst v63  }
0x7b: {  	_ =	swait.ge @p1 [sflag:s5], $0x1000  }
0x7c: {  	[sflag:s5] =	ssyncset.done @p1 $0x0  }
0x7d: {  	s0 =	simm.s32 @p1 $0x7;
	[sflag:s5] =	ssyncadd.s32 @p1 $0xFFFFF000  }
0x7e: {  	_ =	swait.ge @p1 [sflag:s0], $0x1000  }
0x7f: {  	[sflag:s0] =	ssyncset.done @p1 $0x0  }
0x80: {  	s5 =	simm.s32 @!p1 $0x600;
	[sflag:s0] =	ssyncadd.s32 @p1 $0xFFFFF000;
	s0 =	simm.s32 @!p1 $0x6800  }
0x81: {  	[tilespmem:s0], [sflag:$0x5] =	stream.indirect.gather @!p1 [hbm4b:s4+s3], $0x80, s5, s3, $0xb8;
	[tilespmem:$0x1E400] =	vst v63  }
0x82: {  	s0 =	simm.s32 @!p1 $0x1680;
	s5 =	simm.s32 @!p1 $0x7800  }
0x83: {  	[spmem:s1] =	stream.indirect.scatter.add.f32 @!p1 [tilespmem:s5], [sflag:$0x9], $0x80, s0, s3, $0xb8;
	[tilespmem:$0x1E400] =	vst v63  }
0x84: {  	_ =	swait.ge @!p1 [sflag:s6], $0x1000  }
0x85: {  	[sflag:s6] =	ssyncset.done @!p1 $0x0  }
0x86: {  	s0 =	simm.s32 @!p1 $0x7;
	[sflag:s6] =	ssyncadd.s32 @!p1 $0xFFFFF000  }
0x87: {  	_ =	swait.ge @!p1 [sflag:s0], $0x1000  }
0x88: {  	[sflag:s0] =	ssyncset.done @!p1 $0x0  }
0x89: {  	[sflag:s0] =	ssyncadd.s32 @!p1 $0xFFFFF000;
	s0 =	simm.s32 @!p1 $0x680  }
0x8a: {  	[tilespmem:s5], [sflag:$0x6] =	stream.indirect.gather @!p1 [hbm4b:s4+s3], $0x80, s0, s3, $0xb8;
	[tilespmem:$0x1E400] =	vst v63  }
0x8b: {  	s30 =	simm.s32 $0x1700  }
0x8c: {  	[spmem:s1] =	stream.indirect.scatter.add.f32 [tilespmem:s2], [sflag:$0x9], $0x80, s30, s18, $0xb8;
	[tilespmem:$0x1E400] =	vst v63  }
0x8d: {  	_ =	swait.ge [sflag:s16], $0x1000  }
0x8e: {  	[sflag:s16] =	ssyncset.done $0x0  }
0x8f: {  	[sflag:s16] =	ssyncadd.s32 $0xFFFFF000  }
0x90: {  	_ =	swait.ge [sflag:s8], $0x1000  }
0x91: {  	[sflag:s8] =	ssyncset.done $0x0  }
0x92: {  	s0 =	simm.s32 @!p1 $0x700;
	s5 =	simm.s32 @!p1 $0x8800;
	[sflag:s8] =	ssyncadd.s32 $0xFFFFF000  }
0x93: {  	[tilespmem:s5], [sflag:$0x7] =	stream.indirect.gather @!p1 [hbm4b:s4+s3], $0x80, s0, s3, $0xb8;
	[tilespmem:$0x1E400] =	vst v63  }
0x94: {  	s31 =	simm.s32 $0x1780  }
0x95: {  	[spmem:s1] =	stream.indirect.scatter.add.f32 [tilespmem:s12], [sflag:$0x9], $0x80, s31, s18, $0xb8;
	[tilespmem:$0x1E400] =	vst v63  }
0x96: {  	s10 =	simm.s32 $0x1000;
	_ =	swait.ge [sflag:s16], $0x1000  }
.LBB2_3:
0x97: {  	[sflag:s16] =	ssyncset.done $0x0;
	s0 =	smov.u32 s10;
	s10 =	sadd.s32 $0x1000, s10  }
0x98: {  	p1 =	sne.s32 s10, $0x5000;
	[sflag:s16] =	ssyncadd.s32 $0xFFFFF000  }
0x99: {  	_ =	swait.ge [sflag:s9], $0x1000  }
0x9a: {  	s3 =	sshra.s32 s0, $0x2;
	[sflag:s9] =	ssyncset.done $0x0  }
0x9b: {  	s5 =	sadd.s32 $0x380, s3;
	[sflag:s9] =	ssyncadd.s32 $0xFFFFF000  }
0x9c: {  	[tilespmem:s12], [sflag:$0x8] =	stream.indirect.gather [hbm4b:s4+s18], $0x80, s5, s18, $0xb8;
	[tilespmem:$0x1E400] =	vst v63  }
0x9d: {  	s5 =	sadd.s32 $0x1400, s3  }
0x9e: {  	[spmem:s1] =	stream.indirect.scatter.add.f32 [tilespmem:s19], [sflag:$0x9], $0x80, s5, s18, $0xb8;
	[tilespmem:$0x1E400] =	vst v63  }
0x9f: {  	_ =	swait.ge [sflag:s16], $0x1000  }
0xa0: {  	[sflag:s16] =	ssyncset.done $0x0  }
0xa1: {  	[sflag:s16] =	ssyncadd.s32 $0xFFFFF000  }
0xa2: {  	p2 =	seq.s32 s0, $0x4000;
	_ =	swait.ge [sflag:s13], $0x1000  }
0xa3: {  	s17 =	sshra.s32 @p2 s0, $0x2;
	s21 =	simm.s32 @p2 $0x20;
	[sflag:s13] =	ssyncset.done $0x0  }
0xa4: {  	s6 =	simm.s32 @p2 $0x3800;
	s5 =	sadd.s32 @p2 $0x1480, s17;
	[sflag:s13] =	ssyncadd.s32 $0xFFFFF000  }
0xa5: {  	[spmem:s1] =	stream.indirect.scatter.add.f32 @p2 [tilespmem:s6], [sflag:$0x9], $0x80, s5, s21, $0xb8;
	[tilespmem:$0x1E400] =	vst v63  }
0xa6: {  	s22 =	simm.s32 @p2 $0x9;
	s20 =	sshra.s32 @!p2 s0, $0x2;
	s7 =	sadd.s32 @p2 $0x1580, s17  }
0xa7: {  	s24 =	sadd.s32 @!p2 $0x400, s20;
	s11 =	sadd.s32 @!p2 $0x1480, s20;
	_ =	swait.ge @p2 [sflag:s22], $0x1000  }
0xa8: {  	s26 =	simm.s32 @p2 $0x3;
	s25 =	sadd.s32 @!p2 $0x480, s20;
	[sflag:s22] =	ssyncset.done @p2 $0x0  }
0xa9: {  	s6 =	sadd.s32 @!p2 $0x500, s20;
	s5 =	sadd.s32 @!p2 $0x1580, s20;
	[sflag:s22] =	ssyncadd.s32 @p2 $0xFFFFF000  }
0xaa: {  	s0 =	sadd.s32 @!p2 $0x580, s20;
	s31 =	sadd.s32 @p2 $0x1680, s17;
	_ =	swait.ge @p2 [sflag:s26], $0x1000  }
0xab: {  	s30 =	simm.s32 @!p2 $0x2800;
	s17 =	simm.s32 @!p2 $0x20;
	[sflag:s26] =	ssyncset.done @p2 $0x0  }
0xac: {  	s28 =	sadd.s32 @!p2 $0x600, s20;
	s19 =	simm.s32 @!p2 $0x3800;
	[sflag:s26] =	ssyncadd.s32 @p2 $0xFFFFF000  }
0xad: {  	[tilespmem:s30], [sflag:$0x1] =	stream.indirect.gather @!p2 [hbm4b:s4+s17], $0x80, s24, s17, $0xb8;
	[tilespmem:$0x1E400] =	vst v63  }
0xae: {  	s26 =	simm.s32 @!p2 $0x9;
	s30 =	sadd.s32 @!p2 $0x1680, s20;
	s24 =	sadd.s32 @!p2 $0x680, s20  }
0xaf: {  	[spmem:s1] =	stream.indirect.scatter.add.f32 @!p2 [tilespmem:s19], [sflag:$0x9], $0x80, s11, s17, $0xb8;
	[tilespmem:$0x1E400] =	vst v63  }
0xb0: {  	s20 =	sadd.s32 @!p2 $0x700, s20;
	_ =	swait.ge @!p2 [sflag:s26], $0x1000  }
0xb1: {  	s11 =	simm.s32 @!p2 $0x3;
	[sflag:s26] =	ssyncset.done @!p2 $0x0  }
0xb2: {  	[sflag:s26] =	ssyncadd.s32 @!p2 $0xFFFFF000  }
0xb3: {  	_ =	swait.ge @!p2 [sflag:s11], $0x1000  }
0xb4: {  	[sflag:s11] =	ssyncset.done @!p2 $0x0  }
0xb5: {  	[sflag:s11] =	ssyncadd.s32 @!p2 $0xFFFFF000;
	s11 =	sadd.s32 $0x1500, s3  }
0xb6: {  	[tilespmem:s19], [sflag:$0x2] =	stream.indirect.gather @!p2 [hbm4b:s4+s17], $0x80, s25, s17, $0xb8;
	[tilespmem:$0x1E400] =	vst v63  }
0xb7: {  	s19 =	simm.s32 $0x2800;
	_ =	sdelay $0x1  }
0xb8: {  	[spmem:s1] =	stream.indirect.scatter.add.f32 [tilespmem:s23], [sflag:$0x9], $0x80, s11, s18, $0xb8;
	[tilespmem:$0x1E400] =	vst v63  }
0xb9: {  	_ =	swait.ge [sflag:s16], $0x1000  }
0xba: {  	[sflag:s16] =	ssyncset.done $0x0  }
0xbb: {  	[sflag:s16] =	ssyncadd.s32 $0xFFFFF000  }
0xbc: {  	_ =	swait.ge [sflag:s14], $0x1000  }
0xbd: {  	s11 =	simm.s32 @p2 $0x5800;
	[sflag:s14] =	ssyncset.done $0x0  }
0xbe: {  	[sflag:s14] =	ssyncadd.s32 $0xFFFFF000  }
0xbf: {  	[spmem:s1] =	stream.indirect.scatter.add.f32 @p2 [tilespmem:s11], [sflag:$0x9], $0x80, s7, s21, $0xb8;
	[tilespmem:$0x1E400] =	vst v63  }
0xc0: {  	_ =	swait.ge @p2 [sflag:s22], $0x1000  }
0xc1: {  	s7 =	simm.s32 @p2 $0x5;
	[sflag:s22] =	ssyncset.done @p2 $0x0  }
0xc2: {  	[sflag:s22] =	ssyncadd.s32 @p2 $0xFFFFF000  }
0xc3: {  	_ =	swait.ge @p2 [sflag:s7], $0x1000  }
0xc4: {  	s11 =	simm.s32 @!p2 $0x4800;
	[sflag:s7] =	ssyncset.done @p2 $0x0  }
0xc5: {  	[sflag:s7] =	ssyncadd.s32 @p2 $0xFFFFF000;
	s7 =	simm.s32 @!p2 $0x5800  }
0xc6: {  	[tilespmem:s11], [sflag:$0x3] =	stream.indirect.gather @!p2 [hbm4b:s4+s17], $0x80, s6, s17, $0xb8;
	[tilespmem:$0x1E400] =	vst v63  }
0xc7: {  	_ = 	snop  }
0xc8: {  	[spmem:s1] =	stream.indirect.scatter.add.f32 @!p2 [tilespmem:s7], [sflag:$0x9], $0x80, s5, s17, $0xb8;
	[tilespmem:$0x1E400] =	vst v63  }
0xc9: {  	_ =	swait.ge @!p2 [sflag:s26], $0x1000  }
0xca: {  	s5 =	simm.s32 @!p2 $0x5;
	[sflag:s26] =	ssyncset.done @!p2 $0x0  }
0xcb: {  	[sflag:s26] =	ssyncadd.s32 @!p2 $0xFFFFF000  }
0xcc: {  	_ =	swait.ge @!p2 [sflag:s5], $0x1000  }
0xcd: {  	[sflag:s5] =	ssyncset.done @!p2 $0x0  }
0xce: {  	[sflag:s5] =	ssyncadd.s32 @!p2 $0xFFFFF000;
	s5 =	sadd.s32 $0x1600, s3  }
0xcf: {  	[tilespmem:s7], [sflag:$0x4] =	stream.indirect.gather @!p2 [hbm4b:s4+s17], $0x80, s0, s17, $0xb8;
	[tilespmem:$0x1E400] =	vst v63  }
0xd0: {  	_ = 	snop  }
0xd1: {  	[spmem:s1] =	stream.indirect.scatter.add.f32 [tilespmem:s29], [sflag:$0x9], $0x80, s5, s18, $0xb8;
	[tilespmem:$0x1E400] =	vst v63  }
0xd2: {  	_ =	swait.ge [sflag:s16], $0x1000  }
0xd3: {  	[sflag:s16] =	ssyncset.done $0x0  }
0xd4: {  	[sflag:s16] =	ssyncadd.s32 $0xFFFFF000  }
0xd5: {  	_ =	swait.ge [sflag:s15], $0x1000  }
0xd6: {  	s0 =	simm.s32 @p2 $0x7800;
	[sflag:s15] =	ssyncset.done $0x0  }
0xd7: {  	[sflag:s15] =	ssyncadd.s32 $0xFFFFF000  }
0xd8: {  	[spmem:s1] =	stream.indirect.scatter.add.f32 @p2 [tilespmem:s0], [sflag:$0x9], $0x80, s31, s21, $0xb8;
	[tilespmem:$0x1E400] =	vst v63  }
0xd9: {  	_ =	swait.ge @p2 [sflag:s22], $0x1000  }
0xda: {  	s0 =	simm.s32 @p2 $0x7;
	[sflag:s22] =	ssyncset.done @p2 $0x0  }
0xdb: {  	[sflag:s22] =	ssyncadd.s32 @p2 $0xFFFFF000  }
0xdc: {  	_ =	swait.ge @p2 [sflag:s0], $0x1000  }
0xdd: {  	s5 =	simm.s32 @!p2 $0x6800;
	[sflag:s0] =	ssyncset.done @p2 $0x0  }
0xde: {  	[sflag:s0] =	ssyncadd.s32 @p2 $0xFFFFF000;
	s0 =	simm.s32 @!p2 $0x7800  }
0xdf: {  	[tilespmem:s5], [sflag:$0x5] =	stream.indirect.gather @!p2 [hbm4b:s4+s17], $0x80, s28, s17, $0xb8;
	[tilespmem:$0x1E400] =	vst v63  }
0xe0: {  	_ = 	snop  }
0xe1: {  	[spmem:s1] =	stream.indirect.scatter.add.f32 @!p2 [tilespmem:s0], [sflag:$0x9], $0x80, s30, s17, $0xb8;
	[tilespmem:$0x1E400] =	vst v63  }
0xe2: {  	_ =	swait.ge @!p2 [sflag:s26], $0x1000  }
0xe3: {  	s5 =	simm.s32 @!p2 $0x7;
	[sflag:s26] =	ssyncset.done @!p2 $0x0  }
0xe4: {  	[sflag:s26] =	ssyncadd.s32 @!p2 $0xFFFFF000  }
0xe5: {  	_ =	swait.ge @!p2 [sflag:s5], $0x1000  }
0xe6: {  	[sflag:s5] =	ssyncset.done @!p2 $0x0  }
0xe7: {  	[sflag:s5] =	ssyncadd.s32 @!p2 $0xFFFFF000;
	s5 =	sadd.s32 $0x1700, s3  }
0xe8: {  	[tilespmem:s0], [sflag:$0x6] =	stream.indirect.gather @!p2 [hbm4b:s4+s17], $0x80, s24, s17, $0xb8;
	[tilespmem:$0x1E400] =	vst v63  }
0xe9: {  	_ = 	snop  }
0xea: {  	[spmem:s1] =	stream.indirect.scatter.add.f32 [tilespmem:s2], [sflag:$0x9], $0x80, s5, s18, $0xb8;
	[tilespmem:$0x1E400] =	vst v63  }
0xeb: {  	_ =	swait.ge [sflag:s16], $0x1000  }
0xec: {  	[sflag:s16] =	ssyncset.done $0x0  }
0xed: {  	[sflag:s16] =	ssyncadd.s32 $0xFFFFF000  }
0xee: {  	_ =	swait.ge [sflag:s8], $0x1000  }
0xef: {  	s0 =	simm.s32 @!p2 $0x8800;
	[sflag:s8] =	ssyncset.done $0x0  }
.Ltmp0:
0xf0: {  	s3 =	sadd.s32 $0x1780, s3;
	[sflag:s8] =	ssyncadd.s32 $0xFFFFF000;
	(pc) =	sbr.rel @p1 .LBB2_3-.Ltmp0, $4  }
0xf1: {  	[tilespmem:s0], [sflag:$0x7] =	stream.indirect.gather @!p2 [hbm4b:s4+s17], $0x80, s20, s17, $0xb8;
	[tilespmem:$0x1E400] =	vst v63  }
0xf2: {  	_ = 	snop  }
0xf3: {  	[spmem:s1] =	stream.indirect.scatter.add.f32 [tilespmem:s12], [sflag:$0x9], $0x80, s3, s18, $0xb8;
	[tilespmem:$0x1E400] =	vst v63  }
0xf4: {  	_ =	swait.ge [sflag:s16], $0x1000  }
0xf5: {  	s0 =	rddreg [dreg:$0x10]  }
0xf6: {  	s0 =	sadd.s32 $0x1, s0  }
0xf7: {  	p1 =	sne.s32 s0, $0x10  }
.Ltmp1:
0xf8: {  	_ = 	snop;
	(pc) =	sbr.rel @p1 .LBB2_2-.Ltmp1, $3  }
0xf9: {  	_ =	sdelay $0x1  }
0xfa: {  	[sflag:s16] =	ssyncset.done $0x0  }
0xfb: {  	[sflag:s16] =	ssyncadd.s32 $0xFFFFF000  }
0xfc: {  	[bflag:$0x0] =	sbarrier.arrive $0xFFFF  }
0xfd: {  	s10 =	rddreg [dreg:$0x9]  }
0xfe: {  	s0 =	rddreg [dreg:$0xc]  }
0xff: {  	s3 =	rddreg [dreg:$0xf]  }
0x100: {  	[hbm:s0], [sflag:s10] =	dma.local @p0 [spmem:s3], $0x2080  }
0x101: {  	s0 =	simm.s32 @p0 $0x9  }
0x102: {  	_ =	swait.ge @p0 [sflag:s0], $0x2080  }
0x103: {  	[sflag:s0] =	ssyncset.done @p0 $0x0  }
0x104: {  	[sflag:s0] =	ssyncadd.s32 @p0 $0xFFFFDF80;
	s0 =	rddreg [dreg:$0x7]  }
0x105: {  	s3 =	rddreg [dreg:$0xb];
	s0 =	sshrl.u32 @!p0 s0, $0x3  }
0x106: {  	[hbm:s3], [sflag:s10] =	dma.local @!p0 [spmem:s0], $0x2780  }
0x107: {  	s0 =	simm.s32 @!p0 $0x9  }
0x108: {  	_ =	swait.ge @!p0 [sflag:s0], $0x2780  }
0x109: {  	s17 =	rddreg [dreg:$0x3]  }
0x10a: {  	s31 =	rddreg [dreg:$0xd];
	s17 =	sadd.s32 $0x1, s17  }
0x10b: {  	p1 =	sne.s32 s17, s31  }
.Ltmp2:
0x10c: {  	_ = 	snop;
	(pc) =	sbr.rel @p1 .LBB2_1-.Ltmp2, $3  }
0x10d: {  	_ =	sdelay $0x1  }
0x10e: {  	[sflag:s0] =	ssyncset.done @!p0 $0x0  }
0x10f: {  	[sflag:s0] =	ssyncadd.s32 @!p0 $0xFFFFD880  }
0x110: {  	_ =	sfence.sel $0x180000  }
0x111: {  	[bflag:$0x0] =	sbarrier.arrive $0xFFFF  }
0x112: {  	_ =	strace $0x9000004A  }
0x113: {  	s0 =	stileid.u32;
	[bflag:$0x2] =	sbarrier.arrive $0xFFFF  }
0x114: {  	p0 =	sne.s32 s0, $0x0;
	s0 =	rddreg [dreg:$0x2]  }
0x115: {  	s0 =	sadd.s32 @!p0 $0x100000, s0  }
0x116: {  	[sflag:s0] =	ssyncadd.tile.s32 @!p0 $0x1;
	_ =	shalt  }
.Lfunc_end2:
_tile_overlayer_lowered:
.L_overlay_start_2:
0x117: {  	(tag) =	ssettag $0x2  }
0x118: {  	s0 =	rddreg [dreg:$0x0];
	s2 =	stileid.u32  }
0x119: {  	s1 =	rddreg [dreg:$0x1];
	p0 =	sne.s32 s2, $0x0  }
0x11a: {  	s3 =	rddreg [dreg:$0x2];
	[bflag:$0x3] =	sbarrier.arrive $0xFFFF;
	s2 =	simm.s32 @!p0 $0x1C09  }
0x11b: {  	[timem:s3], [sflag:s2] =	dma.local @!p0 [hbm:s0], s1  }
0x11c: {  	s0 =	simm.s32 @!p0 $0x9  }
0x11d: {  	_ =	swait.ge @!p0 [sflag:s0], s1  }
0x11e: {  	s1 =	ssub.s32 @!p0 $0x0, s1;
	[sflag:s0] =	ssyncset.done @!p0 $0x0  }
0x11f: {  	[sflag:s0] =	ssyncadd.s32 @!p0 s1  }
0x120: {  	[bflag:$0x3] =	sbarrier.arrive $0xFFFF  }
0x121: {  	_ =	shalt  }

// kernel: kernel.15.cloned.1.call-start
scs
__scs_entry_jumppad:
0x0: {  	(pc) =	sbr.rel $0x88, $3  }
0x1: {  	(tag) =	ssettag $0x0;
	lr =	simm.s32 $0x1  }
0x2: {  	[smem:$0x3F97] =	sst lr;
	_ =	strace $0xD0000000  }
0x3: {  	_ = 	snop  }
0x4: {  	_ = 	snop  }
0x5: {  	_ = 	snop  }
0x6: {  	_ = 	snop  }
0x7: {  	_ = 	snop  }
__scs_overlays_trampoline_lowered:
0x8: {  	[smem:$0x3FA6] =	sst s0  }
0x9: {  	[smem:$0x3FA7] =	sst s1  }
0xa: {  	[smem:$0x3FA8] =	sst s2  }
0xb: {  	[smem:$0x3FA9] =	sst s3  }
0xc: {  	[smem:$0x3FAA] =	sst s4  }
0xd: {  	[smem:$0x3FAB] =	sst s5  }
0xe: {  	[smem:$0x3FAC] =	sst s6  }
0xf: {  	[smem:$0x3FAD] =	sst s7  }
0x10: {  	[smem:$0x3FAE] =	sst s8  }
0x11: {  	[smem:$0x3FAF] =	sst s9;
	s0 =	simm.s32 @!p0 $0x0  }
0x12: {  	s1 =	sld [smem:$0x3F95];
	s0 =	simm.s32 @p0 $0x1  }
0x13: {  	[smem:$0x3FB0] =	sst s0;
	s0 =	simm.s32 @!p1 $0x0  }
0x14: {  	s2 =	sld [smem:$0x3F94];
	s0 =	simm.s32 @p1 $0x1  }
0x15: {  	[smem:$0x3FB1] =	sst s0;
	s0 =	simm.s32 @!p2 $0x0  }
0x16: {  	s3 =	sld [smem:$0x3FDB];
	s0 =	simm.s32 @p2 $0x1  }
0x17: {  	s4 =	simm.s32 $0x1BF5;
	[smem:$0x3FB3] =	sst s0  }
0x18: {  	s0 =	sld [smem:$0x3F96];
	_ =	swait.ge [sflag:s4], $0x0  }
0x19: {  	s7 =	sld [smem:$0x3F97]  }
0x1a: {  	s8 =	sadd.s32 $0xFFFFE003, lr  }
0x1b: {  	s9 =	sadd.s32 $0xFFFFFEF7, lr;
	s5 =	simm.s32 $0xFFFFFFFF;
	p2 =	slt.u32 s8, $0xFFFFF086  }
0x1c: {  	p1 =	slt.u32 s9, $0xF7A;
	s5 =	simm.s32 @!p2 $0x0  }
0x1d: {  	s5 =	simm.s32 @p1 $0x1;
	p0 =	seq.s32 s7, s2  }
0x1e: {  	s7 =	smul.u32 @!p0 $0xF7A, s2;
	p2 =	seq.s32 @!p0 s5, $0x0  }
0x1f: {  	s9 =	smul.u32 $0xF7A, s1;
	s8 =	simm.s32 @!p0 $0x1BF5;
	p2 =	por !p2, p0  }
0x20: {  	[sflag:s8] =	ssyncset.s32 @!p0 $0xFFFFF086;
	s6 =	sadd.s32 @!p0 s3, s7;
	s7 =	simm.s32 @!p0 $0x108  }
0x21: {  	s3 =	sadd.s32 s3, s9;
	s6 =	sadd.s32 @!p0 $0x88, s6;
	s7 =	simm.s32 @p2 $0x1082  }
0x22: {  	[simem:s7], [sflag:s8] =	dma.local @!p0 [hbm:s6], $0xF7A  }
0x23: {  	s9 =	sor.u32 $0xD0000000, s2;
	s6 =	simm.s32 $0x108;
	_ =	swait.ge @!p0 [sflag:s8], $0x0  }
0x24: {  	s3 =	sadd.s32 $0x88, s3;
	s6 =	simm.s32 @!p1 $0x1082;
	[sflag:s4] =	ssyncset.s32 $0xFFFFF086  }
0x25: {  	[simem:s6], [sflag:s4] =	dma.local [hbm:s3], $0xF7A  }
0x26: {  	[smem:$0x3F97] =	sst s1;
	(tag) =	ssettag s2;
	_ =	strace s9  }
0x27: {  	s1 =	sld [smem:$0x3FA7]  }
0x28: {  	s2 =	sld [smem:$0x3FA8]  }
0x29: {  	s4 =	sld [smem:$0x3FAA]  }
0x2a: {  	p0 =	seq.s32 s5, $0x0;
	s5 =	sld [smem:$0x3FAB]  }
0x2b: {  	s6 =	sld [smem:$0x3FAC]  }
0x2c: {  	s7 =	sld [smem:$0x3FAD]  }
0x2d: {  	s3 =	simm.s32 $0x108;
	s8 =	sld [smem:$0x3FAE]  }
0x2e: {  	s3 =	simm.s32 @!p0 $0x1082;
	s9 =	sld [smem:$0x3FAF]  }
0x2f: {  	lr =	sadd.s32 s0, s3;
	s0 =	sld [smem:$0x3FA6]  }
0x30: {  	s3 =	sld [smem:$0x3FA9]  }
0x31: {  	[smem:$0x3FB2] =	sst s10  }
0x32: {  	s10 =	sld [smem:$0x3FB0];
	_ =	sdelay $0x3  }
0x33: {  	p0 =	seq.s32 s10, $0x1;
	s10 =	sld [smem:$0x3FB2];
	_ =	sdelay $0x3  }
0x34: {  	[smem:$0x3FB2] =	sst s10  }
0x35: {  	s10 =	sld [smem:$0x3FB1];
	_ =	sdelay $0x3  }
0x36: {  	p1 =	seq.s32 s10, $0x1;
	s10 =	sld [smem:$0x3FB2];
	_ =	sdelay $0x3  }
0x37: {  	[smem:$0x3FB2] =	sst s10  }
0x38: {  	s10 =	sld [smem:$0x3FB3]  }
0x39: {  	_ = 	snop;
	(pc) =	sbr.ind lr, $3  }
0x3a: {  	_ = 	snop  }
0x3b: {  	_ = 	snop  }
0x3c: {  	p2 =	seq.s32 s10, $0x1;
	s10 =	sld [smem:$0x3FB2]  }
0x3d: {  	_ =	shalt  }
0x3e: {  	_ =	shalt  }
0x3f: {  	_ =	shalt  }
0x40: {  	_ =	shalt  }
0x41: {  	_ =	shalt  }
0x42: {  	_ =	shalt  }
0x43: {  	_ =	shalt  }
0x44: {  	_ =	shalt  }
0x45: {  	_ =	shalt  }
0x46: {  	_ =	shalt  }
0x47: {  	_ =	shalt  }
0x48: {  	_ =	shalt  }
0x49: {  	_ =	shalt  }
0x4a: {  	_ =	shalt  }
0x4b: {  	_ =	shalt  }
0x4c: {  	_ =	shalt  }
0x4d: {  	_ =	shalt  }
0x4e: {  	_ =	shalt  }
0x4f: {  	_ =	shalt  }
0x50: {  	_ =	shalt  }
0x51: {  	_ =	shalt  }
0x52: {  	_ =	shalt  }
0x53: {  	_ =	shalt  }
0x54: {  	_ =	shalt  }
0x55: {  	_ =	shalt  }
0x56: {  	_ =	shalt  }
0x57: {  	_ =	shalt  }
0x58: {  	_ =	shalt  }
0x59: {  	_ =	shalt  }
0x5a: {  	_ =	shalt  }
0x5b: {  	_ =	shalt  }
0x5c: {  	_ =	shalt  }
0x5d: {  	_ =	shalt  }
0x5e: {  	_ =	shalt  }
0x5f: {  	_ =	shalt  }
0x60: {  	_ =	shalt  }
0x61: {  	_ =	shalt  }
0x62: {  	_ =	shalt  }
0x63: {  	_ =	shalt  }
0x64: {  	_ =	shalt  }
0x65: {  	_ =	shalt  }
0x66: {  	_ =	shalt  }
0x67: {  	_ =	shalt  }
0x68: {  	_ =	shalt  }
0x69: {  	_ =	shalt  }
0x6a: {  	_ =	shalt  }
0x6b: {  	_ =	shalt  }
0x6c: {  	_ =	shalt  }
0x6d: {  	_ =	shalt  }
0x6e: {  	_ =	shalt  }
0x6f: {  	_ =	shalt  }
0x70: {  	_ =	shalt  }
0x71: {  	_ =	shalt  }
0x72: {  	_ =	shalt  }
0x73: {  	_ =	shalt  }
0x74: {  	_ =	shalt  }
0x75: {  	_ =	shalt  }
0x76: {  	_ =	shalt  }
0x77: {  	_ =	shalt  }
0x78: {  	_ =	shalt  }
0x79: {  	_ =	shalt  }
0x7a: {  	_ =	shalt  }
0x7b: {  	_ =	shalt  }
0x7c: {  	_ =	shalt  }
0x7d: {  	_ =	shalt  }
0x7e: {  	_ =	shalt  }
0x7f: {  	_ =	shalt  }
0x80: {  	_ =	shalt  }
0x81: {  	_ =	shalt  }
0x82: {  	_ =	shalt  }
0x83: {  	_ =	shalt  }
0x84: {  	_ =	shalt  }
0x85: {  	_ =	shalt  }
0x86: {  	_ =	shalt  }
0x87: {  	_ =	shalt  }
.Lfunc_end0:
.L_simem_size_0:
called_computation.2_lowered:
.L_overlay_start_0:
0x88: {  	s2 =	sld [smem:$0x3FD9]  }
0x89: {  	s3 =	sld [smem:$0x3FFE];
	_ =	sdelay $0x1  }
0x8a: {  	s1 =	srdreg.scid  }
0x8b: {  	s0 =	sand.u32 $0x1, s1  }
0x8c: {  	s16 =	sshll.u32 s0, $0xA;
	s2 =	sadd.s32 s3, s2  }
0x8d: {  	s2 =	sadd.s32 s2, s16  }
0x8e: {  	[smem:$0x3FBE] =	sst s2  }
0x8f: {  	_ = 	snop  }
0x90: {  	(tm) =	ssettm $0x1  }
0x91: {  	s17 =	sld [smem:$0x3FFB];
	_ =	sdelay $0x3  }
0x92: {  	_ =	strace s17  }
0x93: {  	s2 =	sld [smem:$0x3FFC];
	_ =	sdelay $0x3  }
0x94: {  	_ =	strace s2  }
0x95: {  	s2 =	sld [smem:$0x3FFD];
	_ =	sdelay $0x3  }
0x96: {  	_ =	strace s2  }
0x97: {  	_ =	strace $0x8FFFFFFF  }
0x98: {  	s18 =	sld [smem:$0x3FDB];
	_ =	sdelay $0x1  }
0x99: {  	s19 =	simm.s32 $_scs_section_size  }
0x9a: {  	s4 =	simm.s32 $_size__tile_overlayer_lowered;
	s5 =	simm.s32 $_tile_overlayer_lowered  }
0x9b: {  	s22 =	simm.s32 $0x1BFF;
	s21 =	sshll.u32 s5, $0x1;
	s2 =	sadd.s32 s19, s18  }
0x9c: {  	s6 =	simm.s32 $0x0;
	s20 =	sshll.u32 s4, $0x1;
	s4 =	sadd.s32 s21, s2  }
0x9d: {  	[timem:s6], [sflag:s22] =	dma.local [hbm:s4], s20  }
0x9e: {  	_ =	swait.ge [sflag:s22], s20  }
0x9f: {  	s3 =	ssub.s32 $0x0, s20;
	[sflag:s22] =	ssyncset.done $0x0  }
0xa0: {  	[sflag:s22] =	ssyncadd.s32 s3;
	_ =	sdelay $0x1  }
0xa1: {  	s23 =	simm.s32 $0x1B8B  }
0xa2: {  	_ =	swait.ge [sflag:s23], $0x1  }
0xa3: {  	[sflag:s23] =	ssyncset.done $0x0  }
0xa4: {  	s25 =	simm.s32 $0x1B8E;
	s24 =	sld [smem:$0x3FFE];
	[sflag:s23] =	ssyncadd.s32 $0xFFFFFFFF  }
0xa5: {  	s26 =	simm.s32 $execute0_lowered;
	[smem:$0x3FD2] =	sst s25  }
0xa6: {  	s4 =	sshll.u32 s26, $0x1;
	_ =	strace $0x8000004C;
	[dreg:$0x1] =	wrdreg $0xFFFFFFFF  }
0xa7: {  	s28 =	simm.s32 $_size_execute0_lowered;
	s2 =	sadd.s32 s2, s4;
	[dreg:$0x0] =	wrdreg $0x0  }
0xa8: {  	s4 =	sshll.u32 s28, $0x1;
	[dreg:$0x2] =	wrdreg s2  }
0xa9: {  	[dreg:$0x3] =	wrdreg s4  }
0xaa: {  	[dreg:$0x4] =	wrdreg $0xC0  }
0xab: {  	_ =	task [dreg:s6], $0x5FFFF  }
0xac: {  	[dreg:$0x1] =	wrdreg $0xFFFFFFFF  }
0xad: {  	[dreg:$0x0] =	wrdreg $0x60  }
0xae: {  	[dreg:$0x2] =	wrdreg s24  }
0xaf: {  	[dreg:$0x3] =	wrdreg $0xA8000  }
0xb0: {  	[dreg:$0x4] =	wrdreg $0x9  }
0xb1: {  	_ =	task.clear_ibuf [dreg:s6], $0x5FFFF;
	_ =	strace $0x9000004C  }
0xb2: {  	s29 =	simm.s32 $0x9;
	_ =	strace $0x8000004E  }
0xb3: {  	_ =	swait.ge [sflag:s29], $0x1  }
0xb4: {  	[sflag:s29] =	ssyncadd.s32 $0xFFFFFFFF  }
0xb5: {  	_ =	strace $0x9000004E  }
0xb6: {  	_ =	sfence  }
0xb7: {  	s30 =	sld [smem:$0x0];
	_ =	sdelay $0x2  }
0xb8: {  	s31 =	sshll.u32 s1, $0xD;
	s1 =	sshrl.u32 s1, $0x2  }
0xb9: {  	s3 =	sand.u32 $0x4000, s31;
	s1 =	sadd.s32 s1, s30  }
0xba: {  	s0 =	sor.u32 s3, s0;
	s1 =	sshll.u32 s1, $0x11  }
0xbb: {  	s0 =	sor.u32 s1, s0  }
0xbc: {  	s0 =	sadd.s32 $0x8F2B, s0  }
0xbd: {  	[sflag:s0] =	ssyncadd.remote.s32 $0x1  }
0xbe: {  	_ =	sfence.sel $0xFFFF  }
0xbf: {  	[dreg:$0x0] =	wrdreg $0xFFFFFFFF;
	(pc) =	sbr.abs _section_cstart, $3  }
0xc0: {  	[dreg:$0x1] =	wrdreg $0xFFFFFFFF  }
0xc1: {  	_ =	task.clear_ibuf [dreg:s6], $0x2FFFF;
	_ =	strace $0x9FFFFFFF  }
0xc2: {  	(tm) =	ssettm $0x7FFFFFFF  }
0xc3: {  	_ =	shalt  }
tec
execute0_lowered:
.L_overlay_start_1:
0x0: {  	(tag) =	ssettag $0x1  }
0x1: {  	s0 =	rddreg [dreg:$0x0]  }
0x2: {  	s1 =	rddreg [dreg:$0x1]  }
0x3: {  	s17 =	simm.s32 $0x0;
	s11 =	stileid.u32;
	s3 =	srdreg.scid  }
0x4: {  	s16 =	simm.s32 $0x9;
	s18 =	simm.s32 $0x20;
	s19 =	simm.s32 $0x2800  }
0x5: {  	s23 =	simm.s32 $0x4800;
	s29 =	simm.s32 $0x6800;
	s13 =	simm.s32 $0x2  }
0x6: {  	s14 =	simm.s32 $0x4;
	s15 =	simm.s32 $0x6;
	[smem:$0x7FF] =	sst s17  }
0x7: {  	s4 =	sadd.s32 $0x7A200, s0;
	s2 =	smul.u32 $0x2780, s11;
	s5 =	sadd.s32 $0xF0400, s0  }
0x8: {  	s3 =	sand.u32 $0x1, s3;
	s25 =	smul.u32 $0x4F000, s11;
	s6 =	sadd.s32 $0xC8400, s0  }
0x9: {  	s12 =	smul.u32 $0x14000, s11;
	s10 =	sshll.u32 s11, $0x6;
	p0 =	seq.s32 s11, $0xF  }
0xa: {  	_ =	strace $0x8000004D;
	[dreg:$0x4] =	wrdreg s5;
	s7 =	smul.u32 $0x140000, s3  }
0xb: {  	[dreg:$0x5] =	wrdreg s6;
	s26 =	ssub.s32 $0x2, s3;
	s28 =	smul.u32 $0x27100, s3  }
0xc: {  	s3 =	smul.u32 $0x138800, s3;
	s10 =	sor.u32 $0x1C09, s10;
	s8 =	sadd.s32 s2, s0  }
0xd: {  	s9 =	sshrl.u32 s26, $0x1;
	s0 =	sadd.s32 $0x2A00, s0;
	[dreg:$0x6] =	wrdreg s12  }
0xe: {  	s5 =	sshrl.u32 s25, $0x2;
	[dreg:$0x9] =	wrdreg s10;
	s8 =	sadd.s32 $0x52A00, s8  }
0xf: {  	s6 =	ssub.s32 s26, s9;
	s7 =	sadd.s32 s7, s12;
	[dreg:$0x8] =	wrdreg s8  }
0x10: {  	s5 =	sadd.s32 s5, s1;
	s2 =	sadd.s32 s2, s28;
	[dreg:$0xa] =	wrdreg s7  }
0x11: {  	s3 =	sshrl.u32 s3, $0x3;
	s2 =	sadd.s32 s0, s2;
	[dreg:$0x7] =	wrdreg s5  }
0x12: {  	s9 =	simm.s32 $0x1;
	s30 =	smax.u32 s6, $0x1;
	[dreg:$0xb] =	wrdreg s2  }
0x13: {  	s0 =	sadd.s32 s0, s3;
	s31 =	sshrl.u32 s5, $0x3;
	[dreg:$0xd] =	wrdreg s30  }
0x14: {  	s2 =	sadd.s32 $0x128400, s1;
	s0 =	sadd.s32 $0x25080, s0;
	[dreg:$0xe] =	wrdreg s31  }
0x15: {  	s12 =	simm.s32 $0x9800;
	[dreg:$0xc] =	wrdreg s0;
	s0 =	sshrl.u32 @p0 s2, $0x3  }
0x16: {  	s8 =	simm.s32 $0x8;
	s2 =	simm.s32 $0x8800;
	[dreg:$0xf] =	wrdreg s0  }
.LBB2_1:
0x17: {  	[dreg:$0x3] =	wrdreg s17  }
0x18: {  	s0 =	rddreg [dreg:$0x8]  }
0x19: {  	s3 =	rddreg [dreg:$0xe]  }
0x1a: {  	[spmem:s3], [sflag:s10] =	dma.local [hbm:s0], $0x2780  }
0x1b: {  	_ =	swait.ge [sflag:s16], $0x2780  }
0x1c: {  	[sflag:s16] =	ssyncset.done $0x0  }
0x1d: {  	[sflag:s16] =	ssyncadd.s32 $0xFFFFD880  }
0x1e: {  	s0 =	simm.s32 $0x0;
	[bflag:$0x0] =	sbarrier.arrive $0xFFFF  }
.LBB2_2:
0x1f: {  	s25 =	smul.u32 $0x1400, s0  }
0x20: {  	s3 =	rddreg [dreg:$0xa]  }
0x21: {  	s3 =	sadd.s32 s3, s25  }
0x22: {  	s5 =	rddreg [dreg:$0x4];
	s3 =	sshrl.u32 s3, $0x3  }
0x23: {  	[dreg:$0x10] =	wrdreg s0;
	s26 =	simm.s32 $0x0;
	s3 =	sadd.s32 s5, s3  }
0x24: {  	[tilespmem:s26], [sflag:$0x9] =	stream.linear.gather [hbm4b:s3+s26], $0x1400, $0x38;
	[tilespmem:$0x1E400] =	vst v63  }
0x25: {  	_ =	swait.ge [sflag:s16], $0x1400  }
0x26: {  	s28 =	rddreg [dreg:$0x6]  }
0x27: {  	s0 =	sadd.s32 s28, s25  }
0x28: {  	[sflag:s16] =	ssyncset.done $0x0;
	s30 =	rddreg [dreg:$0x5];
	s0 =	sshrl.u32 s0, $0x3  }
0x29: {  	s31 =	simm.s32 $0x1400;
	[sflag:s16] =	ssyncadd.s32 $0xFFFFEC00;
	s0 =	sadd.s32 s30, s0  }
0x2a: {  	[tilespmem:s31], [sflag:$0x9] =	stream.linear.gather [hbm4b:s0+s26], $0x1400, $0x38;
	[tilespmem:$0x1E400] =	vst v63  }
0x2b: {  	_ =	swait.ge [sflag:s16], $0x1400  }
0x2c: {  	[sflag:s16] =	ssyncset.done $0x0  }
0x2d: {  	[sflag:s16] =	ssyncadd.s32 $0xFFFFEC00  }
0x2e: {  	[tilespmem:s19], [sflag:$0x1] =	stream.indirect.gather [hbm4b:s4+s18], $0x80, s26, s18, $0xb8;
	[tilespmem:$0x1E400] =	vst v63  }
0x2f: {  	s6 =	simm.s32 $0x3800;
	s5 =	simm.s32 $0x80  }
0x30: {  	[tilespmem:s6], [sflag:$0x2] =	stream.indirect.gather [hbm4b:s4+s18], $0x80, s5, s18, $0xb8;
	[tilespmem:$0x1E400] =	vst v63  }
0x31: {  	s7 =	simm.s32 $0x100  }
0x32: {  	[tilespmem:s23], [sflag:$0x3] =	stream.indirect.gather [hbm4b:s4+s18], $0x80, s7, s18, $0xb8;
	[tilespmem:$0x1E400] =	vst v63  }
0x33: {  	s10 =	simm.s32 $0x180;
	s11 =	simm.s32 $0x5800  }
0x34: {  	[tilespmem:s11], [sflag:$0x4] =	stream.indirect.gather [hbm4b:s4+s18], $0x80, s10, s18, $0xb8;
	[tilespmem:$0x1E400] =	vst v63  }
0x35: {  	s17 =	simm.s32 $0x200  }
0x36: {  	[tilespmem:s29], [sflag:$0x5] =	stream.indirect.gather [hbm4b:s4+s18], $0x80, s17, s18, $0xb8;
	[tilespmem:$0x1E400] =	vst v63  }
0x37: {  	s20 =	simm.s32 $0x280;
	s21 =	simm.s32 $0x7800  }
0x38: {  	[tilespmem:s21], [sflag:$0x6] =	stream.indirect.gather [hbm4b:s4+s18], $0x80, s20, s18, $0xb8;
	[tilespmem:$0x1E400] =	vst v63  }
0x39: {  	s22 =	simm.s32 $0x300  }
0x3a: {  	[tilespmem:s2], [sflag:$0x7] =	stream.indirect.gather [hbm4b:s4+s18], $0x80, s22, s18, $0xb8;
	[tilespmem:$0x1E400] =	vst v63  }
0x3b: {  	_ =	swait.ge [sflag:s9], $0x1000  }
0x3c: {  	[sflag:s9] =	ssyncset.done $0x0  }
0x3d: {  	s24 =	simm.s32 $0x380;
	[sflag:s9] =	ssyncadd.s32 $0xFFFFF000  }
0x3e: {  	[tilespmem:s12], [sflag:$0x8] =	stream.indirect.gather [hbm4b:s4+s18], $0x80, s24, s18, $0xb8;
	[tilespmem:$0x1E400] =	vst v63  }
0x3f: {  	s25 =	simm.s32 $0x1400  }
0x40: {  	[spmem:s1] =	stream.indirect.scatter.add.f32 [tilespmem:s19], [sflag:$0x9], $0x80, s25, s18, $0xb8;
	[tilespmem:$0x1E400] =	vst v63  }
0x41: {  	_ =	swait.ge [sflag:s16], $0x1000  }
0x42: {  	[sflag:s16] =	ssyncset.done $0x0  }
0x43: {  	[sflag:s16] =	ssyncadd.s32 $0xFFFFF000  }
0x44: {  	p1 =	por $0x0, $0x0;
	_ =	swait.ge [sflag:s13], $0x1000  }
0x45: {  	s3 =	simm.s32 @p1 $0x1480;
	[sflag:s13] =	ssyncset.done $0x0  }
0x46: {  	s0 =	simm.s32 @p1 $0x20;
	s5 =	simm.s32 @p1 $0x3800;
	[sflag:s13] =	ssyncadd.s32 $0xFFFFF000  }
0x47: {  	[spmem:s1] =	stream.indirect.scatter.add.f32 @p1 [tilespmem:s5], [sflag:$0x9], $0x80, s3, s0, $0xb8;
	[tilespmem:$0x1E400] =	vst v63  }
0x48: {  	s5 =	simm.s32 @p1 $0x9  }
0x49: {  	_ =	swait.ge @p1 [sflag:s5], $0x1000  }
0x4a: {  	[sflag:s5] =	ssyncset.done @p1 $0x0  }
0x4b: {  	s6 =	simm.s32 @p1 $0x3;
	[sflag:s5] =	ssyncadd.s32 @p1 $0xFFFFF000  }
0x4c: {  	_ =	swait.ge @p1 [sflag:s6], $0x1000  }
0x4d: {  	s7 =	simm.s32 @!p1 $0x400;
	[sflag:s6] =	ssyncset.done @p1 $0x0  }
0x4e: {  	s10 =	simm.s32 @!p1 $0x2800;
	s3 =	simm.s32 @!p1 $0x20;
	[sflag:s6] =	ssyncadd.s32 @p1 $0xFFFFF000  }
0x4f: {  	[tilespmem:s10], [sflag:$0x1] =	stream.indirect.gather @!p1 [hbm4b:s4+s3], $0x80, s7, s3, $0xb8;
	[tilespmem:$0x1E400] =	vst v63  }
0x50: {  	s6 =	simm.s32 @!p1 $0x9;
	s7 =	simm.s32 @!p1 $0x1480;
	s10 =	simm.s32 @!p1 $0x3800  }
0x51: {  	[spmem:s1] =	stream.indirect.scatter.add.f32 @!p1 [tilespmem:s10], [sflag:$0x9], $0x80, s7, s3, $0xb8;
	[tilespmem:$0x1E400] =	vst v63  }
0x52: {  	_ =	swait.ge @!p1 [sflag:s6], $0x1000  }
0x53: {  	[sflag:s6] =	ssyncset.done @!p1 $0x0  }
0x54: {  	s7 =	simm.s32 @!p1 $0x3;
	[sflag:s6] =	ssyncadd.s32 @!p1 $0xFFFFF000  }
0x55: {  	_ =	swait.ge @!p1 [sflag:s7], $0x1000  }
0x56: {  	[sflag:s7] =	ssyncset.done @!p1 $0x0  }
0x57: {  	[sflag:s7] =	ssyncadd.s32 @!p1 $0xFFFFF000;
	s7 =	simm.s32 @!p1 $0x480  }
0x58: {  	[tilespmem:s10], [sflag:$0x2] =	stream.indirect.gather @!p1 [hbm4b:s4+s3], $0x80, s7, s3, $0xb8;
	[tilespmem:$0x1E400] =	vst v63  }
0x59: {  	s26 =	simm.s32 $0x1500  }
0x5a: {  	[spmem:s1] =	stream.indirect.scatter.add.f32 [tilespmem:s23], [sflag:$0x9], $0x80, s26, s18, $0xb8;
	[tilespmem:$0x1E400] =	vst v63  }
0x5b: {  	_ =	swait.ge [sflag:s16], $0x1000  }
0x5c: {  	[sflag:s16] =	ssyncset.done $0x0  }
0x5d: {  	[sflag:s16] =	ssyncadd.s32 $0xFFFFF000  }
0x5e: {  	_ =	swait.ge [sflag:s14], $0x1000  }
0x5f: {  	[sflag:s14] =	ssyncset.done $0x0  }
0x60: {  	s7 =	simm.s32 @p1 $0x1580;
	s10 =	simm.s32 @p1 $0x5800;
	[sflag:s14] =	ssyncadd.s32 $0xFFFFF000  }
0x61: {  	[spmem:s1] =	stream.indirect.scatter.add.f32 @p1 [tilespmem:s10], [sflag:$0x9], $0x80, s7, s0, $0xb8;
	[tilespmem:$0x1E400] =	vst v63  }
0x62: {  	_ =	swait.ge @p1 [sflag:s5], $0x1000  }
0x63: {  	[sflag:s5] =	ssyncset.done @p1 $0x0  }
0x64: {  	s7 =	simm.s32 @p1 $0x5;
	[sflag:s5] =	ssyncadd.s32 @p1 $0xFFFFF000  }
0x65: {  	_ =	swait.ge @p1 [sflag:s7], $0x1000  }
0x66: {  	[sflag:s7] =	ssyncset.done @p1 $0x0  }
0x67: {  	s10 =	simm.s32 @!p1 $0x500;
	[sflag:s7] =	ssyncadd.s32 @p1 $0xFFFFF000;
	s7 =	simm.s32 @!p1 $0x4800  }
0x68: {  	[tilespmem:s7], [sflag:$0x3] =	stream.indirect.gather @!p1 [hbm4b:s4+s3], $0x80, s10, s3, $0xb8;
	[tilespmem:$0x1E400] =	vst v63  }
0x69: {  	s7 =	simm.s32 @!p1 $0x1580;
	s10 =	simm.s32 @!p1 $0x5800  }
0x6a: {  	[spmem:s1] =	stream.indirect.scatter.add.f32 @!p1 [tilespmem:s10], [sflag:$0x9], $0x80, s7, s3, $0xb8;
	[tilespmem:$0x1E400] =	vst v63  }
0x6b: {  	_ =	swait.ge @!p1 [sflag:s6], $0x1000  }
0x6c: {  	[sflag:s6] =	ssyncset.done @!p1 $0x0  }
0x6d: {  	s7 =	simm.s32 @!p1 $0x5;
	[sflag:s6] =	ssyncadd.s32 @!p1 $0xFFFFF000  }
0x6e: {  	_ =	swait.ge @!p1 [sflag:s7], $0x1000  }
0x6f: {  	[sflag:s7] =	ssyncset.done @!p1 $0x0  }
0x70: {  	[sflag:s7] =	ssyncadd.s32 @!p1 $0xFFFFF000;
	s7 =	simm.s32 @!p1 $0x580  }
0x71: {  	[tilespmem:s10], [sflag:$0x4] =	stream.indirect.gather @!p1 [hbm4b:s4+s3], $0x80, s7, s3, $0xb8;
	[tilespmem:$0x1E400] =	vst v63  }
0x72: {  	s28 =	simm.s32 $0x1600  }
0x73: {  	[spmem:s1] =	stream.indirect.scatter.add.f32 [tilespmem:s29], [sflag:$0x9], $0x80, s28, s18, $0xb8;
	[tilespmem:$0x1E400] =	vst v63  }
0x74: {  	_ =	swait.ge [sflag:s16], $0x1000  }
0x75: {  	[sflag:s16] =	ssyncset.done $0x0  }
0x76: {  	[sflag:s16] =	ssyncadd.s32 $0xFFFFF000  }
0x77: {  	_ =	swait.ge [sflag:s15], $0x1000  }
0x78: {  	[sflag:s15] =	ssyncset.done $0x0  }
0x79: {  	s7 =	simm.s32 @p1 $0x1680;
	s10 =	simm.s32 @p1 $0x7800;
	[sflag:s15] =	ssyncadd.s32 $0xFFFFF000  }
0x7a: {  	[spmem:s1] =	stream.indirect.scatter.add.f32 @p1 [tilespmem:s10], [sflag:$0x9], $0x80, s7, s0, $0xb8;
	[tilespmem:$0x1E400] =	vst v63  }
0x7b: {  	_ =	swait.ge @p1 [sflag:s5], $0x1000  }
0x7c: {  	[sflag:s5] =	ssyncset.done @p1 $0x0  }
0x7d: {  	s0 =	simm.s32 @p1 $0x7;
	[sflag:s5] =	ssyncadd.s32 @p1 $0xFFFFF000  }
0x7e: {  	_ =	swait.ge @p1 [sflag:s0], $0x1000  }
0x7f: {  	[sflag:s0] =	ssyncset.done @p1 $0x0  }
0x80: {  	s5 =	simm.s32 @!p1 $0x600;
	[sflag:s0] =	ssyncadd.s32 @p1 $0xFFFFF000;
	s0 =	simm.s32 @!p1 $0x6800  }
0x81: {  	[tilespmem:s0], [sflag:$0x5] =	stream.indirect.gather @!p1 [hbm4b:s4+s3], $0x80, s5, s3, $0xb8;
	[tilespmem:$0x1E400] =	vst v63  }
0x82: {  	s0 =	simm.s32 @!p1 $0x1680;
	s5 =	simm.s32 @!p1 $0x7800  }
0x83: {  	[spmem:s1] =	stream.indirect.scatter.add.f32 @!p1 [tilespmem:s5], [sflag:$0x9], $0x80, s0, s3, $0xb8;
	[tilespmem:$0x1E400] =	vst v63  }
0x84: {  	_ =	swait.ge @!p1 [sflag:s6], $0x1000  }
0x85: {  	[sflag:s6] =	ssyncset.done @!p1 $0x0  }
0x86: {  	s0 =	simm.s32 @!p1 $0x7;
	[sflag:s6] =	ssyncadd.s32 @!p1 $0xFFFFF000  }
0x87: {  	_ =	swait.ge @!p1 [sflag:s0], $0x1000  }
0x88: {  	[sflag:s0] =	ssyncset.done @!p1 $0x0  }
0x89: {  	[sflag:s0] =	ssyncadd.s32 @!p1 $0xFFFFF000;
	s0 =	simm.s32 @!p1 $0x680  }
0x8a: {  	[tilespmem:s5], [sflag:$0x6] =	stream.indirect.gather @!p1 [hbm4b:s4+s3], $0x80, s0, s3, $0xb8;
	[tilespmem:$0x1E400] =	vst v63  }
0x8b: {  	s30 =	simm.s32 $0x1700  }
0x8c: {  	[spmem:s1] =	stream.indirect.scatter.add.f32 [tilespmem:s2], [sflag:$0x9], $0x80, s30, s18, $0xb8;
	[tilespmem:$0x1E400] =	vst v63  }
0x8d: {  	_ =	swait.ge [sflag:s16], $0x1000  }
0x8e: {  	[sflag:s16] =	ssyncset.done $0x0  }
0x8f: {  	[sflag:s16] =	ssyncadd.s32 $0xFFFFF000  }
0x90: {  	_ =	swait.ge [sflag:s8], $0x1000  }
0x91: {  	[sflag:s8] =	ssyncset.done $0x0  }
0x92: {  	s0 =	simm.s32 @!p1 $0x700;
	s5 =	simm.s32 @!p1 $0x8800;
	[sflag:s8] =	ssyncadd.s32 $0xFFFFF000  }
0x93: {  	[tilespmem:s5], [sflag:$0x7] =	stream.indirect.gather @!p1 [hbm4b:s4+s3], $0x80, s0, s3, $0xb8;
	[tilespmem:$0x1E400] =	vst v63  }
0x94: {  	s31 =	simm.s32 $0x1780  }
0x95: {  	[spmem:s1] =	stream.indirect.scatter.add.f32 [tilespmem:s12], [sflag:$0x9], $0x80, s31, s18, $0xb8;
	[tilespmem:$0x1E400] =	vst v63  }
0x96: {  	s10 =	simm.s32 $0x1000;
	_ =	swait.ge [sflag:s16], $0x1000  }
.LBB2_3:
0x97: {  	[sflag:s16] =	ssyncset.done $0x0;
	s0 =	smov.u32 s10;
	s10 =	sadd.s32 $0x1000, s10  }
0x98: {  	p1 =	sne.s32 s10, $0x5000;
	[sflag:s16] =	ssyncadd.s32 $0xFFFFF000  }
0x99: {  	_ =	swait.ge [sflag:s9], $0x1000  }
0x9a: {  	s3 =	sshra.s32 s0, $0x2;
	[sflag:s9] =	ssyncset.done $0x0  }
0x9b: {  	s5 =	sadd.s32 $0x380, s3;
	[sflag:s9] =	ssyncadd.s32 $0xFFFFF000  }
0x9c: {  	[tilespmem:s12], [sflag:$0x8] =	stream.indirect.gather [hbm4b:s4+s18], $0x80, s5, s18, $0xb8;
	[tilespmem:$0x1E400] =	vst v63  }
0x9d: {  	s5 =	sadd.s32 $0x1400, s3  }
0x9e: {  	[spmem:s1] =	stream.indirect.scatter.add.f32 [tilespmem:s19], [sflag:$0x9], $0x80, s5, s18, $0xb8;
	[tilespmem:$0x1E400] =	vst v63  }
0x9f: {  	_ =	swait.ge [sflag:s16], $0x1000  }
0xa0: {  	[sflag:s16] =	ssyncset.done $0x0  }
0xa1: {  	[sflag:s16] =	ssyncadd.s32 $0xFFFFF000  }
0xa2: {  	p2 =	seq.s32 s0, $0x4000;
	_ =	swait.ge [sflag:s13], $0x1000  }
0xa3: {  	s17 =	sshra.s32 @p2 s0, $0x2;
	s21 =	simm.s32 @p2 $0x20;
	[sflag:s13] =	ssyncset.done $0x0  }
0xa4: {  	s6 =	simm.s32 @p2 $0x3800;
	s5 =	sadd.s32 @p2 $0x1480, s17;
	[sflag:s13] =	ssyncadd.s32 $0xFFFFF000  }
0xa5: {  	[spmem:s1] =	stream.indirect.scatter.add.f32 @p2 [tilespmem:s6], [sflag:$0x9], $0x80, s5, s21, $0xb8;
	[tilespmem:$0x1E400] =	vst v63  }
0xa6: {  	s22 =	simm.s32 @p2 $0x9;
	s20 =	sshra.s32 @!p2 s0, $0x2;
	s7 =	sadd.s32 @p2 $0x1580, s17  }
0xa7: {  	s24 =	sadd.s32 @!p2 $0x400, s20;
	s11 =	sadd.s32 @!p2 $0x1480, s20;
	_ =	swait.ge @p2 [sflag:s22], $0x1000  }
0xa8: {  	s26 =	simm.s32 @p2 $0x3;
	s25 =	sadd.s32 @!p2 $0x480, s20;
	[sflag:s22] =	ssyncset.done @p2 $0x0  }
0xa9: {  	s6 =	sadd.s32 @!p2 $0x500, s20;
	s5 =	sadd.s32 @!p2 $0x1580, s20;
	[sflag:s22] =	ssyncadd.s32 @p2 $0xFFFFF000  }
0xaa: {  	s0 =	sadd.s32 @!p2 $0x580, s20;
	s31 =	sadd.s32 @p2 $0x1680, s17;
	_ =	swait.ge @p2 [sflag:s26], $0x1000  }
0xab: {  	s30 =	simm.s32 @!p2 $0x2800;
	s17 =	simm.s32 @!p2 $0x20;
	[sflag:s26] =	ssyncset.done @p2 $0x0  }
0xac: {  	s28 =	sadd.s32 @!p2 $0x600, s20;
	s19 =	simm.s32 @!p2 $0x3800;
	[sflag:s26] =	ssyncadd.s32 @p2 $0xFFFFF000  }
0xad: {  	[tilespmem:s30], [sflag:$0x1] =	stream.indirect.gather @!p2 [hbm4b:s4+s17], $0x80, s24, s17, $0xb8;
	[tilespmem:$0x1E400] =	vst v63  }
0xae: {  	s26 =	simm.s32 @!p2 $0x9;
	s30 =	sadd.s32 @!p2 $0x1680, s20;
	s24 =	sadd.s32 @!p2 $0x680, s20  }
0xaf: {  	[spmem:s1] =	stream.indirect.scatter.add.f32 @!p2 [tilespmem:s19], [sflag:$0x9], $0x80, s11, s17, $0xb8;
	[tilespmem:$0x1E400] =	vst v63  }
0xb0: {  	s20 =	sadd.s32 @!p2 $0x700, s20;
	_ =	swait.ge @!p2 [sflag:s26], $0x1000  }
0xb1: {  	s11 =	simm.s32 @!p2 $0x3;
	[sflag:s26] =	ssyncset.done @!p2 $0x0  }
0xb2: {  	[sflag:s26] =	ssyncadd.s32 @!p2 $0xFFFFF000  }
0xb3: {  	_ =	swait.ge @!p2 [sflag:s11], $0x1000  }
0xb4: {  	[sflag:s11] =	ssyncset.done @!p2 $0x0  }
0xb5: {  	[sflag:s11] =	ssyncadd.s32 @!p2 $0xFFFFF000;
	s11 =	sadd.s32 $0x1500, s3  }
0xb6: {  	[tilespmem:s19], [sflag:$0x2] =	stream.indirect.gather @!p2 [hbm4b:s4+s17], $0x80, s25, s17, $0xb8;
	[tilespmem:$0x1E400] =	vst v63  }
0xb7: {  	s19 =	simm.s32 $0x2800;
	_ =	sdelay $0x1  }
0xb8: {  	[spmem:s1] =	stream.indirect.scatter.add.f32 [tilespmem:s23], [sflag:$0x9], $0x80, s11, s18, $0xb8;
	[tilespmem:$0x1E400] =	vst v63  }
0xb9: {  	_ =	swait.ge [sflag:s16], $0x1000  }
0xba: {  	[sflag:s16] =	ssyncset.done $0x0  }
0xbb: {  	[sflag:s16] =	ssyncadd.s32 $0xFFFFF000  }
0xbc: {  	_ =	swait.ge [sflag:s14], $0x1000  }
0xbd: {  	s11 =	simm.s32 @p2 $0x5800;
	[sflag:s14] =	ssyncset.done $0x0  }
0xbe: {  	[sflag:s14] =	ssyncadd.s32 $0xFFFFF000  }
0xbf: {  	[spmem:s1] =	stream.indirect.scatter.add.f32 @p2 [tilespmem:s11], [sflag:$0x9], $0x80, s7, s21, $0xb8;
	[tilespmem:$0x1E400] =	vst v63  }
0xc0: {  	_ =	swait.ge @p2 [sflag:s22], $0x1000  }
0xc1: {  	s7 =	simm.s32 @p2 $0x5;
	[sflag:s22] =	ssyncset.done @p2 $0x0  }
0xc2: {  	[sflag:s22] =	ssyncadd.s32 @p2 $0xFFFFF000  }
0xc3: {  	_ =	swait.ge @p2 [sflag:s7], $0x1000  }
0xc4: {  	s11 =	simm.s32 @!p2 $0x4800;
	[sflag:s7] =	ssyncset.done @p2 $0x0  }
0xc5: {  	[sflag:s7] =	ssyncadd.s32 @p2 $0xFFFFF000;
	s7 =	simm.s32 @!p2 $0x5800  }
0xc6: {  	[tilespmem:s11], [sflag:$0x3] =	stream.indirect.gather @!p2 [hbm4b:s4+s17], $0x80, s6, s17, $0xb8;
	[tilespmem:$0x1E400] =	vst v63  }
0xc7: {  	_ = 	snop  }
0xc8: {  	[spmem:s1] =	stream.indirect.scatter.add.f32 @!p2 [tilespmem:s7], [sflag:$0x9], $0x80, s5, s17, $0xb8;
	[tilespmem:$0x1E400] =	vst v63  }
0xc9: {  	_ =	swait.ge @!p2 [sflag:s26], $0x1000  }
0xca: {  	s5 =	simm.s32 @!p2 $0x5;
	[sflag:s26] =	ssyncset.done @!p2 $0x0  }
0xcb: {  	[sflag:s26] =	ssyncadd.s32 @!p2 $0xFFFFF000  }
0xcc: {  	_ =	swait.ge @!p2 [sflag:s5], $0x1000  }
0xcd: {  	[sflag:s5] =	ssyncset.done @!p2 $0x0  }
0xce: {  	[sflag:s5] =	ssyncadd.s32 @!p2 $0xFFFFF000;
	s5 =	sadd.s32 $0x1600, s3  }
0xcf: {  	[tilespmem:s7], [sflag:$0x4] =	stream.indirect.gather @!p2 [hbm4b:s4+s17], $0x80, s0, s17, $0xb8;
	[tilespmem:$0x1E400] =	vst v63  }
0xd0: {  	_ = 	snop  }
0xd1: {  	[spmem:s1] =	stream.indirect.scatter.add.f32 [tilespmem:s29], [sflag:$0x9], $0x80, s5, s18, $0xb8;
	[tilespmem:$0x1E400] =	vst v63  }
0xd2: {  	_ =	swait.ge [sflag:s16], $0x1000  }
0xd3: {  	[sflag:s16] =	ssyncset.done $0x0  }
0xd4: {  	[sflag:s16] =	ssyncadd.s32 $0xFFFFF000  }
0xd5: {  	_ =	swait.ge [sflag:s15], $0x1000  }
0xd6: {  	s0 =	simm.s32 @p2 $0x7800;
	[sflag:s15] =	ssyncset.done $0x0  }
0xd7: {  	[sflag:s15] =	ssyncadd.s32 $0xFFFFF000  }
0xd8: {  	[spmem:s1] =	stream.indirect.scatter.add.f32 @p2 [tilespmem:s0], [sflag:$0x9], $0x80, s31, s21, $0xb8;
	[tilespmem:$0x1E400] =	vst v63  }
0xd9: {  	_ =	swait.ge @p2 [sflag:s22], $0x1000  }
0xda: {  	s0 =	simm.s32 @p2 $0x7;
	[sflag:s22] =	ssyncset.done @p2 $0x0  }
0xdb: {  	[sflag:s22] =	ssyncadd.s32 @p2 $0xFFFFF000  }
0xdc: {  	_ =	swait.ge @p2 [sflag:s0], $0x1000  }
0xdd: {  	s5 =	simm.s32 @!p2 $0x6800;
	[sflag:s0] =	ssyncset.done @p2 $0x0  }
0xde: {  	[sflag:s0] =	ssyncadd.s32 @p2 $0xFFFFF000;
	s0 =	simm.s32 @!p2 $0x7800  }
0xdf: {  	[tilespmem:s5], [sflag:$0x5] =	stream.indirect.gather @!p2 [hbm4b:s4+s17], $0x80, s28, s17, $0xb8;
	[tilespmem:$0x1E400] =	vst v63  }
0xe0: {  	_ = 	snop  }
0xe1: {  	[spmem:s1] =	stream.indirect.scatter.add.f32 @!p2 [tilespmem:s0], [sflag:$0x9], $0x80, s30, s17, $0xb8;
	[tilespmem:$0x1E400] =	vst v63  }
0xe2: {  	_ =	swait.ge @!p2 [sflag:s26], $0x1000  }
0xe3: {  	s5 =	simm.s32 @!p2 $0x7;
	[sflag:s26] =	ssyncset.done @!p2 $0x0  }
0xe4: {  	[sflag:s26] =	ssyncadd.s32 @!p2 $0xFFFFF000  }
0xe5: {  	_ =	swait.ge @!p2 [sflag:s5], $0x1000  }
0xe6: {  	[sflag:s5] =	ssyncset.done @!p2 $0x0  }
0xe7: {  	[sflag:s5] =	ssyncadd.s32 @!p2 $0xFFFFF000;
	s5 =	sadd.s32 $0x1700, s3  }
0xe8: {  	[tilespmem:s0], [sflag:$0x6] =	stream.indirect.gather @!p2 [hbm4b:s4+s17], $0x80, s24, s17, $0xb8;
	[tilespmem:$0x1E400] =	vst v63  }
0xe9: {  	_ = 	snop  }
0xea: {  	[spmem:s1] =	stream.indirect.scatter.add.f32 [tilespmem:s2], [sflag:$0x9], $0x80, s5, s18, $0xb8;
	[tilespmem:$0x1E400] =	vst v63  }
0xeb: {  	_ =	swait.ge [sflag:s16], $0x1000  }
0xec: {  	[sflag:s16] =	ssyncset.done $0x0  }
0xed: {  	[sflag:s16] =	ssyncadd.s32 $0xFFFFF000  }
0xee: {  	_ =	swait.ge [sflag:s8], $0x1000  }
0xef: {  	s0 =	simm.s32 @!p2 $0x8800;
	[sflag:s8] =	ssyncset.done $0x0  }
.Ltmp0:
0xf0: {  	s3 =	sadd.s32 $0x1780, s3;
	[sflag:s8] =	ssyncadd.s32 $0xFFFFF000;
	(pc) =	sbr.rel @p1 .LBB2_3-.Ltmp0, $4  }
0xf1: {  	[tilespmem:s0], [sflag:$0x7] =	stream.indirect.gather @!p2 [hbm4b:s4+s17], $0x80, s20, s17, $0xb8;
	[tilespmem:$0x1E400] =	vst v63  }
0xf2: {  	_ = 	snop  }
0xf3: {  	[spmem:s1] =	stream.indirect.scatter.add.f32 [tilespmem:s12], [sflag:$0x9], $0x80, s3, s18, $0xb8;
	[tilespmem:$0x1E400] =	vst v63  }
0xf4: {  	_ =	swait.ge [sflag:s16], $0x1000  }
0xf5: {  	s0 =	rddreg [dreg:$0x10]  }
0xf6: {  	s0 =	sadd.s32 $0x1, s0  }
0xf7: {  	p1 =	sne.s32 s0, $0x10  }
.Ltmp1:
0xf8: {  	_ = 	snop;
	(pc) =	sbr.rel @p1 .LBB2_2-.Ltmp1, $3  }
0xf9: {  	_ =	sdelay $0x1  }
0xfa: {  	[sflag:s16] =	ssyncset.done $0x0  }
0xfb: {  	[sflag:s16] =	ssyncadd.s32 $0xFFFFF000  }
0xfc: {  	[bflag:$0x0] =	sbarrier.arrive $0xFFFF  }
0xfd: {  	s10 =	rddreg [dreg:$0x9]  }
0xfe: {  	s0 =	rddreg [dreg:$0xc]  }
0xff: {  	s3 =	rddreg [dreg:$0xf]  }
0x100: {  	[hbm:s0], [sflag:s10] =	dma.local @p0 [spmem:s3], $0x2080  }
0x101: {  	s0 =	simm.s32 @p0 $0x9  }
0x102: {  	_ =	swait.ge @p0 [sflag:s0], $0x2080  }
0x103: {  	[sflag:s0] =	ssyncset.done @p0 $0x0  }
0x104: {  	[sflag:s0] =	ssyncadd.s32 @p0 $0xFFFFDF80;
	s0 =	rddreg [dreg:$0x7]  }
0x105: {  	s3 =	rddreg [dreg:$0xb];
	s0 =	sshrl.u32 @!p0 s0, $0x3  }
0x106: {  	[hbm:s3], [sflag:s10] =	dma.local @!p0 [spmem:s0], $0x2780  }
0x107: {  	s0 =	simm.s32 @!p0 $0x9  }
0x108: {  	_ =	swait.ge @!p0 [sflag:s0], $0x2780  }
0x109: {  	s17 =	rddreg [dreg:$0x3]  }
0x10a: {  	s31 =	rddreg [dreg:$0xd];
	s17 =	sadd.s32 $0x1, s17  }
0x10b: {  	p1 =	sne.s32 s17, s31  }
.Ltmp2:
0x10c: {  	_ = 	snop;
	(pc) =	sbr.rel @p1 .LBB2_1-.Ltmp2, $3  }
0x10d: {  	_ =	sdelay $0x1  }
0x10e: {  	[sflag:s0] =	ssyncset.done @!p0 $0x0  }
0x10f: {  	[sflag:s0] =	ssyncadd.s32 @!p0 $0xFFFFD880  }
0x110: {  	_ =	sfence.sel $0x180000  }
0x111: {  	[bflag:$0x0] =	sbarrier.arrive $0xFFFF  }
0x112: {  	_ =	strace $0x9000004D  }
0x113: {  	s0 =	stileid.u32;
	[bflag:$0x2] =	sbarrier.arrive $0xFFFF  }
0x114: {  	p0 =	sne.s32 s0, $0x0;
	s0 =	rddreg [dreg:$0x2]  }
0x115: {  	s0 =	sadd.s32 @!p0 $0x100000, s0  }
0x116: {  	[sflag:s0] =	ssyncadd.tile.s32 @!p0 $0x1;
	_ =	shalt  }
.Lfunc_end2:
_tile_overlayer_lowered:
.L_overlay_start_2:
0x117: {  	(tag) =	ssettag $0x2  }
0x118: {  	s0 =	rddreg [dreg:$0x0];
	s2 =	stileid.u32  }
0x119: {  	s1 =	rddreg [dreg:$0x1];
	p0 =	sne.s32 s2, $0x0  }
0x11a: {  	s3 =	rddreg [dreg:$0x2];
	[bflag:$0x3] =	sbarrier.arrive $0xFFFF;
	s2 =	simm.s32 @!p0 $0x1C09  }
0x11b: {  	[timem:s3], [sflag:s2] =	dma.local @!p0 [hbm:s0], s1  }
0x11c: {  	s0 =	simm.s32 @!p0 $0x9  }
0x11d: {  	_ =	swait.ge @!p0 [sflag:s0], s1  }
0x11e: {  	s1 =	ssub.s32 @!p0 $0x0, s1;
	[sflag:s0] =	ssyncset.done @!p0 $0x0  }
0x11f: {  	[sflag:s0] =	ssyncadd.s32 @!p0 s1  }
0x120: {  	[bflag:$0x3] =	sbarrier.arrive $0xFFFF  }
0x121: {  	_ =	shalt  }

// kernel: kernel.9.cloned.1.call-start
scs
__scs_entry_jumppad:
0x0: {  	(pc) =	sbr.rel $0x88, $3  }
0x1: {  	(tag) =	ssettag $0x0;
	lr =	simm.s32 $0x1  }
0x2: {  	[smem:$0x3F97] =	sst lr;
	_ =	strace $0xD0000000  }
0x3: {  	_ = 	snop  }
0x4: {  	_ = 	snop  }
0x5: {  	_ = 	snop  }
0x6: {  	_ = 	snop  }
0x7: {  	_ = 	snop  }
__scs_overlays_trampoline_lowered:
0x8: {  	[smem:$0x3FA6] =	sst s0  }
0x9: {  	[smem:$0x3FA7] =	sst s1  }
0xa: {  	[smem:$0x3FA8] =	sst s2  }
0xb: {  	[smem:$0x3FA9] =	sst s3  }
0xc: {  	[smem:$0x3FAA] =	sst s4  }
0xd: {  	[smem:$0x3FAB] =	sst s5  }
0xe: {  	[smem:$0x3FAC] =	sst s6  }
0xf: {  	[smem:$0x3FAD] =	sst s7  }
0x10: {  	[smem:$0x3FAE] =	sst s8  }
0x11: {  	[smem:$0x3FAF] =	sst s9;
	s0 =	simm.s32 @!p0 $0x0  }
0x12: {  	s1 =	sld [smem:$0x3F95];
	s0 =	simm.s32 @p0 $0x1  }
0x13: {  	[smem:$0x3FB0] =	sst s0;
	s0 =	simm.s32 @!p1 $0x0  }
0x14: {  	s2 =	sld [smem:$0x3F94];
	s0 =	simm.s32 @p1 $0x1  }
0x15: {  	[smem:$0x3FB1] =	sst s0;
	s0 =	simm.s32 @!p2 $0x0  }
0x16: {  	s3 =	sld [smem:$0x3FDB];
	s0 =	simm.s32 @p2 $0x1  }
0x17: {  	s4 =	simm.s32 $0x1BF5;
	[smem:$0x3FB3] =	sst s0  }
0x18: {  	s0 =	sld [smem:$0x3F96];
	_ =	swait.ge [sflag:s4], $0x0  }
0x19: {  	s7 =	sld [smem:$0x3F97]  }
0x1a: {  	s8 =	sadd.s32 $0xFFFFE003, lr  }
0x1b: {  	s9 =	sadd.s32 $0xFFFFFEF7, lr;
	s5 =	simm.s32 $0xFFFFFFFF;
	p2 =	slt.u32 s8, $0xFFFFF086  }
0x1c: {  	p1 =	slt.u32 s9, $0xF7A;
	s5 =	simm.s32 @!p2 $0x0  }
0x1d: {  	s5 =	simm.s32 @p1 $0x1;
	p0 =	seq.s32 s7, s2  }
0x1e: {  	s7 =	smul.u32 @!p0 $0xF7A, s2;
	p2 =	seq.s32 @!p0 s5, $0x0  }
0x1f: {  	s9 =	smul.u32 $0xF7A, s1;
	s8 =	simm.s32 @!p0 $0x1BF5;
	p2 =	por !p2, p0  }
0x20: {  	[sflag:s8] =	ssyncset.s32 @!p0 $0xFFFFF086;
	s6 =	sadd.s32 @!p0 s3, s7;
	s7 =	simm.s32 @!p0 $0x108  }
0x21: {  	s3 =	sadd.s32 s3, s9;
	s6 =	sadd.s32 @!p0 $0x88, s6;
	s7 =	simm.s32 @p2 $0x1082  }
0x22: {  	[simem:s7], [sflag:s8] =	dma.local @!p0 [hbm:s6], $0xF7A  }
0x23: {  	s9 =	sor.u32 $0xD0000000, s2;
	s6 =	simm.s32 $0x108;
	_ =	swait.ge @!p0 [sflag:s8], $0x0  }
0x24: {  	s3 =	sadd.s32 $0x88, s3;
	s6 =	simm.s32 @!p1 $0x1082;
	[sflag:s4] =	ssyncset.s32 $0xFFFFF086  }
0x25: {  	[simem:s6], [sflag:s4] =	dma.local [hbm:s3], $0xF7A  }
0x26: {  	[smem:$0x3F97] =	sst s1;
	(tag) =	ssettag s2;
	_ =	strace s9  }
0x27: {  	s1 =	sld [smem:$0x3FA7]  }
0x28: {  	s2 =	sld [smem:$0x3FA8]  }
0x29: {  	s4 =	sld [smem:$0x3FAA]  }
0x2a: {  	p0 =	seq.s32 s5, $0x0;
	s5 =	sld [smem:$0x3FAB]  }
0x2b: {  	s6 =	sld [smem:$0x3FAC]  }
0x2c: {  	s7 =	sld [smem:$0x3FAD]  }
0x2d: {  	s3 =	simm.s32 $0x108;
	s8 =	sld [smem:$0x3FAE]  }
0x2e: {  	s3 =	simm.s32 @!p0 $0x1082;
	s9 =	sld [smem:$0x3FAF]  }
0x2f: {  	lr =	sadd.s32 s0, s3;
	s0 =	sld [smem:$0x3FA6]  }
0x30: {  	s3 =	sld [smem:$0x3FA9]  }
0x31: {  	[smem:$0x3FB2] =	sst s10  }
0x32: {  	s10 =	sld [smem:$0x3FB0];
	_ =	sdelay $0x3  }
0x33: {  	p0 =	seq.s32 s10, $0x1;
	s10 =	sld [smem:$0x3FB2];
	_ =	sdelay $0x3  }
0x34: {  	[smem:$0x3FB2] =	sst s10  }
0x35: {  	s10 =	sld [smem:$0x3FB1];
	_ =	sdelay $0x3  }
0x36: {  	p1 =	seq.s32 s10, $0x1;
	s10 =	sld [smem:$0x3FB2];
	_ =	sdelay $0x3  }
0x37: {  	[smem:$0x3FB2] =	sst s10  }
0x38: {  	s10 =	sld [smem:$0x3FB3]  }
0x39: {  	_ = 	snop;
	(pc) =	sbr.ind lr, $3  }
0x3a: {  	_ = 	snop  }
0x3b: {  	_ = 	snop  }
0x3c: {  	p2 =	seq.s32 s10, $0x1;
	s10 =	sld [smem:$0x3FB2]  }
0x3d: {  	_ =	shalt  }
0x3e: {  	_ =	shalt  }
0x3f: {  	_ =	shalt  }
0x40: {  	_ =	shalt  }
0x41: {  	_ =	shalt  }
0x42: {  	_ =	shalt  }
0x43: {  	_ =	shalt  }
0x44: {  	_ =	shalt  }
0x45: {  	_ =	shalt  }
0x46: {  	_ =	shalt  }
0x47: {  	_ =	shalt  }
0x48: {  	_ =	shalt  }
0x49: {  	_ =	shalt  }
0x4a: {  	_ =	shalt  }
0x4b: {  	_ =	shalt  }
0x4c: {  	_ =	shalt  }
0x4d: {  	_ =	shalt  }
0x4e: {  	_ =	shalt  }
0x4f: {  	_ =	shalt  }
0x50: {  	_ =	shalt  }
0x51: {  	_ =	shalt  }
0x52: {  	_ =	shalt  }
0x53: {  	_ =	shalt  }
0x54: {  	_ =	shalt  }
0x55: {  	_ =	shalt  }
0x56: {  	_ =	shalt  }
0x57: {  	_ =	shalt  }
0x58: {  	_ =	shalt  }
0x59: {  	_ =	shalt  }
0x5a: {  	_ =	shalt  }
0x5b: {  	_ =	shalt  }
0x5c: {  	_ =	shalt  }
0x5d: {  	_ =	shalt  }
0x5e: {  	_ =	shalt  }
0x5f: {  	_ =	shalt  }
0x60: {  	_ =	shalt  }
0x61: {  	_ =	shalt  }
0x62: {  	_ =	shalt  }
0x63: {  	_ =	shalt  }
0x64: {  	_ =	shalt  }
0x65: {  	_ =	shalt  }
0x66: {  	_ =	shalt  }
0x67: {  	_ =	shalt  }
0x68: {  	_ =	shalt  }
0x69: {  	_ =	shalt  }
0x6a: {  	_ =	shalt  }
0x6b: {  	_ =	shalt  }
0x6c: {  	_ =	shalt  }
0x6d: {  	_ =	shalt  }
0x6e: {  	_ =	shalt  }
0x6f: {  	_ =	shalt  }
0x70: {  	_ =	shalt  }
0x71: {  	_ =	shalt  }
0x72: {  	_ =	shalt  }
0x73: {  	_ =	shalt  }
0x74: {  	_ =	shalt  }
0x75: {  	_ =	shalt  }
0x76: {  	_ =	shalt  }
0x77: {  	_ =	shalt  }
0x78: {  	_ =	shalt  }
0x79: {  	_ =	shalt  }
0x7a: {  	_ =	shalt  }
0x7b: {  	_ =	shalt  }
0x7c: {  	_ =	shalt  }
0x7d: {  	_ =	shalt  }
0x7e: {  	_ =	shalt  }
0x7f: {  	_ =	shalt  }
0x80: {  	_ =	shalt  }
0x81: {  	_ =	shalt  }
0x82: {  	_ =	shalt  }
0x83: {  	_ =	shalt  }
0x84: {  	_ =	shalt  }
0x85: {  	_ =	shalt  }
0x86: {  	_ =	shalt  }
0x87: {  	_ =	shalt  }
.Lfunc_end0:
.L_simem_size_0:
called_computation_lowered:
.L_overlay_start_0:
0x88: {  	s2 =	sld [smem:$0x3FD9]  }
0x89: {  	s3 =	sld [smem:$0x3FFE];
	_ =	sdelay $0x1  }
0x8a: {  	s1 =	srdreg.scid  }
0x8b: {  	s0 =	sand.u32 $0x1, s1  }
0x8c: {  	s17 =	sshll.u32 s0, $0xA;
	s2 =	sadd.s32 s3, s2  }
0x8d: {  	s2 =	sadd.s32 s2, s17  }
0x8e: {  	[smem:$0x3FBE] =	sst s2  }
0x8f: {  	_ = 	snop  }
0x90: {  	s2 =	sld [smem:$0x3FC9];
	(tm) =	ssettm $0x1  }
0x91: {  	s18 =	sld [smem:$0x3FFB];
	_ =	sdelay $0x3  }
0x92: {  	_ =	strace s18  }
0x93: {  	s3 =	sld [smem:$0x3FFC];
	_ =	sdelay $0x3  }
0x94: {  	_ =	strace s3  }
0x95: {  	s3 =	sld [smem:$0x3FFD];
	_ =	sdelay $0x3  }
0x96: {  	_ =	strace s3  }
0x97: {  	_ =	strace $0x8FFFFFFF  }
0x98: {  	s19 =	sld [smem:$0x3FDB];
	_ =	sdelay $0x1  }
0x99: {  	s4 =	simm.s32 $_scs_section_size  }
0x9a: {  	s5 =	simm.s32 $_size__tile_overlayer_lowered;
	s6 =	simm.s32 $_tile_overlayer_lowered  }
0x9b: {  	s22 =	simm.s32 $0x1BFF;
	s21 =	sshll.u32 s6, $0x1;
	s3 =	sadd.s32 s4, s19  }
0x9c: {  	s7 =	simm.s32 $0x0;
	s20 =	sshll.u32 s5, $0x1;
	s5 =	sadd.s32 s21, s3  }
0x9d: {  	[timem:s7], [sflag:s22] =	dma.local [hbm:s5], s20  }
0x9e: {  	_ =	swait.ge [sflag:s22], s20  }
0x9f: {  	s4 =	ssub.s32 $0x0, s20;
	[sflag:s22] =	ssyncset.done $0x0  }
0xa0: {  	[sflag:s22] =	ssyncadd.s32 s4;
	_ =	sdelay $0x1  }
0xa1: {  	s23 =	simm.s32 $0x1B8B  }
0xa2: {  	_ =	swait.ge [sflag:s23], $0x1  }
0xa3: {  	[sflag:s23] =	ssyncset.done $0x0  }
0xa4: {  	s25 =	simm.s32 $0x1B8E;
	s24 =	sld [smem:$0x3FFE];
	[sflag:s23] =	ssyncadd.s32 $0xFFFFFFFF  }
0xa5: {  	s26 =	simm.s32 $execute0_lowered;
	[smem:$0x3FD2] =	sst s25  }
0xa6: {  	s5 =	sshll.u32 s26, $0x1;
	_ =	strace $0x80000046;
	[dreg:$0x1] =	wrdreg $0xFFFFFFFF  }
0xa7: {  	s28 =	simm.s32 $_size_execute0_lowered;
	s3 =	sadd.s32 s3, s5;
	[dreg:$0x0] =	wrdreg $0x0  }
0xa8: {  	s5 =	sshll.u32 s28, $0x1;
	[dreg:$0x2] =	wrdreg s3  }
0xa9: {  	[dreg:$0x3] =	wrdreg s5  }
0xaa: {  	[dreg:$0x4] =	wrdreg $0xC0  }
0xab: {  	_ =	task [dreg:s7], $0x5FFFF  }
0xac: {  	[dreg:$0x1] =	wrdreg $0xFFFFFFFF  }
0xad: {  	[dreg:$0x0] =	wrdreg $0x60  }
0xae: {  	[dreg:$0x2] =	wrdreg s2  }
0xaf: {  	[dreg:$0x3] =	wrdreg s24  }
0xb0: {  	[dreg:$0x4] =	wrdreg $0xA8000  }
0xb1: {  	[dreg:$0x5] =	wrdreg $0x9  }
0xb2: {  	_ =	task.clear_ibuf [dreg:s7], $0x6FFFF;
	_ =	strace $0x90000046  }
0xb3: {  	s29 =	simm.s32 $0x9;
	_ =	strace $0x80000048  }
0xb4: {  	_ =	swait.ge [sflag:s29], $0x1  }
0xb5: {  	[sflag:s29] =	ssyncadd.s32 $0xFFFFFFFF  }
0xb6: {  	_ =	strace $0x90000048  }
0xb7: {  	_ =	sfence  }
0xb8: {  	s30 =	sld [smem:$0x0];
	_ =	sdelay $0x2  }
0xb9: {  	s31 =	sshll.u32 s1, $0xD;
	s1 =	sshrl.u32 s1, $0x2  }
0xba: {  	s3 =	sand.u32 $0x4000, s31;
	s1 =	sadd.s32 s1, s30  }
0xbb: {  	s0 =	sor.u32 s3, s0;
	s1 =	sshll.u32 s1, $0x11  }
0xbc: {  	s0 =	sor.u32 s1, s0  }
0xbd: {  	s0 =	sadd.s32 $0x8F2B, s0  }
0xbe: {  	[sflag:s0] =	ssyncadd.remote.s32 $0x1  }
0xbf: {  	_ =	sfence.sel $0xFFFF  }
0xc0: {  	[dreg:$0x0] =	wrdreg $0xFFFFFFFF;
	(pc) =	sbr.abs _section_cstart, $3  }
0xc1: {  	[dreg:$0x1] =	wrdreg $0xFFFFFFFF  }
0xc2: {  	_ =	task.clear_ibuf [dreg:s7], $0x2FFFF;
	_ =	strace $0x9FFFFFFF  }
0xc3: {  	(tm) =	ssettm $0x7FFFFFFF  }
tec
execute0_lowered:
.L_overlay_start_1:
0x0: {  	(tag) =	ssettag $0x1  }
0x1: {  	s1 =	rddreg [dreg:$0x0]  }
0x2: {  	s0 =	rddreg [dreg:$0x1]  }
0x3: {  	s3 =	rddreg [dreg:$0x2];
	s16 =	simm.s32 $0x0  }
0x4: {  	s12 =	stileid.u32;
	s4 =	srdreg.scid;
	s15 =	simm.s32 $0x9  }
0x5: {  	s17 =	simm.s32 $0x20;
	s28 =	simm.s32 $0x6800;
	s13 =	simm.s32 $0x6  }
0x6: {  	s14 =	simm.s32 $0x8;
	[smem:$0x7FF] =	sst s16;
	s2 =	smul.u32 $0x2780, s12  }
0x7: {  	s5 =	sadd.s32 $0x2A00, s0;
	s4 =	sand.u32 $0x1, s4;
	s25 =	smul.u32 $0x4F000, s12  }
0x8: {  	s6 =	sadd.s32 $0x2AA00, s0;
	s10 =	smul.u32 $0xA000, s12;
	s11 =	sshll.u32 s12, $0x6  }
0x9: {  	p0 =	seq.s32 s12, $0xF;
	s12 =	simm.s32 $0x4;
	s7 =	smul.u32 $0xA0000, s4  }
0xa: {  	_ =	strace $0x80000047;
	[dreg:$0x5] =	wrdreg s5;
	s29 =	smul.u32 $0x27100, s4  }
0xb: {  	[dreg:$0x6] =	wrdreg s6;
	s26 =	ssub.s32 $0x2, s4;
	s4 =	smul.u32 $0x138800, s4  }
0xc: {  	s18 =	sor.u32 $0x1C09, s11;
	s11 =	simm.s32 $0x2;
	s8 =	sadd.s32 s2, s0  }
0xd: {  	s9 =	sshrl.u32 s26, $0x1;
	s0 =	sadd.s32 $0x7A200, s0;
	s5 =	sshrl.u32 s25, $0x2  }
0xe: {  	[dreg:$0x9] =	wrdreg s18;
	s6 =	ssub.s32 s26, s9;
	s8 =	sadd.s32 $0x52A00, s8  }
0xf: {  	s5 =	sadd.s32 s5, s3;
	s7 =	sadd.s32 s10, s7;
	[dreg:$0x8] =	wrdreg s8  }
0x10: {  	s2 =	sadd.s32 s2, s29;
	s4 =	sshrl.u32 s4, $0x3;
	[dreg:$0xa] =	wrdreg s7  }
0x11: {  	s10 =	simm.s32 $0x4800;
	s2 =	sadd.s32 s0, s2;
	[dreg:$0x7] =	wrdreg s5  }
0x12: {  	s0 =	sadd.s32 s0, s4;
	s30 =	smax.u32 s6, $0x1;
	[dreg:$0xb] =	wrdreg s2  }
0x13: {  	s31 =	sshrl.u32 s5, $0x3;
	s7 =	simm.s32 $0x2800;
	[dreg:$0xd] =	wrdreg s30  }
0x14: {  	s2 =	sadd.s32 $0x128400, s3;
	s0 =	sadd.s32 $0x25080, s0;
	[dreg:$0xe] =	wrdreg s31  }
0x15: {  	s8 =	simm.s32 $0x9800;
	[dreg:$0xc] =	wrdreg s0;
	s0 =	sshrl.u32 @p0 s2, $0x3  }
0x16: {  	s2 =	simm.s32 $0x1;
	[dreg:$0xf] =	wrdreg s0;
	s0 =	simm.s32 $0x8800  }
.LBB2_1:
0x17: {  	[dreg:$0x4] =	wrdreg s16  }
0x18: {  	s4 =	rddreg [dreg:$0x8]  }
0x19: {  	s5 =	rddreg [dreg:$0xe]  }
0x1a: {  	[spmem:s5], [sflag:s18] =	dma.local [hbm:s4], $0x2780  }
0x1b: {  	_ =	swait.ge [sflag:s15], $0x2780  }
0x1c: {  	[sflag:s15] =	ssyncset.done $0x0  }
0x1d: {  	[sflag:s15] =	ssyncadd.s32 $0xFFFFD880  }
0x1e: {  	s4 =	simm.s32 $0x0;
	[bflag:$0x0] =	sbarrier.arrive $0xFFFF  }
.LBB2_2:
0x1f: {  	s26 =	smul.u32 $0x1400, s4  }
0x20: {  	s5 =	rddreg [dreg:$0xa]  }
0x21: {  	[dreg:$0x10] =	wrdreg s4;
	s4 =	sadd.s32 s26, s5  }
0x22: {  	s29 =	rddreg [dreg:$0x5];
	s4 =	sshrl.u32 s4, $0x3  }
0x23: {  	s6 =	simm.s32 $0x0;
	s5 =	sadd.s32 s29, s4  }
0x24: {  	[tilespmem:s6], [sflag:$0x9] =	stream.linear.gather [hbm4b:s5+s6], $0x1400, $0x38;
	[tilespmem:$0x1E400] =	vst v63  }
0x25: {  	_ =	swait.ge [sflag:s15], $0x1400  }
0x26: {  	[sflag:s15] =	ssyncset.done $0x0;
	s30 =	rddreg [dreg:$0x6]  }
0x27: {  	s31 =	simm.s32 $0x1400;
	[sflag:s15] =	ssyncadd.s32 $0xFFFFEC00;
	s4 =	sadd.s32 s30, s4  }
0x28: {  	[tilespmem:s31], [sflag:$0x9] =	stream.linear.gather [hbm4b:s4+s6], $0x1400, $0x38;
	[tilespmem:$0x1E400] =	vst v63  }
0x29: {  	_ =	swait.ge [sflag:s15], $0x1400  }
0x2a: {  	[sflag:s15] =	ssyncset.done $0x0  }
0x2b: {  	[sflag:s15] =	ssyncadd.s32 $0xFFFFEC00  }
0x2c: {  	[tilespmem:s7], [sflag:$0x1] =	stream.indirect.gather [hbm4b:s1+s17], $0x80, s6, s17, $0xb8;
	[tilespmem:$0x1E400] =	vst v63  }
0x2d: {  	s9 =	simm.s32 $0x3800;
	s6 =	simm.s32 $0x80  }
0x2e: {  	[tilespmem:s9], [sflag:$0x2] =	stream.indirect.gather [hbm4b:s1+s17], $0x80, s6, s17, $0xb8;
	[tilespmem:$0x1E400] =	vst v63  }
0x2f: {  	s16 =	simm.s32 $0x100  }
0x30: {  	[tilespmem:s10], [sflag:$0x3] =	stream.indirect.gather [hbm4b:s1+s17], $0x80, s16, s17, $0xb8;
	[tilespmem:$0x1E400] =	vst v63  }
0x31: {  	s18 =	simm.s32 $0x180;
	s19 =	simm.s32 $0x5800  }
0x32: {  	[tilespmem:s19], [sflag:$0x4] =	stream.indirect.gather [hbm4b:s1+s17], $0x80, s18, s17, $0xb8;
	[tilespmem:$0x1E400] =	vst v63  }
0x33: {  	s20 =	simm.s32 $0x200  }
0x34: {  	[tilespmem:s28], [sflag:$0x5] =	stream.indirect.gather [hbm4b:s1+s17], $0x80, s20, s17, $0xb8;
	[tilespmem:$0x1E400] =	vst v63  }
0x35: {  	s21 =	simm.s32 $0x280;
	s22 =	simm.s32 $0x7800  }
0x36: {  	[tilespmem:s22], [sflag:$0x6] =	stream.indirect.gather [hbm4b:s1+s17], $0x80, s21, s17, $0xb8;
	[tilespmem:$0x1E400] =	vst v63  }
0x37: {  	s23 =	simm.s32 $0x300  }
0x38: {  	[tilespmem:s0], [sflag:$0x7] =	stream.indirect.gather [hbm4b:s1+s17], $0x80, s23, s17, $0xb8;
	[tilespmem:$0x1E400] =	vst v63  }
0x39: {  	_ =	swait.ge [sflag:s2], $0x1000  }
0x3a: {  	[sflag:s2] =	ssyncset.done $0x0  }
0x3b: {  	s24 =	simm.s32 $0x380;
	[sflag:s2] =	ssyncadd.s32 $0xFFFFF000  }
0x3c: {  	[tilespmem:s8], [sflag:$0x8] =	stream.indirect.gather [hbm4b:s1+s17], $0x80, s24, s17, $0xb8;
	[tilespmem:$0x1E400] =	vst v63  }
0x3d: {  	s25 =	simm.s32 $0x1400  }
0x3e: {  	[spmem:s3] =	stream.indirect.scatter.add.f32 [tilespmem:s7], [sflag:$0x9], $0x80, s25, s17, $0xb8;
	[tilespmem:$0x1E400] =	vst v63  }
0x3f: {  	_ =	swait.ge [sflag:s15], $0x1000  }
0x40: {  	[sflag:s15] =	ssyncset.done $0x0  }
0x41: {  	[sflag:s15] =	ssyncadd.s32 $0xFFFFF000  }
0x42: {  	p1 =	por $0x0, $0x0;
	_ =	swait.ge [sflag:s11], $0x1000  }
0x43: {  	s5 =	simm.s32 @p1 $0x20;
	s4 =	simm.s32 @p1 $0x1480;
	[sflag:s11] =	ssyncset.done $0x0  }
0x44: {  	s6 =	simm.s32 @p1 $0x3800;
	s9 =	simm.s32 @p1 $0x9;
	[sflag:s11] =	ssyncadd.s32 $0xFFFFF000  }
0x45: {  	[spmem:s3] =	stream.indirect.scatter.add.f32 @p1 [tilespmem:s6], [sflag:$0x9], $0x80, s4, s5, $0xb8;
	[tilespmem:$0x1E400] =	vst v63  }
0x46: {  	_ =	swait.ge @p1 [sflag:s9], $0x1000  }
0x47: {  	[sflag:s9] =	ssyncset.done @p1 $0x0  }
0x48: {  	s6 =	simm.s32 @p1 $0x3;
	[sflag:s9] =	ssyncadd.s32 @p1 $0xFFFFF000  }
0x49: {  	_ =	swait.ge @p1 [sflag:s6], $0x1000  }
0x4a: {  	s16 =	simm.s32 @!p1 $0x400;
	[sflag:s6] =	ssyncset.done @p1 $0x0  }
0x4b: {  	s19 =	simm.s32 @!p1 $0x2800;
	s4 =	simm.s32 @!p1 $0x20;
	[sflag:s6] =	ssyncadd.s32 @p1 $0xFFFFF000  }
0x4c: {  	[tilespmem:s19], [sflag:$0x1] =	stream.indirect.gather @!p1 [hbm4b:s1+s4], $0x80, s16, s4, $0xb8;
	[tilespmem:$0x1E400] =	vst v63  }
0x4d: {  	s6 =	simm.s32 @!p1 $0x1480;
	s19 =	simm.s32 @!p1 $0x3800;
	s16 =	simm.s32 @!p1 $0x9  }
0x4e: {  	[spmem:s3] =	stream.indirect.scatter.add.f32 @!p1 [tilespmem:s19], [sflag:$0x9], $0x80, s6, s4, $0xb8;
	[tilespmem:$0x1E400] =	vst v63  }
0x4f: {  	_ =	swait.ge @!p1 [sflag:s16], $0x1000  }
0x50: {  	[sflag:s16] =	ssyncset.done @!p1 $0x0  }
0x51: {  	s6 =	simm.s32 @!p1 $0x3;
	[sflag:s16] =	ssyncadd.s32 @!p1 $0xFFFFF000  }
0x52: {  	_ =	swait.ge @!p1 [sflag:s6], $0x1000  }
0x53: {  	[sflag:s6] =	ssyncset.done @!p1 $0x0  }
0x54: {  	[sflag:s6] =	ssyncadd.s32 @!p1 $0xFFFFF000;
	s6 =	simm.s32 @!p1 $0x480  }
0x55: {  	[tilespmem:s19], [sflag:$0x2] =	stream.indirect.gather @!p1 [hbm4b:s1+s4], $0x80, s6, s4, $0xb8;
	[tilespmem:$0x1E400] =	vst v63  }
0x56: {  	s26 =	simm.s32 $0x1500  }
0x57: {  	[spmem:s3] =	stream.indirect.scatter.add.f32 [tilespmem:s10], [sflag:$0x9], $0x80, s26, s17, $0xb8;
	[tilespmem:$0x1E400] =	vst v63  }
0x58: {  	_ =	swait.ge [sflag:s15], $0x1000  }
0x59: {  	[sflag:s15] =	ssyncset.done $0x0  }
0x5a: {  	[sflag:s15] =	ssyncadd.s32 $0xFFFFF000  }
0x5b: {  	_ =	swait.ge [sflag:s12], $0x1000  }
0x5c: {  	[sflag:s12] =	ssyncset.done $0x0  }
0x5d: {  	s6 =	simm.s32 @p1 $0x1580;
	s19 =	simm.s32 @p1 $0x5800;
	[sflag:s12] =	ssyncadd.s32 $0xFFFFF000  }
0x5e: {  	[spmem:s3] =	stream.indirect.scatter.add.f32 @p1 [tilespmem:s19], [sflag:$0x9], $0x80, s6, s5, $0xb8;
	[tilespmem:$0x1E400] =	vst v63  }
0x5f: {  	_ =	swait.ge @p1 [sflag:s9], $0x1000  }
0x60: {  	[sflag:s9] =	ssyncset.done @p1 $0x0  }
0x61: {  	s6 =	simm.s32 @p1 $0x5;
	[sflag:s9] =	ssyncadd.s32 @p1 $0xFFFFF000  }
0x62: {  	_ =	swait.ge @p1 [sflag:s6], $0x1000  }
0x63: {  	[sflag:s6] =	ssyncset.done @p1 $0x0  }
0x64: {  	s19 =	simm.s32 @!p1 $0x500;
	[sflag:s6] =	ssyncadd.s32 @p1 $0xFFFFF000;
	s6 =	simm.s32 @!p1 $0x4800  }
0x65: {  	[tilespmem:s6], [sflag:$0x3] =	stream.indirect.gather @!p1 [hbm4b:s1+s4], $0x80, s19, s4, $0xb8;
	[tilespmem:$0x1E400] =	vst v63  }
0x66: {  	s6 =	simm.s32 @!p1 $0x1580;
	s19 =	simm.s32 @!p1 $0x5800  }
0x67: {  	[spmem:s3] =	stream.indirect.scatter.add.f32 @!p1 [tilespmem:s19], [sflag:$0x9], $0x80, s6, s4, $0xb8;
	[tilespmem:$0x1E400] =	vst v63  }
0x68: {  	_ =	swait.ge @!p1 [sflag:s16], $0x1000  }
0x69: {  	[sflag:s16] =	ssyncset.done @!p1 $0x0  }
0x6a: {  	s6 =	simm.s32 @!p1 $0x5;
	[sflag:s16] =	ssyncadd.s32 @!p1 $0xFFFFF000  }
0x6b: {  	_ =	swait.ge @!p1 [sflag:s6], $0x1000  }
0x6c: {  	[sflag:s6] =	ssyncset.done @!p1 $0x0  }
0x6d: {  	[sflag:s6] =	ssyncadd.s32 @!p1 $0xFFFFF000;
	s6 =	simm.s32 @!p1 $0x580  }
0x6e: {  	[tilespmem:s19], [sflag:$0x4] =	stream.indirect.gather @!p1 [hbm4b:s1+s4], $0x80, s6, s4, $0xb8;
	[tilespmem:$0x1E400] =	vst v63  }
0x6f: {  	s29 =	simm.s32 $0x1600  }
0x70: {  	[spmem:s3] =	stream.indirect.scatter.add.f32 [tilespmem:s28], [sflag:$0x9], $0x80, s29, s17, $0xb8;
	[tilespmem:$0x1E400] =	vst v63  }
0x71: {  	_ =	swait.ge [sflag:s15], $0x1000  }
0x72: {  	[sflag:s15] =	ssyncset.done $0x0  }
0x73: {  	[sflag:s15] =	ssyncadd.s32 $0xFFFFF000  }
0x74: {  	_ =	swait.ge [sflag:s13], $0x1000  }
0x75: {  	[sflag:s13] =	ssyncset.done $0x0  }
0x76: {  	s6 =	simm.s32 @p1 $0x1680;
	s19 =	simm.s32 @p1 $0x7800;
	[sflag:s13] =	ssyncadd.s32 $0xFFFFF000  }
0x77: {  	[spmem:s3] =	stream.indirect.scatter.add.f32 @p1 [tilespmem:s19], [sflag:$0x9], $0x80, s6, s5, $0xb8;
	[tilespmem:$0x1E400] =	vst v63  }
0x78: {  	_ =	swait.ge @p1 [sflag:s9], $0x1000  }
0x79: {  	[sflag:s9] =	ssyncset.done @p1 $0x0  }
0x7a: {  	s5 =	simm.s32 @p1 $0x7;
	[sflag:s9] =	ssyncadd.s32 @p1 $0xFFFFF000  }
0x7b: {  	_ =	swait.ge @p1 [sflag:s5], $0x1000  }
0x7c: {  	[sflag:s5] =	ssyncset.done @p1 $0x0  }
0x7d: {  	s6 =	simm.s32 @!p1 $0x600;
	[sflag:s5] =	ssyncadd.s32 @p1 $0xFFFFF000;
	s5 =	simm.s32 @!p1 $0x6800  }
0x7e: {  	[tilespmem:s5], [sflag:$0x5] =	stream.indirect.gather @!p1 [hbm4b:s1+s4], $0x80, s6, s4, $0xb8;
	[tilespmem:$0x1E400] =	vst v63  }
0x7f: {  	s5 =	simm.s32 @!p1 $0x1680;
	s6 =	simm.s32 @!p1 $0x7800  }
0x80: {  	[spmem:s3] =	stream.indirect.scatter.add.f32 @!p1 [tilespmem:s6], [sflag:$0x9], $0x80, s5, s4, $0xb8;
	[tilespmem:$0x1E400] =	vst v63  }
0x81: {  	_ =	swait.ge @!p1 [sflag:s16], $0x1000  }
0x82: {  	[sflag:s16] =	ssyncset.done @!p1 $0x0  }
0x83: {  	s5 =	simm.s32 @!p1 $0x7;
	[sflag:s16] =	ssyncadd.s32 @!p1 $0xFFFFF000  }
0x84: {  	_ =	swait.ge @!p1 [sflag:s5], $0x1000  }
0x85: {  	[sflag:s5] =	ssyncset.done @!p1 $0x0  }
0x86: {  	[sflag:s5] =	ssyncadd.s32 @!p1 $0xFFFFF000;
	s5 =	simm.s32 @!p1 $0x680  }
0x87: {  	[tilespmem:s6], [sflag:$0x6] =	stream.indirect.gather @!p1 [hbm4b:s1+s4], $0x80, s5, s4, $0xb8;
	[tilespmem:$0x1E400] =	vst v63  }
0x88: {  	s30 =	simm.s32 $0x1700  }
0x89: {  	[spmem:s3] =	stream.indirect.scatter.add.f32 [tilespmem:s0], [sflag:$0x9], $0x80, s30, s17, $0xb8;
	[tilespmem:$0x1E400] =	vst v63  }
0x8a: {  	_ =	swait.ge [sflag:s15], $0x1000  }
0x8b: {  	[sflag:s15] =	ssyncset.done $0x0  }
0x8c: {  	[sflag:s15] =	ssyncadd.s32 $0xFFFFF000  }
0x8d: {  	_ =	swait.ge [sflag:s14], $0x1000  }
0x8e: {  	[sflag:s14] =	ssyncset.done $0x0  }
0x8f: {  	s5 =	simm.s32 @!p1 $0x700;
	s6 =	simm.s32 @!p1 $0x8800;
	[sflag:s14] =	ssyncadd.s32 $0xFFFFF000  }
0x90: {  	[tilespmem:s6], [sflag:$0x7] =	stream.indirect.gather @!p1 [hbm4b:s1+s4], $0x80, s5, s4, $0xb8;
	[tilespmem:$0x1E400] =	vst v63  }
0x91: {  	s31 =	simm.s32 $0x1780  }
0x92: {  	[spmem:s3] =	stream.indirect.scatter.add.f32 [tilespmem:s8], [sflag:$0x9], $0x80, s31, s17, $0xb8;
	[tilespmem:$0x1E400] =	vst v63  }
0x93: {  	s25 =	simm.s32 $0x1000;
	_ =	swait.ge [sflag:s15], $0x1000  }
.LBB2_3:
0x94: {  	[sflag:s15] =	ssyncset.done $0x0;
	s4 =	smov.u32 s25;
	s25 =	sadd.s32 $0x1000, s25  }
0x95: {  	p1 =	sne.s32 s25, $0x5000;
	[sflag:s15] =	ssyncadd.s32 $0xFFFFF000  }
0x96: {  	_ =	swait.ge [sflag:s2], $0x1000  }
0x97: {  	s9 =	sshra.s32 s4, $0x2;
	[sflag:s2] =	ssyncset.done $0x0  }
0x98: {  	s5 =	sadd.s32 $0x380, s9;
	[sflag:s2] =	ssyncadd.s32 $0xFFFFF000  }
0x99: {  	[tilespmem:s8], [sflag:$0x8] =	stream.indirect.gather [hbm4b:s1+s17], $0x80, s5, s17, $0xb8;
	[tilespmem:$0x1E400] =	vst v63  }
0x9a: {  	s5 =	sadd.s32 $0x1400, s9  }
0x9b: {  	[spmem:s3] =	stream.indirect.scatter.add.f32 [tilespmem:s7], [sflag:$0x9], $0x80, s5, s17, $0xb8;
	[tilespmem:$0x1E400] =	vst v63  }
0x9c: {  	_ =	swait.ge [sflag:s15], $0x1000  }
0x9d: {  	[sflag:s15] =	ssyncset.done $0x0  }
0x9e: {  	[sflag:s15] =	ssyncadd.s32 $0xFFFFF000  }
0x9f: {  	p2 =	seq.s32 s4, $0x4000;
	_ =	swait.ge [sflag:s11], $0x1000  }
0xa0: {  	s16 =	sshra.s32 @p2 s4, $0x2;
	s19 =	simm.s32 @p2 $0x20;
	[sflag:s11] =	ssyncset.done $0x0  }
0xa1: {  	s6 =	simm.s32 @p2 $0x3800;
	s5 =	sadd.s32 @p2 $0x1480, s16;
	[sflag:s11] =	ssyncadd.s32 $0xFFFFF000  }
0xa2: {  	[spmem:s3] =	stream.indirect.scatter.add.f32 @p2 [tilespmem:s6], [sflag:$0x9], $0x80, s5, s19, $0xb8;
	[tilespmem:$0x1E400] =	vst v63  }
0xa3: {  	s20 =	simm.s32 @p2 $0x9;
	s10 =	sshra.s32 @!p2 s4, $0x2;
	s6 =	sadd.s32 @p2 $0x1580, s16  }
0xa4: {  	s21 =	sadd.s32 @!p2 $0x400, s10;
	s7 =	sadd.s32 @!p2 $0x1480, s10;
	_ =	swait.ge @p2 [sflag:s20], $0x1000  }
0xa5: {  	s23 =	simm.s32 @p2 $0x3;
	s18 =	sadd.s32 @!p2 $0x480, s10;
	[sflag:s20] =	ssyncset.done @p2 $0x0  }
0xa6: {  	s31 =	sadd.s32 @!p2 $0x1580, s10;
	s5 =	sadd.s32 @!p2 $0x500, s10;
	[sflag:s20] =	ssyncadd.s32 @p2 $0xFFFFF000  }
0xa7: {  	s30 =	sadd.s32 @!p2 $0x580, s10;
	s29 =	sadd.s32 @p2 $0x1680, s16;
	_ =	swait.ge @p2 [sflag:s23], $0x1000  }
0xa8: {  	s4 =	simm.s32 @!p2 $0x20;
	s16 =	simm.s32 @!p2 $0x2800;
	[sflag:s23] =	ssyncset.done @p2 $0x0  }
0xa9: {  	s22 =	simm.s32 @!p2 $0x3800;
	s24 =	sadd.s32 @!p2 $0x600, s10;
	[sflag:s23] =	ssyncadd.s32 @p2 $0xFFFFF000  }
0xaa: {  	[tilespmem:s16], [sflag:$0x1] =	stream.indirect.gather @!p2 [hbm4b:s1+s4], $0x80, s21, s4, $0xb8;
	[tilespmem:$0x1E400] =	vst v63  }
0xab: {  	s26 =	sadd.s32 @!p2 $0x1680, s10;
	s23 =	simm.s32 @!p2 $0x9;
	s21 =	sadd.s32 @!p2 $0x680, s10  }
0xac: {  	[spmem:s3] =	stream.indirect.scatter.add.f32 @!p2 [tilespmem:s22], [sflag:$0x9], $0x80, s7, s4, $0xb8;
	[tilespmem:$0x1E400] =	vst v63  }
0xad: {  	s16 =	sadd.s32 @!p2 $0x700, s10;
	s10 =	simm.s32 $0x4800;
	_ =	swait.ge @!p2 [sflag:s23], $0x1000  }
0xae: {  	s7 =	simm.s32 @!p2 $0x3;
	[sflag:s23] =	ssyncset.done @!p2 $0x0  }
0xaf: {  	[sflag:s23] =	ssyncadd.s32 @!p2 $0xFFFFF000  }
0xb0: {  	_ =	swait.ge @!p2 [sflag:s7], $0x1000  }
0xb1: {  	[sflag:s7] =	ssyncset.done @!p2 $0x0  }
0xb2: {  	[sflag:s7] =	ssyncadd.s32 @!p2 $0xFFFFF000;
	s7 =	sadd.s32 $0x1500, s9  }
0xb3: {  	[tilespmem:s22], [sflag:$0x2] =	stream.indirect.gather @!p2 [hbm4b:s1+s4], $0x80, s18, s4, $0xb8;
	[tilespmem:$0x1E400] =	vst v63  }
0xb4: {  	_ = 	snop  }
0xb5: {  	[spmem:s3] =	stream.indirect.scatter.add.f32 [tilespmem:s10], [sflag:$0x9], $0x80, s7, s17, $0xb8;
	[tilespmem:$0x1E400] =	vst v63  }
0xb6: {  	_ =	swait.ge [sflag:s15], $0x1000  }
0xb7: {  	[sflag:s15] =	ssyncset.done $0x0  }
0xb8: {  	[sflag:s15] =	ssyncadd.s32 $0xFFFFF000  }
0xb9: {  	_ =	swait.ge [sflag:s12], $0x1000  }
0xba: {  	s7 =	simm.s32 @p2 $0x5800;
	[sflag:s12] =	ssyncset.done $0x0  }
0xbb: {  	[sflag:s12] =	ssyncadd.s32 $0xFFFFF000  }
0xbc: {  	[spmem:s3] =	stream.indirect.scatter.add.f32 @p2 [tilespmem:s7], [sflag:$0x9], $0x80, s6, s19, $0xb8;
	[tilespmem:$0x1E400] =	vst v63  }
0xbd: {  	_ =	swait.ge @p2 [sflag:s20], $0x1000  }
0xbe: {  	s6 =	simm.s32 @p2 $0x5;
	[sflag:s20] =	ssyncset.done @p2 $0x0  }
0xbf: {  	[sflag:s20] =	ssyncadd.s32 @p2 $0xFFFFF000  }
0xc0: {  	_ =	swait.ge @p2 [sflag:s6], $0x1000  }
0xc1: {  	s7 =	simm.s32 @!p2 $0x4800;
	[sflag:s6] =	ssyncset.done @p2 $0x0  }
0xc2: {  	[sflag:s6] =	ssyncadd.s32 @p2 $0xFFFFF000;
	s6 =	simm.s32 @!p2 $0x5800  }
0xc3: {  	[tilespmem:s7], [sflag:$0x3] =	stream.indirect.gather @!p2 [hbm4b:s1+s4], $0x80, s5, s4, $0xb8;
	[tilespmem:$0x1E400] =	vst v63  }
0xc4: {  	s7 =	simm.s32 $0x2800;
	_ =	sdelay $0x1  }
0xc5: {  	[spmem:s3] =	stream.indirect.scatter.add.f32 @!p2 [tilespmem:s6], [sflag:$0x9], $0x80, s31, s4, $0xb8;
	[tilespmem:$0x1E400] =	vst v63  }
0xc6: {  	_ =	swait.ge @!p2 [sflag:s23], $0x1000  }
0xc7: {  	s5 =	simm.s32 @!p2 $0x5;
	[sflag:s23] =	ssyncset.done @!p2 $0x0  }
0xc8: {  	[sflag:s23] =	ssyncadd.s32 @!p2 $0xFFFFF000  }
0xc9: {  	_ =	swait.ge @!p2 [sflag:s5], $0x1000  }
0xca: {  	[sflag:s5] =	ssyncset.done @!p2 $0x0  }
0xcb: {  	[sflag:s5] =	ssyncadd.s32 @!p2 $0xFFFFF000;
	s5 =	sadd.s32 $0x1600, s9  }
0xcc: {  	[tilespmem:s6], [sflag:$0x4] =	stream.indirect.gather @!p2 [hbm4b:s1+s4], $0x80, s30, s4, $0xb8;
	[tilespmem:$0x1E400] =	vst v63  }
0xcd: {  	_ = 	snop  }
0xce: {  	[spmem:s3] =	stream.indirect.scatter.add.f32 [tilespmem:s28], [sflag:$0x9], $0x80, s5, s17, $0xb8;
	[tilespmem:$0x1E400] =	vst v63  }
0xcf: {  	_ =	swait.ge [sflag:s15], $0x1000  }
0xd0: {  	[sflag:s15] =	ssyncset.done $0x0  }
0xd1: {  	[sflag:s15] =	ssyncadd.s32 $0xFFFFF000  }
0xd2: {  	_ =	swait.ge [sflag:s13], $0x1000  }
0xd3: {  	s5 =	simm.s32 @p2 $0x7800;
	[sflag:s13] =	ssyncset.done $0x0  }
0xd4: {  	[sflag:s13] =	ssyncadd.s32 $0xFFFFF000  }
0xd5: {  	[spmem:s3] =	stream.indirect.scatter.add.f32 @p2 [tilespmem:s5], [sflag:$0x9], $0x80, s29, s19, $0xb8;
	[tilespmem:$0x1E400] =	vst v63  }
0xd6: {  	_ =	swait.ge @p2 [sflag:s20], $0x1000  }
0xd7: {  	s5 =	simm.s32 @p2 $0x7;
	[sflag:s20] =	ssyncset.done @p2 $0x0  }
0xd8: {  	[sflag:s20] =	ssyncadd.s32 @p2 $0xFFFFF000  }
0xd9: {  	_ =	swait.ge @p2 [sflag:s5], $0x1000  }
0xda: {  	s6 =	simm.s32 @!p2 $0x6800;
	[sflag:s5] =	ssyncset.done @p2 $0x0  }
0xdb: {  	[sflag:s5] =	ssyncadd.s32 @p2 $0xFFFFF000;
	s5 =	simm.s32 @!p2 $0x7800  }
0xdc: {  	[tilespmem:s6], [sflag:$0x5] =	stream.indirect.gather @!p2 [hbm4b:s1+s4], $0x80, s24, s4, $0xb8;
	[tilespmem:$0x1E400] =	vst v63  }
0xdd: {  	_ = 	snop  }
0xde: {  	[spmem:s3] =	stream.indirect.scatter.add.f32 @!p2 [tilespmem:s5], [sflag:$0x9], $0x80, s26, s4, $0xb8;
	[tilespmem:$0x1E400] =	vst v63  }
0xdf: {  	_ =	swait.ge @!p2 [sflag:s23], $0x1000  }
0xe0: {  	s6 =	simm.s32 @!p2 $0x7;
	[sflag:s23] =	ssyncset.done @!p2 $0x0  }
0xe1: {  	[sflag:s23] =	ssyncadd.s32 @!p2 $0xFFFFF000  }
0xe2: {  	_ =	swait.ge @!p2 [sflag:s6], $0x1000  }
0xe3: {  	[sflag:s6] =	ssyncset.done @!p2 $0x0  }
0xe4: {  	[sflag:s6] =	ssyncadd.s32 @!p2 $0xFFFFF000;
	s6 =	sadd.s32 $0x1700, s9  }
0xe5: {  	[tilespmem:s5], [sflag:$0x6] =	stream.indirect.gather @!p2 [hbm4b:s1+s4], $0x80, s21, s4, $0xb8;
	[tilespmem:$0x1E400] =	vst v63  }
0xe6: {  	_ = 	snop  }
0xe7: {  	[spmem:s3] =	stream.indirect.scatter.add.f32 [tilespmem:s0], [sflag:$0x9], $0x80, s6, s17, $0xb8;
	[tilespmem:$0x1E400] =	vst v63  }
0xe8: {  	_ =	swait.ge [sflag:s15], $0x1000  }
0xe9: {  	[sflag:s15] =	ssyncset.done $0x0  }
0xea: {  	[sflag:s15] =	ssyncadd.s32 $0xFFFFF000  }
0xeb: {  	_ =	swait.ge [sflag:s14], $0x1000  }
0xec: {  	s5 =	simm.s32 @!p2 $0x8800;
	[sflag:s14] =	ssyncset.done $0x0  }
.Ltmp0:
0xed: {  	s6 =	sadd.s32 $0x1780, s9;
	[sflag:s14] =	ssyncadd.s32 $0xFFFFF000;
	(pc) =	sbr.rel @p1 .LBB2_3-.Ltmp0, $4  }
0xee: {  	[tilespmem:s5], [sflag:$0x7] =	stream.indirect.gather @!p2 [hbm4b:s1+s4], $0x80, s16, s4, $0xb8;
	[tilespmem:$0x1E400] =	vst v63  }
0xef: {  	_ = 	snop  }
0xf0: {  	[spmem:s3] =	stream.indirect.scatter.add.f32 [tilespmem:s8], [sflag:$0x9], $0x80, s6, s17, $0xb8;
	[tilespmem:$0x1E400] =	vst v63  }
0xf1: {  	_ =	swait.ge [sflag:s15], $0x1000  }
0xf2: {  	s4 =	rddreg [dreg:$0x10]  }
0xf3: {  	s4 =	sadd.s32 $0x1, s4  }
0xf4: {  	p1 =	sne.s32 s4, $0x8  }
.Ltmp1:
0xf5: {  	_ = 	snop;
	(pc) =	sbr.rel @p1 .LBB2_2-.Ltmp1, $3  }
0xf6: {  	_ =	sdelay $0x1  }
0xf7: {  	[sflag:s15] =	ssyncset.done $0x0  }
0xf8: {  	[sflag:s15] =	ssyncadd.s32 $0xFFFFF000  }
0xf9: {  	[bflag:$0x0] =	sbarrier.arrive $0xFFFF  }
0xfa: {  	s18 =	rddreg [dreg:$0x9]  }
0xfb: {  	s4 =	rddreg [dreg:$0xc]  }
0xfc: {  	s5 =	rddreg [dreg:$0xf]  }
0xfd: {  	[hbm:s4], [sflag:s18] =	dma.local @p0 [spmem:s5], $0x2080  }
0xfe: {  	s4 =	simm.s32 @p0 $0x9  }
0xff: {  	_ =	swait.ge @p0 [sflag:s4], $0x2080  }
0x100: {  	[sflag:s4] =	ssyncset.done @p0 $0x0  }
0x101: {  	[sflag:s4] =	ssyncadd.s32 @p0 $0xFFFFDF80;
	s4 =	rddreg [dreg:$0x7]  }
0x102: {  	s5 =	rddreg [dreg:$0xb];
	s4 =	sshrl.u32 @!p0 s4, $0x3  }
0x103: {  	[hbm:s5], [sflag:s18] =	dma.local @!p0 [spmem:s4], $0x2780  }
0x104: {  	s4 =	simm.s32 @!p0 $0x9  }
0x105: {  	_ =	swait.ge @!p0 [sflag:s4], $0x2780  }
0x106: {  	s16 =	rddreg [dreg:$0x4]  }
0x107: {  	s31 =	rddreg [dreg:$0xd];
	s16 =	sadd.s32 $0x1, s16  }
0x108: {  	p1 =	sne.s32 s16, s31  }
.Ltmp2:
0x109: {  	_ = 	snop;
	(pc) =	sbr.rel @p1 .LBB2_1-.Ltmp2, $3  }
0x10a: {  	_ =	sdelay $0x1  }
0x10b: {  	[sflag:s4] =	ssyncset.done @!p0 $0x0  }
0x10c: {  	[sflag:s4] =	ssyncadd.s32 @!p0 $0xFFFFD880  }
0x10d: {  	_ =	sfence.sel $0x180000  }
0x10e: {  	[bflag:$0x0] =	sbarrier.arrive $0xFFFF  }
0x10f: {  	_ =	strace $0x90000047  }
0x110: {  	s0 =	stileid.u32;
	[bflag:$0x2] =	sbarrier.arrive $0xFFFF  }
0x111: {  	p0 =	sne.s32 s0, $0x0;
	s0 =	rddreg [dreg:$0x3]  }
0x112: {  	s0 =	sadd.s32 @!p0 $0x100000, s0  }
0x113: {  	[sflag:s0] =	ssyncadd.tile.s32 @!p0 $0x1;
	_ =	shalt  }
.Lfunc_end2:
_tile_overlayer_lowered:
.L_overlay_start_2:
0x114: {  	(tag) =	ssettag $0x2  }
0x115: {  	s0 =	rddreg [dreg:$0x0];
	s2 =	stileid.u32  }
0x116: {  	s1 =	rddreg [dreg:$0x1];
	p0 =	sne.s32 s2, $0x0  }
0x117: {  	s3 =	rddreg [dreg:$0x2];
	[bflag:$0x3] =	sbarrier.arrive $0xFFFF;
	s2 =	simm.s32 @!p0 $0x1C09  }
0x118: {  	[timem:s3], [sflag:s2] =	dma.local @!p0 [hbm:s0], s1  }
0x119: {  	s0 =	simm.s32 @!p0 $0x9  }
0x11a: {  	_ =	swait.ge @!p0 [sflag:s0], s1  }
0x11b: {  	s1 =	ssub.s32 @!p0 $0x0, s1;
	[sflag:s0] =	ssyncset.done @!p0 $0x0  }
0x11c: {  	[sflag:s0] =	ssyncadd.s32 @!p0 s1  }
0x11d: {  	[bflag:$0x3] =	sbarrier.arrive $0xFFFF  }
0x11e: {  	_ =	shalt  }

</sc_bundles>
